<compile_context>
chip_gen: v7x
topology: tpu7x:2x2x1
jax: 0.10.2.dev20260603
libtpu: 0.0.44.dev20260713+nightly
codegen_flags: <defaults>
</compile_context>

<pallas_src>
import jax
import jax.numpy as jnp
from jax import lax
from jax.experimental import pallas as pl
from jax.experimental.pallas import tpu as pltpu
from jax.experimental.pallas import tpu_sc as plsc

B, S, H, V, P, T = 4, 512, 768, 30522, 512, 2
N = B * S
NW = 32
TPW = N // NW
PPW = S // NW
LANES = 16
NCH = H // LANES
UNROLL = 4


def _rsqrt(x):
    xb = lax.bitcast_convert_type(x, jnp.int32)
    yb = jnp.int32(0x5F3759DF) - lax.shift_right_logical(xb, 1)
    y = lax.bitcast_convert_type(yb, jnp.float32)
    for _ in range(3):
        y = y * (1.5 - 0.5 * x * y * y)
    return y


def _sc_body(ids_hbm, tt_hbm, word_hbm, pos_hbm, tte_hbm, gamma_hbm, beta_hbm,
             out_hbm, idx_v, tt_v, rows_v, pos01_v, tte_v, gamma_v, beta_v,
             sem, osem):
    c = lax.axis_index("c")
    s = lax.axis_index("s")
    wid = s * 2 + c
    pbase = wid * PPW

    ics = [pltpu.async_copy(ids_hbm.at[pl.ds(b * S + pbase, PPW)],
                            idx_v.at[pl.ds(b * PPW, PPW)], osem)
           for b in range(B)]
    gathers = []
    for b in range(B):
        ics[b].wait()
        gathers.append(
            pltpu.async_copy(word_hbm.at[idx_v.at[pl.ds(b * PPW, PPW)]],
                             rows_v.at[pl.ds(b * PPW, PPW)], sem))
    for b in range(B):
        pltpu.sync_copy(tt_hbm.at[pl.ds(b * S + pbase, PPW)],
                        tt_v.at[pl.ds(b * PPW, PPW)])
    pltpu.sync_copy(pos_hbm.at[pl.ds(pbase, PPW)], pos01_v.at[0])
    pltpu.sync_copy(pos_hbm.at[pl.ds(pbase, PPW)], pos01_v.at[1])
    pltpu.sync_copy(tte_hbm, tte_v)
    pltpu.sync_copy(gamma_hbm, gamma_v)
    pltpu.sync_copy(beta_hbm, beta_v)

    def precomb(k, _):
        @plsc.parallel_loop(0, NCH, unroll=8)
        def _(j):
            sl = pl.ds(j * LANES, LANES)
            pos01_v[0, k, sl] = pos01_v[0, k, sl] + tte_v[0, sl]
            pos01_v[1, k, sl] = pos01_v[1, k, sl] + tte_v[1, sl]
        return 0
    lax.fori_loop(0, PPW, precomb, 0)

    lane = jnp.arange(LANES, dtype=jnp.int32)
    zero = jnp.zeros((LANES,), jnp.float32)

    outs = []
    for b in range(B):
        gathers[b].wait()
        tt16 = tt_v[pl.ds(b * PPW, LANES)]

        def token_body(kk, _, b=b, tt16=tt16):
            ks = [4 * kk + u for u in range(4)]
            iis = [b * PPW + kq for kq in ks]
            tss = [jnp.sum(jnp.where(lane == kq, tt16, 0)) for kq in ks]

            def p1(j, car):
                accs = list(car)
                sl = pl.ds(j * LANES, LANES)
                for u in range(4):
                    e = rows_v[iis[u], sl] + pos01_v[tss[u], ks[u], sl]
                    rows_v[iis[u], sl] = e
                    accs[u] = accs[u] + e
                    accs[4 + u] = accs[4 + u] + e * e
                return tuple(accs)
            accs = plsc.parallel_loop(0, NCH, unroll=4,
                                      carry=(zero,) * 8)(p1)
            means = [jnp.sum(accs[u]) * (1.0 / H) for u in range(4)]
            rstds = [_rsqrt(jnp.sum(accs[4 + u]) * (1.0 / H)
                            - means[u] * means[u] + 1e-12) for u in range(4)]
            nmeans = [means[u] * rstds[u] for u in range(4)]

            @plsc.parallel_loop(0, NCH, unroll=4)
            def _(j):
                sl = pl.ds(j * LANES, LANES)
                g = gamma_v[sl]
                bt = beta_v[sl]
                for u in range(4):
                    rows_v[iis[u], sl] = (rows_v[iis[u], sl] * rstds[u]
                                          - nmeans[u]) * g + bt
            return 0
        lax.fori_loop(0, PPW // 4, token_body, 0)
        outs.append(pltpu.async_copy(rows_v.at[pl.ds(b * PPW, PPW)],
                                     out_hbm.at[pl.ds(b * S + pbase, PPW)],
                                     osem))
    for cp in outs:
        cp.wait()


@jax.jit
def kernel(input_ids, token_type_ids, word_embeddings, position_embeddings,
           token_type_embeddings, ln_gamma, ln_beta):
    mesh = plsc.VectorSubcoreMesh(core_axis_name="c", subcore_axis_name="s")
    k = pl.kernel(
        _sc_body,
        out_type=jax.ShapeDtypeStruct((N, H), jnp.float32),
        mesh=mesh,
        compiler_params=pltpu.CompilerParams(needs_layout_passes=False),
        scratch_types=[
            pltpu.VMEM((TPW,), jnp.int32),
            pltpu.VMEM((TPW + LANES,), jnp.int32),
            pltpu.VMEM((TPW, H), jnp.float32),
            pltpu.VMEM((T, PPW, H), jnp.float32),
            pltpu.VMEM((T, H), jnp.float32),
            pltpu.VMEM((H,), jnp.float32),
            pltpu.VMEM((H,), jnp.float32),
            pltpu.SemaphoreType.DMA,
            pltpu.SemaphoreType.DMA,
        ],
    )
    out = k(input_ids.reshape(N), token_type_ids.reshape(N),
            word_embeddings, position_embeddings, token_type_embeddings,
            ln_gamma, ln_beta)
    return out.reshape(B, S, H)

# --- scband reference (transcript-rebuilt; emitter-appended) ---
"""Pipeline reference for scband-bert-embeddings-58128087384118 (READ-ONLY COPY).

The authoritative reference and input builder live on the scoring server;
editing this copy changes nothing except your own understanding.
"""

import jax, jax.numpy as jnp
import numpy as np

B, S, H, V, P, T = 4, 512, 768, 30522, 512, 2

def setup_inputs(seed: int = 0) -> dict:
    key = jax.random.key(seed)
    ks = jax.random.split(key, 6)
    input_ids = jax.random.randint(ks[0], (B, S), 0, V, dtype=jnp.int32)
    token_type_ids = jax.random.randint(ks[1], (B, S), 0, T, dtype=jnp.int32)
    word_embeddings = jax.random.normal(ks[2], (V, H), dtype=jnp.float32) * 0.02
    # padding_idx=0 -> zero row, matching nn.Embedding(padding_idx=0)
    word_embeddings = word_embeddings.at[0].set(0.0)
    position_embeddings = jax.random.normal(ks[3], (P, H), dtype=jnp.float32) * 0.02
    token_type_embeddings = jax.random.normal(ks[4], (T, H), dtype=jnp.float32) * 0.02
    ln_gamma = jnp.ones((H,), dtype=jnp.float32)
    ln_beta = jnp.zeros((H,), dtype=jnp.float32)
    return {
        "input_ids": input_ids,
        "token_type_ids": token_type_ids,
        "word_embeddings": word_embeddings,
        "position_embeddings": position_embeddings,
        "token_type_embeddings": token_type_embeddings,
        "ln_gamma": ln_gamma,
        "ln_beta": ln_beta,
    }

def reference(input_ids, token_type_ids, word_embeddings, position_embeddings, token_type_embeddings, ln_gamma, ln_beta):
    seq_length = input_ids.shape[1]
    # word embedding gather
    inputs_embeds = jnp.take(word_embeddings, input_ids, axis=0)
    # token type embedding gather
    tte = jnp.take(token_type_embeddings, token_type_ids, axis=0)
    embeddings = inputs_embeds + tte
    # absolute position embeddings (past_key_values_length=0)
    position_ids = jnp.arange(seq_length, dtype=jnp.int32)
    pe = jnp.take(position_embeddings, position_ids, axis=0)[None, :, :]
    embeddings = embeddings + pe
    # LayerNorm, eps=1e-12
    mean = jnp.mean(embeddings, axis=-1, keepdims=True)
    var = jnp.mean((embeddings - mean) ** 2, axis=-1, keepdims=True)
    normed = (embeddings - mean) / jnp.sqrt(var + 1e-12)
    out = normed * ln_gamma + ln_beta
    # dropout is identity in eval mode
    return out

if __name__ == "__main__":
    import jax
    _d = setup_inputs()
    print(jax.jit(kernel)(*tuple(_d.values())))

</pallas_src>

<mosaic_0001>
#map = affine_map<(d0, d1) -> (0)>
#map1 = affine_map<(d0, d1) -> (0, 0)>
module attributes {stable_mosaic.version = 14 : i64} {
  func.func @_sc_body(%arg0: i32, %arg1: i32, %arg2: memref<2048xi32, #tpu.memory_space<hbm>>, %arg3: memref<2048xi32, #tpu.memory_space<hbm>>, %arg4: memref<30522x768xf32, #tpu.memory_space<hbm>>, %arg5: memref<512x768xf32, #tpu.memory_space<hbm>>, %arg6: memref<2x768xf32, #tpu.memory_space<hbm>>, %arg7: memref<768xf32, #tpu.memory_space<hbm>>, %arg8: memref<768xf32, #tpu.memory_space<hbm>>, %arg9: memref<2048x768xf32, #tpu.memory_space<hbm>>, %arg10: memref<64xi32, #tpu.memory_space<vmem>>, %arg11: memref<80xi32, #tpu.memory_space<vmem>>, %arg12: memref<64x768xf32, #tpu.memory_space<vmem>>, %arg13: memref<2x16x768xf32, #tpu.memory_space<vmem>>, %arg14: memref<2x768xf32, #tpu.memory_space<vmem>>, %arg15: memref<768xf32, #tpu.memory_space<vmem>>, %arg16: memref<768xf32, #tpu.memory_space<vmem>>, %arg17: memref<!tpu.dma_semaphore, #tpu.memory_space<semaphore_mem>>, %arg18: memref<!tpu.dma_semaphore, #tpu.memory_space<semaphore_mem>>) attributes {dimension_semantics = [#tpu.dimension_semantics<core_parallel>, #tpu.dimension_semantics<subcore_parallel>], iteration_bounds = array<i64: 2, 16>, scalar_prefetch = 0 : i64, scratch_operands = 9 : i64, tpu.core_type = #tpu.core_type<sc_vector_subcore>, window_params = [{transform_indices = #map}, {transform_indices = #map}, {transform_indices = #map1}, {transform_indices = #map1}, {transform_indices = #map1}, {transform_indices = #map}, {transform_indices = #map}, {transform_indices = #map1}]} {
    %mul3A = arith.constant 2 : i32
    %mul3A_0 = arith.muli %arg1, %mul3A : i32
    %add3A = arith.addi %mul3A_0, %arg0 : i32
    %mul3A_1 = arith.constant 16 : i32
    %mul3A_2 = arith.muli %add3A, %mul3A_1 : i32
    %add3A_3 = arith.constant 0 : i32
    %add3A_4 = arith.addi %add3A_3, %mul3A_2 : i32
    %dma_start3A = arith.constant 0 : i32
    %dma_start3A_5 = tpu.memref_slice %arg10[%dma_start3A] : memref<64xi32, #tpu.memory_space<vmem>> -> memref<16xi32, #tpu.memory_space<vmem>>
    %dma_start3A_6 = tpu.memref_slice %arg2[%add3A_4] : memref<2048xi32, #tpu.memory_space<hbm>> -> memref<16xi32, #tpu.memory_space<hbm>>
    %dma_start3A_7 = arith.constant 0 : i32
    %dma_start3A_8 = tpu.memref_slice %arg10[%dma_start3A_7] : memref<64xi32, #tpu.memory_space<vmem>> -> memref<16xi32, #tpu.memory_space<vmem>>
    %dma_start3A_9 = tpu.memref_slice %arg2[%add3A_4] : memref<2048xi32, #tpu.memory_space<hbm>> -> memref<16xi32, #tpu.memory_space<hbm>>
    tpu.enqueue_dma source(%dma_start3A_9 : memref<16xi32, #tpu.memory_space<hbm>>) target(%dma_start3A_8 : memref<16xi32, #tpu.memory_space<vmem>>) target_semaphore(%arg18 : memref<!tpu.dma_semaphore, #tpu.memory_space<semaphore_mem>>)
    %add3A_10 = arith.constant 512 : i32
    %add3A_11 = arith.addi %add3A_10, %mul3A_2 : i32
    %dma_start3A_12 = arith.constant 16 : i32
    %dma_start3A_13 = tpu.memref_slice %arg10[%dma_start3A_12] : memref<64xi32, #tpu.memory_space<vmem>> -> memref<16xi32, #tpu.memory_space<vmem>>
    %dma_start3A_14 = tpu.memref_slice %arg2[%add3A_11] : memref<2048xi32, #tpu.memory_space<hbm>> -> memref<16xi32, #tpu.memory_space<hbm>>
    %dma_start3A_15 = arith.constant 16 : i32
    %dma_start3A_16 = tpu.memref_slice %arg10[%dma_start3A_15] : memref<64xi32, #tpu.memory_space<vmem>> -> memref<16xi32, #tpu.memory_space<vmem>>
    %dma_start3A_17 = tpu.memref_slice %arg2[%add3A_11] : memref<2048xi32, #tpu.memory_space<hbm>> -> memref<16xi32, #tpu.memory_space<hbm>>
    tpu.enqueue_dma source(%dma_start3A_17 : memref<16xi32, #tpu.memory_space<hbm>>) target(%dma_start3A_16 : memref<16xi32, #tpu.memory_space<vmem>>) target_semaphore(%arg18 : memref<!tpu.dma_semaphore, #tpu.memory_space<semaphore_mem>>)
    %add3A_18 = arith.constant 1024 : i32
    %add3A_19 = arith.addi %add3A_18, %mul3A_2 : i32
    %dma_start3A_20 = arith.constant 32 : i32
    %dma_start3A_21 = tpu.memref_slice %arg10[%dma_start3A_20] : memref<64xi32, #tpu.memory_space<vmem>> -> memref<16xi32, #tpu.memory_space<vmem>>
    %dma_start3A_22 = tpu.memref_slice %arg2[%add3A_19] : memref<2048xi32, #tpu.memory_space<hbm>> -> memref<16xi32, #tpu.memory_space<hbm>>
    %dma_start3A_23 = arith.constant 32 : i32
    %dma_start3A_24 = tpu.memref_slice %arg10[%dma_start3A_23] : memref<64xi32, #tpu.memory_space<vmem>> -> memref<16xi32, #tpu.memory_space<vmem>>
    %dma_start3A_25 = tpu.memref_slice %arg2[%add3A_19] : memref<2048xi32, #tpu.memory_space<hbm>> -> memref<16xi32, #tpu.memory_space<hbm>>
    tpu.enqueue_dma source(%dma_start3A_25 : memref<16xi32, #tpu.memory_space<hbm>>) target(%dma_start3A_24 : memref<16xi32, #tpu.memory_space<vmem>>) target_semaphore(%arg18 : memref<!tpu.dma_semaphore, #tpu.memory_space<semaphore_mem>>)
    %add3A_26 = arith.constant 1536 : i32
    %add3A_27 = arith.addi %add3A_26, %mul3A_2 : i32
    %dma_start3A_28 = arith.constant 48 : i32
    %dma_start3A_29 = tpu.memref_slice %arg10[%dma_start3A_28] : memref<64xi32, #tpu.memory_space<vmem>> -> memref<16xi32, #tpu.memory_space<vmem>>
    %dma_start3A_30 = tpu.memref_slice %arg2[%add3A_27] : memref<2048xi32, #tpu.memory_space<hbm>> -> memref<16xi32, #tpu.memory_space<hbm>>
    %dma_start3A_31 = arith.constant 48 : i32
    %dma_start3A_32 = tpu.memref_slice %arg10[%dma_start3A_31] : memref<64xi32, #tpu.memory_space<vmem>> -> memref<16xi32, #tpu.memory_space<vmem>>
    %dma_start3A_33 = tpu.memref_slice %arg2[%add3A_27] : memref<2048xi32, #tpu.memory_space<hbm>> -> memref<16xi32, #tpu.memory_space<hbm>>
    tpu.enqueue_dma source(%dma_start3A_33 : memref<16xi32, #tpu.memory_space<hbm>>) target(%dma_start3A_32 : memref<16xi32, #tpu.memory_space<vmem>>) target_semaphore(%arg18 : memref<!tpu.dma_semaphore, #tpu.memory_space<semaphore_mem>>)
    %dma_wait3A = arith.constant 0 : i32
    %dma_wait3A_34 = tpu.memref_slice %arg10[%dma_wait3A] : memref<64xi32, #tpu.memory_space<vmem>> -> memref<16xi32, #tpu.memory_space<vmem>>
    %dma_wait3A_35 = tpu.memref_slice %arg2[%add3A_4] : memref<2048xi32, #tpu.memory_space<hbm>> -> memref<16xi32, #tpu.memory_space<hbm>>
    %dma_wait3A_36 = arith.constant 0 : i32
    %dma_wait3A_37 = tpu.memref_slice %arg10[%dma_wait3A_36] : memref<64xi32, #tpu.memory_space<vmem>> -> memref<16xi32, #tpu.memory_space<vmem>>
    %dma_wait3A_38 = tpu.memref_slice %arg2[%add3A_4] : memref<2048xi32, #tpu.memory_space<hbm>> -> memref<16xi32, #tpu.memory_space<hbm>>
    tpu.wait_dma2 semaphore(%arg18 : memref<!tpu.dma_semaphore, #tpu.memory_space<semaphore_mem>>) src(%dma_wait3A_38 : memref<16xi32, #tpu.memory_space<hbm>>) dst(%dma_wait3A_37 : memref<16xi32, #tpu.memory_space<vmem>>)
    %dma_start3A_39 = arith.constant 0 : i32
    %dma_start3A_40 = arith.constant 0 : i32
    %dma_start3A_41 = tpu.memref_slice %arg12[%dma_start3A_39, %dma_start3A_40] : memref<64x768xf32, #tpu.memory_space<vmem>> -> memref<16x768xf32, #tpu.memory_space<vmem>>
    %dma_start3A_42 = arith.constant 0 : i32
    %dma_start3A_43 = tpu.memref_slice %arg10[%dma_start3A_42] : memref<64xi32, #tpu.memory_space<vmem>> -> memref<16xi32, #tpu.memory_space<vmem>>
    %dma_start3A_44 = arith.constant 0 : i32
    %dma_start3A_45 = arith.constant 0 : i32
    %dma_start3A_46 = tpu.memref_slice %arg4[%dma_start3A_44, %dma_start3A_45] : memref<30522x768xf32, #tpu.memory_space<hbm>> -> memref<30522x768xf32, #tpu.memory_space<hbm>>
    tpu.enqueue_indirect_dma source(%dma_start3A_46 : memref<30522x768xf32, #tpu.memory_space<hbm>>) target(%dma_start3A_41 : memref<16x768xf32, #tpu.memory_space<vmem>>) offsets(%dma_start3A_43 : memref<16xi32, #tpu.memory_space<vmem>>) semaphore(%arg17 : memref<!tpu.dma_semaphore, #tpu.memory_space<semaphore_mem>>)
    %dma_wait3A_47 = arith.constant 16 : i32
    %dma_wait3A_48 = tpu.memref_slice %arg10[%dma_wait3A_47] : memref<64xi32, #tpu.memory_space<vmem>> -> memref<16xi32, #tpu.memory_space<vmem>>
    %dma_wait3A_49 = tpu.memref_slice %arg2[%add3A_11] : memref<2048xi32, #tpu.memory_space<hbm>> -> memref<16xi32, #tpu.memory_space<hbm>>
    %dma_wait3A_50 = arith.constant 16 : i32
    %dma_wait3A_51 = tpu.memref_slice %arg10[%dma_wait3A_50] : memref<64xi32, #tpu.memory_space<vmem>> -> memref<16xi32, #tpu.memory_space<vmem>>
    %dma_wait3A_52 = tpu.memref_slice %arg2[%add3A_11] : memref<2048xi32, #tpu.memory_space<hbm>> -> memref<16xi32, #tpu.memory_space<hbm>>
    tpu.wait_dma2 semaphore(%arg18 : memref<!tpu.dma_semaphore, #tpu.memory_space<semaphore_mem>>) src(%dma_wait3A_52 : memref<16xi32, #tpu.memory_space<hbm>>) dst(%dma_wait3A_51 : memref<16xi32, #tpu.memory_space<vmem>>)
    %dma_start3A_53 = arith.constant 16 : i32
    %dma_start3A_54 = arith.constant 0 : i32
    %dma_start3A_55 = tpu.memref_slice %arg12[%dma_start3A_53, %dma_start3A_54] : memref<64x768xf32, #tpu.memory_space<vmem>> -> memref<16x768xf32, #tpu.memory_space<vmem>>
    %dma_start3A_56 = arith.constant 16 : i32
    %dma_start3A_57 = tpu.memref_slice %arg10[%dma_start3A_56] : memref<64xi32, #tpu.memory_space<vmem>> -> memref<16xi32, #tpu.memory_space<vmem>>
    %dma_start3A_58 = arith.constant 0 : i32
    %dma_start3A_59 = arith.constant 0 : i32
    %dma_start3A_60 = tpu.memref_slice %arg4[%dma_start3A_58, %dma_start3A_59] : memref<30522x768xf32, #tpu.memory_space<hbm>> -> memref<30522x768xf32, #tpu.memory_space<hbm>>
    tpu.enqueue_indirect_dma source(%dma_start3A_60 : memref<30522x768xf32, #tpu.memory_space<hbm>>) target(%dma_start3A_55 : memref<16x768xf32, #tpu.memory_space<vmem>>) offsets(%dma_start3A_57 : memref<16xi32, #tpu.memory_space<vmem>>) semaphore(%arg17 : memref<!tpu.dma_semaphore, #tpu.memory_space<semaphore_mem>>)
    %dma_wait3A_61 = arith.constant 32 : i32
    %dma_wait3A_62 = tpu.memref_slice %arg10[%dma_wait3A_61] : memref<64xi32, #tpu.memory_space<vmem>> -> memref<16xi32, #tpu.memory_space<vmem>>
    %dma_wait3A_63 = tpu.memref_slice %arg2[%add3A_19] : memref<2048xi32, #tpu.memory_space<hbm>> -> memref<16xi32, #tpu.memory_space<hbm>>
    %dma_wait3A_64 = arith.constant 32 : i32
    %dma_wait3A_65 = tpu.memref_slice %arg10[%dma_wait3A_64] : memref<64xi32, #tpu.memory_space<vmem>> -> memref<16xi32, #tpu.memory_space<vmem>>
    %dma_wait3A_66 = tpu.memref_slice %arg2[%add3A_19] : memref<2048xi32, #tpu.memory_space<hbm>> -> memref<16xi32, #tpu.memory_space<hbm>>
    tpu.wait_dma2 semaphore(%arg18 : memref<!tpu.dma_semaphore, #tpu.memory_space<semaphore_mem>>) src(%dma_wait3A_66 : memref<16xi32, #tpu.memory_space<hbm>>) dst(%dma_wait3A_65 : memref<16xi32, #tpu.memory_space<vmem>>)
    %dma_start3A_67 = arith.constant 32 : i32
    %dma_start3A_68 = arith.constant 0 : i32
    %dma_start3A_69 = tpu.memref_slice %arg12[%dma_start3A_67, %dma_start3A_68] : memref<64x768xf32, #tpu.memory_space<vmem>> -> memref<16x768xf32, #tpu.memory_space<vmem>>
    %dma_start3A_70 = arith.constant 32 : i32
    %dma_start3A_71 = tpu.memref_slice %arg10[%dma_start3A_70] : memref<64xi32, #tpu.memory_space<vmem>> -> memref<16xi32, #tpu.memory_space<vmem>>
    %dma_start3A_72 = arith.constant 0 : i32
    %dma_start3A_73 = arith.constant 0 : i32
    %dma_start3A_74 = tpu.memref_slice %arg4[%dma_start3A_72, %dma_start3A_73] : memref<30522x768xf32, #tpu.memory_space<hbm>> -> memref<30522x768xf32, #tpu.memory_space<hbm>>
    tpu.enqueue_indirect_dma source(%dma_start3A_74 : memref<30522x768xf32, #tpu.memory_space<hbm>>) target(%dma_start3A_69 : memref<16x768xf32, #tpu.memory_space<vmem>>) offsets(%dma_start3A_71 : memref<16xi32, #tpu.memory_space<vmem>>) semaphore(%arg17 : memref<!tpu.dma_semaphore, #tpu.memory_space<semaphore_mem>>)
    %dma_wait3A_75 = arith.constant 48 : i32
    %dma_wait3A_76 = tpu.memref_slice %arg10[%dma_wait3A_75] : memref<64xi32, #tpu.memory_space<vmem>> -> memref<16xi32, #tpu.memory_space<vmem>>
    %dma_wait3A_77 = tpu.memref_slice %arg2[%add3A_27] : memref<2048xi32, #tpu.memory_space<hbm>> -> memref<16xi32, #tpu.memory_space<hbm>>
    %dma_wait3A_78 = arith.constant 48 : i32
    %dma_wait3A_79 = tpu.memref_slice %arg10[%dma_wait3A_78] : memref<64xi32, #tpu.memory_space<vmem>> -> memref<16xi32, #tpu.memory_space<vmem>>
    %dma_wait3A_80 = tpu.memref_slice %arg2[%add3A_27] : memref<2048xi32, #tpu.memory_space<hbm>> -> memref<16xi32, #tpu.memory_space<hbm>>
    tpu.wait_dma2 semaphore(%arg18 : memref<!tpu.dma_semaphore, #tpu.memory_space<semaphore_mem>>) src(%dma_wait3A_80 : memref<16xi32, #tpu.memory_space<hbm>>) dst(%dma_wait3A_79 : memref<16xi32, #tpu.memory_space<vmem>>)
    %dma_start3A_81 = arith.constant 48 : i32
    %dma_start3A_82 = arith.constant 0 : i32
    %dma_start3A_83 = tpu.memref_slice %arg12[%dma_start3A_81, %dma_start3A_82] : memref<64x768xf32, #tpu.memory_space<vmem>> -> memref<16x768xf32, #tpu.memory_space<vmem>>
    %dma_start3A_84 = arith.constant 48 : i32
    %dma_start3A_85 = tpu.memref_slice %arg10[%dma_start3A_84] : memref<64xi32, #tpu.memory_space<vmem>> -> memref<16xi32, #tpu.memory_space<vmem>>
    %dma_start3A_86 = arith.constant 0 : i32
    %dma_start3A_87 = arith.constant 0 : i32
    %dma_start3A_88 = tpu.memref_slice %arg4[%dma_start3A_86, %dma_start3A_87] : memref<30522x768xf32, #tpu.memory_space<hbm>> -> memref<30522x768xf32, #tpu.memory_space<hbm>>
    tpu.enqueue_indirect_dma source(%dma_start3A_88 : memref<30522x768xf32, #tpu.memory_space<hbm>>) target(%dma_start3A_83 : memref<16x768xf32, #tpu.memory_space<vmem>>) offsets(%dma_start3A_85 : memref<16xi32, #tpu.memory_space<vmem>>) semaphore(%arg17 : memref<!tpu.dma_semaphore, #tpu.memory_space<semaphore_mem>>)
    %add3A_89 = arith.constant 0 : i32
    %add3A_90 = arith.addi %add3A_89, %mul3A_2 : i32
    "tpu.region"() ({
      %run_scoped3A_260 = tpu.sem_alloc : memref<!tpu.dma_semaphore, #tpu.memory_space<semaphore_mem>>
      %dma_start3A_261 = arith.constant 0 : i32
      %dma_start3A_262 = tpu.memref_slice %arg11[%dma_start3A_261] : memref<80xi32, #tpu.memory_space<vmem>> -> memref<16xi32, #tpu.memory_space<vmem>>
      %dma_start3A_263 = tpu.memref_slice %arg3[%add3A_90] : memref<2048xi32, #tpu.memory_space<hbm>> -> memref<16xi32, #tpu.memory_space<hbm>>
      %dma_start3A_264 = arith.constant 0 : i32
      %dma_start3A_265 = tpu.memref_slice %arg11[%dma_start3A_264] : memref<80xi32, #tpu.memory_space<vmem>> -> memref<16xi32, #tpu.memory_space<vmem>>
      %dma_start3A_266 = tpu.memref_slice %arg3[%add3A_90] : memref<2048xi32, #tpu.memory_space<hbm>> -> memref<16xi32, #tpu.memory_space<hbm>>
      tpu.enqueue_dma source(%dma_start3A_266 : memref<16xi32, #tpu.memory_space<hbm>>) target(%dma_start3A_265 : memref<16xi32, #tpu.memory_space<vmem>>) target_semaphore(%run_scoped3A_260 : memref<!tpu.dma_semaphore, #tpu.memory_space<semaphore_mem>>)
      %dma_wait3A_267 = arith.constant 0 : i32
      %dma_wait3A_268 = tpu.memref_slice %arg11[%dma_wait3A_267] : memref<80xi32, #tpu.memory_space<vmem>> -> memref<16xi32, #tpu.memory_space<vmem>>
      %dma_wait3A_269 = tpu.memref_slice %arg3[%add3A_90] : memref<2048xi32, #tpu.memory_space<hbm>> -> memref<16xi32, #tpu.memory_space<hbm>>
      %dma_wait3A_270 = arith.constant 0 : i32
      %dma_wait3A_271 = tpu.memref_slice %arg11[%dma_wait3A_270] : memref<80xi32, #tpu.memory_space<vmem>> -> memref<16xi32, #tpu.memory_space<vmem>>
      %dma_wait3A_272 = tpu.memref_slice %arg3[%add3A_90] : memref<2048xi32, #tpu.memory_space<hbm>> -> memref<16xi32, #tpu.memory_space<hbm>>
      tpu.wait_dma2 semaphore(%run_scoped3A_260 : memref<!tpu.dma_semaphore, #tpu.memory_space<semaphore_mem>>) src(%dma_wait3A_272 : memref<16xi32, #tpu.memory_space<hbm>>) dst(%dma_wait3A_271 : memref<16xi32, #tpu.memory_space<vmem>>)
      tpu.yield
    }) : () -> ()
    %add3A_91 = arith.constant 512 : i32
    %add3A_92 = arith.addi %add3A_91, %mul3A_2 : i32
    "tpu.region"() ({
      %run_scoped3A_260 = tpu.sem_alloc : memref<!tpu.dma_semaphore, #tpu.memory_space<semaphore_mem>>
      %dma_start3A_261 = arith.constant 16 : i32
      %dma_start3A_262 = tpu.memref_slice %arg11[%dma_start3A_261] : memref<80xi32, #tpu.memory_space<vmem>> -> memref<16xi32, #tpu.memory_space<vmem>>
      %dma_start3A_263 = tpu.memref_slice %arg3[%add3A_92] : memref<2048xi32, #tpu.memory_space<hbm>> -> memref<16xi32, #tpu.memory_space<hbm>>
      %dma_start3A_264 = arith.constant 16 : i32
      %dma_start3A_265 = tpu.memref_slice %arg11[%dma_start3A_264] : memref<80xi32, #tpu.memory_space<vmem>> -> memref<16xi32, #tpu.memory_space<vmem>>
      %dma_start3A_266 = tpu.memref_slice %arg3[%add3A_92] : memref<2048xi32, #tpu.memory_space<hbm>> -> memref<16xi32, #tpu.memory_space<hbm>>
      tpu.enqueue_dma source(%dma_start3A_266 : memref<16xi32, #tpu.memory_space<hbm>>) target(%dma_start3A_265 : memref<16xi32, #tpu.memory_space<vmem>>) target_semaphore(%run_scoped3A_260 : memref<!tpu.dma_semaphore, #tpu.memory_space<semaphore_mem>>)
      %dma_wait3A_267 = arith.constant 16 : i32
      %dma_wait3A_268 = tpu.memref_slice %arg11[%dma_wait3A_267] : memref<80xi32, #tpu.memory_space<vmem>> -> memref<16xi32, #tpu.memory_space<vmem>>
      %dma_wait3A_269 = tpu.memref_slice %arg3[%add3A_92] : memref<2048xi32, #tpu.memory_space<hbm>> -> memref<16xi32, #tpu.memory_space<hbm>>
      %dma_wait3A_270 = arith.constant 16 : i32
      %dma_wait3A_271 = tpu.memref_slice %arg11[%dma_wait3A_270] : memref<80xi32, #tpu.memory_space<vmem>> -> memref<16xi32, #tpu.memory_space<vmem>>
      %dma_wait3A_272 = tpu.memref_slice %arg3[%add3A_92] : memref<2048xi32, #tpu.memory_space<hbm>> -> memref<16xi32, #tpu.memory_space<hbm>>
      tpu.wait_dma2 semaphore(%run_scoped3A_260 : memref<!tpu.dma_semaphore, #tpu.memory_space<semaphore_mem>>) src(%dma_wait3A_272 : memref<16xi32, #tpu.memory_space<hbm>>) dst(%dma_wait3A_271 : memref<16xi32, #tpu.memory_space<vmem>>)
      tpu.yield
    }) : () -> ()
    %add3A_93 = arith.constant 1024 : i32
    %add3A_94 = arith.addi %add3A_93, %mul3A_2 : i32
    "tpu.region"() ({
      %run_scoped3A_260 = tpu.sem_alloc : memref<!tpu.dma_semaphore, #tpu.memory_space<semaphore_mem>>
      %dma_start3A_261 = arith.constant 32 : i32
      %dma_start3A_262 = tpu.memref_slice %arg11[%dma_start3A_261] : memref<80xi32, #tpu.memory_space<vmem>> -> memref<16xi32, #tpu.memory_space<vmem>>
      %dma_start3A_263 = tpu.memref_slice %arg3[%add3A_94] : memref<2048xi32, #tpu.memory_space<hbm>> -> memref<16xi32, #tpu.memory_space<hbm>>
      %dma_start3A_264 = arith.constant 32 : i32
      %dma_start3A_265 = tpu.memref_slice %arg11[%dma_start3A_264] : memref<80xi32, #tpu.memory_space<vmem>> -> memref<16xi32, #tpu.memory_space<vmem>>
      %dma_start3A_266 = tpu.memref_slice %arg3[%add3A_94] : memref<2048xi32, #tpu.memory_space<hbm>> -> memref<16xi32, #tpu.memory_space<hbm>>
      tpu.enqueue_dma source(%dma_start3A_266 : memref<16xi32, #tpu.memory_space<hbm>>) target(%dma_start3A_265 : memref<16xi32, #tpu.memory_space<vmem>>) target_semaphore(%run_scoped3A_260 : memref<!tpu.dma_semaphore, #tpu.memory_space<semaphore_mem>>)
      %dma_wait3A_267 = arith.constant 32 : i32
      %dma_wait3A_268 = tpu.memref_slice %arg11[%dma_wait3A_267] : memref<80xi32, #tpu.memory_space<vmem>> -> memref<16xi32, #tpu.memory_space<vmem>>
      %dma_wait3A_269 = tpu.memref_slice %arg3[%add3A_94] : memref<2048xi32, #tpu.memory_space<hbm>> -> memref<16xi32, #tpu.memory_space<hbm>>
      %dma_wait3A_270 = arith.constant 32 : i32
      %dma_wait3A_271 = tpu.memref_slice %arg11[%dma_wait3A_270] : memref<80xi32, #tpu.memory_space<vmem>> -> memref<16xi32, #tpu.memory_space<vmem>>
      %dma_wait3A_272 = tpu.memref_slice %arg3[%add3A_94] : memref<2048xi32, #tpu.memory_space<hbm>> -> memref<16xi32, #tpu.memory_space<hbm>>
      tpu.wait_dma2 semaphore(%run_scoped3A_260 : memref<!tpu.dma_semaphore, #tpu.memory_space<semaphore_mem>>) src(%dma_wait3A_272 : memref<16xi32, #tpu.memory_space<hbm>>) dst(%dma_wait3A_271 : memref<16xi32, #tpu.memory_space<vmem>>)
      tpu.yield
    }) : () -> ()
    %add3A_95 = arith.constant 1536 : i32
    %add3A_96 = arith.addi %add3A_95, %mul3A_2 : i32
    "tpu.region"() ({
      %run_scoped3A_260 = tpu.sem_alloc : memref<!tpu.dma_semaphore, #tpu.memory_space<semaphore_mem>>
      %dma_start3A_261 = arith.constant 48 : i32
      %dma_start3A_262 = tpu.memref_slice %arg11[%dma_start3A_261] : memref<80xi32, #tpu.memory_space<vmem>> -> memref<16xi32, #tpu.memory_space<vmem>>
      %dma_start3A_263 = tpu.memref_slice %arg3[%add3A_96] : memref<2048xi32, #tpu.memory_space<hbm>> -> memref<16xi32, #tpu.memory_space<hbm>>
      %dma_start3A_264 = arith.constant 48 : i32
      %dma_start3A_265 = tpu.memref_slice %arg11[%dma_start3A_264] : memref<80xi32, #tpu.memory_space<vmem>> -> memref<16xi32, #tpu.memory_space<vmem>>
      %dma_start3A_266 = tpu.memref_slice %arg3[%add3A_96] : memref<2048xi32, #tpu.memory_space<hbm>> -> memref<16xi32, #tpu.memory_space<hbm>>
      tpu.enqueue_dma source(%dma_start3A_266 : memref<16xi32, #tpu.memory_space<hbm>>) target(%dma_start3A_265 : memref<16xi32, #tpu.memory_space<vmem>>) target_semaphore(%run_scoped3A_260 : memref<!tpu.dma_semaphore, #tpu.memory_space<semaphore_mem>>)
      %dma_wait3A_267 = arith.constant 48 : i32
      %dma_wait3A_268 = tpu.memref_slice %arg11[%dma_wait3A_267] : memref<80xi32, #tpu.memory_space<vmem>> -> memref<16xi32, #tpu.memory_space<vmem>>
      %dma_wait3A_269 = tpu.memref_slice %arg3[%add3A_96] : memref<2048xi32, #tpu.memory_space<hbm>> -> memref<16xi32, #tpu.memory_space<hbm>>
      %dma_wait3A_270 = arith.constant 48 : i32
      %dma_wait3A_271 = tpu.memref_slice %arg11[%dma_wait3A_270] : memref<80xi32, #tpu.memory_space<vmem>> -> memref<16xi32, #tpu.memory_space<vmem>>
      %dma_wait3A_272 = tpu.memref_slice %arg3[%add3A_96] : memref<2048xi32, #tpu.memory_space<hbm>> -> memref<16xi32, #tpu.memory_space<hbm>>
      tpu.wait_dma2 semaphore(%run_scoped3A_260 : memref<!tpu.dma_semaphore, #tpu.memory_space<semaphore_mem>>) src(%dma_wait3A_272 : memref<16xi32, #tpu.memory_space<hbm>>) dst(%dma_wait3A_271 : memref<16xi32, #tpu.memory_space<vmem>>)
      tpu.yield
    }) : () -> ()
    %run_scoped3A = arith.constant 0 : i32
    "tpu.region"() ({
      %run_scoped3A_260 = tpu.sem_alloc : memref<!tpu.dma_semaphore, #tpu.memory_space<semaphore_mem>>
      %dma_start3A_261 = arith.constant 0 : i32
      %dma_start3A_262 = arith.constant 0 : i32
      %dma_start3A_263 = tpu.memref_slice %arg13[%run_scoped3A, %dma_start3A_261, %dma_start3A_262] : memref<2x16x768xf32, #tpu.memory_space<vmem>> -> memref<1x16x768xf32, #tpu.memory_space<vmem>>
      %dma_start3A_264 = tpu.memref_squeeze %dma_start3A_263 : memref<1x16x768xf32, #tpu.memory_space<vmem>> -> memref<16x768xf32, #tpu.memory_space<vmem>>
      %dma_start3A_265 = arith.constant 0 : i32
      %dma_start3A_266 = tpu.memref_slice %arg5[%mul3A_2, %dma_start3A_265] : memref<512x768xf32, #tpu.memory_space<hbm>> -> memref<16x768xf32, #tpu.memory_space<hbm>>
      %dma_start3A_267 = arith.constant 0 : i32
      %dma_start3A_268 = arith.constant 0 : i32
      %dma_start3A_269 = tpu.memref_slice %arg13[%run_scoped3A, %dma_start3A_267, %dma_start3A_268] : memref<2x16x768xf32, #tpu.memory_space<vmem>> -> memref<1x16x768xf32, #tpu.memory_space<vmem>>
      %dma_start3A_270 = tpu.memref_squeeze %dma_start3A_269 : memref<1x16x768xf32, #tpu.memory_space<vmem>> -> memref<16x768xf32, #tpu.memory_space<vmem>>
      %dma_start3A_271 = arith.constant 0 : i32
      %dma_start3A_272 = tpu.memref_slice %arg5[%mul3A_2, %dma_start3A_271] : memref<512x768xf32, #tpu.memory_space<hbm>> -> memref<16x768xf32, #tpu.memory_space<hbm>>
      tpu.enqueue_dma source(%dma_start3A_272 : memref<16x768xf32, #tpu.memory_space<hbm>>) target(%dma_start3A_270 : memref<16x768xf32, #tpu.memory_space<vmem>>) target_semaphore(%run_scoped3A_260 : memref<!tpu.dma_semaphore, #tpu.memory_space<semaphore_mem>>)
      %dma_wait3A_273 = arith.constant 0 : i32
      %dma_wait3A_274 = arith.constant 0 : i32
      %dma_wait3A_275 = tpu.memref_slice %arg13[%run_scoped3A, %dma_wait3A_273, %dma_wait3A_274] : memref<2x16x768xf32, #tpu.memory_space<vmem>> -> memref<1x16x768xf32, #tpu.memory_space<vmem>>
      %dma_wait3A_276 = tpu.memref_squeeze %dma_wait3A_275 : memref<1x16x768xf32, #tpu.memory_space<vmem>> -> memref<16x768xf32, #tpu.memory_space<vmem>>
      %dma_wait3A_277 = arith.constant 0 : i32
      %dma_wait3A_278 = tpu.memref_slice %arg5[%mul3A_2, %dma_wait3A_277] : memref<512x768xf32, #tpu.memory_space<hbm>> -> memref<16x768xf32, #tpu.memory_space<hbm>>
      %dma_wait3A_279 = arith.constant 0 : i32
      %dma_wait3A_280 = arith.constant 0 : i32
      %dma_wait3A_281 = tpu.memref_slice %arg13[%run_scoped3A, %dma_wait3A_279, %dma_wait3A_280] : memref<2x16x768xf32, #tpu.memory_space<vmem>> -> memref<1x16x768xf32, #tpu.memory_space<vmem>>
      %dma_wait3A_282 = tpu.memref_squeeze %dma_wait3A_281 : memref<1x16x768xf32, #tpu.memory_space<vmem>> -> memref<16x768xf32, #tpu.memory_space<vmem>>
      %dma_wait3A_283 = arith.constant 0 : i32
      %dma_wait3A_284 = tpu.memref_slice %arg5[%mul3A_2, %dma_wait3A_283] : memref<512x768xf32, #tpu.memory_space<hbm>> -> memref<16x768xf32, #tpu.memory_space<hbm>>
      tpu.wait_dma2 semaphore(%run_scoped3A_260 : memref<!tpu.dma_semaphore, #tpu.memory_space<semaphore_mem>>) src(%dma_wait3A_284 : memref<16x768xf32, #tpu.memory_space<hbm>>) dst(%dma_wait3A_282 : memref<16x768xf32, #tpu.memory_space<vmem>>)
      tpu.yield
    }) : () -> ()
    %run_scoped3A_97 = arith.constant 1 : i32
    "tpu.region"() ({
      %run_scoped3A_260 = tpu.sem_alloc : memref<!tpu.dma_semaphore, #tpu.memory_space<semaphore_mem>>
      %dma_start3A_261 = arith.constant 0 : i32
      %dma_start3A_262 = arith.constant 0 : i32
      %dma_start3A_263 = tpu.memref_slice %arg13[%run_scoped3A_97, %dma_start3A_261, %dma_start3A_262] : memref<2x16x768xf32, #tpu.memory_space<vmem>> -> memref<1x16x768xf32, #tpu.memory_space<vmem>>
      %dma_start3A_264 = tpu.memref_squeeze %dma_start3A_263 : memref<1x16x768xf32, #tpu.memory_space<vmem>> -> memref<16x768xf32, #tpu.memory_space<vmem>>
      %dma_start3A_265 = arith.constant 0 : i32
      %dma_start3A_266 = tpu.memref_slice %arg5[%mul3A_2, %dma_start3A_265] : memref<512x768xf32, #tpu.memory_space<hbm>> -> memref<16x768xf32, #tpu.memory_space<hbm>>
      %dma_start3A_267 = arith.constant 0 : i32
      %dma_start3A_268 = arith.constant 0 : i32
      %dma_start3A_269 = tpu.memref_slice %arg13[%run_scoped3A_97, %dma_start3A_267, %dma_start3A_268] : memref<2x16x768xf32, #tpu.memory_space<vmem>> -> memref<1x16x768xf32, #tpu.memory_space<vmem>>
      %dma_start3A_270 = tpu.memref_squeeze %dma_start3A_269 : memref<1x16x768xf32, #tpu.memory_space<vmem>> -> memref<16x768xf32, #tpu.memory_space<vmem>>
      %dma_start3A_271 = arith.constant 0 : i32
      %dma_start3A_272 = tpu.memref_slice %arg5[%mul3A_2, %dma_start3A_271] : memref<512x768xf32, #tpu.memory_space<hbm>> -> memref<16x768xf32, #tpu.memory_space<hbm>>
      tpu.enqueue_dma source(%dma_start3A_272 : memref<16x768xf32, #tpu.memory_space<hbm>>) target(%dma_start3A_270 : memref<16x768xf32, #tpu.memory_space<vmem>>) target_semaphore(%run_scoped3A_260 : memref<!tpu.dma_semaphore, #tpu.memory_space<semaphore_mem>>)
      %dma_wait3A_273 = arith.constant 0 : i32
      %dma_wait3A_274 = arith.constant 0 : i32
      %dma_wait3A_275 = tpu.memref_slice %arg13[%run_scoped3A_97, %dma_wait3A_273, %dma_wait3A_274] : memref<2x16x768xf32, #tpu.memory_space<vmem>> -> memref<1x16x768xf32, #tpu.memory_space<vmem>>
      %dma_wait3A_276 = tpu.memref_squeeze %dma_wait3A_275 : memref<1x16x768xf32, #tpu.memory_space<vmem>> -> memref<16x768xf32, #tpu.memory_space<vmem>>
      %dma_wait3A_277 = arith.constant 0 : i32
      %dma_wait3A_278 = tpu.memref_slice %arg5[%mul3A_2, %dma_wait3A_277] : memref<512x768xf32, #tpu.memory_space<hbm>> -> memref<16x768xf32, #tpu.memory_space<hbm>>
      %dma_wait3A_279 = arith.constant 0 : i32
      %dma_wait3A_280 = arith.constant 0 : i32
      %dma_wait3A_281 = tpu.memref_slice %arg13[%run_scoped3A_97, %dma_wait3A_279, %dma_wait3A_280] : memref<2x16x768xf32, #tpu.memory_space<vmem>> -> memref<1x16x768xf32, #tpu.memory_space<vmem>>
      %dma_wait3A_282 = tpu.memref_squeeze %dma_wait3A_281 : memref<1x16x768xf32, #tpu.memory_space<vmem>> -> memref<16x768xf32, #tpu.memory_space<vmem>>
      %dma_wait3A_283 = arith.constant 0 : i32
      %dma_wait3A_284 = tpu.memref_slice %arg5[%mul3A_2, %dma_wait3A_283] : memref<512x768xf32, #tpu.memory_space<hbm>> -> memref<16x768xf32, #tpu.memory_space<hbm>>
      tpu.wait_dma2 semaphore(%run_scoped3A_260 : memref<!tpu.dma_semaphore, #tpu.memory_space<semaphore_mem>>) src(%dma_wait3A_284 : memref<16x768xf32, #tpu.memory_space<hbm>>) dst(%dma_wait3A_282 : memref<16x768xf32, #tpu.memory_space<vmem>>)
      tpu.yield
    }) : () -> ()
    "tpu.region"() ({
      %run_scoped3A_260 = tpu.sem_alloc : memref<!tpu.dma_semaphore, #tpu.memory_space<semaphore_mem>>
      tpu.enqueue_dma source(%arg6 : memref<2x768xf32, #tpu.memory_space<hbm>>) target(%arg14 : memref<2x768xf32, #tpu.memory_space<vmem>>) target_semaphore(%run_scoped3A_260 : memref<!tpu.dma_semaphore, #tpu.memory_space<semaphore_mem>>)
      tpu.wait_dma2 semaphore(%run_scoped3A_260 : memref<!tpu.dma_semaphore, #tpu.memory_space<semaphore_mem>>) src(%arg6 : memref<2x768xf32, #tpu.memory_space<hbm>>) dst(%arg14 : memref<2x768xf32, #tpu.memory_space<vmem>>)
      tpu.yield
    }) : () -> ()
    "tpu.region"() ({
      %run_scoped3A_260 = tpu.sem_alloc : memref<!tpu.dma_semaphore, #tpu.memory_space<semaphore_mem>>
      tpu.enqueue_dma source(%arg7 : memref<768xf32, #tpu.memory_space<hbm>>) target(%arg15 : memref<768xf32, #tpu.memory_space<vmem>>) target_semaphore(%run_scoped3A_260 : memref<!tpu.dma_semaphore, #tpu.memory_space<semaphore_mem>>)
      tpu.wait_dma2 semaphore(%run_scoped3A_260 : memref<!tpu.dma_semaphore, #tpu.memory_space<semaphore_mem>>) src(%arg7 : memref<768xf32, #tpu.memory_space<hbm>>) dst(%arg15 : memref<768xf32, #tpu.memory_space<vmem>>)
      tpu.yield
    }) : () -> ()
    "tpu.region"() ({
      %run_scoped3A_260 = tpu.sem_alloc : memref<!tpu.dma_semaphore, #tpu.memory_space<semaphore_mem>>
      tpu.enqueue_dma source(%arg8 : memref<768xf32, #tpu.memory_space<hbm>>) target(%arg16 : memref<768xf32, #tpu.memory_space<vmem>>) target_semaphore(%run_scoped3A_260 : memref<!tpu.dma_semaphore, #tpu.memory_space<semaphore_mem>>)
      tpu.wait_dma2 semaphore(%run_scoped3A_260 : memref<!tpu.dma_semaphore, #tpu.memory_space<semaphore_mem>>) src(%arg8 : memref<768xf32, #tpu.memory_space<hbm>>) dst(%arg16 : memref<768xf32, #tpu.memory_space<vmem>>)
      tpu.yield
    }) : () -> ()
    %scan3A = arith.constant 0 : i32
    %scan3A_98 = arith.constant 0 : i32
    %scan3A_99 = arith.constant 16 : i32
    %scan3A_100 = arith.addi %scan3A_98, %scan3A_99 : i32
    %scan3A_101 = arith.constant 1 : i32
    %scan3A_102 = scf.for %scan3A_260 = %scan3A_98 to %scan3A_100 step %scan3A_101 iter_args(%scan3A_261 = %scan3A) -> (i32)  : i32 {
      %parallel_loop3A = arith.constant 0 : i32
      %parallel_loop3A_262 = arith.constant 48 : i32
      %parallel_loop3A_263 = arith.constant 1 : i32
      scf.for %parallel_loop3A_265 = %parallel_loop3A to %parallel_loop3A_262 step %parallel_loop3A_263  : i32 {
        %parallel_loop3A_266 = arith.constant 16 : i32
        %parallel_loop3A_267 = arith.muli %parallel_loop3A_265, %parallel_loop3A_266 : i32
        %parallel_loop3A_268 = arith.constant 0 : i32
        %parallel_loop3A_269 = arith.index_cast %parallel_loop3A_268 : i32 to index
        %parallel_loop3A_270 = arith.index_cast %scan3A_260 : i32 to index
        %parallel_loop3A_271 = arith.index_cast %parallel_loop3A_267 : i32 to index
        %parallel_loop3A_272 = tpu.vector_load %arg13[%parallel_loop3A_269, %parallel_loop3A_270, %parallel_loop3A_271] {strides = array<i32>} : memref<2x16x768xf32, #tpu.memory_space<vmem>>, vector<16xf32>,
        %parallel_loop3A_273 = arith.constant 0 : i32
        %parallel_loop3A_274 = arith.index_cast %parallel_loop3A_273 : i32 to index
        %parallel_loop3A_275 = arith.index_cast %parallel_loop3A_267 : i32 to index
        %parallel_loop3A_276 = tpu.vector_load %arg14[%parallel_loop3A_274, %parallel_loop3A_275] {strides = array<i32>} : memref<2x768xf32, #tpu.memory_space<vmem>>, vector<16xf32>,
        %parallel_loop3A_277 = arith.addf %parallel_loop3A_272, %parallel_loop3A_276 : vector<16xf32>
        %parallel_loop3A_278 = arith.constant 0 : i32
        %parallel_loop3A_279 = arith.index_cast %parallel_loop3A_278 : i32 to index
        %parallel_loop3A_280 = arith.index_cast %scan3A_260 : i32 to index
        %parallel_loop3A_281 = arith.index_cast %parallel_loop3A_267 : i32 to index
        %parallel_loop3A_282 = tpu.vector_load %arg13[%parallel_loop3A_279, %parallel_loop3A_280, %parallel_loop3A_281] {strides = array<i32>} : memref<2x16x768xf32, #tpu.memory_space<vmem>>, vector<16xf32>,
        tpu.vector_store %arg13[%parallel_loop3A_279, %parallel_loop3A_280, %parallel_loop3A_281], %parallel_loop3A_277 {strides = array<i32>} : memref<2x16x768xf32, #tpu.memory_space<vmem>>, vector<16xf32>,
        %parallel_loop3A_283 = arith.constant 1 : i32
        %parallel_loop3A_284 = arith.index_cast %parallel_loop3A_283 : i32 to index
        %parallel_loop3A_285 = arith.index_cast %scan3A_260 : i32 to index
        %parallel_loop3A_286 = arith.index_cast %parallel_loop3A_267 : i32 to index
        %parallel_loop3A_287 = tpu.vector_load %arg13[%parallel_loop3A_284, %parallel_loop3A_285, %parallel_loop3A_286] {strides = array<i32>} : memref<2x16x768xf32, #tpu.memory_space<vmem>>, vector<16xf32>,
        %parallel_loop3A_288 = arith.constant 1 : i32
        %parallel_loop3A_289 = arith.index_cast %parallel_loop3A_288 : i32 to index
        %parallel_loop3A_290 = arith.index_cast %parallel_loop3A_267 : i32 to index
        %parallel_loop3A_291 = tpu.vector_load %arg14[%parallel_loop3A_289, %parallel_loop3A_290] {strides = array<i32>} : memref<2x768xf32, #tpu.memory_space<vmem>>, vector<16xf32>,
        %parallel_loop3A_292 = arith.addf %parallel_loop3A_287, %parallel_loop3A_291 : vector<16xf32>
        %parallel_loop3A_293 = arith.constant 1 : i32
        %parallel_loop3A_294 = arith.index_cast %parallel_loop3A_293 : i32 to index
        %parallel_loop3A_295 = arith.index_cast %scan3A_260 : i32 to index
        %parallel_loop3A_296 = arith.index_cast %parallel_loop3A_267 : i32 to index
        %parallel_loop3A_297 = tpu.vector_load %arg13[%parallel_loop3A_294, %parallel_loop3A_295, %parallel_loop3A_296] {strides = array<i32>} : memref<2x16x768xf32, #tpu.memory_space<vmem>>, vector<16xf32>,
        tpu.vector_store %arg13[%parallel_loop3A_294, %parallel_loop3A_295, %parallel_loop3A_296], %parallel_loop3A_292 {strides = array<i32>} : memref<2x16x768xf32, #tpu.memory_space<vmem>>, vector<16xf32>,
      } {sc.loop_unroll_factor = 8 : i64, sc.parallel_access}
      %scan3A_264 = arith.constant 0 : i32
      scf.yield %scan3A_264 : i32
    }
    %scan3A_103 = arith.constant 16 : i32
    %iota3A = tpu.iota {dimensions = array<i32: 0>} : vector<16xi32>
    %broadcast_in_dim3A = arith.constant 0.000000e+00 : f32
    %broadcast_in_dim3A_104 = vector.broadcast %broadcast_in_dim3A : f32 to vector<16xf32>
    %dma_wait3A_105 = arith.constant 0 : i32
    %dma_wait3A_106 = arith.constant 0 : i32
    %dma_wait3A_107 = tpu.memref_slice %arg12[%dma_wait3A_105, %dma_wait3A_106] : memref<64x768xf32, #tpu.memory_space<vmem>> -> memref<16x768xf32, #tpu.memory_space<vmem>>
    %dma_wait3A_108 = arith.constant 0 : i32
    %dma_wait3A_109 = tpu.memref_slice %arg10[%dma_wait3A_108] : memref<64xi32, #tpu.memory_space<vmem>> -> memref<16xi32, #tpu.memory_space<vmem>>
    %dma_wait3A_110 = arith.constant 0 : i32
    %dma_wait3A_111 = arith.constant 0 : i32
    %dma_wait3A_112 = tpu.memref_slice %arg4[%dma_wait3A_110, %dma_wait3A_111] : memref<30522x768xf32, #tpu.memory_space<hbm>> -> memref<30522x768xf32, #tpu.memory_space<hbm>>
    tpu.wait_indirect_dma semaphore(%arg17 : memref<!tpu.dma_semaphore, #tpu.memory_space<semaphore_mem>>) src(%dma_wait3A_112 : memref<30522x768xf32, #tpu.memory_space<hbm>>) dst(%dma_wait3A_107 : memref<16x768xf32, #tpu.memory_space<vmem>>)
    %get3A = arith.constant 0 : index
    %get3A_113 = tpu.vector_load %arg11[%get3A] {strides = array<i32>} : memref<80xi32, #tpu.memory_space<vmem>>, vector<16xi32>,
    %scan3A_114 = arith.constant 0 : i32
    %scan3A_115 = arith.constant 0 : i32
    %scan3A_116 = arith.constant 4 : i32
    %scan3A_117 = arith.addi %scan3A_115, %scan3A_116 : i32
    %scan3A_118 = arith.constant 1 : i32
    %scan3A_119 = scf.for %scan3A_260 = %scan3A_115 to %scan3A_117 step %scan3A_118 iter_args(%scan3A_261 = %scan3A_114) -> (i32)  : i32 {
      %mul3A_262 = arith.constant 4 : i32
      %mul3A_263 = arith.muli %mul3A_262, %scan3A_260 : i32
      %add3A_264 = arith.constant 0 : i32
      %add3A_265 = arith.addi %mul3A_263, %add3A_264 : i32
      %mul3A_266 = arith.constant 4 : i32
      %mul3A_267 = arith.muli %mul3A_266, %scan3A_260 : i32
      %add3A_268 = arith.constant 1 : i32
      %add3A_269 = arith.addi %mul3A_267, %add3A_268 : i32
      %mul3A_270 = arith.constant 4 : i32
      %mul3A_271 = arith.muli %mul3A_270, %scan3A_260 : i32
      %add3A_272 = arith.constant 2 : i32
      %add3A_273 = arith.addi %mul3A_271, %add3A_272 : i32
      %mul3A_274 = arith.constant 4 : i32
      %mul3A_275 = arith.muli %mul3A_274, %scan3A_260 : i32
      %add3A_276 = arith.constant 3 : i32
      %add3A_277 = arith.addi %mul3A_275, %add3A_276 : i32
      %add3A_278 = arith.constant 0 : i32
      %add3A_279 = arith.addi %add3A_278, %add3A_265 : i32
      %add3A_280 = arith.constant 0 : i32
      %add3A_281 = arith.addi %add3A_280, %add3A_269 : i32
      %add3A_282 = arith.constant 0 : i32
      %add3A_283 = arith.addi %add3A_282, %add3A_273 : i32
      %add3A_284 = arith.constant 0 : i32
      %add3A_285 = arith.addi %add3A_284, %add3A_277 : i32
      %eq3A = vector.broadcast %add3A_265 : i32 to vector<16xi32>
      %eq3A_286 = arith.cmpi eq, %iota3A, %eq3A : vector<16xi32>
      %jit3A = arith.constant 0 : i32
      %broadcast_in_dim3A_287 = vector.broadcast %jit3A : i32 to vector<16xi32>
      %select_n3A = arith.select %eq3A_286, %get3A_113, %broadcast_in_dim3A_287 : vector<16xi1>, vector<16xi32>
      %reduce_sum3A = arith.constant true
      %reduce_sum3A_288 = vector.broadcast %reduce_sum3A : i1 to vector<16xi1>
      %reduce_sum3A_289 = tpu.scan <sum>, %select_n3A masked %reduce_sum3A_288 : vector<16xi32>, vector<16xi1> -> vector<16xi32>
      %reduce_sum3A_290 = vector.extract %reduce_sum3A_289[15] : i32 from vector<16xi32>
      %eq3A_291 = vector.broadcast %add3A_269 : i32 to vector<16xi32>
      %eq3A_292 = arith.cmpi eq, %iota3A, %eq3A_291 : vector<16xi32>
      %jit3A_293 = arith.constant 0 : i32
      %broadcast_in_dim3A_294 = vector.broadcast %jit3A_293 : i32 to vector<16xi32>
      %select_n3A_295 = arith.select %eq3A_292, %get3A_113, %broadcast_in_dim3A_294 : vector<16xi1>, vector<16xi32>
      %reduce_sum3A_296 = arith.constant true
      %reduce_sum3A_297 = vector.broadcast %reduce_sum3A_296 : i1 to vector<16xi1>
      %reduce_sum3A_298 = tpu.scan <sum>, %select_n3A_295 masked %reduce_sum3A_297 : vector<16xi32>, vector<16xi1> -> vector<16xi32>
      %reduce_sum3A_299 = vector.extract %reduce_sum3A_298[15] : i32 from vector<16xi32>
      %eq3A_300 = vector.broadcast %add3A_273 : i32 to vector<16xi32>
      %eq3A_301 = arith.cmpi eq, %iota3A, %eq3A_300 : vector<16xi32>
      %jit3A_302 = arith.constant 0 : i32
      %broadcast_in_dim3A_303 = vector.broadcast %jit3A_302 : i32 to vector<16xi32>
      %select_n3A_304 = arith.select %eq3A_301, %get3A_113, %broadcast_in_dim3A_303 : vector<16xi1>, vector<16xi32>
      %reduce_sum3A_305 = arith.constant true
      %reduce_sum3A_306 = vector.broadcast %reduce_sum3A_305 : i1 to vector<16xi1>
      %reduce_sum3A_307 = tpu.scan <sum>, %select_n3A_304 masked %reduce_sum3A_306 : vector<16xi32>, vector<16xi1> -> vector<16xi32>
      %reduce_sum3A_308 = vector.extract %reduce_sum3A_307[15] : i32 from vector<16xi32>
      %eq3A_309 = vector.broadcast %add3A_277 : i32 to vector<16xi32>
      %eq3A_310 = arith.cmpi eq, %iota3A, %eq3A_309 : vector<16xi32>
      %jit3A_311 = arith.constant 0 : i32
      %broadcast_in_dim3A_312 = vector.broadcast %jit3A_311 : i32 to vector<16xi32>
      %select_n3A_313 = arith.select %eq3A_310, %get3A_113, %broadcast_in_dim3A_312 : vector<16xi1>, vector<16xi32>
      %reduce_sum3A_314 = arith.constant true
      %reduce_sum3A_315 = vector.broadcast %reduce_sum3A_314 : i1 to vector<16xi1>
      %reduce_sum3A_316 = tpu.scan <sum>, %select_n3A_313 masked %reduce_sum3A_315 : vector<16xi32>, vector<16xi1> -> vector<16xi32>
      %reduce_sum3A_317 = vector.extract %reduce_sum3A_316[15] : i32 from vector<16xi32>
      %parallel_loop3A = arith.constant 0 : i32
      %parallel_loop3A_318 = arith.constant 48 : i32
      %parallel_loop3A_319 = arith.constant 1 : i32
      %parallel_loop3A_320:8 = scf.for %parallel_loop3A_498 = %parallel_loop3A to %parallel_loop3A_318 step %parallel_loop3A_319 iter_args(%parallel_loop3A_499 = %broadcast_in_dim3A_104, %parallel_loop3A_500 = %broadcast_in_dim3A_104, %parallel_loop3A_501 = %broadcast_in_dim3A_104, %parallel_loop3A_502 = %broadcast_in_dim3A_104, %parallel_loop3A_503 = %broadcast_in_dim3A_104, %parallel_loop3A_504 = %broadcast_in_dim3A_104, %parallel_loop3A_505 = %broadcast_in_dim3A_104, %parallel_loop3A_506 = %broadcast_in_dim3A_104) -> (vector<16xf32>, vector<16xf32>, vector<16xf32>, vector<16xf32>, vector<16xf32>, vector<16xf32>, vector<16xf32>, vector<16xf32>)  : i32 {
        %parallel_loop3A_507 = arith.constant 16 : i32
        %parallel_loop3A_508 = arith.muli %parallel_loop3A_498, %parallel_loop3A_507 : i32
        %parallel_loop3A_509 = arith.index_cast %add3A_279 : i32 to index
        %parallel_loop3A_510 = arith.index_cast %parallel_loop3A_508 : i32 to index
        %parallel_loop3A_511 = tpu.vector_load %arg12[%parallel_loop3A_509, %parallel_loop3A_510] {strides = array<i32>} : memref<64x768xf32, #tpu.memory_space<vmem>>, vector<16xf32>,
        %parallel_loop3A_512 = arith.index_cast %reduce_sum3A_290 : i32 to index
        %parallel_loop3A_513 = arith.index_cast %add3A_265 : i32 to index
        %parallel_loop3A_514 = arith.index_cast %parallel_loop3A_508 : i32 to index
        %parallel_loop3A_515 = tpu.vector_load %arg13[%parallel_loop3A_512, %parallel_loop3A_513, %parallel_loop3A_514] {strides = array<i32>} : memref<2x16x768xf32, #tpu.memory_space<vmem>>, vector<16xf32>,
        %parallel_loop3A_516 = arith.addf %parallel_loop3A_511, %parallel_loop3A_515 : vector<16xf32>
        %parallel_loop3A_517 = arith.index_cast %add3A_279 : i32 to index
        %parallel_loop3A_518 = arith.index_cast %parallel_loop3A_508 : i32 to index
        %parallel_loop3A_519 = tpu.vector_load %arg12[%parallel_loop3A_517, %parallel_loop3A_518] {strides = array<i32>} : memref<64x768xf32, #tpu.memory_space<vmem>>, vector<16xf32>,
        tpu.vector_store %arg12[%parallel_loop3A_517, %parallel_loop3A_518], %parallel_loop3A_516 {strides = array<i32>} : memref<64x768xf32, #tpu.memory_space<vmem>>, vector<16xf32>,
        %parallel_loop3A_520 = arith.addf %parallel_loop3A_499, %parallel_loop3A_516 : vector<16xf32>
        %parallel_loop3A_521 = arith.mulf %parallel_loop3A_516, %parallel_loop3A_516 : vector<16xf32>
        %parallel_loop3A_522 = arith.addf %parallel_loop3A_503, %parallel_loop3A_521 : vector<16xf32>
        %parallel_loop3A_523 = arith.index_cast %add3A_281 : i32 to index
        %parallel_loop3A_524 = arith.index_cast %parallel_loop3A_508 : i32 to index
        %parallel_loop3A_525 = tpu.vector_load %arg12[%parallel_loop3A_523, %parallel_loop3A_524] {strides = array<i32>} : memref<64x768xf32, #tpu.memory_space<vmem>>, vector<16xf32>,
        %parallel_loop3A_526 = arith.index_cast %reduce_sum3A_299 : i32 to index
        %parallel_loop3A_527 = arith.index_cast %add3A_269 : i32 to index
        %parallel_loop3A_528 = arith.index_cast %parallel_loop3A_508 : i32 to index
        %parallel_loop3A_529 = tpu.vector_load %arg13[%parallel_loop3A_526, %parallel_loop3A_527, %parallel_loop3A_528] {strides = array<i32>} : memref<2x16x768xf32, #tpu.memory_space<vmem>>, vector<16xf32>,
        %parallel_loop3A_530 = arith.addf %parallel_loop3A_525, %parallel_loop3A_529 : vector<16xf32>
        %parallel_loop3A_531 = arith.index_cast %add3A_281 : i32 to index
        %parallel_loop3A_532 = arith.index_cast %parallel_loop3A_508 : i32 to index
        %parallel_loop3A_533 = tpu.vector_load %arg12[%parallel_loop3A_531, %parallel_loop3A_532] {strides = array<i32>} : memref<64x768xf32, #tpu.memory_space<vmem>>, vector<16xf32>,
        tpu.vector_store %arg12[%parallel_loop3A_531, %parallel_loop3A_532], %parallel_loop3A_530 {strides = array<i32>} : memref<64x768xf32, #tpu.memory_space<vmem>>, vector<16xf32>,
        %parallel_loop3A_534 = arith.addf %parallel_loop3A_500, %parallel_loop3A_530 : vector<16xf32>
        %parallel_loop3A_535 = arith.mulf %parallel_loop3A_530, %parallel_loop3A_530 : vector<16xf32>
        %parallel_loop3A_536 = arith.addf %parallel_loop3A_504, %parallel_loop3A_535 : vector<16xf32>
        %parallel_loop3A_537 = arith.index_cast %add3A_283 : i32 to index
        %parallel_loop3A_538 = arith.index_cast %parallel_loop3A_508 : i32 to index
        %parallel_loop3A_539 = tpu.vector_load %arg12[%parallel_loop3A_537, %parallel_loop3A_538] {strides = array<i32>} : memref<64x768xf32, #tpu.memory_space<vmem>>, vector<16xf32>,
        %parallel_loop3A_540 = arith.index_cast %reduce_sum3A_308 : i32 to index
        %parallel_loop3A_541 = arith.index_cast %add3A_273 : i32 to index
        %parallel_loop3A_542 = arith.index_cast %parallel_loop3A_508 : i32 to index
        %parallel_loop3A_543 = tpu.vector_load %arg13[%parallel_loop3A_540, %parallel_loop3A_541, %parallel_loop3A_542] {strides = array<i32>} : memref<2x16x768xf32, #tpu.memory_space<vmem>>, vector<16xf32>,
        %parallel_loop3A_544 = arith.addf %parallel_loop3A_539, %parallel_loop3A_543 : vector<16xf32>
        %parallel_loop3A_545 = arith.index_cast %add3A_283 : i32 to index
        %parallel_loop3A_546 = arith.index_cast %parallel_loop3A_508 : i32 to index
        %parallel_loop3A_547 = tpu.vector_load %arg12[%parallel_loop3A_545, %parallel_loop3A_546] {strides = array<i32>} : memref<64x768xf32, #tpu.memory_space<vmem>>, vector<16xf32>,
        tpu.vector_store %arg12[%parallel_loop3A_545, %parallel_loop3A_546], %parallel_loop3A_544 {strides = array<i32>} : memref<64x768xf32, #tpu.memory_space<vmem>>, vector<16xf32>,
        %parallel_loop3A_548 = arith.addf %parallel_loop3A_501, %parallel_loop3A_544 : vector<16xf32>
        %parallel_loop3A_549 = arith.mulf %parallel_loop3A_544, %parallel_loop3A_544 : vector<16xf32>
        %parallel_loop3A_550 = arith.addf %parallel_loop3A_505, %parallel_loop3A_549 : vector<16xf32>
        %parallel_loop3A_551 = arith.index_cast %add3A_285 : i32 to index
        %parallel_loop3A_552 = arith.index_cast %parallel_loop3A_508 : i32 to index
        %parallel_loop3A_553 = tpu.vector_load %arg12[%parallel_loop3A_551, %parallel_loop3A_552] {strides = array<i32>} : memref<64x768xf32, #tpu.memory_space<vmem>>, vector<16xf32>,
        %parallel_loop3A_554 = arith.index_cast %reduce_sum3A_317 : i32 to index
        %parallel_loop3A_555 = arith.index_cast %add3A_277 : i32 to index
        %parallel_loop3A_556 = arith.index_cast %parallel_loop3A_508 : i32 to index
        %parallel_loop3A_557 = tpu.vector_load %arg13[%parallel_loop3A_554, %parallel_loop3A_555, %parallel_loop3A_556] {strides = array<i32>} : memref<2x16x768xf32, #tpu.memory_space<vmem>>, vector<16xf32>,
        %parallel_loop3A_558 = arith.addf %parallel_loop3A_553, %parallel_loop3A_557 : vector<16xf32>
        %parallel_loop3A_559 = arith.index_cast %add3A_285 : i32 to index
        %parallel_loop3A_560 = arith.index_cast %parallel_loop3A_508 : i32 to index
        %parallel_loop3A_561 = tpu.vector_load %arg12[%parallel_loop3A_559, %parallel_loop3A_560] {strides = array<i32>} : memref<64x768xf32, #tpu.memory_space<vmem>>, vector<16xf32>,
        tpu.vector_store %arg12[%parallel_loop3A_559, %parallel_loop3A_560], %parallel_loop3A_558 {strides = array<i32>} : memref<64x768xf32, #tpu.memory_space<vmem>>, vector<16xf32>,
        %parallel_loop3A_562 = arith.addf %parallel_loop3A_502, %parallel_loop3A_558 : vector<16xf32>
        %parallel_loop3A_563 = arith.mulf %parallel_loop3A_558, %parallel_loop3A_558 : vector<16xf32>
        %parallel_loop3A_564 = arith.addf %parallel_loop3A_506, %parallel_loop3A_563 : vector<16xf32>
        scf.yield %parallel_loop3A_520, %parallel_loop3A_534, %parallel_loop3A_548, %parallel_loop3A_562, %parallel_loop3A_522, %parallel_loop3A_536, %parallel_loop3A_550, %parallel_loop3A_564 : vector<16xf32>, vector<16xf32>, vector<16xf32>, vector<16xf32>, vector<16xf32>, vector<16xf32>, vector<16xf32>, vector<16xf32>
      } {sc.loop_unroll_factor = 4 : i64, sc.parallel_access}
      %reduce_sum3A_321 = arith.constant true
      %reduce_sum3A_322 = vector.broadcast %reduce_sum3A_321 : i1 to vector<16xi1>
      %reduce_sum3A_323 = tpu.scan <sum>, %parallel_loop3A_320#0 masked %reduce_sum3A_322 : vector<16xf32>, vector<16xi1> -> vector<16xf32>
      %reduce_sum3A_324 = vector.extract %reduce_sum3A_323[15] : f32 from vector<16xf32>
      %mul3A_325 = arith.constant 0.00130208337 : f32
      %mul3A_326 = arith.mulf %reduce_sum3A_324, %mul3A_325 : f32
      %reduce_sum3A_327 = arith.constant true
      %reduce_sum3A_328 = vector.broadcast %reduce_sum3A_327 : i1 to vector<16xi1>
      %reduce_sum3A_329 = tpu.scan <sum>, %parallel_loop3A_320#1 masked %reduce_sum3A_328 : vector<16xf32>, vector<16xi1> -> vector<16xf32>
      %reduce_sum3A_330 = vector.extract %reduce_sum3A_329[15] : f32 from vector<16xf32>
      %mul3A_331 = arith.constant 0.00130208337 : f32
      %mul3A_332 = arith.mulf %reduce_sum3A_330, %mul3A_331 : f32
      %reduce_sum3A_333 = arith.constant true
      %reduce_sum3A_334 = vector.broadcast %reduce_sum3A_333 : i1 to vector<16xi1>
      %reduce_sum3A_335 = tpu.scan <sum>, %parallel_loop3A_320#2 masked %reduce_sum3A_334 : vector<16xf32>, vector<16xi1> -> vector<16xf32>
      %reduce_sum3A_336 = vector.extract %reduce_sum3A_335[15] : f32 from vector<16xf32>
      %mul3A_337 = arith.constant 0.00130208337 : f32
      %mul3A_338 = arith.mulf %reduce_sum3A_336, %mul3A_337 : f32
      %reduce_sum3A_339 = arith.constant true
      %reduce_sum3A_340 = vector.broadcast %reduce_sum3A_339 : i1 to vector<16xi1>
      %reduce_sum3A_341 = tpu.scan <sum>, %parallel_loop3A_320#3 masked %reduce_sum3A_340 : vector<16xf32>, vector<16xi1> -> vector<16xf32>
      %reduce_sum3A_342 = vector.extract %reduce_sum3A_341[15] : f32 from vector<16xf32>
      %mul3A_343 = arith.constant 0.00130208337 : f32
      %mul3A_344 = arith.mulf %reduce_sum3A_342, %mul3A_343 : f32
      %reduce_sum3A_345 = arith.constant true
      %reduce_sum3A_346 = vector.broadcast %reduce_sum3A_345 : i1 to vector<16xi1>
      %reduce_sum3A_347 = tpu.scan <sum>, %parallel_loop3A_320#4 masked %reduce_sum3A_346 : vector<16xf32>, vector<16xi1> -> vector<16xf32>
      %reduce_sum3A_348 = vector.extract %reduce_sum3A_347[15] : f32 from vector<16xf32>
      %mul3A_349 = arith.constant 0.00130208337 : f32
      %mul3A_350 = arith.mulf %reduce_sum3A_348, %mul3A_349 : f32
      %mul3A_351 = arith.mulf %mul3A_326, %mul3A_326 : f32
      %sub3A = arith.subf %mul3A_350, %mul3A_351 : f32
      %add3A_352 = arith.constant 9.99999996E-13 : f32
      %add3A_353 = arith.addf %sub3A, %add3A_352 : f32
      %bitcast_convert_type3A = arith.bitcast %add3A_353 : f32 to i32
      %shift_right_logical3A = arith.constant 1 : i32
      %shift_right_logical3A_354 = arith.shrui %bitcast_convert_type3A, %shift_right_logical3A : i32
      %sub3A_355 = arith.constant 1597463007 : i32
      %sub3A_356 = arith.subi %sub3A_355, %shift_right_logical3A_354 : i32
      %bitcast_convert_type3A_357 = arith.bitcast %sub3A_356 : i32 to f32
      %mul3A_358 = arith.constant 5.000000e-01 : f32
      %mul3A_359 = arith.mulf %mul3A_358, %add3A_353 : f32
      %mul3A_360 = arith.mulf %mul3A_359, %bitcast_convert_type3A_357 : f32
      %mul3A_361 = arith.mulf %mul3A_360, %bitcast_convert_type3A_357 : f32
      %sub3A_362 = arith.constant 1.500000e+00 : f32
      %sub3A_363 = arith.subf %sub3A_362, %mul3A_361 : f32
      %mul3A_364 = arith.mulf %bitcast_convert_type3A_357, %sub3A_363 : f32
      %mul3A_365 = arith.constant 5.000000e-01 : f32
      %mul3A_366 = arith.mulf %mul3A_365, %add3A_353 : f32
      %mul3A_367 = arith.mulf %mul3A_366, %mul3A_364 : f32
      %mul3A_368 = arith.mulf %mul3A_367, %mul3A_364 : f32
      %sub3A_369 = arith.constant 1.500000e+00 : f32
      %sub3A_370 = arith.subf %sub3A_369, %mul3A_368 : f32
      %mul3A_371 = arith.mulf %mul3A_364, %sub3A_370 : f32
      %mul3A_372 = arith.constant 5.000000e-01 : f32
      %mul3A_373 = arith.mulf %mul3A_372, %add3A_353 : f32
      %mul3A_374 = arith.mulf %mul3A_373, %mul3A_371 : f32
      %mul3A_375 = arith.mulf %mul3A_374, %mul3A_371 : f32
      %sub3A_376 = arith.constant 1.500000e+00 : f32
      %sub3A_377 = arith.subf %sub3A_376, %mul3A_375 : f32
      %mul3A_378 = arith.mulf %mul3A_371, %sub3A_377 : f32
      %reduce_sum3A_379 = arith.constant true
      %reduce_sum3A_380 = vector.broadcast %reduce_sum3A_379 : i1 to vector<16xi1>
      %reduce_sum3A_381 = tpu.scan <sum>, %parallel_loop3A_320#5 masked %reduce_sum3A_380 : vector<16xf32>, vector<16xi1> -> vector<16xf32>
      %reduce_sum3A_382 = vector.extract %reduce_sum3A_381[15] : f32 from vector<16xf32>
      %mul3A_383 = arith.constant 0.00130208337 : f32
      %mul3A_384 = arith.mulf %reduce_sum3A_382, %mul3A_383 : f32
      %mul3A_385 = arith.mulf %mul3A_332, %mul3A_332 : f32
      %sub3A_386 = arith.subf %mul3A_384, %mul3A_385 : f32
      %add3A_387 = arith.constant 9.99999996E-13 : f32
      %add3A_388 = arith.addf %sub3A_386, %add3A_387 : f32
      %bitcast_convert_type3A_389 = arith.bitcast %add3A_388 : f32 to i32
      %shift_right_logical3A_390 = arith.constant 1 : i32
      %shift_right_logical3A_391 = arith.shrui %bitcast_convert_type3A_389, %shift_right_logical3A_390 : i32
      %sub3A_392 = arith.constant 1597463007 : i32
      %sub3A_393 = arith.subi %sub3A_392, %shift_right_logical3A_391 : i32
      %bitcast_convert_type3A_394 = arith.bitcast %sub3A_393 : i32 to f32
      %mul3A_395 = arith.constant 5.000000e-01 : f32
      %mul3A_396 = arith.mulf %mul3A_395, %add3A_388 : f32
      %mul3A_397 = arith.mulf %mul3A_396, %bitcast_convert_type3A_394 : f32
      %mul3A_398 = arith.mulf %mul3A_397, %bitcast_convert_type3A_394 : f32
      %sub3A_399 = arith.constant 1.500000e+00 : f32
      %sub3A_400 = arith.subf %sub3A_399, %mul3A_398 : f32
      %mul3A_401 = arith.mulf %bitcast_convert_type3A_394, %sub3A_400 : f32
      %mul3A_402 = arith.constant 5.000000e-01 : f32
      %mul3A_403 = arith.mulf %mul3A_402, %add3A_388 : f32
      %mul3A_404 = arith.mulf %mul3A_403, %mul3A_401 : f32
      %mul3A_405 = arith.mulf %mul3A_404, %mul3A_401 : f32
      %sub3A_406 = arith.constant 1.500000e+00 : f32
      %sub3A_407 = arith.subf %sub3A_406, %mul3A_405 : f32
      %mul3A_408 = arith.mulf %mul3A_401, %sub3A_407 : f32
      %mul3A_409 = arith.constant 5.000000e-01 : f32
      %mul3A_410 = arith.mulf %mul3A_409, %add3A_388 : f32
      %mul3A_411 = arith.mulf %mul3A_410, %mul3A_408 : f32
      %mul3A_412 = arith.mulf %mul3A_411, %mul3A_408 : f32
      %sub3A_413 = arith.constant 1.500000e+00 : f32
      %sub3A_414 = arith.subf %sub3A_413, %mul3A_412 : f32
      %mul3A_415 = arith.mulf %mul3A_408, %sub3A_414 : f32
      %reduce_sum3A_416 = arith.constant true
      %reduce_sum3A_417 = vector.broadcast %reduce_sum3A_416 : i1 to vector<16xi1>
      %reduce_sum3A_418 = tpu.scan <sum>, %parallel_loop3A_320#6 masked %reduce_sum3A_417 : vector<16xf32>, vector<16xi1> -> vector<16xf32>
      %reduce_sum3A_419 = vector.extract %reduce_sum3A_418[15] : f32 from vector<16xf32>
      %mul3A_420 = arith.constant 0.00130208337 : f32
      %mul3A_421 = arith.mulf %reduce_sum3A_419, %mul3A_420 : f32
      %mul3A_422 = arith.mulf %mul3A_338, %mul3A_338 : f32
      %sub3A_423 = arith.subf %mul3A_421, %mul3A_422 : f32
      %add3A_424 = arith.constant 9.99999996E-13 : f32
      %add3A_425 = arith.addf %sub3A_423, %add3A_424 : f32
      %bitcast_convert_type3A_426 = arith.bitcast %add3A_425 : f32 to i32
      %shift_right_logical3A_427 = arith.constant 1 : i32
      %shift_right_logical3A_428 = arith.shrui %bitcast_convert_type3A_426, %shift_right_logical3A_427 : i32
      %sub3A_429 = arith.constant 1597463007 : i32
      %sub3A_430 = arith.subi %sub3A_429, %shift_right_logical3A_428 : i32
      %bitcast_convert_type3A_431 = arith.bitcast %sub3A_430 : i32 to f32
      %mul3A_432 = arith.constant 5.000000e-01 : f32
      %mul3A_433 = arith.mulf %mul3A_432, %add3A_425 : f32
      %mul3A_434 = arith.mulf %mul3A_433, %bitcast_convert_type3A_431 : f32
      %mul3A_435 = arith.mulf %mul3A_434, %bitcast_convert_type3A_431 : f32
      %sub3A_436 = arith.constant 1.500000e+00 : f32
      %sub3A_437 = arith.subf %sub3A_436, %mul3A_435 : f32
      %mul3A_438 = arith.mulf %bitcast_convert_type3A_431, %sub3A_437 : f32
      %mul3A_439 = arith.constant 5.000000e-01 : f32
      %mul3A_440 = arith.mulf %mul3A_439, %add3A_425 : f32
      %mul3A_441 = arith.mulf %mul3A_440, %mul3A_438 : f32
      %mul3A_442 = arith.mulf %mul3A_441, %mul3A_438 : f32
      %sub3A_443 = arith.constant 1.500000e+00 : f32
      %sub3A_444 = arith.subf %sub3A_443, %mul3A_442 : f32
      %mul3A_445 = arith.mulf %mul3A_438, %sub3A_444 : f32
      %mul3A_446 = arith.constant 5.000000e-01 : f32
      %mul3A_447 = arith.mulf %mul3A_446, %add3A_425 : f32
      %mul3A_448 = arith.mulf %mul3A_447, %mul3A_445 : f32
      %mul3A_449 = arith.mulf %mul3A_448, %mul3A_445 : f32
      %sub3A_450 = arith.constant 1.500000e+00 : f32
      %sub3A_451 = arith.subf %sub3A_450, %mul3A_449 : f32
      %mul3A_452 = arith.mulf %mul3A_445, %sub3A_451 : f32
      %reduce_sum3A_453 = arith.constant true
      %reduce_sum3A_454 = vector.broadcast %reduce_sum3A_453 : i1 to vector<16xi1>
      %reduce_sum3A_455 = tpu.scan <sum>, %parallel_loop3A_320#7 masked %reduce_sum3A_454 : vector<16xf32>, vector<16xi1> -> vector<16xf32>
      %reduce_sum3A_456 = vector.extract %reduce_sum3A_455[15] : f32 from vector<16xf32>
      %mul3A_457 = arith.constant 0.00130208337 : f32
      %mul3A_458 = arith.mulf %reduce_sum3A_456, %mul3A_457 : f32
      %mul3A_459 = arith.mulf %mul3A_344, %mul3A_344 : f32
      %sub3A_460 = arith.subf %mul3A_458, %mul3A_459 : f32
      %add3A_461 = arith.constant 9.99999996E-13 : f32
      %add3A_462 = arith.addf %sub3A_460, %add3A_461 : f32
      %bitcast_convert_type3A_463 = arith.bitcast %add3A_462 : f32 to i32
      %shift_right_logical3A_464 = arith.constant 1 : i32
      %shift_right_logical3A_465 = arith.shrui %bitcast_convert_type3A_463, %shift_right_logical3A_464 : i32
      %sub3A_466 = arith.constant 1597463007 : i32
      %sub3A_467 = arith.subi %sub3A_466, %shift_right_logical3A_465 : i32
      %bitcast_convert_type3A_468 = arith.bitcast %sub3A_467 : i32 to f32
      %mul3A_469 = arith.constant 5.000000e-01 : f32
      %mul3A_470 = arith.mulf %mul3A_469, %add3A_462 : f32
      %mul3A_471 = arith.mulf %mul3A_470, %bitcast_convert_type3A_468 : f32
      %mul3A_472 = arith.mulf %mul3A_471, %bitcast_convert_type3A_468 : f32
      %sub3A_473 = arith.constant 1.500000e+00 : f32
      %sub3A_474 = arith.subf %sub3A_473, %mul3A_472 : f32
      %mul3A_475 = arith.mulf %bitcast_convert_type3A_468, %sub3A_474 : f32
      %mul3A_476 = arith.constant 5.000000e-01 : f32
      %mul3A_477 = arith.mulf %mul3A_476, %add3A_462 : f32
      %mul3A_478 = arith.mulf %mul3A_477, %mul3A_475 : f32
      %mul3A_479 = arith.mulf %mul3A_478, %mul3A_475 : f32
      %sub3A_480 = arith.constant 1.500000e+00 : f32
      %sub3A_481 = arith.subf %sub3A_480, %mul3A_479 : f32
      %mul3A_482 = arith.mulf %mul3A_475, %sub3A_481 : f32
      %mul3A_483 = arith.constant 5.000000e-01 : f32
      %mul3A_484 = arith.mulf %mul3A_483, %add3A_462 : f32
      %mul3A_485 = arith.mulf %mul3A_484, %mul3A_482 : f32
      %mul3A_486 = arith.mulf %mul3A_485, %mul3A_482 : f32
      %sub3A_487 = arith.constant 1.500000e+00 : f32
      %sub3A_488 = arith.subf %sub3A_487, %mul3A_486 : f32
      %mul3A_489 = arith.mulf %mul3A_482, %sub3A_488 : f32
      %mul3A_490 = arith.mulf %mul3A_326, %mul3A_378 : f32
      %mul3A_491 = arith.mulf %mul3A_332, %mul3A_415 : f32
      %mul3A_492 = arith.mulf %mul3A_338, %mul3A_452 : f32
      %mul3A_493 = arith.mulf %mul3A_344, %mul3A_489 : f32
      %parallel_loop3A_494 = arith.constant 0 : i32
      %parallel_loop3A_495 = arith.constant 48 : i32
      %parallel_loop3A_496 = arith.constant 1 : i32
      scf.for %parallel_loop3A_498 = %parallel_loop3A_494 to %parallel_loop3A_495 step %parallel_loop3A_496  : i32 {
        %parallel_loop3A_499 = arith.constant 16 : i32
        %parallel_loop3A_500 = arith.muli %parallel_loop3A_498, %parallel_loop3A_499 : i32
        %parallel_loop3A_501 = arith.index_cast %parallel_loop3A_500 : i32 to index
        %parallel_loop3A_502 = tpu.vector_load %arg15[%parallel_loop3A_501] {strides = array<i32>} : memref<768xf32, #tpu.memory_space<vmem>>, vector<16xf32>,
        %parallel_loop3A_503 = arith.index_cast %parallel_loop3A_500 : i32 to index
        %parallel_loop3A_504 = tpu.vector_load %arg16[%parallel_loop3A_503] {strides = array<i32>} : memref<768xf32, #tpu.memory_space<vmem>>, vector<16xf32>,
        %parallel_loop3A_505 = arith.index_cast %add3A_279 : i32 to index
        %parallel_loop3A_506 = arith.index_cast %parallel_loop3A_500 : i32 to index
        %parallel_loop3A_507 = tpu.vector_load %arg12[%parallel_loop3A_505, %parallel_loop3A_506] {strides = array<i32>} : memref<64x768xf32, #tpu.memory_space<vmem>>, vector<16xf32>,
        %parallel_loop3A_508 = vector.broadcast %mul3A_378 : f32 to vector<16xf32>
        %parallel_loop3A_509 = arith.mulf %parallel_loop3A_507, %parallel_loop3A_508 : vector<16xf32>
        %parallel_loop3A_510 = vector.broadcast %mul3A_490 : f32 to vector<16xf32>
        %parallel_loop3A_511 = arith.subf %parallel_loop3A_509, %parallel_loop3A_510 : vector<16xf32>
        %parallel_loop3A_512 = arith.mulf %parallel_loop3A_511, %parallel_loop3A_502 : vector<16xf32>
        %parallel_loop3A_513 = arith.addf %parallel_loop3A_512, %parallel_loop3A_504 : vector<16xf32>
        %parallel_loop3A_514 = arith.index_cast %add3A_279 : i32 to index
        %parallel_loop3A_515 = arith.index_cast %parallel_loop3A_500 : i32 to index
        %parallel_loop3A_516 = tpu.vector_load %arg12[%parallel_loop3A_514, %parallel_loop3A_515] {strides = array<i32>} : memref<64x768xf32, #tpu.memory_space<vmem>>, vector<16xf32>,
        tpu.vector_store %arg12[%parallel_loop3A_514, %parallel_loop3A_515], %parallel_loop3A_513 {strides = array<i32>} : memref<64x768xf32, #tpu.memory_space<vmem>>, vector<16xf32>,
        %parallel_loop3A_517 = arith.index_cast %add3A_281 : i32 to index
        %parallel_loop3A_518 = arith.index_cast %parallel_loop3A_500 : i32 to index
        %parallel_loop3A_519 = tpu.vector_load %arg12[%parallel_loop3A_517, %parallel_loop3A_518] {strides = array<i32>} : memref<64x768xf32, #tpu.memory_space<vmem>>, vector<16xf32>,
        %parallel_loop3A_520 = vector.broadcast %mul3A_415 : f32 to vector<16xf32>
        %parallel_loop3A_521 = arith.mulf %parallel_loop3A_519, %parallel_loop3A_520 : vector<16xf32>
        %parallel_loop3A_522 = vector.broadcast %mul3A_491 : f32 to vector<16xf32>
        %parallel_loop3A_523 = arith.subf %parallel_loop3A_521, %parallel_loop3A_522 : vector<16xf32>
        %parallel_loop3A_524 = arith.mulf %parallel_loop3A_523, %parallel_loop3A_502 : vector<16xf32>
        %parallel_loop3A_525 = arith.addf %parallel_loop3A_524, %parallel_loop3A_504 : vector<16xf32>
        %parallel_loop3A_526 = arith.index_cast %add3A_281 : i32 to index
        %parallel_loop3A_527 = arith.index_cast %parallel_loop3A_500 : i32 to index
        %parallel_loop3A_528 = tpu.vector_load %arg12[%parallel_loop3A_526, %parallel_loop3A_527] {strides = array<i32>} : memref<64x768xf32, #tpu.memory_space<vmem>>, vector<16xf32>,
        tpu.vector_store %arg12[%parallel_loop3A_526, %parallel_loop3A_527], %parallel_loop3A_525 {strides = array<i32>} : memref<64x768xf32, #tpu.memory_space<vmem>>, vector<16xf32>,
        %parallel_loop3A_529 = arith.index_cast %add3A_283 : i32 to index
        %parallel_loop3A_530 = arith.index_cast %parallel_loop3A_500 : i32 to index
        %parallel_loop3A_531 = tpu.vector_load %arg12[%parallel_loop3A_529, %parallel_loop3A_530] {strides = array<i32>} : memref<64x768xf32, #tpu.memory_space<vmem>>, vector<16xf32>,
        %parallel_loop3A_532 = vector.broadcast %mul3A_452 : f32 to vector<16xf32>
        %parallel_loop3A_533 = arith.mulf %parallel_loop3A_531, %parallel_loop3A_532 : vector<16xf32>
        %parallel_loop3A_534 = vector.broadcast %mul3A_492 : f32 to vector<16xf32>
        %parallel_loop3A_535 = arith.subf %parallel_loop3A_533, %parallel_loop3A_534 : vector<16xf32>
        %parallel_loop3A_536 = arith.mulf %parallel_loop3A_535, %parallel_loop3A_502 : vector<16xf32>
        %parallel_loop3A_537 = arith.addf %parallel_loop3A_536, %parallel_loop3A_504 : vector<16xf32>
        %parallel_loop3A_538 = arith.index_cast %add3A_283 : i32 to index
        %parallel_loop3A_539 = arith.index_cast %parallel_loop3A_500 : i32 to index
        %parallel_loop3A_540 = tpu.vector_load %arg12[%parallel_loop3A_538, %parallel_loop3A_539] {strides = array<i32>} : memref<64x768xf32, #tpu.memory_space<vmem>>, vector<16xf32>,
        tpu.vector_store %arg12[%parallel_loop3A_538, %parallel_loop3A_539], %parallel_loop3A_537 {strides = array<i32>} : memref<64x768xf32, #tpu.memory_space<vmem>>, vector<16xf32>,
        %parallel_loop3A_541 = arith.index_cast %add3A_285 : i32 to index
        %parallel_loop3A_542 = arith.index_cast %parallel_loop3A_500 : i32 to index
        %parallel_loop3A_543 = tpu.vector_load %arg12[%parallel_loop3A_541, %parallel_loop3A_542] {strides = array<i32>} : memref<64x768xf32, #tpu.memory_space<vmem>>, vector<16xf32>,
        %parallel_loop3A_544 = vector.broadcast %mul3A_489 : f32 to vector<16xf32>
        %parallel_loop3A_545 = arith.mulf %parallel_loop3A_543, %parallel_loop3A_544 : vector<16xf32>
        %parallel_loop3A_546 = vector.broadcast %mul3A_493 : f32 to vector<16xf32>
        %parallel_loop3A_547 = arith.subf %parallel_loop3A_545, %parallel_loop3A_546 : vector<16xf32>
        %parallel_loop3A_548 = arith.mulf %parallel_loop3A_547, %parallel_loop3A_502 : vector<16xf32>
        %parallel_loop3A_549 = arith.addf %parallel_loop3A_548, %parallel_loop3A_504 : vector<16xf32>
        %parallel_loop3A_550 = arith.index_cast %add3A_285 : i32 to index
        %parallel_loop3A_551 = arith.index_cast %parallel_loop3A_500 : i32 to index
        %parallel_loop3A_552 = tpu.vector_load %arg12[%parallel_loop3A_550, %parallel_loop3A_551] {strides = array<i32>} : memref<64x768xf32, #tpu.memory_space<vmem>>, vector<16xf32>,
        tpu.vector_store %arg12[%parallel_loop3A_550, %parallel_loop3A_551], %parallel_loop3A_549 {strides = array<i32>} : memref<64x768xf32, #tpu.memory_space<vmem>>, vector<16xf32>,
      } {sc.loop_unroll_factor = 4 : i64, sc.parallel_access}
      %scan3A_497 = arith.constant 0 : i32
      scf.yield %scan3A_497 : i32
    }
    %scan3A_120 = arith.constant 4 : i32
    %add3A_121 = arith.constant 0 : i32
    %add3A_122 = arith.addi %add3A_121, %mul3A_2 : i32
    %dma_start3A_123 = arith.constant 0 : i32
    %dma_start3A_124 = arith.constant 0 : i32
    %dma_start3A_125 = tpu.memref_slice %arg12[%dma_start3A_123, %dma_start3A_124] : memref<64x768xf32, #tpu.memory_space<vmem>> -> memref<16x768xf32, #tpu.memory_space<vmem>>
    %dma_start3A_126 = arith.constant 0 : i32
    %dma_start3A_127 = tpu.memref_slice %arg9[%add3A_122, %dma_start3A_126] : memref<2048x768xf32, #tpu.memory_space<hbm>> -> memref<16x768xf32, #tpu.memory_space<hbm>>
    %dma_start3A_128 = arith.constant 0 : i32
    %dma_start3A_129 = tpu.memref_slice %arg9[%add3A_122, %dma_start3A_128] : memref<2048x768xf32, #tpu.memory_space<hbm>> -> memref<16x768xf32, #tpu.memory_space<hbm>>
    %dma_start3A_130 = arith.constant 0 : i32
    %dma_start3A_131 = arith.constant 0 : i32
    %dma_start3A_132 = tpu.memref_slice %arg12[%dma_start3A_130, %dma_start3A_131] : memref<64x768xf32, #tpu.memory_space<vmem>> -> memref<16x768xf32, #tpu.memory_space<vmem>>
    tpu.enqueue_dma source(%dma_start3A_132 : memref<16x768xf32, #tpu.memory_space<vmem>>) target(%dma_start3A_129 : memref<16x768xf32, #tpu.memory_space<hbm>>) target_semaphore(%arg18 : memref<!tpu.dma_semaphore, #tpu.memory_space<semaphore_mem>>)
    %dma_wait3A_133 = arith.constant 16 : i32
    %dma_wait3A_134 = arith.constant 0 : i32
    %dma_wait3A_135 = tpu.memref_slice %arg12[%dma_wait3A_133, %dma_wait3A_134] : memref<64x768xf32, #tpu.memory_space<vmem>> -> memref<16x768xf32, #tpu.memory_space<vmem>>
    %dma_wait3A_136 = arith.constant 16 : i32
    %dma_wait3A_137 = tpu.memref_slice %arg10[%dma_wait3A_136] : memref<64xi32, #tpu.memory_space<vmem>> -> memref<16xi32, #tpu.memory_space<vmem>>
    %dma_wait3A_138 = arith.constant 0 : i32
    %dma_wait3A_139 = arith.constant 0 : i32
    %dma_wait3A_140 = tpu.memref_slice %arg4[%dma_wait3A_138, %dma_wait3A_139] : memref<30522x768xf32, #tpu.memory_space<hbm>> -> memref<30522x768xf32, #tpu.memory_space<hbm>>
    tpu.wait_indirect_dma semaphore(%arg17 : memref<!tpu.dma_semaphore, #tpu.memory_space<semaphore_mem>>) src(%dma_wait3A_140 : memref<30522x768xf32, #tpu.memory_space<hbm>>) dst(%dma_wait3A_135 : memref<16x768xf32, #tpu.memory_space<vmem>>)
    %get3A_141 = arith.constant 16 : index
    %get3A_142 = tpu.vector_load %arg11[%get3A_141] {strides = array<i32>} : memref<80xi32, #tpu.memory_space<vmem>>, vector<16xi32>,
    %scan3A_143 = arith.constant 0 : i32
    %scan3A_144 = arith.constant 0 : i32
    %scan3A_145 = arith.constant 4 : i32
    %scan3A_146 = arith.addi %scan3A_144, %scan3A_145 : i32
    %scan3A_147 = arith.constant 1 : i32
    %scan3A_148 = scf.for %scan3A_260 = %scan3A_144 to %scan3A_146 step %scan3A_147 iter_args(%scan3A_261 = %scan3A_143) -> (i32)  : i32 {
      %mul3A_262 = arith.constant 4 : i32
      %mul3A_263 = arith.muli %mul3A_262, %scan3A_260 : i32
      %add3A_264 = arith.constant 0 : i32
      %add3A_265 = arith.addi %mul3A_263, %add3A_264 : i32
      %mul3A_266 = arith.constant 4 : i32
      %mul3A_267 = arith.muli %mul3A_266, %scan3A_260 : i32
      %add3A_268 = arith.constant 1 : i32
      %add3A_269 = arith.addi %mul3A_267, %add3A_268 : i32
      %mul3A_270 = arith.constant 4 : i32
      %mul3A_271 = arith.muli %mul3A_270, %scan3A_260 : i32
      %add3A_272 = arith.constant 2 : i32
      %add3A_273 = arith.addi %mul3A_271, %add3A_272 : i32
      %mul3A_274 = arith.constant 4 : i32
      %mul3A_275 = arith.muli %mul3A_274, %scan3A_260 : i32
      %add3A_276 = arith.constant 3 : i32
      %add3A_277 = arith.addi %mul3A_275, %add3A_276 : i32
      %add3A_278 = arith.constant 16 : i32
      %add3A_279 = arith.addi %add3A_278, %add3A_265 : i32
      %add3A_280 = arith.constant 16 : i32
      %add3A_281 = arith.addi %add3A_280, %add3A_269 : i32
      %add3A_282 = arith.constant 16 : i32
      %add3A_283 = arith.addi %add3A_282, %add3A_273 : i32
      %add3A_284 = arith.constant 16 : i32
      %add3A_285 = arith.addi %add3A_284, %add3A_277 : i32
      %eq3A = vector.broadcast %add3A_265 : i32 to vector<16xi32>
      %eq3A_286 = arith.cmpi eq, %iota3A, %eq3A : vector<16xi32>
      %jit3A = arith.constant 0 : i32
      %broadcast_in_dim3A_287 = vector.broadcast %jit3A : i32 to vector<16xi32>
      %select_n3A = arith.select %eq3A_286, %get3A_142, %broadcast_in_dim3A_287 : vector<16xi1>, vector<16xi32>
      %reduce_sum3A = arith.constant true
      %reduce_sum3A_288 = vector.broadcast %reduce_sum3A : i1 to vector<16xi1>
      %reduce_sum3A_289 = tpu.scan <sum>, %select_n3A masked %reduce_sum3A_288 : vector<16xi32>, vector<16xi1> -> vector<16xi32>
      %reduce_sum3A_290 = vector.extract %reduce_sum3A_289[15] : i32 from vector<16xi32>
      %eq3A_291 = vector.broadcast %add3A_269 : i32 to vector<16xi32>
      %eq3A_292 = arith.cmpi eq, %iota3A, %eq3A_291 : vector<16xi32>
      %jit3A_293 = arith.constant 0 : i32
      %broadcast_in_dim3A_294 = vector.broadcast %jit3A_293 : i32 to vector<16xi32>
      %select_n3A_295 = arith.select %eq3A_292, %get3A_142, %broadcast_in_dim3A_294 : vector<16xi1>, vector<16xi32>
      %reduce_sum3A_296 = arith.constant true
      %reduce_sum3A_297 = vector.broadcast %reduce_sum3A_296 : i1 to vector<16xi1>
      %reduce_sum3A_298 = tpu.scan <sum>, %select_n3A_295 masked %reduce_sum3A_297 : vector<16xi32>, vector<16xi1> -> vector<16xi32>
      %reduce_sum3A_299 = vector.extract %reduce_sum3A_298[15] : i32 from vector<16xi32>
      %eq3A_300 = vector.broadcast %add3A_273 : i32 to vector<16xi32>
      %eq3A_301 = arith.cmpi eq, %iota3A, %eq3A_300 : vector<16xi32>
      %jit3A_302 = arith.constant 0 : i32
      %broadcast_in_dim3A_303 = vector.broadcast %jit3A_302 : i32 to vector<16xi32>
      %select_n3A_304 = arith.select %eq3A_301, %get3A_142, %broadcast_in_dim3A_303 : vector<16xi1>, vector<16xi32>
      %reduce_sum3A_305 = arith.constant true
      %reduce_sum3A_306 = vector.broadcast %reduce_sum3A_305 : i1 to vector<16xi1>
      %reduce_sum3A_307 = tpu.scan <sum>, %select_n3A_304 masked %reduce_sum3A_306 : vector<16xi32>, vector<16xi1> -> vector<16xi32>
      %reduce_sum3A_308 = vector.extract %reduce_sum3A_307[15] : i32 from vector<16xi32>
      %eq3A_309 = vector.broadcast %add3A_277 : i32 to vector<16xi32>
      %eq3A_310 = arith.cmpi eq, %iota3A, %eq3A_309 : vector<16xi32>
      %jit3A_311 = arith.constant 0 : i32
      %broadcast_in_dim3A_312 = vector.broadcast %jit3A_311 : i32 to vector<16xi32>
      %select_n3A_313 = arith.select %eq3A_310, %get3A_142, %broadcast_in_dim3A_312 : vector<16xi1>, vector<16xi32>
      %reduce_sum3A_314 = arith.constant true
      %reduce_sum3A_315 = vector.broadcast %reduce_sum3A_314 : i1 to vector<16xi1>
      %reduce_sum3A_316 = tpu.scan <sum>, %select_n3A_313 masked %reduce_sum3A_315 : vector<16xi32>, vector<16xi1> -> vector<16xi32>
      %reduce_sum3A_317 = vector.extract %reduce_sum3A_316[15] : i32 from vector<16xi32>
      %parallel_loop3A = arith.constant 0 : i32
      %parallel_loop3A_318 = arith.constant 48 : i32
      %parallel_loop3A_319 = arith.constant 1 : i32
      %parallel_loop3A_320:8 = scf.for %parallel_loop3A_498 = %parallel_loop3A to %parallel_loop3A_318 step %parallel_loop3A_319 iter_args(%parallel_loop3A_499 = %broadcast_in_dim3A_104, %parallel_loop3A_500 = %broadcast_in_dim3A_104, %parallel_loop3A_501 = %broadcast_in_dim3A_104, %parallel_loop3A_502 = %broadcast_in_dim3A_104, %parallel_loop3A_503 = %broadcast_in_dim3A_104, %parallel_loop3A_504 = %broadcast_in_dim3A_104, %parallel_loop3A_505 = %broadcast_in_dim3A_104, %parallel_loop3A_506 = %broadcast_in_dim3A_104) -> (vector<16xf32>, vector<16xf32>, vector<16xf32>, vector<16xf32>, vector<16xf32>, vector<16xf32>, vector<16xf32>, vector<16xf32>)  : i32 {
        %parallel_loop3A_507 = arith.constant 16 : i32
        %parallel_loop3A_508 = arith.muli %parallel_loop3A_498, %parallel_loop3A_507 : i32
        %parallel_loop3A_509 = arith.index_cast %add3A_279 : i32 to index
        %parallel_loop3A_510 = arith.index_cast %parallel_loop3A_508 : i32 to index
        %parallel_loop3A_511 = tpu.vector_load %arg12[%parallel_loop3A_509, %parallel_loop3A_510] {strides = array<i32>} : memref<64x768xf32, #tpu.memory_space<vmem>>, vector<16xf32>,
        %parallel_loop3A_512 = arith.index_cast %reduce_sum3A_290 : i32 to index
        %parallel_loop3A_513 = arith.index_cast %add3A_265 : i32 to index
        %parallel_loop3A_514 = arith.index_cast %parallel_loop3A_508 : i32 to index
        %parallel_loop3A_515 = tpu.vector_load %arg13[%parallel_loop3A_512, %parallel_loop3A_513, %parallel_loop3A_514] {strides = array<i32>} : memref<2x16x768xf32, #tpu.memory_space<vmem>>, vector<16xf32>,
        %parallel_loop3A_516 = arith.addf %parallel_loop3A_511, %parallel_loop3A_515 : vector<16xf32>
        %parallel_loop3A_517 = arith.index_cast %add3A_279 : i32 to index
        %parallel_loop3A_518 = arith.index_cast %parallel_loop3A_508 : i32 to index
        %parallel_loop3A_519 = tpu.vector_load %arg12[%parallel_loop3A_517, %parallel_loop3A_518] {strides = array<i32>} : memref<64x768xf32, #tpu.memory_space<vmem>>, vector<16xf32>,
        tpu.vector_store %arg12[%parallel_loop3A_517, %parallel_loop3A_518], %parallel_loop3A_516 {strides = array<i32>} : memref<64x768xf32, #tpu.memory_space<vmem>>, vector<16xf32>,
        %parallel_loop3A_520 = arith.addf %parallel_loop3A_499, %parallel_loop3A_516 : vector<16xf32>
        %parallel_loop3A_521 = arith.mulf %parallel_loop3A_516, %parallel_loop3A_516 : vector<16xf32>
        %parallel_loop3A_522 = arith.addf %parallel_loop3A_503, %parallel_loop3A_521 : vector<16xf32>
        %parallel_loop3A_523 = arith.index_cast %add3A_281 : i32 to index
        %parallel_loop3A_524 = arith.index_cast %parallel_loop3A_508 : i32 to index
        %parallel_loop3A_525 = tpu.vector_load %arg12[%parallel_loop3A_523, %parallel_loop3A_524] {strides = array<i32>} : memref<64x768xf32, #tpu.memory_space<vmem>>, vector<16xf32>,
        %parallel_loop3A_526 = arith.index_cast %reduce_sum3A_299 : i32 to index
        %parallel_loop3A_527 = arith.index_cast %add3A_269 : i32 to index
        %parallel_loop3A_528 = arith.index_cast %parallel_loop3A_508 : i32 to index
        %parallel_loop3A_529 = tpu.vector_load %arg13[%parallel_loop3A_526, %parallel_loop3A_527, %parallel_loop3A_528] {strides = array<i32>} : memref<2x16x768xf32, #tpu.memory_space<vmem>>, vector<16xf32>,
        %parallel_loop3A_530 = arith.addf %parallel_loop3A_525, %parallel_loop3A_529 : vector<16xf32>
        %parallel_loop3A_531 = arith.index_cast %add3A_281 : i32 to index
        %parallel_loop3A_532 = arith.index_cast %parallel_loop3A_508 : i32 to index
        %parallel_loop3A_533 = tpu.vector_load %arg12[%parallel_loop3A_531, %parallel_loop3A_532] {strides = array<i32>} : memref<64x768xf32, #tpu.memory_space<vmem>>, vector<16xf32>,
        tpu.vector_store %arg12[%parallel_loop3A_531, %parallel_loop3A_532], %parallel_loop3A_530 {strides = array<i32>} : memref<64x768xf32, #tpu.memory_space<vmem>>, vector<16xf32>,
        %parallel_loop3A_534 = arith.addf %parallel_loop3A_500, %parallel_loop3A_530 : vector<16xf32>
        %parallel_loop3A_535 = arith.mulf %parallel_loop3A_530, %parallel_loop3A_530 : vector<16xf32>
        %parallel_loop3A_536 = arith.addf %parallel_loop3A_504, %parallel_loop3A_535 : vector<16xf32>
        %parallel_loop3A_537 = arith.index_cast %add3A_283 : i32 to index
        %parallel_loop3A_538 = arith.index_cast %parallel_loop3A_508 : i32 to index
        %parallel_loop3A_539 = tpu.vector_load %arg12[%parallel_loop3A_537, %parallel_loop3A_538] {strides = array<i32>} : memref<64x768xf32, #tpu.memory_space<vmem>>, vector<16xf32>,
        %parallel_loop3A_540 = arith.index_cast %reduce_sum3A_308 : i32 to index
        %parallel_loop3A_541 = arith.index_cast %add3A_273 : i32 to index
        %parallel_loop3A_542 = arith.index_cast %parallel_loop3A_508 : i32 to index
        %parallel_loop3A_543 = tpu.vector_load %arg13[%parallel_loop3A_540, %parallel_loop3A_541, %parallel_loop3A_542] {strides = array<i32>} : memref<2x16x768xf32, #tpu.memory_space<vmem>>, vector<16xf32>,
        %parallel_loop3A_544 = arith.addf %parallel_loop3A_539, %parallel_loop3A_543 : vector<16xf32>
        %parallel_loop3A_545 = arith.index_cast %add3A_283 : i32 to index
        %parallel_loop3A_546 = arith.index_cast %parallel_loop3A_508 : i32 to index
        %parallel_loop3A_547 = tpu.vector_load %arg12[%parallel_loop3A_545, %parallel_loop3A_546] {strides = array<i32>} : memref<64x768xf32, #tpu.memory_space<vmem>>, vector<16xf32>,
        tpu.vector_store %arg12[%parallel_loop3A_545, %parallel_loop3A_546], %parallel_loop3A_544 {strides = array<i32>} : memref<64x768xf32, #tpu.memory_space<vmem>>, vector<16xf32>,
        %parallel_loop3A_548 = arith.addf %parallel_loop3A_501, %parallel_loop3A_544 : vector<16xf32>
        %parallel_loop3A_549 = arith.mulf %parallel_loop3A_544, %parallel_loop3A_544 : vector<16xf32>
        %parallel_loop3A_550 = arith.addf %parallel_loop3A_505, %parallel_loop3A_549 : vector<16xf32>
        %parallel_loop3A_551 = arith.index_cast %add3A_285 : i32 to index
        %parallel_loop3A_552 = arith.index_cast %parallel_loop3A_508 : i32 to index
        %parallel_loop3A_553 = tpu.vector_load %arg12[%parallel_loop3A_551, %parallel_loop3A_552] {strides = array<i32>} : memref<64x768xf32, #tpu.memory_space<vmem>>, vector<16xf32>,
        %parallel_loop3A_554 = arith.index_cast %reduce_sum3A_317 : i32 to index
        %parallel_loop3A_555 = arith.index_cast %add3A_277 : i32 to index
        %parallel_loop3A_556 = arith.index_cast %parallel_loop3A_508 : i32 to index
        %parallel_loop3A_557 = tpu.vector_load %arg13[%parallel_loop3A_554, %parallel_loop3A_555, %parallel_loop3A_556] {strides = array<i32>} : memref<2x16x768xf32, #tpu.memory_space<vmem>>, vector<16xf32>,
        %parallel_loop3A_558 = arith.addf %parallel_loop3A_553, %parallel_loop3A_557 : vector<16xf32>
        %parallel_loop3A_559 = arith.index_cast %add3A_285 : i32 to index
        %parallel_loop3A_560 = arith.index_cast %parallel_loop3A_508 : i32 to index
        %parallel_loop3A_561 = tpu.vector_load %arg12[%parallel_loop3A_559, %parallel_loop3A_560] {strides = array<i32>} : memref<64x768xf32, #tpu.memory_space<vmem>>, vector<16xf32>,
        tpu.vector_store %arg12[%parallel_loop3A_559, %parallel_loop3A_560], %parallel_loop3A_558 {strides = array<i32>} : memref<64x768xf32, #tpu.memory_space<vmem>>, vector<16xf32>,
        %parallel_loop3A_562 = arith.addf %parallel_loop3A_502, %parallel_loop3A_558 : vector<16xf32>
        %parallel_loop3A_563 = arith.mulf %parallel_loop3A_558, %parallel_loop3A_558 : vector<16xf32>
        %parallel_loop3A_564 = arith.addf %parallel_loop3A_506, %parallel_loop3A_563 : vector<16xf32>
        scf.yield %parallel_loop3A_520, %parallel_loop3A_534, %parallel_loop3A_548, %parallel_loop3A_562, %parallel_loop3A_522, %parallel_loop3A_536, %parallel_loop3A_550, %parallel_loop3A_564 : vector<16xf32>, vector<16xf32>, vector<16xf32>, vector<16xf32>, vector<16xf32>, vector<16xf32>, vector<16xf32>, vector<16xf32>
      } {sc.loop_unroll_factor = 4 : i64, sc.parallel_access}
      %reduce_sum3A_321 = arith.constant true
      %reduce_sum3A_322 = vector.broadcast %reduce_sum3A_321 : i1 to vector<16xi1>
      %reduce_sum3A_323 = tpu.scan <sum>, %parallel_loop3A_320#0 masked %reduce_sum3A_322 : vector<16xf32>, vector<16xi1> -> vector<16xf32>
      %reduce_sum3A_324 = vector.extract %reduce_sum3A_323[15] : f32 from vector<16xf32>
      %mul3A_325 = arith.constant 0.00130208337 : f32
      %mul3A_326 = arith.mulf %reduce_sum3A_324, %mul3A_325 : f32
      %reduce_sum3A_327 = arith.constant true
      %reduce_sum3A_328 = vector.broadcast %reduce_sum3A_327 : i1 to vector<16xi1>
      %reduce_sum3A_329 = tpu.scan <sum>, %parallel_loop3A_320#1 masked %reduce_sum3A_328 : vector<16xf32>, vector<16xi1> -> vector<16xf32>
      %reduce_sum3A_330 = vector.extract %reduce_sum3A_329[15] : f32 from vector<16xf32>
      %mul3A_331 = arith.constant 0.00130208337 : f32
      %mul3A_332 = arith.mulf %reduce_sum3A_330, %mul3A_331 : f32
      %reduce_sum3A_333 = arith.constant true
      %reduce_sum3A_334 = vector.broadcast %reduce_sum3A_333 : i1 to vector<16xi1>
      %reduce_sum3A_335 = tpu.scan <sum>, %parallel_loop3A_320#2 masked %reduce_sum3A_334 : vector<16xf32>, vector<16xi1> -> vector<16xf32>
      %reduce_sum3A_336 = vector.extract %reduce_sum3A_335[15] : f32 from vector<16xf32>
      %mul3A_337 = arith.constant 0.00130208337 : f32
      %mul3A_338 = arith.mulf %reduce_sum3A_336, %mul3A_337 : f32
      %reduce_sum3A_339 = arith.constant true
      %reduce_sum3A_340 = vector.broadcast %reduce_sum3A_339 : i1 to vector<16xi1>
      %reduce_sum3A_341 = tpu.scan <sum>, %parallel_loop3A_320#3 masked %reduce_sum3A_340 : vector<16xf32>, vector<16xi1> -> vector<16xf32>
      %reduce_sum3A_342 = vector.extract %reduce_sum3A_341[15] : f32 from vector<16xf32>
      %mul3A_343 = arith.constant 0.00130208337 : f32
      %mul3A_344 = arith.mulf %reduce_sum3A_342, %mul3A_343 : f32
      %reduce_sum3A_345 = arith.constant true
      %reduce_sum3A_346 = vector.broadcast %reduce_sum3A_345 : i1 to vector<16xi1>
      %reduce_sum3A_347 = tpu.scan <sum>, %parallel_loop3A_320#4 masked %reduce_sum3A_346 : vector<16xf32>, vector<16xi1> -> vector<16xf32>
      %reduce_sum3A_348 = vector.extract %reduce_sum3A_347[15] : f32 from vector<16xf32>
      %mul3A_349 = arith.constant 0.00130208337 : f32
      %mul3A_350 = arith.mulf %reduce_sum3A_348, %mul3A_349 : f32
      %mul3A_351 = arith.mulf %mul3A_326, %mul3A_326 : f32
      %sub3A = arith.subf %mul3A_350, %mul3A_351 : f32
      %add3A_352 = arith.constant 9.99999996E-13 : f32
      %add3A_353 = arith.addf %sub3A, %add3A_352 : f32
      %bitcast_convert_type3A = arith.bitcast %add3A_353 : f32 to i32
      %shift_right_logical3A = arith.constant 1 : i32
      %shift_right_logical3A_354 = arith.shrui %bitcast_convert_type3A, %shift_right_logical3A : i32
      %sub3A_355 = arith.constant 1597463007 : i32
      %sub3A_356 = arith.subi %sub3A_355, %shift_right_logical3A_354 : i32
      %bitcast_convert_type3A_357 = arith.bitcast %sub3A_356 : i32 to f32
      %mul3A_358 = arith.constant 5.000000e-01 : f32
      %mul3A_359 = arith.mulf %mul3A_358, %add3A_353 : f32
      %mul3A_360 = arith.mulf %mul3A_359, %bitcast_convert_type3A_357 : f32
      %mul3A_361 = arith.mulf %mul3A_360, %bitcast_convert_type3A_357 : f32
      %sub3A_362 = arith.constant 1.500000e+00 : f32
      %sub3A_363 = arith.subf %sub3A_362, %mul3A_361 : f32
      %mul3A_364 = arith.mulf %bitcast_convert_type3A_357, %sub3A_363 : f32
      %mul3A_365 = arith.constant 5.000000e-01 : f32
      %mul3A_366 = arith.mulf %mul3A_365, %add3A_353 : f32
      %mul3A_367 = arith.mulf %mul3A_366, %mul3A_364 : f32
      %mul3A_368 = arith.mulf %mul3A_367, %mul3A_364 : f32
      %sub3A_369 = arith.constant 1.500000e+00 : f32
      %sub3A_370 = arith.subf %sub3A_369, %mul3A_368 : f32
      %mul3A_371 = arith.mulf %mul3A_364, %sub3A_370 : f32
      %mul3A_372 = arith.constant 5.000000e-01 : f32
      %mul3A_373 = arith.mulf %mul3A_372, %add3A_353 : f32
      %mul3A_374 = arith.mulf %mul3A_373, %mul3A_371 : f32
      %mul3A_375 = arith.mulf %mul3A_374, %mul3A_371 : f32
      %sub3A_376 = arith.constant 1.500000e+00 : f32
      %sub3A_377 = arith.subf %sub3A_376, %mul3A_375 : f32
      %mul3A_378 = arith.mulf %mul3A_371, %sub3A_377 : f32
      %reduce_sum3A_379 = arith.constant true
      %reduce_sum3A_380 = vector.broadcast %reduce_sum3A_379 : i1 to vector<16xi1>
      %reduce_sum3A_381 = tpu.scan <sum>, %parallel_loop3A_320#5 masked %reduce_sum3A_380 : vector<16xf32>, vector<16xi1> -> vector<16xf32>
      %reduce_sum3A_382 = vector.extract %reduce_sum3A_381[15] : f32 from vector<16xf32>
      %mul3A_383 = arith.constant 0.00130208337 : f32
      %mul3A_384 = arith.mulf %reduce_sum3A_382, %mul3A_383 : f32
      %mul3A_385 = arith.mulf %mul3A_332, %mul3A_332 : f32
      %sub3A_386 = arith.subf %mul3A_384, %mul3A_385 : f32
      %add3A_387 = arith.constant 9.99999996E-13 : f32
      %add3A_388 = arith.addf %sub3A_386, %add3A_387 : f32
      %bitcast_convert_type3A_389 = arith.bitcast %add3A_388 : f32 to i32
      %shift_right_logical3A_390 = arith.constant 1 : i32
      %shift_right_logical3A_391 = arith.shrui %bitcast_convert_type3A_389, %shift_right_logical3A_390 : i32
      %sub3A_392 = arith.constant 1597463007 : i32
      %sub3A_393 = arith.subi %sub3A_392, %shift_right_logical3A_391 : i32
      %bitcast_convert_type3A_394 = arith.bitcast %sub3A_393 : i32 to f32
      %mul3A_395 = arith.constant 5.000000e-01 : f32
      %mul3A_396 = arith.mulf %mul3A_395, %add3A_388 : f32
      %mul3A_397 = arith.mulf %mul3A_396, %bitcast_convert_type3A_394 : f32
      %mul3A_398 = arith.mulf %mul3A_397, %bitcast_convert_type3A_394 : f32
      %sub3A_399 = arith.constant 1.500000e+00 : f32
      %sub3A_400 = arith.subf %sub3A_399, %mul3A_398 : f32
      %mul3A_401 = arith.mulf %bitcast_convert_type3A_394, %sub3A_400 : f32
      %mul3A_402 = arith.constant 5.000000e-01 : f32
      %mul3A_403 = arith.mulf %mul3A_402, %add3A_388 : f32
      %mul3A_404 = arith.mulf %mul3A_403, %mul3A_401 : f32
      %mul3A_405 = arith.mulf %mul3A_404, %mul3A_401 : f32
      %sub3A_406 = arith.constant 1.500000e+00 : f32
      %sub3A_407 = arith.subf %sub3A_406, %mul3A_405 : f32
      %mul3A_408 = arith.mulf %mul3A_401, %sub3A_407 : f32
      %mul3A_409 = arith.constant 5.000000e-01 : f32
      %mul3A_410 = arith.mulf %mul3A_409, %add3A_388 : f32
      %mul3A_411 = arith.mulf %mul3A_410, %mul3A_408 : f32
      %mul3A_412 = arith.mulf %mul3A_411, %mul3A_408 : f32
      %sub3A_413 = arith.constant 1.500000e+00 : f32
      %sub3A_414 = arith.subf %sub3A_413, %mul3A_412 : f32
      %mul3A_415 = arith.mulf %mul3A_408, %sub3A_414 : f32
      %reduce_sum3A_416 = arith.constant true
      %reduce_sum3A_417 = vector.broadcast %reduce_sum3A_416 : i1 to vector<16xi1>
      %reduce_sum3A_418 = tpu.scan <sum>, %parallel_loop3A_320#6 masked %reduce_sum3A_417 : vector<16xf32>, vector<16xi1> -> vector<16xf32>
      %reduce_sum3A_419 = vector.extract %reduce_sum3A_418[15] : f32 from vector<16xf32>
      %mul3A_420 = arith.constant 0.00130208337 : f32
      %mul3A_421 = arith.mulf %reduce_sum3A_419, %mul3A_420 : f32
      %mul3A_422 = arith.mulf %mul3A_338, %mul3A_338 : f32
      %sub3A_423 = arith.subf %mul3A_421, %mul3A_422 : f32
      %add3A_424 = arith.constant 9.99999996E-13 : f32
      %add3A_425 = arith.addf %sub3A_423, %add3A_424 : f32
      %bitcast_convert_type3A_426 = arith.bitcast %add3A_425 : f32 to i32
      %shift_right_logical3A_427 = arith.constant 1 : i32
      %shift_right_logical3A_428 = arith.shrui %bitcast_convert_type3A_426, %shift_right_logical3A_427 : i32
      %sub3A_429 = arith.constant 1597463007 : i32
      %sub3A_430 = arith.subi %sub3A_429, %shift_right_logical3A_428 : i32
      %bitcast_convert_type3A_431 = arith.bitcast %sub3A_430 : i32 to f32
      %mul3A_432 = arith.constant 5.000000e-01 : f32
      %mul3A_433 = arith.mulf %mul3A_432, %add3A_425 : f32
      %mul3A_434 = arith.mulf %mul3A_433, %bitcast_convert_type3A_431 : f32
      %mul3A_435 = arith.mulf %mul3A_434, %bitcast_convert_type3A_431 : f32
      %sub3A_436 = arith.constant 1.500000e+00 : f32
      %sub3A_437 = arith.subf %sub3A_436, %mul3A_435 : f32
      %mul3A_438 = arith.mulf %bitcast_convert_type3A_431, %sub3A_437 : f32
      %mul3A_439 = arith.constant 5.000000e-01 : f32
      %mul3A_440 = arith.mulf %mul3A_439, %add3A_425 : f32
      %mul3A_441 = arith.mulf %mul3A_440, %mul3A_438 : f32
      %mul3A_442 = arith.mulf %mul3A_441, %mul3A_438 : f32
      %sub3A_443 = arith.constant 1.500000e+00 : f32
      %sub3A_444 = arith.subf %sub3A_443, %mul3A_442 : f32
      %mul3A_445 = arith.mulf %mul3A_438, %sub3A_444 : f32
      %mul3A_446 = arith.constant 5.000000e-01 : f32
      %mul3A_447 = arith.mulf %mul3A_446, %add3A_425 : f32
      %mul3A_448 = arith.mulf %mul3A_447, %mul3A_445 : f32
      %mul3A_449 = arith.mulf %mul3A_448, %mul3A_445 : f32
      %sub3A_450 = arith.constant 1.500000e+00 : f32
      %sub3A_451 = arith.subf %sub3A_450, %mul3A_449 : f32
      %mul3A_452 = arith.mulf %mul3A_445, %sub3A_451 : f32
      %reduce_sum3A_453 = arith.constant true
      %reduce_sum3A_454 = vector.broadcast %reduce_sum3A_453 : i1 to vector<16xi1>
      %reduce_sum3A_455 = tpu.scan <sum>, %parallel_loop3A_320#7 masked %reduce_sum3A_454 : vector<16xf32>, vector<16xi1> -> vector<16xf32>
      %reduce_sum3A_456 = vector.extract %reduce_sum3A_455[15] : f32 from vector<16xf32>
      %mul3A_457 = arith.constant 0.00130208337 : f32
      %mul3A_458 = arith.mulf %reduce_sum3A_456, %mul3A_457 : f32
      %mul3A_459 = arith.mulf %mul3A_344, %mul3A_344 : f32
      %sub3A_460 = arith.subf %mul3A_458, %mul3A_459 : f32
      %add3A_461 = arith.constant 9.99999996E-13 : f32
      %add3A_462 = arith.addf %sub3A_460, %add3A_461 : f32
      %bitcast_convert_type3A_463 = arith.bitcast %add3A_462 : f32 to i32
      %shift_right_logical3A_464 = arith.constant 1 : i32
      %shift_right_logical3A_465 = arith.shrui %bitcast_convert_type3A_463, %shift_right_logical3A_464 : i32
      %sub3A_466 = arith.constant 1597463007 : i32
      %sub3A_467 = arith.subi %sub3A_466, %shift_right_logical3A_465 : i32
      %bitcast_convert_type3A_468 = arith.bitcast %sub3A_467 : i32 to f32
      %mul3A_469 = arith.constant 5.000000e-01 : f32
      %mul3A_470 = arith.mulf %mul3A_469, %add3A_462 : f32
      %mul3A_471 = arith.mulf %mul3A_470, %bitcast_convert_type3A_468 : f32
      %mul3A_472 = arith.mulf %mul3A_471, %bitcast_convert_type3A_468 : f32
      %sub3A_473 = arith.constant 1.500000e+00 : f32
      %sub3A_474 = arith.subf %sub3A_473, %mul3A_472 : f32
      %mul3A_475 = arith.mulf %bitcast_convert_type3A_468, %sub3A_474 : f32
      %mul3A_476 = arith.constant 5.000000e-01 : f32
      %mul3A_477 = arith.mulf %mul3A_476, %add3A_462 : f32
      %mul3A_478 = arith.mulf %mul3A_477, %mul3A_475 : f32
      %mul3A_479 = arith.mulf %mul3A_478, %mul3A_475 : f32
      %sub3A_480 = arith.constant 1.500000e+00 : f32
      %sub3A_481 = arith.subf %sub3A_480, %mul3A_479 : f32
      %mul3A_482 = arith.mulf %mul3A_475, %sub3A_481 : f32
      %mul3A_483 = arith.constant 5.000000e-01 : f32
      %mul3A_484 = arith.mulf %mul3A_483, %add3A_462 : f32
      %mul3A_485 = arith.mulf %mul3A_484, %mul3A_482 : f32
      %mul3A_486 = arith.mulf %mul3A_485, %mul3A_482 : f32
      %sub3A_487 = arith.constant 1.500000e+00 : f32
      %sub3A_488 = arith.subf %sub3A_487, %mul3A_486 : f32
      %mul3A_489 = arith.mulf %mul3A_482, %sub3A_488 : f32
      %mul3A_490 = arith.mulf %mul3A_326, %mul3A_378 : f32
      %mul3A_491 = arith.mulf %mul3A_332, %mul3A_415 : f32
      %mul3A_492 = arith.mulf %mul3A_338, %mul3A_452 : f32
      %mul3A_493 = arith.mulf %mul3A_344, %mul3A_489 : f32
      %parallel_loop3A_494 = arith.constant 0 : i32
      %parallel_loop3A_495 = arith.constant 48 : i32
      %parallel_loop3A_496 = arith.constant 1 : i32
      scf.for %parallel_loop3A_498 = %parallel_loop3A_494 to %parallel_loop3A_495 step %parallel_loop3A_496  : i32 {
        %parallel_loop3A_499 = arith.constant 16 : i32
        %parallel_loop3A_500 = arith.muli %parallel_loop3A_498, %parallel_loop3A_499 : i32
        %parallel_loop3A_501 = arith.index_cast %parallel_loop3A_500 : i32 to index
        %parallel_loop3A_502 = tpu.vector_load %arg15[%parallel_loop3A_501] {strides = array<i32>} : memref<768xf32, #tpu.memory_space<vmem>>, vector<16xf32>,
        %parallel_loop3A_503 = arith.index_cast %parallel_loop3A_500 : i32 to index
        %parallel_loop3A_504 = tpu.vector_load %arg16[%parallel_loop3A_503] {strides = array<i32>} : memref<768xf32, #tpu.memory_space<vmem>>, vector<16xf32>,
        %parallel_loop3A_505 = arith.index_cast %add3A_279 : i32 to index
        %parallel_loop3A_506 = arith.index_cast %parallel_loop3A_500 : i32 to index
        %parallel_loop3A_507 = tpu.vector_load %arg12[%parallel_loop3A_505, %parallel_loop3A_506] {strides = array<i32>} : memref<64x768xf32, #tpu.memory_space<vmem>>, vector<16xf32>,
        %parallel_loop3A_508 = vector.broadcast %mul3A_378 : f32 to vector<16xf32>
        %parallel_loop3A_509 = arith.mulf %parallel_loop3A_507, %parallel_loop3A_508 : vector<16xf32>
        %parallel_loop3A_510 = vector.broadcast %mul3A_490 : f32 to vector<16xf32>
        %parallel_loop3A_511 = arith.subf %parallel_loop3A_509, %parallel_loop3A_510 : vector<16xf32>
        %parallel_loop3A_512 = arith.mulf %parallel_loop3A_511, %parallel_loop3A_502 : vector<16xf32>
        %parallel_loop3A_513 = arith.addf %parallel_loop3A_512, %parallel_loop3A_504 : vector<16xf32>
        %parallel_loop3A_514 = arith.index_cast %add3A_279 : i32 to index
        %parallel_loop3A_515 = arith.index_cast %parallel_loop3A_500 : i32 to index
        %parallel_loop3A_516 = tpu.vector_load %arg12[%parallel_loop3A_514, %parallel_loop3A_515] {strides = array<i32>} : memref<64x768xf32, #tpu.memory_space<vmem>>, vector<16xf32>,
        tpu.vector_store %arg12[%parallel_loop3A_514, %parallel_loop3A_515], %parallel_loop3A_513 {strides = array<i32>} : memref<64x768xf32, #tpu.memory_space<vmem>>, vector<16xf32>,
        %parallel_loop3A_517 = arith.index_cast %add3A_281 : i32 to index
        %parallel_loop3A_518 = arith.index_cast %parallel_loop3A_500 : i32 to index
        %parallel_loop3A_519 = tpu.vector_load %arg12[%parallel_loop3A_517, %parallel_loop3A_518] {strides = array<i32>} : memref<64x768xf32, #tpu.memory_space<vmem>>, vector<16xf32>,
        %parallel_loop3A_520 = vector.broadcast %mul3A_415 : f32 to vector<16xf32>
        %parallel_loop3A_521 = arith.mulf %parallel_loop3A_519, %parallel_loop3A_520 : vector<16xf32>
        %parallel_loop3A_522 = vector.broadcast %mul3A_491 : f32 to vector<16xf32>
        %parallel_loop3A_523 = arith.subf %parallel_loop3A_521, %parallel_loop3A_522 : vector<16xf32>
        %parallel_loop3A_524 = arith.mulf %parallel_loop3A_523, %parallel_loop3A_502 : vector<16xf32>
        %parallel_loop3A_525 = arith.addf %parallel_loop3A_524, %parallel_loop3A_504 : vector<16xf32>
        %parallel_loop3A_526 = arith.index_cast %add3A_281 : i32 to index
        %parallel_loop3A_527 = arith.index_cast %parallel_loop3A_500 : i32 to index
        %parallel_loop3A_528 = tpu.vector_load %arg12[%parallel_loop3A_526, %parallel_loop3A_527] {strides = array<i32>} : memref<64x768xf32, #tpu.memory_space<vmem>>, vector<16xf32>,
        tpu.vector_store %arg12[%parallel_loop3A_526, %parallel_loop3A_527], %parallel_loop3A_525 {strides = array<i32>} : memref<64x768xf32, #tpu.memory_space<vmem>>, vector<16xf32>,
        %parallel_loop3A_529 = arith.index_cast %add3A_283 : i32 to index
        %parallel_loop3A_530 = arith.index_cast %parallel_loop3A_500 : i32 to index
        %parallel_loop3A_531 = tpu.vector_load %arg12[%parallel_loop3A_529, %parallel_loop3A_530] {strides = array<i32>} : memref<64x768xf32, #tpu.memory_space<vmem>>, vector<16xf32>,
        %parallel_loop3A_532 = vector.broadcast %mul3A_452 : f32 to vector<16xf32>
        %parallel_loop3A_533 = arith.mulf %parallel_loop3A_531, %parallel_loop3A_532 : vector<16xf32>
        %parallel_loop3A_534 = vector.broadcast %mul3A_492 : f32 to vector<16xf32>
        %parallel_loop3A_535 = arith.subf %parallel_loop3A_533, %parallel_loop3A_534 : vector<16xf32>
        %parallel_loop3A_536 = arith.mulf %parallel_loop3A_535, %parallel_loop3A_502 : vector<16xf32>
        %parallel_loop3A_537 = arith.addf %parallel_loop3A_536, %parallel_loop3A_504 : vector<16xf32>
        %parallel_loop3A_538 = arith.index_cast %add3A_283 : i32 to index
        %parallel_loop3A_539 = arith.index_cast %parallel_loop3A_500 : i32 to index
        %parallel_loop3A_540 = tpu.vector_load %arg12[%parallel_loop3A_538, %parallel_loop3A_539] {strides = array<i32>} : memref<64x768xf32, #tpu.memory_space<vmem>>, vector<16xf32>,
        tpu.vector_store %arg12[%parallel_loop3A_538, %parallel_loop3A_539], %parallel_loop3A_537 {strides = array<i32>} : memref<64x768xf32, #tpu.memory_space<vmem>>, vector<16xf32>,
        %parallel_loop3A_541 = arith.index_cast %add3A_285 : i32 to index
        %parallel_loop3A_542 = arith.index_cast %parallel_loop3A_500 : i32 to index
        %parallel_loop3A_543 = tpu.vector_load %arg12[%parallel_loop3A_541, %parallel_loop3A_542] {strides = array<i32>} : memref<64x768xf32, #tpu.memory_space<vmem>>, vector<16xf32>,
        %parallel_loop3A_544 = vector.broadcast %mul3A_489 : f32 to vector<16xf32>
        %parallel_loop3A_545 = arith.mulf %parallel_loop3A_543, %parallel_loop3A_544 : vector<16xf32>
        %parallel_loop3A_546 = vector.broadcast %mul3A_493 : f32 to vector<16xf32>
        %parallel_loop3A_547 = arith.subf %parallel_loop3A_545, %parallel_loop3A_546 : vector<16xf32>
        %parallel_loop3A_548 = arith.mulf %parallel_loop3A_547, %parallel_loop3A_502 : vector<16xf32>
        %parallel_loop3A_549 = arith.addf %parallel_loop3A_548, %parallel_loop3A_504 : vector<16xf32>
        %parallel_loop3A_550 = arith.index_cast %add3A_285 : i32 to index
        %parallel_loop3A_551 = arith.index_cast %parallel_loop3A_500 : i32 to index
        %parallel_loop3A_552 = tpu.vector_load %arg12[%parallel_loop3A_550, %parallel_loop3A_551] {strides = array<i32>} : memref<64x768xf32, #tpu.memory_space<vmem>>, vector<16xf32>,
        tpu.vector_store %arg12[%parallel_loop3A_550, %parallel_loop3A_551], %parallel_loop3A_549 {strides = array<i32>} : memref<64x768xf32, #tpu.memory_space<vmem>>, vector<16xf32>,
      } {sc.loop_unroll_factor = 4 : i64, sc.parallel_access}
      %scan3A_497 = arith.constant 0 : i32
      scf.yield %scan3A_497 : i32
    }
    %scan3A_149 = arith.constant 4 : i32
    %add3A_150 = arith.constant 512 : i32
    %add3A_151 = arith.addi %add3A_150, %mul3A_2 : i32
    %dma_start3A_152 = arith.constant 16 : i32
    %dma_start3A_153 = arith.constant 0 : i32
    %dma_start3A_154 = tpu.memref_slice %arg12[%dma_start3A_152, %dma_start3A_153] : memref<64x768xf32, #tpu.memory_space<vmem>> -> memref<16x768xf32, #tpu.memory_space<vmem>>
    %dma_start3A_155 = arith.constant 0 : i32
    %dma_start3A_156 = tpu.memref_slice %arg9[%add3A_151, %dma_start3A_155] : memref<2048x768xf32, #tpu.memory_space<hbm>> -> memref<16x768xf32, #tpu.memory_space<hbm>>
    %dma_start3A_157 = arith.constant 0 : i32
    %dma_start3A_158 = tpu.memref_slice %arg9[%add3A_151, %dma_start3A_157] : memref<2048x768xf32, #tpu.memory_space<hbm>> -> memref<16x768xf32, #tpu.memory_space<hbm>>
    %dma_start3A_159 = arith.constant 16 : i32
    %dma_start3A_160 = arith.constant 0 : i32
    %dma_start3A_161 = tpu.memref_slice %arg12[%dma_start3A_159, %dma_start3A_160] : memref<64x768xf32, #tpu.memory_space<vmem>> -> memref<16x768xf32, #tpu.memory_space<vmem>>
    tpu.enqueue_dma source(%dma_start3A_161 : memref<16x768xf32, #tpu.memory_space<vmem>>) target(%dma_start3A_158 : memref<16x768xf32, #tpu.memory_space<hbm>>) target_semaphore(%arg18 : memref<!tpu.dma_semaphore, #tpu.memory_space<semaphore_mem>>)
    %dma_wait3A_162 = arith.constant 32 : i32
    %dma_wait3A_163 = arith.constant 0 : i32
    %dma_wait3A_164 = tpu.memref_slice %arg12[%dma_wait3A_162, %dma_wait3A_163] : memref<64x768xf32, #tpu.memory_space<vmem>> -> memref<16x768xf32, #tpu.memory_space<vmem>>
    %dma_wait3A_165 = arith.constant 32 : i32
    %dma_wait3A_166 = tpu.memref_slice %arg10[%dma_wait3A_165] : memref<64xi32, #tpu.memory_space<vmem>> -> memref<16xi32, #tpu.memory_space<vmem>>
    %dma_wait3A_167 = arith.constant 0 : i32
    %dma_wait3A_168 = arith.constant 0 : i32
    %dma_wait3A_169 = tpu.memref_slice %arg4[%dma_wait3A_167, %dma_wait3A_168] : memref<30522x768xf32, #tpu.memory_space<hbm>> -> memref<30522x768xf32, #tpu.memory_space<hbm>>
    tpu.wait_indirect_dma semaphore(%arg17 : memref<!tpu.dma_semaphore, #tpu.memory_space<semaphore_mem>>) src(%dma_wait3A_169 : memref<30522x768xf32, #tpu.memory_space<hbm>>) dst(%dma_wait3A_164 : memref<16x768xf32, #tpu.memory_space<vmem>>)
    %get3A_170 = arith.constant 32 : index
    %get3A_171 = tpu.vector_load %arg11[%get3A_170] {strides = array<i32>} : memref<80xi32, #tpu.memory_space<vmem>>, vector<16xi32>,
    %scan3A_172 = arith.constant 0 : i32
    %scan3A_173 = arith.constant 0 : i32
    %scan3A_174 = arith.constant 4 : i32
    %scan3A_175 = arith.addi %scan3A_173, %scan3A_174 : i32
    %scan3A_176 = arith.constant 1 : i32
    %scan3A_177 = scf.for %scan3A_260 = %scan3A_173 to %scan3A_175 step %scan3A_176 iter_args(%scan3A_261 = %scan3A_172) -> (i32)  : i32 {
      %mul3A_262 = arith.constant 4 : i32
      %mul3A_263 = arith.muli %mul3A_262, %scan3A_260 : i32
      %add3A_264 = arith.constant 0 : i32
      %add3A_265 = arith.addi %mul3A_263, %add3A_264 : i32
      %mul3A_266 = arith.constant 4 : i32
      %mul3A_267 = arith.muli %mul3A_266, %scan3A_260 : i32
      %add3A_268 = arith.constant 1 : i32
      %add3A_269 = arith.addi %mul3A_267, %add3A_268 : i32
      %mul3A_270 = arith.constant 4 : i32
      %mul3A_271 = arith.muli %mul3A_270, %scan3A_260 : i32
      %add3A_272 = arith.constant 2 : i32
      %add3A_273 = arith.addi %mul3A_271, %add3A_272 : i32
      %mul3A_274 = arith.constant 4 : i32
      %mul3A_275 = arith.muli %mul3A_274, %scan3A_260 : i32
      %add3A_276 = arith.constant 3 : i32
      %add3A_277 = arith.addi %mul3A_275, %add3A_276 : i32
      %add3A_278 = arith.constant 32 : i32
      %add3A_279 = arith.addi %add3A_278, %add3A_265 : i32
      %add3A_280 = arith.constant 32 : i32
      %add3A_281 = arith.addi %add3A_280, %add3A_269 : i32
      %add3A_282 = arith.constant 32 : i32
      %add3A_283 = arith.addi %add3A_282, %add3A_273 : i32
      %add3A_284 = arith.constant 32 : i32
      %add3A_285 = arith.addi %add3A_284, %add3A_277 : i32
      %eq3A = vector.broadcast %add3A_265 : i32 to vector<16xi32>
      %eq3A_286 = arith.cmpi eq, %iota3A, %eq3A : vector<16xi32>
      %jit3A = arith.constant 0 : i32
      %broadcast_in_dim3A_287 = vector.broadcast %jit3A : i32 to vector<16xi32>
      %select_n3A = arith.select %eq3A_286, %get3A_171, %broadcast_in_dim3A_287 : vector<16xi1>, vector<16xi32>
      %reduce_sum3A = arith.constant true
      %reduce_sum3A_288 = vector.broadcast %reduce_sum3A : i1 to vector<16xi1>
      %reduce_sum3A_289 = tpu.scan <sum>, %select_n3A masked %reduce_sum3A_288 : vector<16xi32>, vector<16xi1> -> vector<16xi32>
      %reduce_sum3A_290 = vector.extract %reduce_sum3A_289[15] : i32 from vector<16xi32>
      %eq3A_291 = vector.broadcast %add3A_269 : i32 to vector<16xi32>
      %eq3A_292 = arith.cmpi eq, %iota3A, %eq3A_291 : vector<16xi32>
      %jit3A_293 = arith.constant 0 : i32
      %broadcast_in_dim3A_294 = vector.broadcast %jit3A_293 : i32 to vector<16xi32>
      %select_n3A_295 = arith.select %eq3A_292, %get3A_171, %broadcast_in_dim3A_294 : vector<16xi1>, vector<16xi32>
      %reduce_sum3A_296 = arith.constant true
      %reduce_sum3A_297 = vector.broadcast %reduce_sum3A_296 : i1 to vector<16xi1>
      %reduce_sum3A_298 = tpu.scan <sum>, %select_n3A_295 masked %reduce_sum3A_297 : vector<16xi32>, vector<16xi1> -> vector<16xi32>
      %reduce_sum3A_299 = vector.extract %reduce_sum3A_298[15] : i32 from vector<16xi32>
      %eq3A_300 = vector.broadcast %add3A_273 : i32 to vector<16xi32>
      %eq3A_301 = arith.cmpi eq, %iota3A, %eq3A_300 : vector<16xi32>
      %jit3A_302 = arith.constant 0 : i32
      %broadcast_in_dim3A_303 = vector.broadcast %jit3A_302 : i32 to vector<16xi32>
      %select_n3A_304 = arith.select %eq3A_301, %get3A_171, %broadcast_in_dim3A_303 : vector<16xi1>, vector<16xi32>
      %reduce_sum3A_305 = arith.constant true
      %reduce_sum3A_306 = vector.broadcast %reduce_sum3A_305 : i1 to vector<16xi1>
      %reduce_sum3A_307 = tpu.scan <sum>, %select_n3A_304 masked %reduce_sum3A_306 : vector<16xi32>, vector<16xi1> -> vector<16xi32>
      %reduce_sum3A_308 = vector.extract %reduce_sum3A_307[15] : i32 from vector<16xi32>
      %eq3A_309 = vector.broadcast %add3A_277 : i32 to vector<16xi32>
      %eq3A_310 = arith.cmpi eq, %iota3A, %eq3A_309 : vector<16xi32>
      %jit3A_311 = arith.constant 0 : i32
      %broadcast_in_dim3A_312 = vector.broadcast %jit3A_311 : i32 to vector<16xi32>
      %select_n3A_313 = arith.select %eq3A_310, %get3A_171, %broadcast_in_dim3A_312 : vector<16xi1>, vector<16xi32>
      %reduce_sum3A_314 = arith.constant true
      %reduce_sum3A_315 = vector.broadcast %reduce_sum3A_314 : i1 to vector<16xi1>
      %reduce_sum3A_316 = tpu.scan <sum>, %select_n3A_313 masked %reduce_sum3A_315 : vector<16xi32>, vector<16xi1> -> vector<16xi32>
      %reduce_sum3A_317 = vector.extract %reduce_sum3A_316[15] : i32 from vector<16xi32>
      %parallel_loop3A = arith.constant 0 : i32
      %parallel_loop3A_318 = arith.constant 48 : i32
      %parallel_loop3A_319 = arith.constant 1 : i32
      %parallel_loop3A_320:8 = scf.for %parallel_loop3A_498 = %parallel_loop3A to %parallel_loop3A_318 step %parallel_loop3A_319 iter_args(%parallel_loop3A_499 = %broadcast_in_dim3A_104, %parallel_loop3A_500 = %broadcast_in_dim3A_104, %parallel_loop3A_501 = %broadcast_in_dim3A_104, %parallel_loop3A_502 = %broadcast_in_dim3A_104, %parallel_loop3A_503 = %broadcast_in_dim3A_104, %parallel_loop3A_504 = %broadcast_in_dim3A_104, %parallel_loop3A_505 = %broadcast_in_dim3A_104, %parallel_loop3A_506 = %broadcast_in_dim3A_104) -> (vector<16xf32>, vector<16xf32>, vector<16xf32>, vector<16xf32>, vector<16xf32>, vector<16xf32>, vector<16xf32>, vector<16xf32>)  : i32 {
        %parallel_loop3A_507 = arith.constant 16 : i32
        %parallel_loop3A_508 = arith.muli %parallel_loop3A_498, %parallel_loop3A_507 : i32
        %parallel_loop3A_509 = arith.index_cast %add3A_279 : i32 to index
        %parallel_loop3A_510 = arith.index_cast %parallel_loop3A_508 : i32 to index
        %parallel_loop3A_511 = tpu.vector_load %arg12[%parallel_loop3A_509, %parallel_loop3A_510] {strides = array<i32>} : memref<64x768xf32, #tpu.memory_space<vmem>>, vector<16xf32>,
        %parallel_loop3A_512 = arith.index_cast %reduce_sum3A_290 : i32 to index
        %parallel_loop3A_513 = arith.index_cast %add3A_265 : i32 to index
        %parallel_loop3A_514 = arith.index_cast %parallel_loop3A_508 : i32 to index
        %parallel_loop3A_515 = tpu.vector_load %arg13[%parallel_loop3A_512, %parallel_loop3A_513, %parallel_loop3A_514] {strides = array<i32>} : memref<2x16x768xf32, #tpu.memory_space<vmem>>, vector<16xf32>,
        %parallel_loop3A_516 = arith.addf %parallel_loop3A_511, %parallel_loop3A_515 : vector<16xf32>
        %parallel_loop3A_517 = arith.index_cast %add3A_279 : i32 to index
        %parallel_loop3A_518 = arith.index_cast %parallel_loop3A_508 : i32 to index
        %parallel_loop3A_519 = tpu.vector_load %arg12[%parallel_loop3A_517, %parallel_loop3A_518] {strides = array<i32>} : memref<64x768xf32, #tpu.memory_space<vmem>>, vector<16xf32>,
        tpu.vector_store %arg12[%parallel_loop3A_517, %parallel_loop3A_518], %parallel_loop3A_516 {strides = array<i32>} : memref<64x768xf32, #tpu.memory_space<vmem>>, vector<16xf32>,
        %parallel_loop3A_520 = arith.addf %parallel_loop3A_499, %parallel_loop3A_516 : vector<16xf32>
        %parallel_loop3A_521 = arith.mulf %parallel_loop3A_516, %parallel_loop3A_516 : vector<16xf32>
        %parallel_loop3A_522 = arith.addf %parallel_loop3A_503, %parallel_loop3A_521 : vector<16xf32>
        %parallel_loop3A_523 = arith.index_cast %add3A_281 : i32 to index
        %parallel_loop3A_524 = arith.index_cast %parallel_loop3A_508 : i32 to index
        %parallel_loop3A_525 = tpu.vector_load %arg12[%parallel_loop3A_523, %parallel_loop3A_524] {strides = array<i32>} : memref<64x768xf32, #tpu.memory_space<vmem>>, vector<16xf32>,
        %parallel_loop3A_526 = arith.index_cast %reduce_sum3A_299 : i32 to index
        %parallel_loop3A_527 = arith.index_cast %add3A_269 : i32 to index
        %parallel_loop3A_528 = arith.index_cast %parallel_loop3A_508 : i32 to index
        %parallel_loop3A_529 = tpu.vector_load %arg13[%parallel_loop3A_526, %parallel_loop3A_527, %parallel_loop3A_528] {strides = array<i32>} : memref<2x16x768xf32, #tpu.memory_space<vmem>>, vector<16xf32>,
        %parallel_loop3A_530 = arith.addf %parallel_loop3A_525, %parallel_loop3A_529 : vector<16xf32>
        %parallel_loop3A_531 = arith.index_cast %add3A_281 : i32 to index
        %parallel_loop3A_532 = arith.index_cast %parallel_loop3A_508 : i32 to index
        %parallel_loop3A_533 = tpu.vector_load %arg12[%parallel_loop3A_531, %parallel_loop3A_532] {strides = array<i32>} : memref<64x768xf32, #tpu.memory_space<vmem>>, vector<16xf32>,
        tpu.vector_store %arg12[%parallel_loop3A_531, %parallel_loop3A_532], %parallel_loop3A_530 {strides = array<i32>} : memref<64x768xf32, #tpu.memory_space<vmem>>, vector<16xf32>,
        %parallel_loop3A_534 = arith.addf %parallel_loop3A_500, %parallel_loop3A_530 : vector<16xf32>
        %parallel_loop3A_535 = arith.mulf %parallel_loop3A_530, %parallel_loop3A_530 : vector<16xf32>
        %parallel_loop3A_536 = arith.addf %parallel_loop3A_504, %parallel_loop3A_535 : vector<16xf32>
        %parallel_loop3A_537 = arith.index_cast %add3A_283 : i32 to index
        %parallel_loop3A_538 = arith.index_cast %parallel_loop3A_508 : i32 to index
        %parallel_loop3A_539 = tpu.vector_load %arg12[%parallel_loop3A_537, %parallel_loop3A_538] {strides = array<i32>} : memref<64x768xf32, #tpu.memory_space<vmem>>, vector<16xf32>,
        %parallel_loop3A_540 = arith.index_cast %reduce_sum3A_308 : i32 to index
        %parallel_loop3A_541 = arith.index_cast %add3A_273 : i32 to index
        %parallel_loop3A_542 = arith.index_cast %parallel_loop3A_508 : i32 to index
        %parallel_loop3A_543 = tpu.vector_load %arg13[%parallel_loop3A_540, %parallel_loop3A_541, %parallel_loop3A_542] {strides = array<i32>} : memref<2x16x768xf32, #tpu.memory_space<vmem>>, vector<16xf32>,
        %parallel_loop3A_544 = arith.addf %parallel_loop3A_539, %parallel_loop3A_543 : vector<16xf32>
        %parallel_loop3A_545 = arith.index_cast %add3A_283 : i32 to index
        %parallel_loop3A_546 = arith.index_cast %parallel_loop3A_508 : i32 to index
        %parallel_loop3A_547 = tpu.vector_load %arg12[%parallel_loop3A_545, %parallel_loop3A_546] {strides = array<i32>} : memref<64x768xf32, #tpu.memory_space<vmem>>, vector<16xf32>,
        tpu.vector_store %arg12[%parallel_loop3A_545, %parallel_loop3A_546], %parallel_loop3A_544 {strides = array<i32>} : memref<64x768xf32, #tpu.memory_space<vmem>>, vector<16xf32>,
        %parallel_loop3A_548 = arith.addf %parallel_loop3A_501, %parallel_loop3A_544 : vector<16xf32>
        %parallel_loop3A_549 = arith.mulf %parallel_loop3A_544, %parallel_loop3A_544 : vector<16xf32>
        %parallel_loop3A_550 = arith.addf %parallel_loop3A_505, %parallel_loop3A_549 : vector<16xf32>
        %parallel_loop3A_551 = arith.index_cast %add3A_285 : i32 to index
        %parallel_loop3A_552 = arith.index_cast %parallel_loop3A_508 : i32 to index
        %parallel_loop3A_553 = tpu.vector_load %arg12[%parallel_loop3A_551, %parallel_loop3A_552] {strides = array<i32>} : memref<64x768xf32, #tpu.memory_space<vmem>>, vector<16xf32>,
        %parallel_loop3A_554 = arith.index_cast %reduce_sum3A_317 : i32 to index
        %parallel_loop3A_555 = arith.index_cast %add3A_277 : i32 to index
        %parallel_loop3A_556 = arith.index_cast %parallel_loop3A_508 : i32 to index
        %parallel_loop3A_557 = tpu.vector_load %arg13[%parallel_loop3A_554, %parallel_loop3A_555, %parallel_loop3A_556] {strides = array<i32>} : memref<2x16x768xf32, #tpu.memory_space<vmem>>, vector<16xf32>,
        %parallel_loop3A_558 = arith.addf %parallel_loop3A_553, %parallel_loop3A_557 : vector<16xf32>
        %parallel_loop3A_559 = arith.index_cast %add3A_285 : i32 to index
        %parallel_loop3A_560 = arith.index_cast %parallel_loop3A_508 : i32 to index
        %parallel_loop3A_561 = tpu.vector_load %arg12[%parallel_loop3A_559, %parallel_loop3A_560] {strides = array<i32>} : memref<64x768xf32, #tpu.memory_space<vmem>>, vector<16xf32>,
        tpu.vector_store %arg12[%parallel_loop3A_559, %parallel_loop3A_560], %parallel_loop3A_558 {strides = array<i32>} : memref<64x768xf32, #tpu.memory_space<vmem>>, vector<16xf32>,
        %parallel_loop3A_562 = arith.addf %parallel_loop3A_502, %parallel_loop3A_558 : vector<16xf32>
        %parallel_loop3A_563 = arith.mulf %parallel_loop3A_558, %parallel_loop3A_558 : vector<16xf32>
        %parallel_loop3A_564 = arith.addf %parallel_loop3A_506, %parallel_loop3A_563 : vector<16xf32>
        scf.yield %parallel_loop3A_520, %parallel_loop3A_534, %parallel_loop3A_548, %parallel_loop3A_562, %parallel_loop3A_522, %parallel_loop3A_536, %parallel_loop3A_550, %parallel_loop3A_564 : vector<16xf32>, vector<16xf32>, vector<16xf32>, vector<16xf32>, vector<16xf32>, vector<16xf32>, vector<16xf32>, vector<16xf32>
      } {sc.loop_unroll_factor = 4 : i64, sc.parallel_access}
      %reduce_sum3A_321 = arith.constant true
      %reduce_sum3A_322 = vector.broadcast %reduce_sum3A_321 : i1 to vector<16xi1>
      %reduce_sum3A_323 = tpu.scan <sum>, %parallel_loop3A_320#0 masked %reduce_sum3A_322 : vector<16xf32>, vector<16xi1> -> vector<16xf32>
      %reduce_sum3A_324 = vector.extract %reduce_sum3A_323[15] : f32 from vector<16xf32>
      %mul3A_325 = arith.constant 0.00130208337 : f32
      %mul3A_326 = arith.mulf %reduce_sum3A_324, %mul3A_325 : f32
      %reduce_sum3A_327 = arith.constant true
      %reduce_sum3A_328 = vector.broadcast %reduce_sum3A_327 : i1 to vector<16xi1>
      %reduce_sum3A_329 = tpu.scan <sum>, %parallel_loop3A_320#1 masked %reduce_sum3A_328 : vector<16xf32>, vector<16xi1> -> vector<16xf32>
      %reduce_sum3A_330 = vector.extract %reduce_sum3A_329[15] : f32 from vector<16xf32>
      %mul3A_331 = arith.constant 0.00130208337 : f32
      %mul3A_332 = arith.mulf %reduce_sum3A_330, %mul3A_331 : f32
      %reduce_sum3A_333 = arith.constant true
      %reduce_sum3A_334 = vector.broadcast %reduce_sum3A_333 : i1 to vector<16xi1>
      %reduce_sum3A_335 = tpu.scan <sum>, %parallel_loop3A_320#2 masked %reduce_sum3A_334 : vector<16xf32>, vector<16xi1> -> vector<16xf32>
      %reduce_sum3A_336 = vector.extract %reduce_sum3A_335[15] : f32 from vector<16xf32>
      %mul3A_337 = arith.constant 0.00130208337 : f32
      %mul3A_338 = arith.mulf %reduce_sum3A_336, %mul3A_337 : f32
      %reduce_sum3A_339 = arith.constant true
      %reduce_sum3A_340 = vector.broadcast %reduce_sum3A_339 : i1 to vector<16xi1>
      %reduce_sum3A_341 = tpu.scan <sum>, %parallel_loop3A_320#3 masked %reduce_sum3A_340 : vector<16xf32>, vector<16xi1> -> vector<16xf32>
      %reduce_sum3A_342 = vector.extract %reduce_sum3A_341[15] : f32 from vector<16xf32>
      %mul3A_343 = arith.constant 0.00130208337 : f32
      %mul3A_344 = arith.mulf %reduce_sum3A_342, %mul3A_343 : f32
      %reduce_sum3A_345 = arith.constant true
      %reduce_sum3A_346 = vector.broadcast %reduce_sum3A_345 : i1 to vector<16xi1>
      %reduce_sum3A_347 = tpu.scan <sum>, %parallel_loop3A_320#4 masked %reduce_sum3A_346 : vector<16xf32>, vector<16xi1> -> vector<16xf32>
      %reduce_sum3A_348 = vector.extract %reduce_sum3A_347[15] : f32 from vector<16xf32>
      %mul3A_349 = arith.constant 0.00130208337 : f32
      %mul3A_350 = arith.mulf %reduce_sum3A_348, %mul3A_349 : f32
      %mul3A_351 = arith.mulf %mul3A_326, %mul3A_326 : f32
      %sub3A = arith.subf %mul3A_350, %mul3A_351 : f32
      %add3A_352 = arith.constant 9.99999996E-13 : f32
      %add3A_353 = arith.addf %sub3A, %add3A_352 : f32
      %bitcast_convert_type3A = arith.bitcast %add3A_353 : f32 to i32
      %shift_right_logical3A = arith.constant 1 : i32
      %shift_right_logical3A_354 = arith.shrui %bitcast_convert_type3A, %shift_right_logical3A : i32
      %sub3A_355 = arith.constant 1597463007 : i32
      %sub3A_356 = arith.subi %sub3A_355, %shift_right_logical3A_354 : i32
      %bitcast_convert_type3A_357 = arith.bitcast %sub3A_356 : i32 to f32
      %mul3A_358 = arith.constant 5.000000e-01 : f32
      %mul3A_359 = arith.mulf %mul3A_358, %add3A_353 : f32
      %mul3A_360 = arith.mulf %mul3A_359, %bitcast_convert_type3A_357 : f32
      %mul3A_361 = arith.mulf %mul3A_360, %bitcast_convert_type3A_357 : f32
      %sub3A_362 = arith.constant 1.500000e+00 : f32
      %sub3A_363 = arith.subf %sub3A_362, %mul3A_361 : f32
      %mul3A_364 = arith.mulf %bitcast_convert_type3A_357, %sub3A_363 : f32
      %mul3A_365 = arith.constant 5.000000e-01 : f32
      %mul3A_366 = arith.mulf %mul3A_365, %add3A_353 : f32
      %mul3A_367 = arith.mulf %mul3A_366, %mul3A_364 : f32
      %mul3A_368 = arith.mulf %mul3A_367, %mul3A_364 : f32
      %sub3A_369 = arith.constant 1.500000e+00 : f32
      %sub3A_370 = arith.subf %sub3A_369, %mul3A_368 : f32
      %mul3A_371 = arith.mulf %mul3A_364, %sub3A_370 : f32
      %mul3A_372 = arith.constant 5.000000e-01 : f32
      %mul3A_373 = arith.mulf %mul3A_372, %add3A_353 : f32
      %mul3A_374 = arith.mulf %mul3A_373, %mul3A_371 : f32
      %mul3A_375 = arith.mulf %mul3A_374, %mul3A_371 : f32
      %sub3A_376 = arith.constant 1.500000e+00 : f32
      %sub3A_377 = arith.subf %sub3A_376, %mul3A_375 : f32
      %mul3A_378 = arith.mulf %mul3A_371, %sub3A_377 : f32
      %reduce_sum3A_379 = arith.constant true
      %reduce_sum3A_380 = vector.broadcast %reduce_sum3A_379 : i1 to vector<16xi1>
      %reduce_sum3A_381 = tpu.scan <sum>, %parallel_loop3A_320#5 masked %reduce_sum3A_380 : vector<16xf32>, vector<16xi1> -> vector<16xf32>
      %reduce_sum3A_382 = vector.extract %reduce_sum3A_381[15] : f32 from vector<16xf32>
      %mul3A_383 = arith.constant 0.00130208337 : f32
      %mul3A_384 = arith.mulf %reduce_sum3A_382, %mul3A_383 : f32
      %mul3A_385 = arith.mulf %mul3A_332, %mul3A_332 : f32
      %sub3A_386 = arith.subf %mul3A_384, %mul3A_385 : f32
      %add3A_387 = arith.constant 9.99999996E-13 : f32
      %add3A_388 = arith.addf %sub3A_386, %add3A_387 : f32
      %bitcast_convert_type3A_389 = arith.bitcast %add3A_388 : f32 to i32
      %shift_right_logical3A_390 = arith.constant 1 : i32
      %shift_right_logical3A_391 = arith.shrui %bitcast_convert_type3A_389, %shift_right_logical3A_390 : i32
      %sub3A_392 = arith.constant 1597463007 : i32
      %sub3A_393 = arith.subi %sub3A_392, %shift_right_logical3A_391 : i32
      %bitcast_convert_type3A_394 = arith.bitcast %sub3A_393 : i32 to f32
      %mul3A_395 = arith.constant 5.000000e-01 : f32
      %mul3A_396 = arith.mulf %mul3A_395, %add3A_388 : f32
      %mul3A_397 = arith.mulf %mul3A_396, %bitcast_convert_type3A_394 : f32
      %mul3A_398 = arith.mulf %mul3A_397, %bitcast_convert_type3A_394 : f32
      %sub3A_399 = arith.constant 1.500000e+00 : f32
      %sub3A_400 = arith.subf %sub3A_399, %mul3A_398 : f32
      %mul3A_401 = arith.mulf %bitcast_convert_type3A_394, %sub3A_400 : f32
      %mul3A_402 = arith.constant 5.000000e-01 : f32
      %mul3A_403 = arith.mulf %mul3A_402, %add3A_388 : f32
      %mul3A_404 = arith.mulf %mul3A_403, %mul3A_401 : f32
      %mul3A_405 = arith.mulf %mul3A_404, %mul3A_401 : f32
      %sub3A_406 = arith.constant 1.500000e+00 : f32
      %sub3A_407 = arith.subf %sub3A_406, %mul3A_405 : f32
      %mul3A_408 = arith.mulf %mul3A_401, %sub3A_407 : f32
      %mul3A_409 = arith.constant 5.000000e-01 : f32
      %mul3A_410 = arith.mulf %mul3A_409, %add3A_388 : f32
      %mul3A_411 = arith.mulf %mul3A_410, %mul3A_408 : f32
      %mul3A_412 = arith.mulf %mul3A_411, %mul3A_408 : f32
      %sub3A_413 = arith.constant 1.500000e+00 : f32
      %sub3A_414 = arith.subf %sub3A_413, %mul3A_412 : f32
      %mul3A_415 = arith.mulf %mul3A_408, %sub3A_414 : f32
      %reduce_sum3A_416 = arith.constant true
      %reduce_sum3A_417 = vector.broadcast %reduce_sum3A_416 : i1 to vector<16xi1>
      %reduce_sum3A_418 = tpu.scan <sum>, %parallel_loop3A_320#6 masked %reduce_sum3A_417 : vector<16xf32>, vector<16xi1> -> vector<16xf32>
      %reduce_sum3A_419 = vector.extract %reduce_sum3A_418[15] : f32 from vector<16xf32>
      %mul3A_420 = arith.constant 0.00130208337 : f32
      %mul3A_421 = arith.mulf %reduce_sum3A_419, %mul3A_420 : f32
      %mul3A_422 = arith.mulf %mul3A_338, %mul3A_338 : f32
      %sub3A_423 = arith.subf %mul3A_421, %mul3A_422 : f32
      %add3A_424 = arith.constant 9.99999996E-13 : f32
      %add3A_425 = arith.addf %sub3A_423, %add3A_424 : f32
      %bitcast_convert_type3A_426 = arith.bitcast %add3A_425 : f32 to i32
      %shift_right_logical3A_427 = arith.constant 1 : i32
      %shift_right_logical3A_428 = arith.shrui %bitcast_convert_type3A_426, %shift_right_logical3A_427 : i32
      %sub3A_429 = arith.constant 1597463007 : i32
      %sub3A_430 = arith.subi %sub3A_429, %shift_right_logical3A_428 : i32
      %bitcast_convert_type3A_431 = arith.bitcast %sub3A_430 : i32 to f32
      %mul3A_432 = arith.constant 5.000000e-01 : f32
      %mul3A_433 = arith.mulf %mul3A_432, %add3A_425 : f32
      %mul3A_434 = arith.mulf %mul3A_433, %bitcast_convert_type3A_431 : f32
      %mul3A_435 = arith.mulf %mul3A_434, %bitcast_convert_type3A_431 : f32
      %sub3A_436 = arith.constant 1.500000e+00 : f32
      %sub3A_437 = arith.subf %sub3A_436, %mul3A_435 : f32
      %mul3A_438 = arith.mulf %bitcast_convert_type3A_431, %sub3A_437 : f32
      %mul3A_439 = arith.constant 5.000000e-01 : f32
      %mul3A_440 = arith.mulf %mul3A_439, %add3A_425 : f32
      %mul3A_441 = arith.mulf %mul3A_440, %mul3A_438 : f32
      %mul3A_442 = arith.mulf %mul3A_441, %mul3A_438 : f32
      %sub3A_443 = arith.constant 1.500000e+00 : f32
      %sub3A_444 = arith.subf %sub3A_443, %mul3A_442 : f32
      %mul3A_445 = arith.mulf %mul3A_438, %sub3A_444 : f32
      %mul3A_446 = arith.constant 5.000000e-01 : f32
      %mul3A_447 = arith.mulf %mul3A_446, %add3A_425 : f32
      %mul3A_448 = arith.mulf %mul3A_447, %mul3A_445 : f32
      %mul3A_449 = arith.mulf %mul3A_448, %mul3A_445 : f32
      %sub3A_450 = arith.constant 1.500000e+00 : f32
      %sub3A_451 = arith.subf %sub3A_450, %mul3A_449 : f32
      %mul3A_452 = arith.mulf %mul3A_445, %sub3A_451 : f32
      %reduce_sum3A_453 = arith.constant true
      %reduce_sum3A_454 = vector.broadcast %reduce_sum3A_453 : i1 to vector<16xi1>
      %reduce_sum3A_455 = tpu.scan <sum>, %parallel_loop3A_320#7 masked %reduce_sum3A_454 : vector<16xf32>, vector<16xi1> -> vector<16xf32>
      %reduce_sum3A_456 = vector.extract %reduce_sum3A_455[15] : f32 from vector<16xf32>
      %mul3A_457 = arith.constant 0.00130208337 : f32
      %mul3A_458 = arith.mulf %reduce_sum3A_456, %mul3A_457 : f32
      %mul3A_459 = arith.mulf %mul3A_344, %mul3A_344 : f32
      %sub3A_460 = arith.subf %mul3A_458, %mul3A_459 : f32
      %add3A_461 = arith.constant 9.99999996E-13 : f32
      %add3A_462 = arith.addf %sub3A_460, %add3A_461 : f32
      %bitcast_convert_type3A_463 = arith.bitcast %add3A_462 : f32 to i32
      %shift_right_logical3A_464 = arith.constant 1 : i32
      %shift_right_logical3A_465 = arith.shrui %bitcast_convert_type3A_463, %shift_right_logical3A_464 : i32
      %sub3A_466 = arith.constant 1597463007 : i32
      %sub3A_467 = arith.subi %sub3A_466, %shift_right_logical3A_465 : i32
      %bitcast_convert_type3A_468 = arith.bitcast %sub3A_467 : i32 to f32
      %mul3A_469 = arith.constant 5.000000e-01 : f32
      %mul3A_470 = arith.mulf %mul3A_469, %add3A_462 : f32
      %mul3A_471 = arith.mulf %mul3A_470, %bitcast_convert_type3A_468 : f32
      %mul3A_472 = arith.mulf %mul3A_471, %bitcast_convert_type3A_468 : f32
      %sub3A_473 = arith.constant 1.500000e+00 : f32
      %sub3A_474 = arith.subf %sub3A_473, %mul3A_472 : f32
      %mul3A_475 = arith.mulf %bitcast_convert_type3A_468, %sub3A_474 : f32
      %mul3A_476 = arith.constant 5.000000e-01 : f32
      %mul3A_477 = arith.mulf %mul3A_476, %add3A_462 : f32
      %mul3A_478 = arith.mulf %mul3A_477, %mul3A_475 : f32
      %mul3A_479 = arith.mulf %mul3A_478, %mul3A_475 : f32
      %sub3A_480 = arith.constant 1.500000e+00 : f32
      %sub3A_481 = arith.subf %sub3A_480, %mul3A_479 : f32
      %mul3A_482 = arith.mulf %mul3A_475, %sub3A_481 : f32
      %mul3A_483 = arith.constant 5.000000e-01 : f32
      %mul3A_484 = arith.mulf %mul3A_483, %add3A_462 : f32
      %mul3A_485 = arith.mulf %mul3A_484, %mul3A_482 : f32
      %mul3A_486 = arith.mulf %mul3A_485, %mul3A_482 : f32
      %sub3A_487 = arith.constant 1.500000e+00 : f32
      %sub3A_488 = arith.subf %sub3A_487, %mul3A_486 : f32
      %mul3A_489 = arith.mulf %mul3A_482, %sub3A_488 : f32
      %mul3A_490 = arith.mulf %mul3A_326, %mul3A_378 : f32
      %mul3A_491 = arith.mulf %mul3A_332, %mul3A_415 : f32
      %mul3A_492 = arith.mulf %mul3A_338, %mul3A_452 : f32
      %mul3A_493 = arith.mulf %mul3A_344, %mul3A_489 : f32
      %parallel_loop3A_494 = arith.constant 0 : i32
      %parallel_loop3A_495 = arith.constant 48 : i32
      %parallel_loop3A_496 = arith.constant 1 : i32
      scf.for %parallel_loop3A_498 = %parallel_loop3A_494 to %parallel_loop3A_495 step %parallel_loop3A_496  : i32 {
        %parallel_loop3A_499 = arith.constant 16 : i32
        %parallel_loop3A_500 = arith.muli %parallel_loop3A_498, %parallel_loop3A_499 : i32
        %parallel_loop3A_501 = arith.index_cast %parallel_loop3A_500 : i32 to index
        %parallel_loop3A_502 = tpu.vector_load %arg15[%parallel_loop3A_501] {strides = array<i32>} : memref<768xf32, #tpu.memory_space<vmem>>, vector<16xf32>,
        %parallel_loop3A_503 = arith.index_cast %parallel_loop3A_500 : i32 to index
        %parallel_loop3A_504 = tpu.vector_load %arg16[%parallel_loop3A_503] {strides = array<i32>} : memref<768xf32, #tpu.memory_space<vmem>>, vector<16xf32>,
        %parallel_loop3A_505 = arith.index_cast %add3A_279 : i32 to index
        %parallel_loop3A_506 = arith.index_cast %parallel_loop3A_500 : i32 to index
        %parallel_loop3A_507 = tpu.vector_load %arg12[%parallel_loop3A_505, %parallel_loop3A_506] {strides = array<i32>} : memref<64x768xf32, #tpu.memory_space<vmem>>, vector<16xf32>,
        %parallel_loop3A_508 = vector.broadcast %mul3A_378 : f32 to vector<16xf32>
        %parallel_loop3A_509 = arith.mulf %parallel_loop3A_507, %parallel_loop3A_508 : vector<16xf32>
        %parallel_loop3A_510 = vector.broadcast %mul3A_490 : f32 to vector<16xf32>
        %parallel_loop3A_511 = arith.subf %parallel_loop3A_509, %parallel_loop3A_510 : vector<16xf32>
        %parallel_loop3A_512 = arith.mulf %parallel_loop3A_511, %parallel_loop3A_502 : vector<16xf32>
        %parallel_loop3A_513 = arith.addf %parallel_loop3A_512, %parallel_loop3A_504 : vector<16xf32>
        %parallel_loop3A_514 = arith.index_cast %add3A_279 : i32 to index
        %parallel_loop3A_515 = arith.index_cast %parallel_loop3A_500 : i32 to index
        %parallel_loop3A_516 = tpu.vector_load %arg12[%parallel_loop3A_514, %parallel_loop3A_515] {strides = array<i32>} : memref<64x768xf32, #tpu.memory_space<vmem>>, vector<16xf32>,
        tpu.vector_store %arg12[%parallel_loop3A_514, %parallel_loop3A_515], %parallel_loop3A_513 {strides = array<i32>} : memref<64x768xf32, #tpu.memory_space<vmem>>, vector<16xf32>,
        %parallel_loop3A_517 = arith.index_cast %add3A_281 : i32 to index
        %parallel_loop3A_518 = arith.index_cast %parallel_loop3A_500 : i32 to index
        %parallel_loop3A_519 = tpu.vector_load %arg12[%parallel_loop3A_517, %parallel_loop3A_518] {strides = array<i32>} : memref<64x768xf32, #tpu.memory_space<vmem>>, vector<16xf32>,
        %parallel_loop3A_520 = vector.broadcast %mul3A_415 : f32 to vector<16xf32>
        %parallel_loop3A_521 = arith.mulf %parallel_loop3A_519, %parallel_loop3A_520 : vector<16xf32>
        %parallel_loop3A_522 = vector.broadcast %mul3A_491 : f32 to vector<16xf32>
        %parallel_loop3A_523 = arith.subf %parallel_loop3A_521, %parallel_loop3A_522 : vector<16xf32>
        %parallel_loop3A_524 = arith.mulf %parallel_loop3A_523, %parallel_loop3A_502 : vector<16xf32>
        %parallel_loop3A_525 = arith.addf %parallel_loop3A_524, %parallel_loop3A_504 : vector<16xf32>
        %parallel_loop3A_526 = arith.index_cast %add3A_281 : i32 to index
        %parallel_loop3A_527 = arith.index_cast %parallel_loop3A_500 : i32 to index
        %parallel_loop3A_528 = tpu.vector_load %arg12[%parallel_loop3A_526, %parallel_loop3A_527] {strides = array<i32>} : memref<64x768xf32, #tpu.memory_space<vmem>>, vector<16xf32>,
        tpu.vector_store %arg12[%parallel_loop3A_526, %parallel_loop3A_527], %parallel_loop3A_525 {strides = array<i32>} : memref<64x768xf32, #tpu.memory_space<vmem>>, vector<16xf32>,
        %parallel_loop3A_529 = arith.index_cast %add3A_283 : i32 to index
        %parallel_loop3A_530 = arith.index_cast %parallel_loop3A_500 : i32 to index
        %parallel_loop3A_531 = tpu.vector_load %arg12[%parallel_loop3A_529, %parallel_loop3A_530] {strides = array<i32>} : memref<64x768xf32, #tpu.memory_space<vmem>>, vector<16xf32>,
        %parallel_loop3A_532 = vector.broadcast %mul3A_452 : f32 to vector<16xf32>
        %parallel_loop3A_533 = arith.mulf %parallel_loop3A_531, %parallel_loop3A_532 : vector<16xf32>
        %parallel_loop3A_534 = vector.broadcast %mul3A_492 : f32 to vector<16xf32>
        %parallel_loop3A_535 = arith.subf %parallel_loop3A_533, %parallel_loop3A_534 : vector<16xf32>
        %parallel_loop3A_536 = arith.mulf %parallel_loop3A_535, %parallel_loop3A_502 : vector<16xf32>
        %parallel_loop3A_537 = arith.addf %parallel_loop3A_536, %parallel_loop3A_504 : vector<16xf32>
        %parallel_loop3A_538 = arith.index_cast %add3A_283 : i32 to index
        %parallel_loop3A_539 = arith.index_cast %parallel_loop3A_500 : i32 to index
        %parallel_loop3A_540 = tpu.vector_load %arg12[%parallel_loop3A_538, %parallel_loop3A_539] {strides = array<i32>} : memref<64x768xf32, #tpu.memory_space<vmem>>, vector<16xf32>,
        tpu.vector_store %arg12[%parallel_loop3A_538, %parallel_loop3A_539], %parallel_loop3A_537 {strides = array<i32>} : memref<64x768xf32, #tpu.memory_space<vmem>>, vector<16xf32>,
        %parallel_loop3A_541 = arith.index_cast %add3A_285 : i32 to index
        %parallel_loop3A_542 = arith.index_cast %parallel_loop3A_500 : i32 to index
        %parallel_loop3A_543 = tpu.vector_load %arg12[%parallel_loop3A_541, %parallel_loop3A_542] {strides = array<i32>} : memref<64x768xf32, #tpu.memory_space<vmem>>, vector<16xf32>,
        %parallel_loop3A_544 = vector.broadcast %mul3A_489 : f32 to vector<16xf32>
        %parallel_loop3A_545 = arith.mulf %parallel_loop3A_543, %parallel_loop3A_544 : vector<16xf32>
        %parallel_loop3A_546 = vector.broadcast %mul3A_493 : f32 to vector<16xf32>
        %parallel_loop3A_547 = arith.subf %parallel_loop3A_545, %parallel_loop3A_546 : vector<16xf32>
        %parallel_loop3A_548 = arith.mulf %parallel_loop3A_547, %parallel_loop3A_502 : vector<16xf32>
        %parallel_loop3A_549 = arith.addf %parallel_loop3A_548, %parallel_loop3A_504 : vector<16xf32>
        %parallel_loop3A_550 = arith.index_cast %add3A_285 : i32 to index
        %parallel_loop3A_551 = arith.index_cast %parallel_loop3A_500 : i32 to index
        %parallel_loop3A_552 = tpu.vector_load %arg12[%parallel_loop3A_550, %parallel_loop3A_551] {strides = array<i32>} : memref<64x768xf32, #tpu.memory_space<vmem>>, vector<16xf32>,
        tpu.vector_store %arg12[%parallel_loop3A_550, %parallel_loop3A_551], %parallel_loop3A_549 {strides = array<i32>} : memref<64x768xf32, #tpu.memory_space<vmem>>, vector<16xf32>,
      } {sc.loop_unroll_factor = 4 : i64, sc.parallel_access}
      %scan3A_497 = arith.constant 0 : i32
      scf.yield %scan3A_497 : i32
    }
    %scan3A_178 = arith.constant 4 : i32
    %add3A_179 = arith.constant 1024 : i32
    %add3A_180 = arith.addi %add3A_179, %mul3A_2 : i32
    %dma_start3A_181 = arith.constant 32 : i32
    %dma_start3A_182 = arith.constant 0 : i32
    %dma_start3A_183 = tpu.memref_slice %arg12[%dma_start3A_181, %dma_start3A_182] : memref<64x768xf32, #tpu.memory_space<vmem>> -> memref<16x768xf32, #tpu.memory_space<vmem>>
    %dma_start3A_184 = arith.constant 0 : i32
    %dma_start3A_185 = tpu.memref_slice %arg9[%add3A_180, %dma_start3A_184] : memref<2048x768xf32, #tpu.memory_space<hbm>> -> memref<16x768xf32, #tpu.memory_space<hbm>>
    %dma_start3A_186 = arith.constant 0 : i32
    %dma_start3A_187 = tpu.memref_slice %arg9[%add3A_180, %dma_start3A_186] : memref<2048x768xf32, #tpu.memory_space<hbm>> -> memref<16x768xf32, #tpu.memory_space<hbm>>
    %dma_start3A_188 = arith.constant 32 : i32
    %dma_start3A_189 = arith.constant 0 : i32
    %dma_start3A_190 = tpu.memref_slice %arg12[%dma_start3A_188, %dma_start3A_189] : memref<64x768xf32, #tpu.memory_space<vmem>> -> memref<16x768xf32, #tpu.memory_space<vmem>>
    tpu.enqueue_dma source(%dma_start3A_190 : memref<16x768xf32, #tpu.memory_space<vmem>>) target(%dma_start3A_187 : memref<16x768xf32, #tpu.memory_space<hbm>>) target_semaphore(%arg18 : memref<!tpu.dma_semaphore, #tpu.memory_space<semaphore_mem>>)
    %dma_wait3A_191 = arith.constant 48 : i32
    %dma_wait3A_192 = arith.constant 0 : i32
    %dma_wait3A_193 = tpu.memref_slice %arg12[%dma_wait3A_191, %dma_wait3A_192] : memref<64x768xf32, #tpu.memory_space<vmem>> -> memref<16x768xf32, #tpu.memory_space<vmem>>
    %dma_wait3A_194 = arith.constant 48 : i32
    %dma_wait3A_195 = tpu.memref_slice %arg10[%dma_wait3A_194] : memref<64xi32, #tpu.memory_space<vmem>> -> memref<16xi32, #tpu.memory_space<vmem>>
    %dma_wait3A_196 = arith.constant 0 : i32
    %dma_wait3A_197 = arith.constant 0 : i32
    %dma_wait3A_198 = tpu.memref_slice %arg4[%dma_wait3A_196, %dma_wait3A_197] : memref<30522x768xf32, #tpu.memory_space<hbm>> -> memref<30522x768xf32, #tpu.memory_space<hbm>>
    tpu.wait_indirect_dma semaphore(%arg17 : memref<!tpu.dma_semaphore, #tpu.memory_space<semaphore_mem>>) src(%dma_wait3A_198 : memref<30522x768xf32, #tpu.memory_space<hbm>>) dst(%dma_wait3A_193 : memref<16x768xf32, #tpu.memory_space<vmem>>)
    %get3A_199 = arith.constant 48 : index
    %get3A_200 = tpu.vector_load %arg11[%get3A_199] {strides = array<i32>} : memref<80xi32, #tpu.memory_space<vmem>>, vector<16xi32>,
    %scan3A_201 = arith.constant 0 : i32
    %scan3A_202 = arith.constant 0 : i32
    %scan3A_203 = arith.constant 4 : i32
    %scan3A_204 = arith.addi %scan3A_202, %scan3A_203 : i32
    %scan3A_205 = arith.constant 1 : i32
    %scan3A_206 = scf.for %scan3A_260 = %scan3A_202 to %scan3A_204 step %scan3A_205 iter_args(%scan3A_261 = %scan3A_201) -> (i32)  : i32 {
      %mul3A_262 = arith.constant 4 : i32
      %mul3A_263 = arith.muli %mul3A_262, %scan3A_260 : i32
      %add3A_264 = arith.constant 0 : i32
      %add3A_265 = arith.addi %mul3A_263, %add3A_264 : i32
      %mul3A_266 = arith.constant 4 : i32
      %mul3A_267 = arith.muli %mul3A_266, %scan3A_260 : i32
      %add3A_268 = arith.constant 1 : i32
      %add3A_269 = arith.addi %mul3A_267, %add3A_268 : i32
      %mul3A_270 = arith.constant 4 : i32
      %mul3A_271 = arith.muli %mul3A_270, %scan3A_260 : i32
      %add3A_272 = arith.constant 2 : i32
      %add3A_273 = arith.addi %mul3A_271, %add3A_272 : i32
      %mul3A_274 = arith.constant 4 : i32
      %mul3A_275 = arith.muli %mul3A_274, %scan3A_260 : i32
      %add3A_276 = arith.constant 3 : i32
      %add3A_277 = arith.addi %mul3A_275, %add3A_276 : i32
      %add3A_278 = arith.constant 48 : i32
      %add3A_279 = arith.addi %add3A_278, %add3A_265 : i32
      %add3A_280 = arith.constant 48 : i32
      %add3A_281 = arith.addi %add3A_280, %add3A_269 : i32
      %add3A_282 = arith.constant 48 : i32
      %add3A_283 = arith.addi %add3A_282, %add3A_273 : i32
      %add3A_284 = arith.constant 48 : i32
      %add3A_285 = arith.addi %add3A_284, %add3A_277 : i32
      %eq3A = vector.broadcast %add3A_265 : i32 to vector<16xi32>
      %eq3A_286 = arith.cmpi eq, %iota3A, %eq3A : vector<16xi32>
      %jit3A = arith.constant 0 : i32
      %broadcast_in_dim3A_287 = vector.broadcast %jit3A : i32 to vector<16xi32>
      %select_n3A = arith.select %eq3A_286, %get3A_200, %broadcast_in_dim3A_287 : vector<16xi1>, vector<16xi32>
      %reduce_sum3A = arith.constant true
      %reduce_sum3A_288 = vector.broadcast %reduce_sum3A : i1 to vector<16xi1>
      %reduce_sum3A_289 = tpu.scan <sum>, %select_n3A masked %reduce_sum3A_288 : vector<16xi32>, vector<16xi1> -> vector<16xi32>
      %reduce_sum3A_290 = vector.extract %reduce_sum3A_289[15] : i32 from vector<16xi32>
      %eq3A_291 = vector.broadcast %add3A_269 : i32 to vector<16xi32>
      %eq3A_292 = arith.cmpi eq, %iota3A, %eq3A_291 : vector<16xi32>
      %jit3A_293 = arith.constant 0 : i32
      %broadcast_in_dim3A_294 = vector.broadcast %jit3A_293 : i32 to vector<16xi32>
      %select_n3A_295 = arith.select %eq3A_292, %get3A_200, %broadcast_in_dim3A_294 : vector<16xi1>, vector<16xi32>
      %reduce_sum3A_296 = arith.constant true
      %reduce_sum3A_297 = vector.broadcast %reduce_sum3A_296 : i1 to vector<16xi1>
      %reduce_sum3A_298 = tpu.scan <sum>, %select_n3A_295 masked %reduce_sum3A_297 : vector<16xi32>, vector<16xi1> -> vector<16xi32>
      %reduce_sum3A_299 = vector.extract %reduce_sum3A_298[15] : i32 from vector<16xi32>
      %eq3A_300 = vector.broadcast %add3A_273 : i32 to vector<16xi32>
      %eq3A_301 = arith.cmpi eq, %iota3A, %eq3A_300 : vector<16xi32>
      %jit3A_302 = arith.constant 0 : i32
      %broadcast_in_dim3A_303 = vector.broadcast %jit3A_302 : i32 to vector<16xi32>
      %select_n3A_304 = arith.select %eq3A_301, %get3A_200, %broadcast_in_dim3A_303 : vector<16xi1>, vector<16xi32>
      %reduce_sum3A_305 = arith.constant true
      %reduce_sum3A_306 = vector.broadcast %reduce_sum3A_305 : i1 to vector<16xi1>
      %reduce_sum3A_307 = tpu.scan <sum>, %select_n3A_304 masked %reduce_sum3A_306 : vector<16xi32>, vector<16xi1> -> vector<16xi32>
      %reduce_sum3A_308 = vector.extract %reduce_sum3A_307[15] : i32 from vector<16xi32>
      %eq3A_309 = vector.broadcast %add3A_277 : i32 to vector<16xi32>
      %eq3A_310 = arith.cmpi eq, %iota3A, %eq3A_309 : vector<16xi32>
      %jit3A_311 = arith.constant 0 : i32
      %broadcast_in_dim3A_312 = vector.broadcast %jit3A_311 : i32 to vector<16xi32>
      %select_n3A_313 = arith.select %eq3A_310, %get3A_200, %broadcast_in_dim3A_312 : vector<16xi1>, vector<16xi32>
      %reduce_sum3A_314 = arith.constant true
      %reduce_sum3A_315 = vector.broadcast %reduce_sum3A_314 : i1 to vector<16xi1>
      %reduce_sum3A_316 = tpu.scan <sum>, %select_n3A_313 masked %reduce_sum3A_315 : vector<16xi32>, vector<16xi1> -> vector<16xi32>
      %reduce_sum3A_317 = vector.extract %reduce_sum3A_316[15] : i32 from vector<16xi32>
      %parallel_loop3A = arith.constant 0 : i32
      %parallel_loop3A_318 = arith.constant 48 : i32
      %parallel_loop3A_319 = arith.constant 1 : i32
      %parallel_loop3A_320:8 = scf.for %parallel_loop3A_498 = %parallel_loop3A to %parallel_loop3A_318 step %parallel_loop3A_319 iter_args(%parallel_loop3A_499 = %broadcast_in_dim3A_104, %parallel_loop3A_500 = %broadcast_in_dim3A_104, %parallel_loop3A_501 = %broadcast_in_dim3A_104, %parallel_loop3A_502 = %broadcast_in_dim3A_104, %parallel_loop3A_503 = %broadcast_in_dim3A_104, %parallel_loop3A_504 = %broadcast_in_dim3A_104, %parallel_loop3A_505 = %broadcast_in_dim3A_104, %parallel_loop3A_506 = %broadcast_in_dim3A_104) -> (vector<16xf32>, vector<16xf32>, vector<16xf32>, vector<16xf32>, vector<16xf32>, vector<16xf32>, vector<16xf32>, vector<16xf32>)  : i32 {
        %parallel_loop3A_507 = arith.constant 16 : i32
        %parallel_loop3A_508 = arith.muli %parallel_loop3A_498, %parallel_loop3A_507 : i32
        %parallel_loop3A_509 = arith.index_cast %add3A_279 : i32 to index
        %parallel_loop3A_510 = arith.index_cast %parallel_loop3A_508 : i32 to index
        %parallel_loop3A_511 = tpu.vector_load %arg12[%parallel_loop3A_509, %parallel_loop3A_510] {strides = array<i32>} : memref<64x768xf32, #tpu.memory_space<vmem>>, vector<16xf32>,
        %parallel_loop3A_512 = arith.index_cast %reduce_sum3A_290 : i32 to index
        %parallel_loop3A_513 = arith.index_cast %add3A_265 : i32 to index
        %parallel_loop3A_514 = arith.index_cast %parallel_loop3A_508 : i32 to index
        %parallel_loop3A_515 = tpu.vector_load %arg13[%parallel_loop3A_512, %parallel_loop3A_513, %parallel_loop3A_514] {strides = array<i32>} : memref<2x16x768xf32, #tpu.memory_space<vmem>>, vector<16xf32>,
        %parallel_loop3A_516 = arith.addf %parallel_loop3A_511, %parallel_loop3A_515 : vector<16xf32>
        %parallel_loop3A_517 = arith.index_cast %add3A_279 : i32 to index
        %parallel_loop3A_518 = arith.index_cast %parallel_loop3A_508 : i32 to index
        %parallel_loop3A_519 = tpu.vector_load %arg12[%parallel_loop3A_517, %parallel_loop3A_518] {strides = array<i32>} : memref<64x768xf32, #tpu.memory_space<vmem>>, vector<16xf32>,
        tpu.vector_store %arg12[%parallel_loop3A_517, %parallel_loop3A_518], %parallel_loop3A_516 {strides = array<i32>} : memref<64x768xf32, #tpu.memory_space<vmem>>, vector<16xf32>,
        %parallel_loop3A_520 = arith.addf %parallel_loop3A_499, %parallel_loop3A_516 : vector<16xf32>
        %parallel_loop3A_521 = arith.mulf %parallel_loop3A_516, %parallel_loop3A_516 : vector<16xf32>
        %parallel_loop3A_522 = arith.addf %parallel_loop3A_503, %parallel_loop3A_521 : vector<16xf32>
        %parallel_loop3A_523 = arith.index_cast %add3A_281 : i32 to index
        %parallel_loop3A_524 = arith.index_cast %parallel_loop3A_508 : i32 to index
        %parallel_loop3A_525 = tpu.vector_load %arg12[%parallel_loop3A_523, %parallel_loop3A_524] {strides = array<i32>} : memref<64x768xf32, #tpu.memory_space<vmem>>, vector<16xf32>,
        %parallel_loop3A_526 = arith.index_cast %reduce_sum3A_299 : i32 to index
        %parallel_loop3A_527 = arith.index_cast %add3A_269 : i32 to index
        %parallel_loop3A_528 = arith.index_cast %parallel_loop3A_508 : i32 to index
        %parallel_loop3A_529 = tpu.vector_load %arg13[%parallel_loop3A_526, %parallel_loop3A_527, %parallel_loop3A_528] {strides = array<i32>} : memref<2x16x768xf32, #tpu.memory_space<vmem>>, vector<16xf32>,
        %parallel_loop3A_530 = arith.addf %parallel_loop3A_525, %parallel_loop3A_529 : vector<16xf32>
        %parallel_loop3A_531 = arith.index_cast %add3A_281 : i32 to index
        %parallel_loop3A_532 = arith.index_cast %parallel_loop3A_508 : i32 to index
        %parallel_loop3A_533 = tpu.vector_load %arg12[%parallel_loop3A_531, %parallel_loop3A_532] {strides = array<i32>} : memref<64x768xf32, #tpu.memory_space<vmem>>, vector<16xf32>,
        tpu.vector_store %arg12[%parallel_loop3A_531, %parallel_loop3A_532], %parallel_loop3A_530 {strides = array<i32>} : memref<64x768xf32, #tpu.memory_space<vmem>>, vector<16xf32>,
        %parallel_loop3A_534 = arith.addf %parallel_loop3A_500, %parallel_loop3A_530 : vector<16xf32>
        %parallel_loop3A_535 = arith.mulf %parallel_loop3A_530, %parallel_loop3A_530 : vector<16xf32>
        %parallel_loop3A_536 = arith.addf %parallel_loop3A_504, %parallel_loop3A_535 : vector<16xf32>
        %parallel_loop3A_537 = arith.index_cast %add3A_283 : i32 to index
        %parallel_loop3A_538 = arith.index_cast %parallel_loop3A_508 : i32 to index
        %parallel_loop3A_539 = tpu.vector_load %arg12[%parallel_loop3A_537, %parallel_loop3A_538] {strides = array<i32>} : memref<64x768xf32, #tpu.memory_space<vmem>>, vector<16xf32>,
        %parallel_loop3A_540 = arith.index_cast %reduce_sum3A_308 : i32 to index
        %parallel_loop3A_541 = arith.index_cast %add3A_273 : i32 to index
        %parallel_loop3A_542 = arith.index_cast %parallel_loop3A_508 : i32 to index
        %parallel_loop3A_543 = tpu.vector_load %arg13[%parallel_loop3A_540, %parallel_loop3A_541, %parallel_loop3A_542] {strides = array<i32>} : memref<2x16x768xf32, #tpu.memory_space<vmem>>, vector<16xf32>,
        %parallel_loop3A_544 = arith.addf %parallel_loop3A_539, %parallel_loop3A_543 : vector<16xf32>
        %parallel_loop3A_545 = arith.index_cast %add3A_283 : i32 to index
        %parallel_loop3A_546 = arith.index_cast %parallel_loop3A_508 : i32 to index
        %parallel_loop3A_547 = tpu.vector_load %arg12[%parallel_loop3A_545, %parallel_loop3A_546] {strides = array<i32>} : memref<64x768xf32, #tpu.memory_space<vmem>>, vector<16xf32>,
        tpu.vector_store %arg12[%parallel_loop3A_545, %parallel_loop3A_546], %parallel_loop3A_544 {strides = array<i32>} : memref<64x768xf32, #tpu.memory_space<vmem>>, vector<16xf32>,
        %parallel_loop3A_548 = arith.addf %parallel_loop3A_501, %parallel_loop3A_544 : vector<16xf32>
        %parallel_loop3A_549 = arith.mulf %parallel_loop3A_544, %parallel_loop3A_544 : vector<16xf32>
        %parallel_loop3A_550 = arith.addf %parallel_loop3A_505, %parallel_loop3A_549 : vector<16xf32>
        %parallel_loop3A_551 = arith.index_cast %add3A_285 : i32 to index
        %parallel_loop3A_552 = arith.index_cast %parallel_loop3A_508 : i32 to index
        %parallel_loop3A_553 = tpu.vector_load %arg12[%parallel_loop3A_551, %parallel_loop3A_552] {strides = array<i32>} : memref<64x768xf32, #tpu.memory_space<vmem>>, vector<16xf32>,
        %parallel_loop3A_554 = arith.index_cast %reduce_sum3A_317 : i32 to index
        %parallel_loop3A_555 = arith.index_cast %add3A_277 : i32 to index
        %parallel_loop3A_556 = arith.index_cast %parallel_loop3A_508 : i32 to index
        %parallel_loop3A_557 = tpu.vector_load %arg13[%parallel_loop3A_554, %parallel_loop3A_555, %parallel_loop3A_556] {strides = array<i32>} : memref<2x16x768xf32, #tpu.memory_space<vmem>>, vector<16xf32>,
        %parallel_loop3A_558 = arith.addf %parallel_loop3A_553, %parallel_loop3A_557 : vector<16xf32>
        %parallel_loop3A_559 = arith.index_cast %add3A_285 : i32 to index
        %parallel_loop3A_560 = arith.index_cast %parallel_loop3A_508 : i32 to index
        %parallel_loop3A_561 = tpu.vector_load %arg12[%parallel_loop3A_559, %parallel_loop3A_560] {strides = array<i32>} : memref<64x768xf32, #tpu.memory_space<vmem>>, vector<16xf32>,
        tpu.vector_store %arg12[%parallel_loop3A_559, %parallel_loop3A_560], %parallel_loop3A_558 {strides = array<i32>} : memref<64x768xf32, #tpu.memory_space<vmem>>, vector<16xf32>,
        %parallel_loop3A_562 = arith.addf %parallel_loop3A_502, %parallel_loop3A_558 : vector<16xf32>
        %parallel_loop3A_563 = arith.mulf %parallel_loop3A_558, %parallel_loop3A_558 : vector<16xf32>
        %parallel_loop3A_564 = arith.addf %parallel_loop3A_506, %parallel_loop3A_563 : vector<16xf32>
        scf.yield %parallel_loop3A_520, %parallel_loop3A_534, %parallel_loop3A_548, %parallel_loop3A_562, %parallel_loop3A_522, %parallel_loop3A_536, %parallel_loop3A_550, %parallel_loop3A_564 : vector<16xf32>, vector<16xf32>, vector<16xf32>, vector<16xf32>, vector<16xf32>, vector<16xf32>, vector<16xf32>, vector<16xf32>
      } {sc.loop_unroll_factor = 4 : i64, sc.parallel_access}
      %reduce_sum3A_321 = arith.constant true
      %reduce_sum3A_322 = vector.broadcast %reduce_sum3A_321 : i1 to vector<16xi1>
      %reduce_sum3A_323 = tpu.scan <sum>, %parallel_loop3A_320#0 masked %reduce_sum3A_322 : vector<16xf32>, vector<16xi1> -> vector<16xf32>
      %reduce_sum3A_324 = vector.extract %reduce_sum3A_323[15] : f32 from vector<16xf32>
      %mul3A_325 = arith.constant 0.00130208337 : f32
      %mul3A_326 = arith.mulf %reduce_sum3A_324, %mul3A_325 : f32
      %reduce_sum3A_327 = arith.constant true
      %reduce_sum3A_328 = vector.broadcast %reduce_sum3A_327 : i1 to vector<16xi1>
      %reduce_sum3A_329 = tpu.scan <sum>, %parallel_loop3A_320#1 masked %reduce_sum3A_328 : vector<16xf32>, vector<16xi1> -> vector<16xf32>
      %reduce_sum3A_330 = vector.extract %reduce_sum3A_329[15] : f32 from vector<16xf32>
      %mul3A_331 = arith.constant 0.00130208337 : f32
      %mul3A_332 = arith.mulf %reduce_sum3A_330, %mul3A_331 : f32
      %reduce_sum3A_333 = arith.constant true
      %reduce_sum3A_334 = vector.broadcast %reduce_sum3A_333 : i1 to vector<16xi1>
      %reduce_sum3A_335 = tpu.scan <sum>, %parallel_loop3A_320#2 masked %reduce_sum3A_334 : vector<16xf32>, vector<16xi1> -> vector<16xf32>
      %reduce_sum3A_336 = vector.extract %reduce_sum3A_335[15] : f32 from vector<16xf32>
      %mul3A_337 = arith.constant 0.00130208337 : f32
      %mul3A_338 = arith.mulf %reduce_sum3A_336, %mul3A_337 : f32
      %reduce_sum3A_339 = arith.constant true
      %reduce_sum3A_340 = vector.broadcast %reduce_sum3A_339 : i1 to vector<16xi1>
      %reduce_sum3A_341 = tpu.scan <sum>, %parallel_loop3A_320#3 masked %reduce_sum3A_340 : vector<16xf32>, vector<16xi1> -> vector<16xf32>
      %reduce_sum3A_342 = vector.extract %reduce_sum3A_341[15] : f32 from vector<16xf32>
      %mul3A_343 = arith.constant 0.00130208337 : f32
      %mul3A_344 = arith.mulf %reduce_sum3A_342, %mul3A_343 : f32
      %reduce_sum3A_345 = arith.constant true
      %reduce_sum3A_346 = vector.broadcast %reduce_sum3A_345 : i1 to vector<16xi1>
      %reduce_sum3A_347 = tpu.scan <sum>, %parallel_loop3A_320#4 masked %reduce_sum3A_346 : vector<16xf32>, vector<16xi1> -> vector<16xf32>
      %reduce_sum3A_348 = vector.extract %reduce_sum3A_347[15] : f32 from vector<16xf32>
      %mul3A_349 = arith.constant 0.00130208337 : f32
      %mul3A_350 = arith.mulf %reduce_sum3A_348, %mul3A_349 : f32
      %mul3A_351 = arith.mulf %mul3A_326, %mul3A_326 : f32
      %sub3A = arith.subf %mul3A_350, %mul3A_351 : f32
      %add3A_352 = arith.constant 9.99999996E-13 : f32
      %add3A_353 = arith.addf %sub3A, %add3A_352 : f32
      %bitcast_convert_type3A = arith.bitcast %add3A_353 : f32 to i32
      %shift_right_logical3A = arith.constant 1 : i32
      %shift_right_logical3A_354 = arith.shrui %bitcast_convert_type3A, %shift_right_logical3A : i32
      %sub3A_355 = arith.constant 1597463007 : i32
      %sub3A_356 = arith.subi %sub3A_355, %shift_right_logical3A_354 : i32
      %bitcast_convert_type3A_357 = arith.bitcast %sub3A_356 : i32 to f32
      %mul3A_358 = arith.constant 5.000000e-01 : f32
      %mul3A_359 = arith.mulf %mul3A_358, %add3A_353 : f32
      %mul3A_360 = arith.mulf %mul3A_359, %bitcast_convert_type3A_357 : f32
      %mul3A_361 = arith.mulf %mul3A_360, %bitcast_convert_type3A_357 : f32
      %sub3A_362 = arith.constant 1.500000e+00 : f32
      %sub3A_363 = arith.subf %sub3A_362, %mul3A_361 : f32
      %mul3A_364 = arith.mulf %bitcast_convert_type3A_357, %sub3A_363 : f32
      %mul3A_365 = arith.constant 5.000000e-01 : f32
      %mul3A_366 = arith.mulf %mul3A_365, %add3A_353 : f32
      %mul3A_367 = arith.mulf %mul3A_366, %mul3A_364 : f32
      %mul3A_368 = arith.mulf %mul3A_367, %mul3A_364 : f32
      %sub3A_369 = arith.constant 1.500000e+00 : f32
      %sub3A_370 = arith.subf %sub3A_369, %mul3A_368 : f32
      %mul3A_371 = arith.mulf %mul3A_364, %sub3A_370 : f32
      %mul3A_372 = arith.constant 5.000000e-01 : f32
      %mul3A_373 = arith.mulf %mul3A_372, %add3A_353 : f32
      %mul3A_374 = arith.mulf %mul3A_373, %mul3A_371 : f32
      %mul3A_375 = arith.mulf %mul3A_374, %mul3A_371 : f32
      %sub3A_376 = arith.constant 1.500000e+00 : f32
      %sub3A_377 = arith.subf %sub3A_376, %mul3A_375 : f32
      %mul3A_378 = arith.mulf %mul3A_371, %sub3A_377 : f32
      %reduce_sum3A_379 = arith.constant true
      %reduce_sum3A_380 = vector.broadcast %reduce_sum3A_379 : i1 to vector<16xi1>
      %reduce_sum3A_381 = tpu.scan <sum>, %parallel_loop3A_320#5 masked %reduce_sum3A_380 : vector<16xf32>, vector<16xi1> -> vector<16xf32>
      %reduce_sum3A_382 = vector.extract %reduce_sum3A_381[15] : f32 from vector<16xf32>
      %mul3A_383 = arith.constant 0.00130208337 : f32
      %mul3A_384 = arith.mulf %reduce_sum3A_382, %mul3A_383 : f32
      %mul3A_385 = arith.mulf %mul3A_332, %mul3A_332 : f32
      %sub3A_386 = arith.subf %mul3A_384, %mul3A_385 : f32
      %add3A_387 = arith.constant 9.99999996E-13 : f32
      %add3A_388 = arith.addf %sub3A_386, %add3A_387 : f32
      %bitcast_convert_type3A_389 = arith.bitcast %add3A_388 : f32 to i32
      %shift_right_logical3A_390 = arith.constant 1 : i32
      %shift_right_logical3A_391 = arith.shrui %bitcast_convert_type3A_389, %shift_right_logical3A_390 : i32
      %sub3A_392 = arith.constant 1597463007 : i32
      %sub3A_393 = arith.subi %sub3A_392, %shift_right_logical3A_391 : i32
      %bitcast_convert_type3A_394 = arith.bitcast %sub3A_393 : i32 to f32
      %mul3A_395 = arith.constant 5.000000e-01 : f32
      %mul3A_396 = arith.mulf %mul3A_395, %add3A_388 : f32
      %mul3A_397 = arith.mulf %mul3A_396, %bitcast_convert_type3A_394 : f32
      %mul3A_398 = arith.mulf %mul3A_397, %bitcast_convert_type3A_394 : f32
      %sub3A_399 = arith.constant 1.500000e+00 : f32
      %sub3A_400 = arith.subf %sub3A_399, %mul3A_398 : f32
      %mul3A_401 = arith.mulf %bitcast_convert_type3A_394, %sub3A_400 : f32
      %mul3A_402 = arith.constant 5.000000e-01 : f32
      %mul3A_403 = arith.mulf %mul3A_402, %add3A_388 : f32
      %mul3A_404 = arith.mulf %mul3A_403, %mul3A_401 : f32
      %mul3A_405 = arith.mulf %mul3A_404, %mul3A_401 : f32
      %sub3A_406 = arith.constant 1.500000e+00 : f32
      %sub3A_407 = arith.subf %sub3A_406, %mul3A_405 : f32
      %mul3A_408 = arith.mulf %mul3A_401, %sub3A_407 : f32
      %mul3A_409 = arith.constant 5.000000e-01 : f32
      %mul3A_410 = arith.mulf %mul3A_409, %add3A_388 : f32
      %mul3A_411 = arith.mulf %mul3A_410, %mul3A_408 : f32
      %mul3A_412 = arith.mulf %mul3A_411, %mul3A_408 : f32
      %sub3A_413 = arith.constant 1.500000e+00 : f32
      %sub3A_414 = arith.subf %sub3A_413, %mul3A_412 : f32
      %mul3A_415 = arith.mulf %mul3A_408, %sub3A_414 : f32
      %reduce_sum3A_416 = arith.constant true
      %reduce_sum3A_417 = vector.broadcast %reduce_sum3A_416 : i1 to vector<16xi1>
      %reduce_sum3A_418 = tpu.scan <sum>, %parallel_loop3A_320#6 masked %reduce_sum3A_417 : vector<16xf32>, vector<16xi1> -> vector<16xf32>
      %reduce_sum3A_419 = vector.extract %reduce_sum3A_418[15] : f32 from vector<16xf32>
      %mul3A_420 = arith.constant 0.00130208337 : f32
      %mul3A_421 = arith.mulf %reduce_sum3A_419, %mul3A_420 : f32
      %mul3A_422 = arith.mulf %mul3A_338, %mul3A_338 : f32
      %sub3A_423 = arith.subf %mul3A_421, %mul3A_422 : f32
      %add3A_424 = arith.constant 9.99999996E-13 : f32
      %add3A_425 = arith.addf %sub3A_423, %add3A_424 : f32
      %bitcast_convert_type3A_426 = arith.bitcast %add3A_425 : f32 to i32
      %shift_right_logical3A_427 = arith.constant 1 : i32
      %shift_right_logical3A_428 = arith.shrui %bitcast_convert_type3A_426, %shift_right_logical3A_427 : i32
      %sub3A_429 = arith.constant 1597463007 : i32
      %sub3A_430 = arith.subi %sub3A_429, %shift_right_logical3A_428 : i32
      %bitcast_convert_type3A_431 = arith.bitcast %sub3A_430 : i32 to f32
      %mul3A_432 = arith.constant 5.000000e-01 : f32
      %mul3A_433 = arith.mulf %mul3A_432, %add3A_425 : f32
      %mul3A_434 = arith.mulf %mul3A_433, %bitcast_convert_type3A_431 : f32
      %mul3A_435 = arith.mulf %mul3A_434, %bitcast_convert_type3A_431 : f32
      %sub3A_436 = arith.constant 1.500000e+00 : f32
      %sub3A_437 = arith.subf %sub3A_436, %mul3A_435 : f32
      %mul3A_438 = arith.mulf %bitcast_convert_type3A_431, %sub3A_437 : f32
      %mul3A_439 = arith.constant 5.000000e-01 : f32
      %mul3A_440 = arith.mulf %mul3A_439, %add3A_425 : f32
      %mul3A_441 = arith.mulf %mul3A_440, %mul3A_438 : f32
      %mul3A_442 = arith.mulf %mul3A_441, %mul3A_438 : f32
      %sub3A_443 = arith.constant 1.500000e+00 : f32
      %sub3A_444 = arith.subf %sub3A_443, %mul3A_442 : f32
      %mul3A_445 = arith.mulf %mul3A_438, %sub3A_444 : f32
      %mul3A_446 = arith.constant 5.000000e-01 : f32
      %mul3A_447 = arith.mulf %mul3A_446, %add3A_425 : f32
      %mul3A_448 = arith.mulf %mul3A_447, %mul3A_445 : f32
      %mul3A_449 = arith.mulf %mul3A_448, %mul3A_445 : f32
      %sub3A_450 = arith.constant 1.500000e+00 : f32
      %sub3A_451 = arith.subf %sub3A_450, %mul3A_449 : f32
      %mul3A_452 = arith.mulf %mul3A_445, %sub3A_451 : f32
      %reduce_sum3A_453 = arith.constant true
      %reduce_sum3A_454 = vector.broadcast %reduce_sum3A_453 : i1 to vector<16xi1>
      %reduce_sum3A_455 = tpu.scan <sum>, %parallel_loop3A_320#7 masked %reduce_sum3A_454 : vector<16xf32>, vector<16xi1> -> vector<16xf32>
      %reduce_sum3A_456 = vector.extract %reduce_sum3A_455[15] : f32 from vector<16xf32>
      %mul3A_457 = arith.constant 0.00130208337 : f32
      %mul3A_458 = arith.mulf %reduce_sum3A_456, %mul3A_457 : f32
      %mul3A_459 = arith.mulf %mul3A_344, %mul3A_344 : f32
      %sub3A_460 = arith.subf %mul3A_458, %mul3A_459 : f32
      %add3A_461 = arith.constant 9.99999996E-13 : f32
      %add3A_462 = arith.addf %sub3A_460, %add3A_461 : f32
      %bitcast_convert_type3A_463 = arith.bitcast %add3A_462 : f32 to i32
      %shift_right_logical3A_464 = arith.constant 1 : i32
      %shift_right_logical3A_465 = arith.shrui %bitcast_convert_type3A_463, %shift_right_logical3A_464 : i32
      %sub3A_466 = arith.constant 1597463007 : i32
      %sub3A_467 = arith.subi %sub3A_466, %shift_right_logical3A_465 : i32
      %bitcast_convert_type3A_468 = arith.bitcast %sub3A_467 : i32 to f32
      %mul3A_469 = arith.constant 5.000000e-01 : f32
      %mul3A_470 = arith.mulf %mul3A_469, %add3A_462 : f32
      %mul3A_471 = arith.mulf %mul3A_470, %bitcast_convert_type3A_468 : f32
      %mul3A_472 = arith.mulf %mul3A_471, %bitcast_convert_type3A_468 : f32
      %sub3A_473 = arith.constant 1.500000e+00 : f32
      %sub3A_474 = arith.subf %sub3A_473, %mul3A_472 : f32
      %mul3A_475 = arith.mulf %bitcast_convert_type3A_468, %sub3A_474 : f32
      %mul3A_476 = arith.constant 5.000000e-01 : f32
      %mul3A_477 = arith.mulf %mul3A_476, %add3A_462 : f32
      %mul3A_478 = arith.mulf %mul3A_477, %mul3A_475 : f32
      %mul3A_479 = arith.mulf %mul3A_478, %mul3A_475 : f32
      %sub3A_480 = arith.constant 1.500000e+00 : f32
      %sub3A_481 = arith.subf %sub3A_480, %mul3A_479 : f32
      %mul3A_482 = arith.mulf %mul3A_475, %sub3A_481 : f32
      %mul3A_483 = arith.constant 5.000000e-01 : f32
      %mul3A_484 = arith.mulf %mul3A_483, %add3A_462 : f32
      %mul3A_485 = arith.mulf %mul3A_484, %mul3A_482 : f32
      %mul3A_486 = arith.mulf %mul3A_485, %mul3A_482 : f32
      %sub3A_487 = arith.constant 1.500000e+00 : f32
      %sub3A_488 = arith.subf %sub3A_487, %mul3A_486 : f32
      %mul3A_489 = arith.mulf %mul3A_482, %sub3A_488 : f32
      %mul3A_490 = arith.mulf %mul3A_326, %mul3A_378 : f32
      %mul3A_491 = arith.mulf %mul3A_332, %mul3A_415 : f32
      %mul3A_492 = arith.mulf %mul3A_338, %mul3A_452 : f32
      %mul3A_493 = arith.mulf %mul3A_344, %mul3A_489 : f32
      %parallel_loop3A_494 = arith.constant 0 : i32
      %parallel_loop3A_495 = arith.constant 48 : i32
      %parallel_loop3A_496 = arith.constant 1 : i32
      scf.for %parallel_loop3A_498 = %parallel_loop3A_494 to %parallel_loop3A_495 step %parallel_loop3A_496  : i32 {
        %parallel_loop3A_499 = arith.constant 16 : i32
        %parallel_loop3A_500 = arith.muli %parallel_loop3A_498, %parallel_loop3A_499 : i32
        %parallel_loop3A_501 = arith.index_cast %parallel_loop3A_500 : i32 to index
        %parallel_loop3A_502 = tpu.vector_load %arg15[%parallel_loop3A_501] {strides = array<i32>} : memref<768xf32, #tpu.memory_space<vmem>>, vector<16xf32>,
        %parallel_loop3A_503 = arith.index_cast %parallel_loop3A_500 : i32 to index
        %parallel_loop3A_504 = tpu.vector_load %arg16[%parallel_loop3A_503] {strides = array<i32>} : memref<768xf32, #tpu.memory_space<vmem>>, vector<16xf32>,
        %parallel_loop3A_505 = arith.index_cast %add3A_279 : i32 to index
        %parallel_loop3A_506 = arith.index_cast %parallel_loop3A_500 : i32 to index
        %parallel_loop3A_507 = tpu.vector_load %arg12[%parallel_loop3A_505, %parallel_loop3A_506] {strides = array<i32>} : memref<64x768xf32, #tpu.memory_space<vmem>>, vector<16xf32>,
        %parallel_loop3A_508 = vector.broadcast %mul3A_378 : f32 to vector<16xf32>
        %parallel_loop3A_509 = arith.mulf %parallel_loop3A_507, %parallel_loop3A_508 : vector<16xf32>
        %parallel_loop3A_510 = vector.broadcast %mul3A_490 : f32 to vector<16xf32>
        %parallel_loop3A_511 = arith.subf %parallel_loop3A_509, %parallel_loop3A_510 : vector<16xf32>
        %parallel_loop3A_512 = arith.mulf %parallel_loop3A_511, %parallel_loop3A_502 : vector<16xf32>
        %parallel_loop3A_513 = arith.addf %parallel_loop3A_512, %parallel_loop3A_504 : vector<16xf32>
        %parallel_loop3A_514 = arith.index_cast %add3A_279 : i32 to index
        %parallel_loop3A_515 = arith.index_cast %parallel_loop3A_500 : i32 to index
        %parallel_loop3A_516 = tpu.vector_load %arg12[%parallel_loop3A_514, %parallel_loop3A_515] {strides = array<i32>} : memref<64x768xf32, #tpu.memory_space<vmem>>, vector<16xf32>,
        tpu.vector_store %arg12[%parallel_loop3A_514, %parallel_loop3A_515], %parallel_loop3A_513 {strides = array<i32>} : memref<64x768xf32, #tpu.memory_space<vmem>>, vector<16xf32>,
        %parallel_loop3A_517 = arith.index_cast %add3A_281 : i32 to index
        %parallel_loop3A_518 = arith.index_cast %parallel_loop3A_500 : i32 to index
        %parallel_loop3A_519 = tpu.vector_load %arg12[%parallel_loop3A_517, %parallel_loop3A_518] {strides = array<i32>} : memref<64x768xf32, #tpu.memory_space<vmem>>, vector<16xf32>,
        %parallel_loop3A_520 = vector.broadcast %mul3A_415 : f32 to vector<16xf32>
        %parallel_loop3A_521 = arith.mulf %parallel_loop3A_519, %parallel_loop3A_520 : vector<16xf32>
        %parallel_loop3A_522 = vector.broadcast %mul3A_491 : f32 to vector<16xf32>
        %parallel_loop3A_523 = arith.subf %parallel_loop3A_521, %parallel_loop3A_522 : vector<16xf32>
        %parallel_loop3A_524 = arith.mulf %parallel_loop3A_523, %parallel_loop3A_502 : vector<16xf32>
        %parallel_loop3A_525 = arith.addf %parallel_loop3A_524, %parallel_loop3A_504 : vector<16xf32>
        %parallel_loop3A_526 = arith.index_cast %add3A_281 : i32 to index
        %parallel_loop3A_527 = arith.index_cast %parallel_loop3A_500 : i32 to index
        %parallel_loop3A_528 = tpu.vector_load %arg12[%parallel_loop3A_526, %parallel_loop3A_527] {strides = array<i32>} : memref<64x768xf32, #tpu.memory_space<vmem>>, vector<16xf32>,
        tpu.vector_store %arg12[%parallel_loop3A_526, %parallel_loop3A_527], %parallel_loop3A_525 {strides = array<i32>} : memref<64x768xf32, #tpu.memory_space<vmem>>, vector<16xf32>,
        %parallel_loop3A_529 = arith.index_cast %add3A_283 : i32 to index
        %parallel_loop3A_530 = arith.index_cast %parallel_loop3A_500 : i32 to index
        %parallel_loop3A_531 = tpu.vector_load %arg12[%parallel_loop3A_529, %parallel_loop3A_530] {strides = array<i32>} : memref<64x768xf32, #tpu.memory_space<vmem>>, vector<16xf32>,
        %parallel_loop3A_532 = vector.broadcast %mul3A_452 : f32 to vector<16xf32>
        %parallel_loop3A_533 = arith.mulf %parallel_loop3A_531, %parallel_loop3A_532 : vector<16xf32>
        %parallel_loop3A_534 = vector.broadcast %mul3A_492 : f32 to vector<16xf32>
        %parallel_loop3A_535 = arith.subf %parallel_loop3A_533, %parallel_loop3A_534 : vector<16xf32>
        %parallel_loop3A_536 = arith.mulf %parallel_loop3A_535, %parallel_loop3A_502 : vector<16xf32>
        %parallel_loop3A_537 = arith.addf %parallel_loop3A_536, %parallel_loop3A_504 : vector<16xf32>
        %parallel_loop3A_538 = arith.index_cast %add3A_283 : i32 to index
        %parallel_loop3A_539 = arith.index_cast %parallel_loop3A_500 : i32 to index
        %parallel_loop3A_540 = tpu.vector_load %arg12[%parallel_loop3A_538, %parallel_loop3A_539] {strides = array<i32>} : memref<64x768xf32, #tpu.memory_space<vmem>>, vector<16xf32>,
        tpu.vector_store %arg12[%parallel_loop3A_538, %parallel_loop3A_539], %parallel_loop3A_537 {strides = array<i32>} : memref<64x768xf32, #tpu.memory_space<vmem>>, vector<16xf32>,
        %parallel_loop3A_541 = arith.index_cast %add3A_285 : i32 to index
        %parallel_loop3A_542 = arith.index_cast %parallel_loop3A_500 : i32 to index
        %parallel_loop3A_543 = tpu.vector_load %arg12[%parallel_loop3A_541, %parallel_loop3A_542] {strides = array<i32>} : memref<64x768xf32, #tpu.memory_space<vmem>>, vector<16xf32>,
        %parallel_loop3A_544 = vector.broadcast %mul3A_489 : f32 to vector<16xf32>
        %parallel_loop3A_545 = arith.mulf %parallel_loop3A_543, %parallel_loop3A_544 : vector<16xf32>
        %parallel_loop3A_546 = vector.broadcast %mul3A_493 : f32 to vector<16xf32>
        %parallel_loop3A_547 = arith.subf %parallel_loop3A_545, %parallel_loop3A_546 : vector<16xf32>
        %parallel_loop3A_548 = arith.mulf %parallel_loop3A_547, %parallel_loop3A_502 : vector<16xf32>
        %parallel_loop3A_549 = arith.addf %parallel_loop3A_548, %parallel_loop3A_504 : vector<16xf32>
        %parallel_loop3A_550 = arith.index_cast %add3A_285 : i32 to index
        %parallel_loop3A_551 = arith.index_cast %parallel_loop3A_500 : i32 to index
        %parallel_loop3A_552 = tpu.vector_load %arg12[%parallel_loop3A_550, %parallel_loop3A_551] {strides = array<i32>} : memref<64x768xf32, #tpu.memory_space<vmem>>, vector<16xf32>,
        tpu.vector_store %arg12[%parallel_loop3A_550, %parallel_loop3A_551], %parallel_loop3A_549 {strides = array<i32>} : memref<64x768xf32, #tpu.memory_space<vmem>>, vector<16xf32>,
      } {sc.loop_unroll_factor = 4 : i64, sc.parallel_access}
      %scan3A_497 = arith.constant 0 : i32
      scf.yield %scan3A_497 : i32
    }
    %scan3A_207 = arith.constant 4 : i32
    %add3A_208 = arith.constant 1536 : i32
    %add3A_209 = arith.addi %add3A_208, %mul3A_2 : i32
    %dma_start3A_210 = arith.constant 48 : i32
    %dma_start3A_211 = arith.constant 0 : i32
    %dma_start3A_212 = tpu.memref_slice %arg12[%dma_start3A_210, %dma_start3A_211] : memref<64x768xf32, #tpu.memory_space<vmem>> -> memref<16x768xf32, #tpu.memory_space<vmem>>
    %dma_start3A_213 = arith.constant 0 : i32
    %dma_start3A_214 = tpu.memref_slice %arg9[%add3A_209, %dma_start3A_213] : memref<2048x768xf32, #tpu.memory_space<hbm>> -> memref<16x768xf32, #tpu.memory_space<hbm>>
    %dma_start3A_215 = arith.constant 0 : i32
    %dma_start3A_216 = tpu.memref_slice %arg9[%add3A_209, %dma_start3A_215] : memref<2048x768xf32, #tpu.memory_space<hbm>> -> memref<16x768xf32, #tpu.memory_space<hbm>>
    %dma_start3A_217 = arith.constant 48 : i32
    %dma_start3A_218 = arith.constant 0 : i32
    %dma_start3A_219 = tpu.memref_slice %arg12[%dma_start3A_217, %dma_start3A_218] : memref<64x768xf32, #tpu.memory_space<vmem>> -> memref<16x768xf32, #tpu.memory_space<vmem>>
    tpu.enqueue_dma source(%dma_start3A_219 : memref<16x768xf32, #tpu.memory_space<vmem>>) target(%dma_start3A_216 : memref<16x768xf32, #tpu.memory_space<hbm>>) target_semaphore(%arg18 : memref<!tpu.dma_semaphore, #tpu.memory_space<semaphore_mem>>)
    %dma_wait3A_220 = arith.constant 0 : i32
    %dma_wait3A_221 = arith.constant 0 : i32
    %dma_wait3A_222 = tpu.memref_slice %arg12[%dma_wait3A_220, %dma_wait3A_221] : memref<64x768xf32, #tpu.memory_space<vmem>> -> memref<16x768xf32, #tpu.memory_space<vmem>>
    %dma_wait3A_223 = arith.constant 0 : i32
    %dma_wait3A_224 = tpu.memref_slice %arg9[%add3A_122, %dma_wait3A_223] : memref<2048x768xf32, #tpu.memory_space<hbm>> -> memref<16x768xf32, #tpu.memory_space<hbm>>
    %dma_wait3A_225 = arith.constant 0 : i32
    %dma_wait3A_226 = tpu.memref_slice %arg9[%add3A_122, %dma_wait3A_225] : memref<2048x768xf32, #tpu.memory_space<hbm>> -> memref<16x768xf32, #tpu.memory_space<hbm>>
    %dma_wait3A_227 = arith.constant 0 : i32
    %dma_wait3A_228 = arith.constant 0 : i32
    %dma_wait3A_229 = tpu.memref_slice %arg12[%dma_wait3A_227, %dma_wait3A_228] : memref<64x768xf32, #tpu.memory_space<vmem>> -> memref<16x768xf32, #tpu.memory_space<vmem>>
    tpu.wait_dma2 semaphore(%arg18 : memref<!tpu.dma_semaphore, #tpu.memory_space<semaphore_mem>>) src(%dma_wait3A_229 : memref<16x768xf32, #tpu.memory_space<vmem>>) dst(%dma_wait3A_226 : memref<16x768xf32, #tpu.memory_space<hbm>>)
    %dma_wait3A_230 = arith.constant 16 : i32
    %dma_wait3A_231 = arith.constant 0 : i32
    %dma_wait3A_232 = tpu.memref_slice %arg12[%dma_wait3A_230, %dma_wait3A_231] : memref<64x768xf32, #tpu.memory_space<vmem>> -> memref<16x768xf32, #tpu.memory_space<vmem>>
    %dma_wait3A_233 = arith.constant 0 : i32
    %dma_wait3A_234 = tpu.memref_slice %arg9[%add3A_151, %dma_wait3A_233] : memref<2048x768xf32, #tpu.memory_space<hbm>> -> memref<16x768xf32, #tpu.memory_space<hbm>>
    %dma_wait3A_235 = arith.constant 0 : i32
    %dma_wait3A_236 = tpu.memref_slice %arg9[%add3A_151, %dma_wait3A_235] : memref<2048x768xf32, #tpu.memory_space<hbm>> -> memref<16x768xf32, #tpu.memory_space<hbm>>
    %dma_wait3A_237 = arith.constant 16 : i32
    %dma_wait3A_238 = arith.constant 0 : i32
    %dma_wait3A_239 = tpu.memref_slice %arg12[%dma_wait3A_237, %dma_wait3A_238] : memref<64x768xf32, #tpu.memory_space<vmem>> -> memref<16x768xf32, #tpu.memory_space<vmem>>
    tpu.wait_dma2 semaphore(%arg18 : memref<!tpu.dma_semaphore, #tpu.memory_space<semaphore_mem>>) src(%dma_wait3A_239 : memref<16x768xf32, #tpu.memory_space<vmem>>) dst(%dma_wait3A_236 : memref<16x768xf32, #tpu.memory_space<hbm>>)
    %dma_wait3A_240 = arith.constant 32 : i32
    %dma_wait3A_241 = arith.constant 0 : i32
    %dma_wait3A_242 = tpu.memref_slice %arg12[%dma_wait3A_240, %dma_wait3A_241] : memref<64x768xf32, #tpu.memory_space<vmem>> -> memref<16x768xf32, #tpu.memory_space<vmem>>
    %dma_wait3A_243 = arith.constant 0 : i32
    %dma_wait3A_244 = tpu.memref_slice %arg9[%add3A_180, %dma_wait3A_243] : memref<2048x768xf32, #tpu.memory_space<hbm>> -> memref<16x768xf32, #tpu.memory_space<hbm>>
    %dma_wait3A_245 = arith.constant 0 : i32
    %dma_wait3A_246 = tpu.memref_slice %arg9[%add3A_180, %dma_wait3A_245] : memref<2048x768xf32, #tpu.memory_space<hbm>> -> memref<16x768xf32, #tpu.memory_space<hbm>>
    %dma_wait3A_247 = arith.constant 32 : i32
    %dma_wait3A_248 = arith.constant 0 : i32
    %dma_wait3A_249 = tpu.memref_slice %arg12[%dma_wait3A_247, %dma_wait3A_248] : memref<64x768xf32, #tpu.memory_space<vmem>> -> memref<16x768xf32, #tpu.memory_space<vmem>>
    tpu.wait_dma2 semaphore(%arg18 : memref<!tpu.dma_semaphore, #tpu.memory_space<semaphore_mem>>) src(%dma_wait3A_249 : memref<16x768xf32, #tpu.memory_space<vmem>>) dst(%dma_wait3A_246 : memref<16x768xf32, #tpu.memory_space<hbm>>)
    %dma_wait3A_250 = arith.constant 48 : i32
    %dma_wait3A_251 = arith.constant 0 : i32
    %dma_wait3A_252 = tpu.memref_slice %arg12[%dma_wait3A_250, %dma_wait3A_251] : memref<64x768xf32, #tpu.memory_space<vmem>> -> memref<16x768xf32, #tpu.memory_space<vmem>>
    %dma_wait3A_253 = arith.constant 0 : i32
    %dma_wait3A_254 = tpu.memref_slice %arg9[%add3A_209, %dma_wait3A_253] : memref<2048x768xf32, #tpu.memory_space<hbm>> -> memref<16x768xf32, #tpu.memory_space<hbm>>
    %dma_wait3A_255 = arith.constant 0 : i32
    %dma_wait3A_256 = tpu.memref_slice %arg9[%add3A_209, %dma_wait3A_255] : memref<2048x768xf32, #tpu.memory_space<hbm>> -> memref<16x768xf32, #tpu.memory_space<hbm>>
    %dma_wait3A_257 = arith.constant 48 : i32
    %dma_wait3A_258 = arith.constant 0 : i32
    %dma_wait3A_259 = tpu.memref_slice %arg12[%dma_wait3A_257, %dma_wait3A_258] : memref<64x768xf32, #tpu.memory_space<vmem>> -> memref<16x768xf32, #tpu.memory_space<vmem>>
    tpu.wait_dma2 semaphore(%arg18 : memref<!tpu.dma_semaphore, #tpu.memory_space<semaphore_mem>>) src(%dma_wait3A_259 : memref<16x768xf32, #tpu.memory_space<vmem>>) dst(%dma_wait3A_256 : memref<16x768xf32, #tpu.memory_space<hbm>>)
    return
  }
}

</mosaic_0001>

<sc_bundles>
// kernel: kernel.3.cloned.1.call-start
scs
__scs_entry_jumppad:
0x0: {  	(pc) =	sbr.rel $0x88, $3  }
0x1: {  	(tag) =	ssettag $0x0;
	lr =	simm.s32 $0x1  }
0x2: {  	[smem:$0x3F9A] =	sst lr;
	_ =	strace $0xD0000000  }
0x3: {  	_ = 	snop  }
0x4: {  	_ = 	snop  }
0x5: {  	_ = 	snop  }
0x6: {  	_ = 	snop  }
0x7: {  	_ = 	snop  }
__scs_overlays_trampoline_lowered:
0x8: {  	[smem:$0x3FA9] =	sst s0  }
0x9: {  	[smem:$0x3FAA] =	sst s1  }
0xa: {  	[smem:$0x3FAB] =	sst s2  }
0xb: {  	[smem:$0x3FAC] =	sst s3  }
0xc: {  	[smem:$0x3FAD] =	sst s4  }
0xd: {  	[smem:$0x3FAE] =	sst s5  }
0xe: {  	[smem:$0x3FAF] =	sst s6  }
0xf: {  	[smem:$0x3FB0] =	sst s7  }
0x10: {  	[smem:$0x3FB1] =	sst s8  }
0x11: {  	[smem:$0x3FB2] =	sst s9;
	s0 =	simm.s32 @!p0 $0x0  }
0x12: {  	s1 =	sld [smem:$0x3F98];
	s0 =	simm.s32 @p0 $0x1  }
0x13: {  	[smem:$0x3FB3] =	sst s0;
	s0 =	simm.s32 @!p1 $0x0  }
0x14: {  	s2 =	sld [smem:$0x3F97];
	s0 =	simm.s32 @p1 $0x1  }
0x15: {  	[smem:$0x3FB4] =	sst s0;
	s0 =	simm.s32 @!p2 $0x0  }
0x16: {  	s3 =	sld [smem:$0x3FDB];
	s0 =	simm.s32 @p2 $0x1  }
0x17: {  	s4 =	simm.s32 $0x1BF5;
	[smem:$0x3FB6] =	sst s0  }
0x18: {  	s0 =	sld [smem:$0x3F99];
	_ =	swait.ge [sflag:s4], $0x0  }
0x19: {  	s7 =	sld [smem:$0x3F9A]  }
0x1a: {  	s8 =	sadd.s32 $0xFFFFE003, lr  }
0x1b: {  	s9 =	sadd.s32 $0xFFFFFEF7, lr;
	s5 =	simm.s32 $0xFFFFFFFF;
	p2 =	slt.u32 s8, $0xFFFFF086  }
0x1c: {  	p1 =	slt.u32 s9, $0xF7A;
	s5 =	simm.s32 @!p2 $0x0  }
0x1d: {  	s5 =	simm.s32 @p1 $0x1;
	p0 =	seq.s32 s7, s2  }
0x1e: {  	s7 =	smul.u32 @!p0 $0xF7A, s2;
	p2 =	seq.s32 @!p0 s5, $0x0  }
0x1f: {  	s9 =	smul.u32 $0xF7A, s1;
	s8 =	simm.s32 @!p0 $0x1BF5;
	p2 =	por !p2, p0  }
0x20: {  	[sflag:s8] =	ssyncset.s32 @!p0 $0xFFFFF086;
	s6 =	sadd.s32 @!p0 s3, s7;
	s7 =	simm.s32 @!p0 $0x108  }
0x21: {  	s3 =	sadd.s32 s3, s9;
	s6 =	sadd.s32 @!p0 $0x88, s6;
	s7 =	simm.s32 @p2 $0x1082  }
0x22: {  	[simem:s7], [sflag:s8] =	dma.local @!p0 [hbm:s6], $0xF7A  }
0x23: {  	s9 =	sor.u32 $0xD0000000, s2;
	s6 =	simm.s32 $0x108;
	_ =	swait.ge @!p0 [sflag:s8], $0x0  }
0x24: {  	s3 =	sadd.s32 $0x88, s3;
	s6 =	simm.s32 @!p1 $0x1082;
	[sflag:s4] =	ssyncset.s32 $0xFFFFF086  }
0x25: {  	[simem:s6], [sflag:s4] =	dma.local [hbm:s3], $0xF7A  }
0x26: {  	[smem:$0x3F9A] =	sst s1;
	(tag) =	ssettag s2;
	_ =	strace s9  }
0x27: {  	s1 =	sld [smem:$0x3FAA]  }
0x28: {  	s2 =	sld [smem:$0x3FAB]  }
0x29: {  	s4 =	sld [smem:$0x3FAD]  }
0x2a: {  	p0 =	seq.s32 s5, $0x0;
	s5 =	sld [smem:$0x3FAE]  }
0x2b: {  	s6 =	sld [smem:$0x3FAF]  }
0x2c: {  	s7 =	sld [smem:$0x3FB0]  }
0x2d: {  	s3 =	simm.s32 $0x108;
	s8 =	sld [smem:$0x3FB1]  }
0x2e: {  	s3 =	simm.s32 @!p0 $0x1082;
	s9 =	sld [smem:$0x3FB2]  }
0x2f: {  	lr =	sadd.s32 s0, s3;
	s0 =	sld [smem:$0x3FA9]  }
0x30: {  	s3 =	sld [smem:$0x3FAC]  }
0x31: {  	[smem:$0x3FB5] =	sst s10  }
0x32: {  	s10 =	sld [smem:$0x3FB3];
	_ =	sdelay $0x3  }
0x33: {  	p0 =	seq.s32 s10, $0x1;
	s10 =	sld [smem:$0x3FB5];
	_ =	sdelay $0x3  }
0x34: {  	[smem:$0x3FB5] =	sst s10  }
0x35: {  	s10 =	sld [smem:$0x3FB4];
	_ =	sdelay $0x3  }
0x36: {  	p1 =	seq.s32 s10, $0x1;
	s10 =	sld [smem:$0x3FB5];
	_ =	sdelay $0x3  }
0x37: {  	[smem:$0x3FB5] =	sst s10  }
0x38: {  	s10 =	sld [smem:$0x3FB6]  }
0x39: {  	_ = 	snop;
	(pc) =	sbr.ind lr, $3  }
0x3a: {  	_ = 	snop  }
0x3b: {  	_ = 	snop  }
0x3c: {  	p2 =	seq.s32 s10, $0x1;
	s10 =	sld [smem:$0x3FB5]  }
0x3d: {  	_ =	shalt  }
0x3e: {  	_ =	shalt  }
0x3f: {  	_ =	shalt  }
0x40: {  	_ =	shalt  }
0x41: {  	_ =	shalt  }
0x42: {  	_ =	shalt  }
0x43: {  	_ =	shalt  }
0x44: {  	_ =	shalt  }
0x45: {  	_ =	shalt  }
0x46: {  	_ =	shalt  }
0x47: {  	_ =	shalt  }
0x48: {  	_ =	shalt  }
0x49: {  	_ =	shalt  }
0x4a: {  	_ =	shalt  }
0x4b: {  	_ =	shalt  }
0x4c: {  	_ =	shalt  }
0x4d: {  	_ =	shalt  }
0x4e: {  	_ =	shalt  }
0x4f: {  	_ =	shalt  }
0x50: {  	_ =	shalt  }
0x51: {  	_ =	shalt  }
0x52: {  	_ =	shalt  }
0x53: {  	_ =	shalt  }
0x54: {  	_ =	shalt  }
0x55: {  	_ =	shalt  }
0x56: {  	_ =	shalt  }
0x57: {  	_ =	shalt  }
0x58: {  	_ =	shalt  }
0x59: {  	_ =	shalt  }
0x5a: {  	_ =	shalt  }
0x5b: {  	_ =	shalt  }
0x5c: {  	_ =	shalt  }
0x5d: {  	_ =	shalt  }
0x5e: {  	_ =	shalt  }
0x5f: {  	_ =	shalt  }
0x60: {  	_ =	shalt  }
0x61: {  	_ =	shalt  }
0x62: {  	_ =	shalt  }
0x63: {  	_ =	shalt  }
0x64: {  	_ =	shalt  }
0x65: {  	_ =	shalt  }
0x66: {  	_ =	shalt  }
0x67: {  	_ =	shalt  }
0x68: {  	_ =	shalt  }
0x69: {  	_ =	shalt  }
0x6a: {  	_ =	shalt  }
0x6b: {  	_ =	shalt  }
0x6c: {  	_ =	shalt  }
0x6d: {  	_ =	shalt  }
0x6e: {  	_ =	shalt  }
0x6f: {  	_ =	shalt  }
0x70: {  	_ =	shalt  }
0x71: {  	_ =	shalt  }
0x72: {  	_ =	shalt  }
0x73: {  	_ =	shalt  }
0x74: {  	_ =	shalt  }
0x75: {  	_ =	shalt  }
0x76: {  	_ =	shalt  }
0x77: {  	_ =	shalt  }
0x78: {  	_ =	shalt  }
0x79: {  	_ =	shalt  }
0x7a: {  	_ =	shalt  }
0x7b: {  	_ =	shalt  }
0x7c: {  	_ =	shalt  }
0x7d: {  	_ =	shalt  }
0x7e: {  	_ =	shalt  }
0x7f: {  	_ =	shalt  }
0x80: {  	_ =	shalt  }
0x81: {  	_ =	shalt  }
0x82: {  	_ =	shalt  }
0x83: {  	_ =	shalt  }
0x84: {  	_ =	shalt  }
0x85: {  	_ =	shalt  }
0x86: {  	_ =	shalt  }
0x87: {  	_ =	shalt  }
.Lfunc_end0:
.L_simem_size_0:
called_computation_lowered:
.L_overlay_start_0:
0x88: {  	s2 =	sld [smem:$0x3FD9]  }
0x89: {  	s3 =	sld [smem:$0x3FFE];
	_ =	sdelay $0x1  }
0x8a: {  	s1 =	srdreg.scid  }
0x8b: {  	s0 =	sand.u32 $0x1, s1  }
0x8c: {  	s17 =	sshll.u32 s0, $0xA;
	s2 =	sadd.s32 s3, s2  }
0x8d: {  	s2 =	sadd.s32 s2, s17  }
0x8e: {  	[smem:$0x3FC1] =	sst s2  }
0x8f: {  	_ = 	snop  }
0x90: {  	s2 =	sld [smem:$0x3FC7]  }
0x91: {  	s18 =	sld [smem:$0x3FC6]  }
0x92: {  	s4 =	sld [smem:$0x3FC5]  }
0x93: {  	s5 =	sld [smem:$0x3FC4]  }
0x94: {  	s6 =	sld [smem:$0x3FC3]  }
0x95: {  	s7 =	sld [smem:$0x3FD0];
	(tm) =	ssettm $0x1  }
0x96: {  	s8 =	sld [smem:$0x3FFB];
	_ =	sdelay $0x3  }
0x97: {  	_ =	strace s8  }
0x98: {  	s8 =	sld [smem:$0x3FFC];
	_ =	sdelay $0x3  }
0x99: {  	_ =	strace s8  }
0x9a: {  	s8 =	sld [smem:$0x3FFD];
	_ =	sdelay $0x3  }
0x9b: {  	_ =	strace s8  }
0x9c: {  	_ =	strace $0x8FFFFFFF  }
0x9d: {  	s19 =	sld [smem:$0x3FDB];
	_ =	sdelay $0x1  }
0x9e: {  	s9 =	simm.s32 $_scs_section_size  }
0x9f: {  	s10 =	simm.s32 $_size__tile_overlayer_lowered;
	s11 =	simm.s32 $_tile_overlayer_lowered  }
0xa0: {  	s22 =	simm.s32 $0x1BFF;
	s21 =	sshll.u32 s11, $0x1;
	s8 =	sadd.s32 s9, s19  }
0xa1: {  	s12 =	simm.s32 $0x0;
	s20 =	sshll.u32 s10, $0x1;
	s10 =	sadd.s32 s21, s8  }
0xa2: {  	[timem:s12], [sflag:s22] =	dma.local [hbm:s10], s20  }
0xa3: {  	_ =	swait.ge [sflag:s22], s20  }
0xa4: {  	s9 =	ssub.s32 $0x0, s20;
	[sflag:s22] =	ssyncset.done $0x0  }
0xa5: {  	[sflag:s22] =	ssyncadd.s32 s9;
	_ =	sdelay $0x1  }
0xa6: {  	s23 =	simm.s32 $0x1B8B  }
0xa7: {  	_ =	swait.ge [sflag:s23], $0x1  }
0xa8: {  	[sflag:s23] =	ssyncset.done $0x0  }
0xa9: {  	s25 =	simm.s32 $0x1B8E;
	s24 =	sld [smem:$0x3FFE];
	[sflag:s23] =	ssyncadd.s32 $0xFFFFFFFF  }
0xaa: {  	s26 =	simm.s32 $execute0_lowered;
	[smem:$0x3FD2] =	sst s25  }
0xab: {  	s10 =	sshll.u32 s26, $0x1;
	_ =	strace $0x80000046;
	[dreg:$0x1] =	wrdreg $0xFFFFFFFF  }
0xac: {  	s28 =	simm.s32 $_size_execute0_lowered;
	s8 =	sadd.s32 s8, s10;
	[dreg:$0x0] =	wrdreg $0x0  }
0xad: {  	s10 =	sshll.u32 s28, $0x1;
	[dreg:$0x2] =	wrdreg s8  }
0xae: {  	[dreg:$0x3] =	wrdreg s10  }
0xaf: {  	[dreg:$0x4] =	wrdreg $0xC0  }
0xb0: {  	_ =	task [dreg:s12], $0x5FFFF  }
0xb1: {  	[dreg:$0x1] =	wrdreg $0xFFFFFFFF  }
0xb2: {  	[dreg:$0x0] =	wrdreg $0x60  }
0xb3: {  	[dreg:$0x2] =	wrdreg s24  }
0xb4: {  	[dreg:$0x3] =	wrdreg s2  }
0xb5: {  	[dreg:$0x4] =	wrdreg s18  }
0xb6: {  	[dreg:$0x5] =	wrdreg s4  }
0xb7: {  	[dreg:$0x6] =	wrdreg s5  }
0xb8: {  	[dreg:$0x7] =	wrdreg s6  }
0xb9: {  	[dreg:$0x8] =	wrdreg s7  }
0xba: {  	[dreg:$0x9] =	wrdreg $0x9  }
0xbb: {  	_ =	task.clear_ibuf [dreg:s12], $0xAFFFF;
	_ =	strace $0x90000046  }
0xbc: {  	s29 =	simm.s32 $0x9;
	_ =	strace $0x80000048  }
0xbd: {  	_ =	swait.ge [sflag:s29], $0x1  }
0xbe: {  	[sflag:s29] =	ssyncadd.s32 $0xFFFFFFFF  }
0xbf: {  	_ =	strace $0x90000048  }
0xc0: {  	_ =	sfence  }
0xc1: {  	s30 =	sld [smem:$0x0];
	_ =	sdelay $0x2  }
0xc2: {  	s31 =	sshll.u32 s1, $0xD;
	s1 =	sshrl.u32 s1, $0x2  }
0xc3: {  	s3 =	sand.u32 $0x4000, s31;
	s1 =	sadd.s32 s1, s30  }
0xc4: {  	s0 =	sor.u32 s3, s0;
	s1 =	sshll.u32 s1, $0x11  }
0xc5: {  	s0 =	sor.u32 s1, s0  }
0xc6: {  	s0 =	sadd.s32 $0x8F2B, s0  }
0xc7: {  	[sflag:s0] =	ssyncadd.remote.s32 $0x1  }
0xc8: {  	_ =	sfence.sel $0xFFFF  }
0xc9: {  	[dreg:$0x0] =	wrdreg $0xFFFFFFFF;
	(pc) =	sbr.abs _section_cstart, $3  }
0xca: {  	[dreg:$0x1] =	wrdreg $0xFFFFFFFF  }
0xcb: {  	_ =	task.clear_ibuf [dreg:s12], $0x2FFFF;
	_ =	strace $0x9FFFFFFF  }
0xcc: {  	(tm) =	ssettm $0x7FFFFFFF  }
0xcd: {  	_ =	shalt  }
tec
execute0_lowered:
.L_overlay_start_1:
0x0: {  	(tag) =	ssettag $0x1  }
0x1: {  	s0 =	rddreg [dreg:$0x0]  }
0x2: {  	s9 =	rddreg [dreg:$0x1]  }
0x3: {  	s1 =	rddreg [dreg:$0x2]  }
0x4: {  	s2 =	rddreg [dreg:$0x6];
	s10 =	simm.s32 $0x0;
	s3 =	srdreg.scid  }
0x5: {  	s7 =	stileid.u32;
	[smem:$0x7FF] =	sst s10;
	s3 =	sand.u32 $0x1, s3  }
0x6: {  	s4 =	sadd.s32 $0x400, s0;
	s7 =	sshll.u32 s7, $0x2;
	s20 =	sadd.s32 $0x100, s9  }
0x7: {  	s9 =	sadd.s32 $0x200, s9;
	s5 =	ssub.s32 $0x2, s3;
	s3 =	sshll.u32 s3, $0x1  }
0x8: {  	_ =	strace $0x80000047;
	[smem:$0x7F2] =	sst s20;
	s3 =	sor.u32 s3, s7  }
0x9: {  	s0 =	sadd.s32 $0x600, s0;
	[smem:$0x7F3] =	sst s9;
	s16 =	sadd.s32 s4, s3  }
0xa: {  	s17 =	sor.u32 $0x40, s3;
	s7 =	sor.u32 $0x80, s3;
	s19 =	sor.u32 $0xC0, s3  }
0xb: {  	s21 =	smul.u32 $0x300, s3;
	s3 =	sadd.s32 s0, s3;
	[smem:$0x7EE] =	sst s16  }
0xc: {  	s8 =	sadd.s32 s4, s17;
	[smem:$0x7F4] =	sst s3  }
0xd: {  	s18 =	sadd.s32 s4, s7;
	[smem:$0x7EF] =	sst s8  }
0xe: {  	s6 =	sshrl.u32 s5, $0x1;
	s4 =	sadd.s32 s4, s19;
	[smem:$0x7F0] =	sst s18  }
0xf: {  	s5 =	ssub.s32 s5, s6;
	s6 =	sadd.s32 s0, s17;
	[smem:$0x7F1] =	sst s4  }
0x10: {  	s23 =	sadd.s32 s0, s7;
	[smem:$0x7F5] =	sst s6  }
0x11: {  	s0 =	sadd.s32 s0, s19;
	[smem:$0x7F6] =	sst s23  }
0x12: {  	s31 =	smax.u32 s5, $0x1;
	[smem:$0x7F7] =	sst s0  }
0x13: {  	s22 =	smul.u32 $0x300, s17;
	s25 =	sadd.s32 s1, s21;
	[smem:$0x7FD] =	sst s31  }
0x14: {  	s24 =	smul.u32 $0x300, s7;
	s28 =	sadd.s32 s2, s21;
	[smem:$0x7F8] =	sst s25  }
0x15: {  	s26 =	smul.u32 $0x300, s19;
	[smem:$0x7F9] =	sst s28;
	s29 =	sadd.s32 s2, s22  }
0x16: {  	v0 =	vlaneseq.u32;
	s30 =	sadd.s32 s2, s24;
	[smem:$0x7FA] =	sst s29  }
0x17: {  	vm0 =	vmmov $0xffff;
	v2 =	vshrl.u32 v0, $0x3;
	s3 =	simm.s32 $0x2;
	s0 =	sadd.s32 s2, s26;
	[smem:$0x7FB] =	sst s30  }
0x18: {  	v1 =	vand.u32 $0x7, v0;
	v3 =	vor.u32 $0x8, v0;
	v2 =	vmul.u32 $0x8, v2;
	s5 =	simm.s32 $0x9100;
	s1 =	simm.s32 $0x0;
	[smem:$0x7FC] =	sst s0  }
.LBB2_1:
0x19: {  	s0 =	sld [smem:$0x7EE];
	_ =	sdelay $0x1  }
0x1a: {  	s6 =	sld [smem:$0x7EF]  }
0x1b: {  	[tilespmem:s10], [sflag:$0x2] =	stream.linear.gather [hbm4b:s0+s10], $0x10, $0x38;
	[tilespmem:$0x12D00] =	vst v63  }
0x1c: {  	s7 =	simm.s32 $0x10;
	s8 =	sld [smem:$0x7F0]  }
0x1d: {  	[tilespmem:s7], [sflag:$0x2] =	stream.linear.gather [hbm4b:s6+s10], $0x10, $0x38;
	[tilespmem:$0x12D00] =	vst v63  }
0x1e: {  	s9 =	simm.s32 $0x20;
	s11 =	sld [smem:$0x7F1]  }
0x1f: {  	[tilespmem:s9], [sflag:$0x2] =	stream.linear.gather [hbm4b:s8+s10], $0x10, $0x38;
	[tilespmem:$0x12D00] =	vst v63  }
0x20: {  	[smem:$0x7ED] =	sst s1;
	s12 =	simm.s32 $0x30  }
0x21: {  	[tilespmem:s12], [sflag:$0x2] =	stream.linear.gather [hbm4b:s11+s10], $0x10, $0x38;
	[tilespmem:$0x12D00] =	vst v63  }
0x22: {  	_ =	swait.ge [sflag:s3], $0x10  }
0x23: {  	[sflag:s3] =	ssyncset.done $0x0  }
0x24: {  	[sflag:s3] =	ssyncadd.s32 $0xFFFFFFF0  }
0x25: {  	v4 =	vld [tilespmem:$0x0];
	_ =	sdelay $0x4  }
0x26: {  	v5 =	vshrl.u32 v4, $0x3  }
0x27: {  	v5 =	vmul.u32 $0x30, v5  }
0x28: {  	v4 =	vand.u32 $0x7, v4  }
0x29: {  	v4 =	vor.u32 v4, v5  }
0x2a: {  	v5 =	vperm.xlane v4, v1;
	_ =	sdelay $0x1  }
0x2b: {  	v5 =	vadd.s32 v2, v5;
	_ =	sdelay $0x2  }
0x2c: {  	s15 =	sld [smem:$0x7F2]  }
0x2d: {  	s14 =	simm.s32 $0x100;
	s13 =	rddreg [dreg:$0x1];
	v4 =	vperm.xlane v4, v3  }
0x2e: {  	[tilespmem:s14], [sflag:$0x1] =	stream.indirect_vreg.gather [hbm4b:s13+s10], $0x80, v5, vm0, $0xb8;
	[tilespmem:$0x12D00] =	vst v63  }
0x2f: {  	s2 =	simm.s32 $0x900;
	s16 =	sld [smem:$0x7F3];
	v4 =	vadd.s32 v2, v4  }
0x30: {  	[tilespmem:s2], [sflag:$0x1] =	stream.indirect_vreg.gather [hbm4b:s15+s10], $0x80, v5, vm0, $0xb8;
	[tilespmem:$0x12D00] =	vst v63  }
0x31: {  	s4 =	simm.s32 $0x1100  }
0x32: {  	[tilespmem:s4], [sflag:$0x1] =	stream.indirect_vreg.gather [hbm4b:s16+s10], $0x80, v5, vm0, $0xb8;
	[tilespmem:$0x12D00] =	vst v63  }
0x33: {  	s17 =	simm.s32 $0x1900  }
0x34: {  	[tilespmem:s17], [sflag:$0x1] =	stream.indirect_vreg.gather [hbm4b:s13+s10], $0x80, v4, vm0, $0xb8;
	[tilespmem:$0x12D00] =	vst v63  }
0x35: {  	s18 =	simm.s32 $0x2100  }
0x36: {  	[tilespmem:s18], [sflag:$0x1] =	stream.indirect_vreg.gather [hbm4b:s15+s10], $0x80, v4, vm0, $0xb8;
	[tilespmem:$0x12D00] =	vst v63  }
0x37: {  	s19 =	simm.s32 $0x2900  }
0x38: {  	[tilespmem:s19], [sflag:$0x1] =	stream.indirect_vreg.gather [hbm4b:s16+s10], $0x80, v4, vm0, $0xb8;
	[tilespmem:$0x12D00] =	vst v63  }
0x39: {  	_ =	swait.ge [sflag:s3], $0x10  }
0x3a: {  	[sflag:s3] =	ssyncset.done $0x0  }
0x3b: {  	[sflag:s3] =	ssyncadd.s32 $0xFFFFFFF0  }
0x3c: {  	v4 =	vld [tilespmem:$0x10];
	_ =	sdelay $0x4  }
0x3d: {  	v5 =	vshrl.u32 v4, $0x3  }
0x3e: {  	v5 =	vmul.u32 $0x30, v5  }
0x3f: {  	v4 =	vand.u32 $0x7, v4  }
0x40: {  	v4 =	vor.u32 v4, v5  }
0x41: {  	v5 =	vperm.xlane v4, v1;
	_ =	sdelay $0x1  }
0x42: {  	v5 =	vadd.s32 v2, v5;
	_ =	sdelay $0x3  }
0x43: {  	s20 =	simm.s32 $0x3100;
	v4 =	vperm.xlane v4, v3  }
0x44: {  	[tilespmem:s20], [sflag:$0x1] =	stream.indirect_vreg.gather [hbm4b:s13+s10], $0x80, v5, vm0, $0xb8;
	[tilespmem:$0x12D00] =	vst v63  }
0x45: {  	s21 =	simm.s32 $0x3900;
	v4 =	vadd.s32 v2, v4  }
0x46: {  	[tilespmem:s21], [sflag:$0x1] =	stream.indirect_vreg.gather [hbm4b:s15+s10], $0x80, v5, vm0, $0xb8;
	[tilespmem:$0x12D00] =	vst v63  }
0x47: {  	s22 =	simm.s32 $0x4100  }
0x48: {  	[tilespmem:s22], [sflag:$0x1] =	stream.indirect_vreg.gather [hbm4b:s16+s10], $0x80, v5, vm0, $0xb8;
	[tilespmem:$0x12D00] =	vst v63  }
0x49: {  	s23 =	simm.s32 $0x4900  }
0x4a: {  	[tilespmem:s23], [sflag:$0x1] =	stream.indirect_vreg.gather [hbm4b:s13+s10], $0x80, v4, vm0, $0xb8;
	[tilespmem:$0x12D00] =	vst v63  }
0x4b: {  	s24 =	simm.s32 $0x5100  }
0x4c: {  	[tilespmem:s24], [sflag:$0x1] =	stream.indirect_vreg.gather [hbm4b:s15+s10], $0x80, v4, vm0, $0xb8;
	[tilespmem:$0x12D00] =	vst v63  }
0x4d: {  	s25 =	simm.s32 $0x5900  }
0x4e: {  	[tilespmem:s25], [sflag:$0x1] =	stream.indirect_vreg.gather [hbm4b:s16+s10], $0x80, v4, vm0, $0xb8;
	[tilespmem:$0x12D00] =	vst v63  }
0x4f: {  	_ =	swait.ge [sflag:s3], $0x10  }
0x50: {  	[sflag:s3] =	ssyncset.done $0x0  }
0x51: {  	[sflag:s3] =	ssyncadd.s32 $0xFFFFFFF0  }
0x52: {  	v4 =	vld [tilespmem:$0x20];
	_ =	sdelay $0x4  }
0x53: {  	v5 =	vshrl.u32 v4, $0x3  }
0x54: {  	v5 =	vmul.u32 $0x30, v5  }
0x55: {  	v4 =	vand.u32 $0x7, v4  }
0x56: {  	v4 =	vor.u32 v4, v5  }
0x57: {  	v5 =	vperm.xlane v4, v1;
	_ =	sdelay $0x1  }
0x58: {  	v5 =	vadd.s32 v2, v5;
	_ =	sdelay $0x3  }
0x59: {  	s26 =	simm.s32 $0x6100;
	v4 =	vperm.xlane v4, v3  }
0x5a: {  	[tilespmem:s26], [sflag:$0x1] =	stream.indirect_vreg.gather [hbm4b:s13+s10], $0x80, v5, vm0, $0xb8;
	[tilespmem:$0x12D00] =	vst v63  }
0x5b: {  	s28 =	simm.s32 $0x6900;
	v4 =	vadd.s32 v2, v4  }
0x5c: {  	[tilespmem:s28], [sflag:$0x1] =	stream.indirect_vreg.gather [hbm4b:s15+s10], $0x80, v5, vm0, $0xb8;
	[tilespmem:$0x12D00] =	vst v63  }
0x5d: {  	s29 =	simm.s32 $0x7100  }
0x5e: {  	[tilespmem:s29], [sflag:$0x1] =	stream.indirect_vreg.gather [hbm4b:s16+s10], $0x80, v5, vm0, $0xb8;
	[tilespmem:$0x12D00] =	vst v63  }
0x5f: {  	s30 =	simm.s32 $0x7900  }
0x60: {  	[tilespmem:s30], [sflag:$0x1] =	stream.indirect_vreg.gather [hbm4b:s13+s10], $0x80, v4, vm0, $0xb8;
	[tilespmem:$0x12D00] =	vst v63  }
0x61: {  	s31 =	simm.s32 $0x8100  }
0x62: {  	[tilespmem:s31], [sflag:$0x1] =	stream.indirect_vreg.gather [hbm4b:s15+s10], $0x80, v4, vm0, $0xb8;
	[tilespmem:$0x12D00] =	vst v63  }
0x63: {  	s6 =	simm.s32 $0x8900  }
0x64: {  	[tilespmem:s6], [sflag:$0x1] =	stream.indirect_vreg.gather [hbm4b:s16+s10], $0x80, v4, vm0, $0xb8;
	[tilespmem:$0x12D00] =	vst v63  }
0x65: {  	_ =	swait.ge [sflag:s3], $0x10  }
0x66: {  	[sflag:s3] =	ssyncset.done $0x0  }
0x67: {  	[sflag:s3] =	ssyncadd.s32 $0xFFFFFFF0  }
0x68: {  	v4 =	vld [tilespmem:$0x30];
	_ =	sdelay $0x4  }
0x69: {  	v5 =	vshrl.u32 v4, $0x3  }
0x6a: {  	v5 =	vmul.u32 $0x30, v5  }
0x6b: {  	v4 =	vand.u32 $0x7, v4  }
0x6c: {  	v4 =	vor.u32 v4, v5  }
0x6d: {  	v5 =	vperm.xlane v4, v1;
	_ =	sdelay $0x1  }
0x6e: {  	v5 =	vadd.s32 v2, v5;
	_ =	sdelay $0x3  }
0x6f: {  	v4 =	vperm.xlane v4, v3  }
0x70: {  	[tilespmem:s5], [sflag:$0x1] =	stream.indirect_vreg.gather [hbm4b:s13+s10], $0x80, v5, vm0, $0xb8;
	[tilespmem:$0x12D00] =	vst v63  }
0x71: {  	s7 =	simm.s32 $0x9900;
	v4 =	vadd.s32 v2, v4  }
0x72: {  	[tilespmem:s7], [sflag:$0x1] =	stream.indirect_vreg.gather [hbm4b:s15+s10], $0x80, v5, vm0, $0xb8;
	[tilespmem:$0x12D00] =	vst v63  }
0x73: {  	s8 =	simm.s32 $0xA100  }
0x74: {  	[tilespmem:s8], [sflag:$0x1] =	stream.indirect_vreg.gather [hbm4b:s16+s10], $0x80, v5, vm0, $0xb8;
	[tilespmem:$0x12D00] =	vst v63  }
0x75: {  	s9 =	simm.s32 $0xA900  }
0x76: {  	[tilespmem:s9], [sflag:$0x1] =	stream.indirect_vreg.gather [hbm4b:s13+s10], $0x80, v4, vm0, $0xb8;
	[tilespmem:$0x12D00] =	vst v63  }
0x77: {  	s11 =	simm.s32 $0xB100  }
0x78: {  	[tilespmem:s11], [sflag:$0x1] =	stream.indirect_vreg.gather [hbm4b:s15+s10], $0x80, v4, vm0, $0xb8;
	[tilespmem:$0x12D00] =	vst v63  }
0x79: {  	s12 =	simm.s32 $0xB900;
	s13 =	sld [smem:$0x7F4]  }
0x7a: {  	[tilespmem:s12], [sflag:$0x1] =	stream.indirect_vreg.gather [hbm4b:s16+s10], $0x80, v4, vm0, $0xb8;
	[tilespmem:$0x12D00] =	vst v63  }
0x7b: {  	s14 =	simm.s32 $0x80;
	s15 =	simm.s32 $0x3  }
0x7c: {  	[tilespmem:s14], [sflag:$0x3] =	stream.linear.gather [hbm4b:s13+s10], $0x10, $0x38;
	[tilespmem:$0x12D00] =	vst v63  }
0x7d: {  	_ =	swait.ge [sflag:s15], $0x10  }
0x7e: {  	s16 =	sld [smem:$0x7F5]  }
0x7f: {  	[sflag:s15] =	ssyncset.done $0x0  }
0x80: {  	s17 =	simm.s32 $0x90;
	[sflag:s15] =	ssyncadd.s32 $0xFFFFFFF0  }
0x81: {  	[tilespmem:s17], [sflag:$0x3] =	stream.linear.gather [hbm4b:s16+s10], $0x10, $0x38;
	[tilespmem:$0x12D00] =	vst v63  }
0x82: {  	_ =	swait.ge [sflag:s15], $0x10  }
0x83: {  	s18 =	sld [smem:$0x7F6]  }
0x84: {  	[sflag:s15] =	ssyncset.done $0x0  }
0x85: {  	s19 =	simm.s32 $0xA0;
	[sflag:s15] =	ssyncadd.s32 $0xFFFFFFF0  }
0x86: {  	[tilespmem:s19], [sflag:$0x3] =	stream.linear.gather [hbm4b:s18+s10], $0x10, $0x38;
	[tilespmem:$0x12D00] =	vst v63  }
0x87: {  	_ =	swait.ge [sflag:s15], $0x10  }
0x88: {  	s20 =	sld [smem:$0x7F7]  }
0x89: {  	[sflag:s15] =	ssyncset.done $0x0  }
0x8a: {  	s21 =	simm.s32 $0xB0;
	[sflag:s15] =	ssyncadd.s32 $0xFFFFFFF0  }
0x8b: {  	[tilespmem:s21], [sflag:$0x3] =	stream.linear.gather [hbm4b:s20+s10], $0x10, $0x38;
	[tilespmem:$0x12D00] =	vst v63  }
0x8c: {  	_ =	swait.ge [sflag:s15], $0x10  }
0x8d: {  	s22 =	sld [smem:$0x7F8]  }
0x8e: {  	[sflag:s15] =	ssyncset.done $0x0  }
0x8f: {  	s23 =	simm.s32 $0xC100;
	[sflag:s15] =	ssyncadd.s32 $0xFFFFFFF0  }
0x90: {  	[tilespmem:s23], [sflag:$0x3] =	stream.linear.gather [hbm4b:s22+s10], $0x3000, $0x38;
	[tilespmem:$0x12D00] =	vst v63  }
0x91: {  	_ =	swait.ge [sflag:s15], $0x3000  }
0x92: {  	[sflag:s15] =	ssyncset.done $0x0  }
0x93: {  	s24 =	simm.s32 $0xF100;
	[sflag:s15] =	ssyncadd.s32 $0xFFFFD000  }
0x94: {  	[tilespmem:s24], [sflag:$0x3] =	stream.linear.gather [hbm4b:s22+s10], $0x3000, $0x38;
	[tilespmem:$0x12D00] =	vst v63  }
0x95: {  	_ =	swait.ge [sflag:s15], $0x3000  }
0x96: {  	[sflag:s15] =	ssyncset.done $0x0  }
0x97: {  	[sflag:s15] =	ssyncadd.s32 $0xFFFFD000  }
0x98: {  	s26 =	simm.s32 $0x12100;
	s25 =	rddreg [dreg:$0x3]  }
0x99: {  	[tilespmem:s26], [sflag:$0x3] =	stream.linear.gather [hbm4b:s25+s10], $0x600, $0x38;
	[tilespmem:$0x12D00] =	vst v63  }
0x9a: {  	_ =	swait.ge [sflag:s15], $0x600  }
0x9b: {  	[sflag:s15] =	ssyncset.done $0x0  }
0x9c: {  	[sflag:s15] =	ssyncadd.s32 $0xFFFFFA00  }
0x9d: {  	s29 =	simm.s32 $0x12700;
	s28 =	rddreg [dreg:$0x4]  }
0x9e: {  	[tilespmem:s29], [sflag:$0x3] =	stream.linear.gather [hbm4b:s28+s10], $0x300, $0x38;
	[tilespmem:$0x12D00] =	vst v63  }
0x9f: {  	_ =	swait.ge [sflag:s15], $0x300  }
0xa0: {  	[sflag:s15] =	ssyncset.done $0x0  }
0xa1: {  	[sflag:s15] =	ssyncadd.s32 $0xFFFFFD00  }
0xa2: {  	s31 =	simm.s32 $0x12A00;
	s30 =	rddreg [dreg:$0x5]  }
0xa3: {  	[tilespmem:s31], [sflag:$0x3] =	stream.linear.gather [hbm4b:s30+s10], $0x300, $0x38;
	[tilespmem:$0x12D00] =	vst v63  }
0xa4: {  	_ =	swait.ge [sflag:s15], $0x300  }
0xa5: {  	[sflag:s15] =	ssyncset.done $0x0  }
0xa6: {  	s1 =	simm.s32 $0x0;
	s0 =	simm.s32 $0x0;
	[sflag:s15] =	ssyncadd.s32 $0xFFFFFD00  }
.LBB2_2:
0xa7: {  	s2 =	sshrl.u32 s1, $0x3  }
0xa8: {  	s3 =	sand.u32 $0x7, s0;
	s2 =	smul.u32 $0x6000, s2  }
0xa9: {  	s3 =	sshll.u32 s3, $0x9  }
0xaa: {  	s2 =	sor.u32 s3, s2;
	s3 =	simm.s32 $0x12180  }
0xab: {  	v5 =	vld [tilespmem:s3+$0xFFFFFFF0]  }
0xac: {  	v8 =	vld [tilespmem:s3+$0xFFFFFF80]  }
0xad: {  	v7 =	vld [tilespmem:s3+$0xFFFFFF90]  }
0xae: {  	s2 =	sshra.s32 s2, $0x2;
	v13 =	vld [tilespmem:s3+$0xFFFFFFC0]  }
0xaf: {  	v16 =	vld [tilespmem:s3+$0xFFFFFFD0];
	s2 =	sadd.s32 $0xF170, s2  }
0xb0: {  	v4 =	vld [tilespmem:s2+$0xFFFFD000]  }
0xb1: {  	v6 =	vld [tilespmem:s2+$0xFFFFCFA0]  }
0xb2: {  	v9 =	vld [tilespmem:s2+$0xFFFFCFB0]  }
0xb3: {  	v10 =	vld [tilespmem:s2+$0xFFFFCFC0]  }
0xb4: {  	v11 =	vld [tilespmem:s2+$0x0]  }
0xb5: {  	v12 =	vld [tilespmem:s2+$0xFFFFCFD0];
	v4 =	vadd.f32 v5, v4  }
0xb6: {  	v5 =	vld [tilespmem:s3+$0xFFFFFFA0]  }
0xb7: {  	[tilespmem:s2+$0xFFFFD000] =	vst v4;
	v4 =	vld [tilespmem:s3+$0xFFFFFFB0]  }
0xb8: {  	v15 =	vld [tilespmem:s2+$0xFFFFCFE0];
	v6 =	vadd.f32 v7, v6  }
0xb9: {  	v17 =	vld [tilespmem:s2+$0xFFFFCFF0]  }
0xba: {  	[tilespmem:s2+$0xFFFFCFA0] =	vst v6;
	v14 =	vld [tilespmem:s3+$0x70]  }
0xbb: {  	v18 =	vld [tilespmem:s3+$0x10]  }
0xbc: {  	v5 =	vadd.f32 v5, v9;
	v4 =	vadd.f32 v4, v10;
	v10 =	vld [tilespmem:s2+$0xFFFFCF90]  }
0xbd: {  	v9 =	vld [tilespmem:s3+$0xFFFFFFE0]  }
0xbe: {  	[tilespmem:s2+$0xFFFFCFB0] =	vst v5;
	v5 =	vadd.f32 v13, v12;
	v12 =	vadd.f32 v16, v15;
	v15 =	vld [tilespmem:s2+$0xFFFFFF90]  }
0xbf: {  	v13 =	vld [tilespmem:s2+$0xFFFFFFB0]  }
0xc0: {  	v7 =	vld [tilespmem:s3+$0x20];
	[tilespmem:s2+$0xFFFFCFC0] =	vst v4  }
0xc1: {  	[tilespmem:s2+$0xFFFFCFE0] =	vst v12;
	v12 =	vld [tilespmem:s2+$0xFFFFFFC0];
	v8 =	vadd.f32 v8, v10  }
0xc2: {  	[tilespmem:s2+$0xFFFFCFD0] =	vst v5;
	v6 =	vld [tilespmem:s3+$0x30]  }
0xc3: {  	v4 =	vld [tilespmem:s3+$0x40];
	[tilespmem:s2+$0xFFFFCF90] =	vst v8  }
0xc4: {  	v16 =	vld [tilespmem:s3+$0x0]  }
0xc5: {  	v11 =	vadd.f32 v14, v11;
	v9 =	vadd.f32 v9, v17;
	v17 =	vld [tilespmem:s2+$0xFFFFFFA0]  }
0xc6: {  	v5 =	vld [tilespmem:s3+$0x50]  }
0xc7: {  	[tilespmem:s2+$0x0] =	vst v11;
	v11 =	vld [tilespmem:s2+$0xFFFFFFF0]  }
0xc8: {  	v10 =	vld [tilespmem:s2+$0xFFFFFFD0]  }
0xc9: {  	[tilespmem:s2+$0xFFFFCFF0] =	vst v9;
	v9 =	vld [tilespmem:s2+$0xFFFFFFE0];
	v15 =	vadd.f32 v16, v15  }
0xca: {  	s4 =	simm.s32 $0x0;
	s5 =	sadd.s32 $0x400, s2;
	v8 =	vld [tilespmem:s3+$0x60];
	v14 =	vadd.f32 v18, v17  }
.LBB2_3:
0xcb: {  	v16 =	vld [tilespmem:s5+$0xFFFFD000];
	[tilespmem:s2+$0xFFFFFF90] =	vst v15;
	v7 =	vadd.f32 v7, v13;
	s3 =	sadd.s32 $0x100, s3  }
0xcc: {  	s4 =	sadd.s32 $0x8, s4;
	v13 =	vld [tilespmem:s3+$0xFFFFFFF0];
	[tilespmem:s2+$0xFFFFFFA0] =	vst v14;
	v6 =	vadd.f32 v6, v12  }
0xcd: {  	p0 =	slt.u32 s4, $0x28;
	v12 =	vld [tilespmem:s3+$0xFFFFFF80];
	[tilespmem:s2+$0xFFFFFFB0] =	vst v7;
	v4 =	vadd.f32 v4, v10  }
0xce: {  	v7 =	vld [tilespmem:s5+$0xFFFFCFA0];
	[tilespmem:s2+$0xFFFFFFC0] =	vst v6;
	v5 =	vadd.f32 v5, v9  }
0xcf: {  	v6 =	vld [tilespmem:s3+$0xFFFFFF90];
	[tilespmem:s2+$0xFFFFFFD0] =	vst v4;
	v4 =	vadd.f32 v8, v11  }
0xd0: {  	v8 =	vld [tilespmem:s5+$0xFFFFCFB0];
	[tilespmem:s2+$0xFFFFFFE0] =	vst v5  }
0xd1: {  	v5 =	vld [tilespmem:s3+$0xFFFFFFA0];
	v9 =	vadd.f32 v13, v16;
	[tilespmem:s2+$0xFFFFFFF0] =	vst v4;
	s2 =	smov.u32 s5  }
0xd2: {  	v4 =	vld [tilespmem:s5+$0xFFFFCFC0]  }
0xd3: {  	[tilespmem:s5+$0xFFFFD000] =	vst v9;
	v9 =	vld [tilespmem:s5+$0x0]  }
0xd4: {  	v6 =	vadd.f32 v6, v7;
	v7 =	vld [tilespmem:s3+$0x70]  }
0xd5: {  	v10 =	vld [tilespmem:s3+$0xFFFFFFB0]  }
0xd6: {  	[tilespmem:s5+$0xFFFFCFA0] =	vst v6;
	v5 =	vadd.f32 v5, v8;
	v6 =	vld [tilespmem:s5+$0xFFFFCFD0]  }
0xd7: {  	v8 =	vld [tilespmem:s3+$0xFFFFFFC0]  }
0xd8: {  	[tilespmem:s5+$0xFFFFCFB0] =	vst v5;
	v5 =	vld [tilespmem:s5+$0xFFFFCFE0]  }
0xd9: {  	v11 =	vld [tilespmem:s3+$0xFFFFFFD0];
	v7 =	vadd.f32 v7, v9  }
0xda: {  	v4 =	vadd.f32 v10, v4;
	v9 =	vld [tilespmem:s5+$0xFFFFCFF0]  }
0xdb: {  	v10 =	vld [tilespmem:s3+$0xFFFFFFE0];
	[tilespmem:s5+$0x0] =	vst v7  }
0xdc: {  	v13 =	vld [tilespmem:s5+$0xFFFFCF90];
	[tilespmem:s5+$0xFFFFCFC0] =	vst v4;
	v4 =	vadd.f32 v8, v6  }
0xdd: {  	v14 =	vld [tilespmem:s3+$0x10]  }
0xde: {  	v7 =	vld [tilespmem:s3+$0x20];
	[tilespmem:s5+$0xFFFFCFD0] =	vst v4;
	v5 =	vadd.f32 v11, v5  }
0xdf: {  	v6 =	vld [tilespmem:s3+$0x30]  }
0xe0: {  	v4 =	vld [tilespmem:s3+$0x40];
	[tilespmem:s5+$0xFFFFCFE0] =	vst v5;
	v8 =	vadd.f32 v10, v9  }
0xe1: {  	v9 =	vadd.f32 v12, v13;
	v5 =	vld [tilespmem:s3+$0x50]  }
0xe2: {  	v11 =	vld [tilespmem:s5+$0xFFFFFF90];
	[tilespmem:s5+$0xFFFFCFF0] =	vst v8  }
0xe3: {  	[tilespmem:s5+$0xFFFFCF90] =	vst v9;
	v8 =	vld [tilespmem:s3+$0x60]  }
0xe4: {  	v9 =	vld [tilespmem:s3+$0x0]  }
0xe5: {  	v16 =	vld [tilespmem:s5+$0xFFFFFFA0]  }
.Ltmp0:
0xe6: {  	v13 =	vld [tilespmem:s5+$0xFFFFFFB0];
	(pc) =	sbr.rel @p0 .LBB2_3-.Ltmp0, $4  }
0xe7: {  	v12 =	vld [tilespmem:s5+$0xFFFFFFC0]  }
0xe8: {  	v10 =	vld [tilespmem:s5+$0xFFFFFFD0]  }
0xe9: {  	v15 =	vadd.f32 v9, v11;
	v9 =	vld [tilespmem:s5+$0xFFFFFFE0]  }
0xea: {  	s5 =	sadd.s32 $0x400, s5;
	v14 =	vadd.f32 v14, v16;
	v11 =	vld [tilespmem:s2+$0xFFFFFFF0]  }
0xeb: {  	[tilespmem:s2+$0xFFFFFF90] =	vst v15;
	v7 =	vadd.f32 v7, v13;
	s1 =	sadd.s32 $0x1, s1  }
0xec: {  	[tilespmem:s2+$0xFFFFFFA0] =	vst v14;
	v6 =	vadd.f32 v6, v12;
	p0 =	sne.s32 s1, $0x10  }
.Ltmp1:
0xed: {  	[tilespmem:s2+$0xFFFFFFB0] =	vst v7;
	v4 =	vadd.f32 v4, v10;
	(pc) =	sbr.rel @p0 .LBB2_2-.Ltmp1, $4  }
0xee: {  	[tilespmem:s2+$0xFFFFFFC0] =	vst v6;
	v5 =	vadd.f32 v5, v9  }
0xef: {  	[tilespmem:s2+$0xFFFFFFD0] =	vst v4;
	v4 =	vadd.f32 v8, v11  }
0xf0: {  	[tilespmem:s2+$0xFFFFFFE0] =	vst v5  }
0xf1: {  	s0 =	sadd.s32 $0x1, s0;
	[tilespmem:s2+$0xFFFFFFF0] =	vst v4  }
0xf2: {  	s0 =	simm.s32 $0x1  }
0xf3: {  	_ =	swait.ge [sflag:s0], $0x3000  }
0xf4: {  	[sflag:s0] =	ssyncset.done $0x0  }
0xf5: {  	[sflag:s0] =	ssyncadd.s32 $0xFFFFD000  }
0xf6: {  	s7 =	simm.s32 $0x0;
	v4 =	vld [tilespmem:$0x80]  }
.LBB2_6:
0xf7: {  	_ = 	snop  }
0xf8: {  	s0 =	sshll.u32 s7, $0x2  }
0xf9: {  	v5 =	vmov s0  }
0xfa: {  	vm1 =	veq.s32 v5, v0  }
0xfb: {  	s1 =	sor.u32 $0x1, s0;
	v6 =	vnsel vm1, $0x0, v4  }
0xfc: {  	v5 =	vmov s1;
	(xrf0) =	vadd.scan.msk.s32 $0xffff, v6  }
0xfd: {  	s0 =	sor.u32 $0x2, s0;
	vm1 =	veq.s32 v5, v0  }
0xfe: {  	v5 =	vmov s0;
	v6 =	vnsel vm1, $0x0, v4  }
0xff: {  	vm1 =	veq.s32 v5, v0;
	(xrf0) =	vadd.scan.msk.s32 $0xffff, v6  }
0x100: {  	s2 =	sshllo.u32 s7, $0x2;
	v5 =	vnsel vm1, $0x0, v4  }
0x101: {  	(xrf0) =	vadd.scan.msk.s32 $0xffff, v5;
	v5 =	vmov s2  }
0x102: {  	vm1 =	veq.s32 v5, v0;
	v6, _, _ =	vpop (xrf0)  }
0x103: {  	(v2sf) =	vpush v6, $0xF;
	v6 =	vnsel vm1, $0x0, v4  }
0x104: {  	(xrf0) =	vadd.scan.msk.s32 $0xffff, v6  }
0x105: {  	v5, _, _ =	vpop (xrf0)  }
0x106: {  	(v2sf) =	vpush v5, $0xF  }
0x107: {  	v5, _, _ =	vpop (xrf0)  }
0x108: {  	(v2sf) =	vpush v5, $0xF;
	_ =	sdelay $0x1  }
0x109: {  	v5, _, _ =	vpop (xrf0)  }
0x10a: {  	(v2sf) =	vpush v5, $0xF;
	_ =	sdelay $0x4  }
0x10b: {  	s5 =	sshrl.u32 s7, $0x1  }
0x10c: {  	[smem:$0x7EA] =	sst s5;
	s5 =	smul.u32 $0x1800, s5  }
0x10d: {  	[smem:$0x7EB] =	sst s7;
	s31 =	sshll.u32 s7, $0x9;
	s16 =	simm.s32 $0x0  }
0x10e: {  	s18 =	sand.u32 $0x200, s31;
	s1 =	sshll.u32 s1, $0x7;
	s8 =	sor.u32 $0x100, s5  }
0x10f: {  	s22 =	sand.u32 $0x280, s1;
	[dreg:$0x8] =	wrdreg s8;
	s3 =	spop (v2sf)  }
0x110: {  	s0 =	sshll.u32 s0, $0x7;
	s4 =	spop (v2sf);
	s3 =	smul.u32 $0xC000, s3  }
0x111: {  	s19 =	sand.u32 $0x300, s0;
	s15 =	rddreg [dreg:$0x8];
	s4 =	smul.u32 $0xC000, s4  }
0x112: {  	s2 =	sshll.u32 s2, $0x7;
	s6 =	spop (v2sf);
	s3 =	sshra.s32 s3, $0x2  }
0x113: {  	s10 =	smul.u32 $0xC000, s6;
	s3 =	sadd.s32 s5, s3;
	s4 =	sshra.s32 s4, $0x2  }
0x114: {  	s21 =	sand.u32 $0x380, s2;
	s3 =	sor.u32 s18, s3;
	s9 =	sadd.s32 s5, s4  }
0x115: {  	s12 =	sshra.s32 s10, $0x2;
	s3 =	sadd.s32 $0xC100, s3;
	s11 =	spop (v2sf)  }
0x116: {  	s1 =	sor.u32 s22, s9;
	s13 =	sadd.s32 s5, s12;
	s14 =	smul.u32 $0xC000, s11  }
0x117: {  	[dreg:$0x9] =	wrdreg s3;
	s1 =	sadd.s32 $0xC100, s1;
	s0 =	sor.u32 s19, s13  }
0x118: {  	[dreg:$0xa] =	wrdreg s1;
	s0 =	sadd.s32 $0xC100, s0;
	s1 =	sshra.s32 s14, $0x2  }
0x119: {  	s17 =	rddreg [dreg:$0x9];
	s11 =	sand.u32 $0x1C00, s16;
	s1 =	sadd.s32 s5, s1  }
0x11a: {  	[dreg:$0xb] =	wrdreg s0;
	s5 =	sadd.s32 s11, s15;
	s20 =	sor.u32 s21, s1  }
0x11b: {  	s1 =	sand.u32 $0x40, s16;
	s3 =	sadd.s32 s18, s5;
	s0 =	sadd.s32 $0xC100, s20  }
0x11c: {  	s2 =	sadd.s32 s11, s17;
	s23 =	sadd.s32 s1, s3;
	[dreg:$0xc] =	wrdreg s0  }
0x11d: {  	s4 =	sadd.s32 s1, s2;
	s16 =	sor.u32 $0x20, s1;
	v5 =	vld [tilespmem:s23+$0x0]  }
0x11e: {  	s6 =	sor.u32 $0x10, s1;
	s24 =	sadd.s32 s16, s2;
	v6 =	vld [tilespmem:s4+$0x0]  }
0x11f: {  	s25 =	sadd.s32 s6, s2;
	v7 =	vld [tilespmem:s24+$0x0]  }
0x120: {  	s26 =	sadd.s32 s6, s3;
	v8 =	vld [tilespmem:s25+$0x0]  }
0x121: {  	s12 =	sor.u32 $0x30, s1;
	s31 =	sadd.s32 s16, s3;
	v9 =	vld [tilespmem:s26+$0x0]  }
0x122: {  	s2 =	sadd.s32 s12, s2;
	v11 =	vld [tilespmem:s31+$0x0]  }
0x123: {  	s8 =	sadd.s32 s12, s3;
	v10 =	vld [tilespmem:s2+$0x0]  }
0x124: {  	v12 =	vld [tilespmem:s8+$0x0]  }
0x125: {  	v6 =	vadd.f32 v6, v5  }
0x126: {  	s14 =	sadd.s32 s22, s5;
	v8 =	vadd.f32 v8, v9  }
0x127: {  	s13 =	rddreg [dreg:$0xa];
	s9 =	sadd.s32 s1, s14;
	v7 =	vadd.f32 v7, v11;
	[tilespmem:s23+$0x0] =	vst v6  }
0x128: {  	s15 =	sadd.s32 s11, s13;
	s3 =	sadd.s32 s6, s14;
	[tilespmem:s26+$0x0] =	vst v8;
	v5 =	vld [tilespmem:s9+$0x0]  }
0x129: {  	s17 =	sadd.s32 s16, s15;
	v9 =	vadd.f32 v10, v12;
	[tilespmem:s31+$0x0] =	vst v7;
	v10 =	vld [tilespmem:s3+$0x0]  }
0x12a: {  	s30 =	simm.s32 $0x200;
	s20 =	sadd.s32 s1, s15;
	v11 =	vld [tilespmem:s17+$0x0]  }
0x12b: {  	s29 =	sand.u32 $0x1C00, s30;
	s24 =	sadd.s32 s6, s15;
	s25 =	rddreg [dreg:$0x8];
	v13 =	vld [tilespmem:s20+$0x0]  }
0x12c: {  	s10 =	sadd.s32 s12, s14;
	s0 =	sadd.s32 s12, s15;
	[tilespmem:s8+$0x0] =	vst v9;
	s23 =	rddreg [dreg:$0x9];
	v14 =	vld [tilespmem:s24+$0x0]  }
0x12d: {  	s26 =	simm.s32 $0x40;
	s8 =	sadd.s32 s16, s14;
	s31 =	simm.s32 $0x40;
	v12 =	vld [tilespmem:s10+$0x0]  }
0x12e: {  	v15 =	vld [tilespmem:s0+$0x0];
	[smem:$0x7EC] =	sst s31;
	s24 =	sand.u32 $0x40, s26;
	s15 =	sadd.s32 s29, s23  }
0x12f: {  	s14 =	sadd.s32 s29, s25;
	v16 =	vld [tilespmem:s8+$0x0];
	s17 =	sadd.s32 s24, s15;
	s23 =	sor.u32 $0x20, s24  }
0x130: {  	s7 =	sor.u32 $0x10, s24;
	v17 =	vld [tilespmem:s17+$0x0];
	s13 =	sadd.s32 s23, s15;
	[dreg:$0x1b] =	wrdreg s18;
	v13 =	vadd.f32 v13, v5  }
0x131: {  	v19 =	vmul.f32 v6, v6;
	s4 =	rddreg [dreg:$0xb];
	s2 =	sadd.s32 s18, s14;
	s20 =	sadd.s32 s7, s15;
	v18 =	vld [tilespmem:s13+$0x0];
	v5 =	vimm.f32 $0.0e+00;
	v10 =	vadd.f32 v14, v10  }
0x132: {  	s0 =	sadd.s32 s24, s2;
	s18 =	sadd.s32 s11, s4;
	v14 =	vld [tilespmem:s20+$0x0];
	v6 =	vadd.f32 v6, v5;
	[tilespmem:s9+$0x0] =	vst v13  }
0x133: {  	v20 =	vmul.f32 v8, v8;
	s25 =	sadd.s32 s1, s18;
	v12 =	vadd.f32 v15, v12;
	v15 =	vld [tilespmem:s0+$0x0];
	v19 =	vadd.f32 v19, v5;
	[tilespmem:s3+$0x0] =	vst v10  }
0x134: {  	s26 =	sadd.s32 s6, s18;
	s3 =	sadd.s32 s19, s5;
	v21 =	vld [tilespmem:s25+$0x0];
	v6 =	vadd.f32 v8, v6;
	[dreg:$0x1d] =	wrdreg s19;
	v8 =	vmul.f32 v13, v13  }
0x135: {  	v11 =	vadd.f32 v11, v16;
	v19 =	vadd.f32 v20, v19;
	v20 =	vmul.f32 v7, v7;
	s4 =	sadd.s32 s1, s3;
	v22 =	vld [tilespmem:s26+$0x0]  }
0x136: {  	v13 =	vadd.f32 v13, v5;
	[tilespmem:s10+$0x0] =	vst v12;
	s10 =	sadd.s32 s6, s3;
	v24 =	vld [tilespmem:s4+$0x0];
	v8 =	vadd.f32 v8, v5  }
0x137: {  	v16 =	vmul.f32 v10, v10;
	[tilespmem:s8+$0x0] =	vst v11;
	s8 =	sadd.s32 s23, s2;
	v6 =	vadd.f32 v7, v6;
	v7 =	vadd.f32 v20, v19;
	v20 =	vld [tilespmem:s10+$0x0]  }
0x138: {  	s13 =	sor.u32 $0x30, s24;
	s19 =	sadd.s32 s7, s2;
	v19 =	vmul.f32 v9, v9;
	v10 =	vadd.f32 v10, v13;
	v25 =	vld [tilespmem:s8+$0x0]  }
0x139: {  	s15 =	sadd.s32 s13, s15;
	v13 =	vmul.f32 v11, v11;
	v17 =	vadd.f32 v17, v15;
	v8 =	vadd.f32 v16, v8;
	v16 =	vld [tilespmem:s19+$0x0]  }
0x13a: {  	s31 =	sadd.s32 s12, s18;
	v26 =	vld [tilespmem:s15+$0x0];
	v9 =	vadd.f32 v9, v6;
	v6 =	vadd.f32 v11, v10  }
0x13b: {  	s15 =	sadd.s32 s12, s3;
	v23 =	vld [tilespmem:s31+$0x0];
	v19 =	vadd.f32 v19, v7;
	v8 =	vadd.f32 v13, v8  }
0x13c: {  	s18 =	sadd.s32 s16, s18;
	s20 =	rddreg [dreg:$0xc];
	v10 =	vmul.f32 v12, v12;
	v11 =	vld [tilespmem:s15+$0x0];
	v21 =	vadd.f32 v21, v24;
	v7 =	vadd.f32 v12, v6  }
0x13d: {  	s2 =	sadd.s32 s13, s2;
	s20 =	sadd.s32 s11, s20;
	v24 =	vld [tilespmem:s18+$0x0];
	v12 =	vadd.f32 v22, v20;
	v18 =	vadd.f32 v18, v25  }
0x13e: {  	s26 =	sadd.s32 s1, s20;
	[tilespmem:s4+$0x0] =	vst v21;
	v6 =	vadd.f32 v10, v8;
	v8 =	vadd.f32 v14, v16;
	v16 =	vld [tilespmem:s2+$0x0]  }
0x13f: {  	s25 =	rddreg [dreg:$0xa];
	s31 =	sadd.s32 s6, s20;
	v15 =	vld [tilespmem:s26+$0x0];
	[tilespmem:s10+$0x0] =	vst v12  }
0x140: {  	v9 =	vadd.f32 v17, v9;
	v10 =	vmul.f32 v17, v17;
	s4 =	sadd.s32 s29, s25;
	s10 =	sadd.s32 s16, s3;
	[tilespmem:s8+$0x0] =	vst v18;
	v14 =	vld [tilespmem:s31+$0x0]  }
0x141: {  	v20 =	vmul.f32 v21, v21;
	v21 =	vadd.f32 v21, v5;
	s25 =	sadd.s32 s23, s4;
	v11 =	vadd.f32 v23, v11;
	v23 =	vld [tilespmem:s10+$0x0];
	[tilespmem:s19+$0x0] =	vst v8  }
0x142: {  	s26 =	sadd.s32 s7, s4;
	v10 =	vadd.f32 v10, v19;
	v13 =	vld [tilespmem:s25+$0x0];
	s31 =	sadd.s32 s22, s14;
	v19 =	vmul.f32 v8, v8;
	[dreg:$0x1c] =	wrdreg s22  }
0x143: {  	v21 =	vadd.f32 v12, v21;
	v9 =	vadd.f32 v8, v9;
	s17 =	sadd.s32 s24, s31;
	[tilespmem:s0+$0x0] =	vst v17;
	v22 =	vld [tilespmem:s26+$0x0]  }
0x144: {  	s3 =	sadd.s32 s21, s5;
	s19 =	sadd.s32 s7, s31;
	v10 =	vadd.f32 v19, v10;
	v19 =	vmul.f32 v18, v18;
	v16 =	vadd.f32 v26, v16;
	v17 =	vld [tilespmem:s17+$0x0];
	[dreg:$0x1a] =	wrdreg s21  }
0x145: {  	s28 =	sadd.s32 s16, s20;
	s5 =	sadd.s32 s13, s4;
	s25 =	sadd.s32 s6, s3;
	v12 =	vmul.f32 v12, v12;
	v8 =	vadd.f32 v20, v5;
	v9 =	vadd.f32 v18, v9;
	v20 =	vld [tilespmem:s19+$0x0]  }
0x146: {  	s1 =	sadd.s32 s1, s3;
	s18 =	sadd.s32 s12, s3;
	s6 =	sadd.s32 s13, s31;
	v18 =	vadd.f32 v19, v10;
	[tilespmem:s15+$0x0] =	vst v11;
	v26 =	vadd.f32 v24, v23;
	v19 =	vld [tilespmem:s25+$0x0];
	v25 =	vmul.f32 v16, v16  }
0x147: {  	s11 =	sadd.s32 s23, s31;
	s22 =	sadd.s32 s12, s20;
	s12 =	simm.s32 $0x4;
	v23 =	vld [tilespmem:s1+$0x0];
	v10 =	vadd.f32 v16, v9;
	[tilespmem:s2+$0x0] =	vst v16;
	v16 =	vadd.f32 v12, v8;
	v8 =	vimm.f32 $0.0e+00  }
0x148: {  	s0 =	sadd.s32 s24, s4;
	s4 =	smov.u32 s23;
	[tilespmem:s10+$0x0] =	vst v26;
	v24 =	vld [tilespmem:s6+$0x0];
	v21 =	vadd.f32 v26, v21;
	s2 =	rddreg [dreg:$0xb];
	v9 =	vadd.f32 v25, v18;
	v18 =	vmul.f32 v26, v26  }
.LBB2_7:
0x149: {  	v25 =	vld [tilespmem:s0+$0x0];
	s9 =	sld [smem:$0x7EC]  }
0x14a: {  	s16 =	sadd.s32 s16, s3;
	s20 =	rddreg [dreg:$0x1d];
	v26 =	vld [tilespmem:s5+$0x0];
	v16 =	vadd.f32 v18, v16;
	v12 =	vadd.f32 v11, v21;
	v11 =	vmul.f32 v11, v11  }
0x14b: {  	[smem:$0x7E7] =	sst s14;
	s23 =	sadd.s32 s20, s14;
	s14 =	sadd.s32 $0x200, s30;
	v18 =	vld [tilespmem:s16+$0x0]  }
0x14c: {  	s8 =	rddreg [dreg:$0x8];
	v21 =	vld [tilespmem:s28+$0x0];
	s30 =	sand.u32 $0x1C00, s14;
	v11 =	vadd.f32 v11, v16  }
0x14d: {  	s21 =	rddreg [dreg:$0x1b];
	s9 =	sadd.s32 $0x40, s9;
	s10 =	sadd.s32 s30, s8;
	v15 =	vadd.f32 v15, v23;
	v16 =	vadd.f32 v22, v20;
	v20 =	vld [tilespmem:s11+$0x0]  }
0x14e: {  	s20 =	sand.u32 $0x40, s9;
	s0 =	sadd.s32 s21, s10;
	v14 =	vadd.f32 v14, v19;
	v19 =	vld [tilespmem:s18+$0x0];
	v17 =	vadd.f32 v25, v17  }
0x14f: {  	s5 =	rddreg [dreg:$0x9];
	s28 =	sadd.s32 s20, s0;
	[tilespmem:s1+$0x0] =	vst v15;
	v22 =	vmul.f32 v15, v15;
	v5 =	vadd.f32 v15, v5;
	v15 =	vld [tilespmem:s22+$0x0]  }
0x150: {  	s31 =	sadd.s32 s24, s23;
	[smem:$0x7EC] =	sst s9;
	s9 =	sadd.s32 s30, s5;
	v23 =	vadd.f32 v26, v24;
	v24 =	vld [tilespmem:s28+$0x0];
	[tilespmem:s17+$0x0] =	vst v17  }
0x151: {  	s8 =	sadd.s32 s20, s9;
	[tilespmem:s19+$0x0] =	vst v16;
	s19 =	sor.u32 $0x20, s20;
	v7 =	vadd.f32 v17, v7;
	v17 =	vmul.f32 v17, v17;
	v8 =	vadd.f32 v22, v8;
	v22 =	vld [tilespmem:s31+$0x0]  }
0x152: {  	s15 =	sadd.s32 s29, s2;
	s1 =	sor.u32 $0x10, s20;
	v25 =	vmul.f32 v14, v14;
	v18 =	vadd.f32 v21, v18;
	[tilespmem:s6+$0x0] =	vst v23;
	s6 =	sadd.s32 s19, s9;
	v5 =	vadd.f32 v14, v5;
	v21 =	vld [tilespmem:s8+$0x0]  }
0x153: {  	s2 =	sadd.s32 s13, s15;
	s17 =	sadd.s32 s1, s9;
	[tilespmem:s25+$0x0] =	vst v14;
	v14 =	vld [tilespmem:s6+$0x0];
	v6 =	vadd.f32 v17, v6;
	v7 =	vadd.f32 v16, v7;
	v16 =	vmul.f32 v16, v16  }
0x154: {  	[smem:$0x7E5] =	sst s2;
	s2 =	sadd.s32 s24, s15;
	[tilespmem:s16+$0x0] =	vst v18;
	v13 =	vadd.f32 v13, v20;
	v17 =	vmul.f32 v18, v18;
	v5 =	vadd.f32 v18, v5;
	v18 =	vld [tilespmem:s17+$0x0]  }
0x155: {  	s3 =	rddreg [dreg:$0xa];
	s25 =	sadd.s32 s7, s15;
	v8 =	vadd.f32 v25, v8;
	v15 =	vadd.f32 v15, v19;
	v19 =	vld [tilespmem:s2+$0x0]  }
0x156: {  	[smem:$0x7E6] =	sst s29;
	s29 =	sadd.s32 s30, s3;
	s3 =	sadd.s32 s1, s0;
	v6 =	vadd.f32 v16, v6;
	v16 =	vld [tilespmem:s25+$0x0]  }
0x157: {  	s21 =	sor.u32 $0x30, s20;
	s22 =	sadd.s32 s1, s29;
	s15 =	sadd.s32 s4, s15;
	[tilespmem:s11+$0x0] =	vst v13;
	v7 =	vadd.f32 v13, v7;
	v13 =	vmul.f32 v13, v13;
	v8 =	vadd.f32 v17, v8;
	v17 =	vld [tilespmem:s3+$0x0]  }
0x158: {  	[smem:$0x7E9] =	sst s22;
	s8 =	sadd.s32 s19, s0;
	s22 =	sadd.s32 s19, s29;
	v26 =	vld [tilespmem:s15+$0x0];
	[tilespmem:s18+$0x0] =	vst v15;
	v5 =	vadd.f32 v15, v5;
	v15 =	vmul.f32 v15, v15  }
0x159: {  	[smem:$0x7E8] =	sst s22;
	s22 =	sadd.s32 s21, s9;
	s9 =	sadd.s32 s13, s23;
	v6 =	vadd.f32 v13, v6;
	v7 =	vadd.f32 v23, v7;
	v13 =	vmul.f32 v23, v23;
	v23 =	vld [tilespmem:s8+$0x0]  }
0x15a: {  	s26 =	sadd.s32 s7, s23;
	s25 =	sld [smem:$0x7E5];
	v21 =	vadd.f32 v21, v24;
	v20 =	vld [tilespmem:s9+$0x0];
	v8 =	vadd.f32 v15, v8  }
0x15b: {  	s5 =	sadd.s32 s21, s29;
	s18 =	sadd.s32 s21, s0;
	v15 =	vld [tilespmem:s26+$0x0];
	v6 =	vadd.f32 v13, v6;
	v13 =	vadd.f32 v19, v22  }
0x15c: {  	s16 =	smov.u32 s4;
	s11 =	smov.u32 s19;
	s19 =	rddreg [dreg:$0x1c];
	v25 =	vld [tilespmem:s18+$0x0]  }
0x15d: {  	s2 =	sadd.s32 s19, s10;
	s4 =	smov.u32 s11;
	v24 =	vmul.f32 v21, v21;
	v19 =	vld [tilespmem:s25+$0x0];
	[tilespmem:s31+$0x0] =	vst v13;
	s31 =	sld [smem:$0x7E6]  }
0x15e: {  	s15 =	sadd.s32 s16, s23;
	s17 =	sadd.s32 s20, s2;
	s6 =	sadd.s32 s21, s2;
	v10 =	vadd.f32 v21, v10;
	v22 =	vld [tilespmem:s22+$0x0];
	v18 =	vadd.f32 v18, v17  }
0x15f: {  	s0 =	sadd.s32 s20, s29;
	s19 =	sadd.s32 s1, s2;
	s25 =	rddreg [dreg:$0xc];
	v9 =	vadd.f32 v24, v9;
	v17 =	vmul.f32 v13, v13;
	[tilespmem:s28+$0x0] =	vst v21  }
0x160: {  	s11 =	sadd.s32 s11, s2;
	s29 =	smov.u32 s30;
	v24 =	vmul.f32 v18, v18;
	[tilespmem:s3+$0x0] =	vst v18;
	v10 =	vadd.f32 v18, v10;
	v18 =	vld [tilespmem:s15+$0x0];
	v16 =	vadd.f32 v16, v15;
	s2 =	sadd.s32 s31, s25  }
0x161: {  	s30 =	smov.u32 s14;
	v14 =	vadd.f32 v14, v23;
	v21 =	vadd.f32 v17, v11;
	v17 =	vld [tilespmem:s17+$0x0];
	s25 =	sld [smem:$0x7E7];
	s14 =	sadd.s32 s24, s2  }
0x162: {  	s12 =	sadd.s32 $0x4, s12;
	v11 =	vadd.f32 v19, v20;
	v9 =	vadd.f32 v24, v9;
	s31 =	sld [smem:$0x7E9];
	s28 =	sadd.s32 s16, s2;
	[tilespmem:s26+$0x0] =	vst v16;
	v15 =	vld [tilespmem:s14+$0x0]  }
0x163: {  	[tilespmem:s8+$0x0] =	vst v14;
	v23 =	vmul.f32 v14, v14;
	v22 =	vadd.f32 v22, v25;
	v10 =	vadd.f32 v14, v10;
	s22 =	sadd.s32 s13, s2;
	s2 =	sadd.s32 s7, s2;
	s26 =	sld [smem:$0x7E8];
	v20 =	vld [tilespmem:s19+$0x0]  }
0x164: {  	p0 =	slt.u32 s12, $0x2C;
	v12 =	vadd.f32 v13, v12;
	[tilespmem:s9+$0x0] =	vst v11;
	v14 =	vld [tilespmem:s2+$0x0]  }
.Ltmp2:
0x165: {  	s23 =	rddreg [dreg:$0x1a];
	v9 =	vadd.f32 v23, v9;
	v10 =	vadd.f32 v22, v10;
	v24 =	vmul.f32 v22, v22;
	[tilespmem:s18+$0x0] =	vst v22;
	v22 =	vld [tilespmem:s31+$0x0];
	(pc) =	sbr.rel @p0 .LBB2_7-.Ltmp2, $4  }
0x166: {  	v12 =	vadd.f32 v16, v12;
	s3 =	sadd.s32 s23, s25;
	v13 =	vld [tilespmem:s26+$0x0]  }
0x167: {  	v16 =	vmul.f32 v16, v16;
	s14 =	smov.u32 s10;
	v18 =	vadd.f32 v26, v18;
	s25 =	sadd.s32 s7, s3;
	v9 =	vadd.f32 v24, v9;
	v24 =	vld [tilespmem:s6+$0x0]  }
0x168: {  	s2 =	rddreg [dreg:$0xb];
	s7 =	smov.u32 s1;
	s1 =	sadd.s32 s24, s3;
	v19 =	vld [tilespmem:s25+$0x0]  }
0x169: {  	v16 =	vadd.f32 v16, v21;
	s24 =	smov.u32 s20;
	s18 =	sadd.s32 s13, s3;
	s13 =	smov.u32 s21;
	v23 =	vld [tilespmem:s1+$0x0];
	[tilespmem:s15+$0x0] =	vst v18;
	v21 =	vadd.f32 v18, v12;
	v18 =	vmul.f32 v18, v18  }
0x16a: {  	v12 =	vld [tilespmem:s0+$0x0];
	_ =	sdelay $0x2  }
0x16b: {  	v25 =	vld [tilespmem:s5+$0x0]  }
0x16c: {  	v26 =	vld [tilespmem:s11+$0x0]  }
0x16d: {  	s23 =	rddreg [dreg:$0x1d];
	v17 =	vadd.f32 v12, v17  }
0x16e: {  	s12 =	smov.u32 s29;
	s26 =	sadd.s32 s23, s14  }
0x16f: {  	v28 =	vld [tilespmem:s28+$0x0];
	s2 =	sadd.s32 s12, s2;
	s10 =	sadd.s32 s24, s26;
	[tilespmem:s17+$0x0] =	vst v17  }
0x170: {  	v20 =	vadd.f32 v22, v20;
	s8 =	sadd.s32 s24, s2;
	v12 =	vld [tilespmem:s10+$0x0]  }
0x171: {  	s5 =	sadd.s32 s16, s3;
	v24 =	vadd.f32 v25, v24;
	v25 =	vadd.f32 v13, v26;
	v13 =	vld [tilespmem:s8+$0x0]  }
0x172: {  	v27 =	vld [tilespmem:s5+$0x0];
	[tilespmem:s19+$0x0] =	vst v20;
	s15 =	sadd.s32 s7, s26  }
0x173: {  	s9 =	sadd.s32 s7, s2;
	v29 =	vld [tilespmem:s15+$0x0]  }
0x174: {  	s16 =	sadd.s32 s4, s2;
	v26 =	vld [tilespmem:s9+$0x0];
	[tilespmem:s11+$0x0] =	vst v25  }
0x175: {  	s19 =	sadd.s32 s4, s26;
	v30 =	vld [tilespmem:s16+$0x0]  }
0x176: {  	s0 =	sadd.s32 s13, s26;
	[tilespmem:s6+$0x0] =	vst v24;
	v31 =	vld [tilespmem:s19+$0x0];
	v33 =	vadd.f32 v13, v12  }
0x177: {  	s2 =	sadd.s32 s13, s2;
	v32 =	vld [tilespmem:s0+$0x0]  }
0x178: {  	s17 =	rddreg [dreg:$0xc];
	v12 =	vadd.f32 v15, v23;
	v15 =	vld [tilespmem:s2+$0x0];
	[tilespmem:s10+$0x0] =	vst v33  }
0x179: {  	s20 =	sadd.s32 s12, s17;
	v23 =	vld [tilespmem:s22+$0x0];
	s22 =	rddreg [dreg:$0x1a]  }
0x17a: {  	v22 =	vld [tilespmem:s18+$0x0];
	s29 =	smov.u32 s23;
	v26 =	vadd.f32 v26, v29;
	s21 =	sadd.s32 s24, s20;
	s23 =	sadd.s32 s22, s14  }
0x17b: {  	v13 =	vadd.f32 v14, v19;
	v5 =	vadd.f32 v12, v5;
	v14 =	vld [tilespmem:s21+$0x0];
	s9 =	sadd.s32 s24, s23  }
0x17c: {  	v29 =	vadd.f32 v30, v31;
	[tilespmem:s15+$0x0] =	vst v26;
	s8 =	sadd.s32 s7, s23;
	v19 =	vld [tilespmem:s9+$0x0]  }
0x17d: {  	v30 =	vadd.f32 v13, v5;
	v5 =	vadd.f32 v28, v27;
	s24 =	sadd.s32 s7, s20;
	v27 =	vld [tilespmem:s8+$0x0]  }
0x17e: {  	v7 =	vadd.f32 v17, v7;
	s26 =	sadd.s32 s4, s20;
	[tilespmem:s19+$0x0] =	vst v29;
	v15 =	vadd.f32 v15, v32;
	v28 =	vld [tilespmem:s24+$0x0]  }
0x17f: {  	v31 =	vld [tilespmem:s26+$0x0];
	s11 =	sadd.s32 s4, s23;
	v22 =	vadd.f32 v23, v22;
	v30 =	vadd.f32 v5, v30  }
0x180: {  	v21 =	vadd.f32 v11, v21;
	v17 =	vmul.f32 v17, v17;
	v7 =	vadd.f32 v20, v7;
	s28 =	sadd.s32 s13, s20;
	v23 =	vld [tilespmem:s11+$0x0];
	[tilespmem:s0+$0x0] =	vst v15  }
0x181: {  	s12 =	sadd.s32 s13, s23;
	v30 =	vadd.f32 v22, v30;
	v61 =	vld [tilespmem:s28+$0x0];
	v14 =	vadd.f32 v14, v19  }
0x182: {  	v6 =	vadd.f32 v17, v6;
	v21 =	vadd.f32 v33, v21;
	v19 =	vld [tilespmem:s12+$0x0]  }
0x183: {  	v27 =	vadd.f32 v28, v27;
	v28 =	vadd.f32 v14, v30  }
0x184: {  	v7 =	vadd.f32 v25, v7;
	v21 =	vadd.f32 v26, v21  }
0x185: {  	v23 =	vadd.f32 v31, v23;
	v28 =	vadd.f32 v27, v28  }
0x186: {  	v7 =	vadd.f32 v24, v7;
	v21 =	vadd.f32 v29, v21  }
0x187: {  	(xrf2) =	vadd.scan.msk.f32 $0xffff, v10;
	v10 =	vmul.f32 v20, v20;
	v19 =	vadd.f32 v61, v19;
	v28 =	vadd.f32 v23, v28  }
0x188: {  	v21 =	vadd.f32 v15, v21  }
0x189: {  	v6 =	vadd.f32 v10, v6;
	(xrf2) =	vadd.scan.msk.f32 $0xffff, v7;
	v7 =	vmul.f32 v25, v25;
	v17 =	vadd.f32 v19, v28  }
0x18a: {  	(xrf2) =	vadd.scan.msk.f32 $0xffff, v21  }
0x18b: {  	v6 =	vadd.f32 v7, v6;
	v7 =	vmul.f32 v24, v24;
	(xrf2) =	vadd.scan.msk.f32 $0xffff, v17  }
0x18c: {  	(xrf2) =	vadd.scan.msk.f32 $0xffff, v9  }
0x18d: {  	v6 =	vadd.f32 v7, v6;
	_ =	sdelay $0x1  }
0x18e: {  	(xrf2) =	vadd.scan.msk.f32 $0xffff, v6;
	_ =	sdelay $0x2  }
0x18f: {  	v6, _, _ =	vpop (xrf2)  }
0x190: {  	v7, _, _ =	vpop (xrf2);
	(v2sf) =	vpush v6, $0xF  }
0x191: {  	v6, _, _ =	vpop (xrf2);
	(v2sf) =	vpush v7, $0xF  }
0x192: {  	(v2sf) =	vpush v6, $0xF;
	v7, _, _ =	vpop (xrf2)  }
0x193: {  	v6, _, _ =	vpop (xrf2);
	(v2sf) =	vpush v7, $0xF  }
0x194: {  	(v2sf) =	vpush v6, $0xF;
	_ =	sdelay $0x1  }
0x195: {  	v6, _, _ =	vpop (xrf2)  }
0x196: {  	v7 =	vmul.f32 v11, v11;
	(v2sf) =	vpush v6, $0xF;
	v6 =	vadd.f32 v18, v16;
	_ =	sdelay $0x1  }
0x197: {  	v6 =	vadd.f32 v7, v6;
	v7 =	vmul.f32 v33, v33;
	_ =	sdelay $0x1  }
0x198: {  	v6 =	vadd.f32 v7, v6;
	v7 =	vmul.f32 v26, v26  }
0x199: {  	v9 =	vmul.f32 v12, v12  }
0x19a: {  	v6 =	vadd.f32 v7, v6;
	v7 =	vmul.f32 v29, v29  }
0x19b: {  	v8 =	vadd.f32 v9, v8  }
0x19c: {  	v9 =	vmul.f32 v13, v13;
	s2 =	spop (v2sf);
	v6 =	vadd.f32 v7, v6;
	v7 =	vmul.f32 v15, v15  }
0x19d: {  	s3 =	spop (v2sf)  }
0x19e: {  	v10 =	vmul.f32 v5, v5;
	v8 =	vadd.f32 v9, v8;
	s0 =	smul.f32 $1.302083370e-03, s2;
	s7 =	spop (v2sf);
	v6 =	vadd.f32 v7, v6  }
0x19f: {  	s6 =	smul.f32 $1.302083370e-03, s3;
	s14 =	spop (v2sf)  }
0x1a0: {  	s22 =	smul.f32 s0, s0;
	v7 =	vadd.f32 v10, v8;
	v8 =	vmul.f32 v22, v22;
	(xrf2) =	vadd.scan.msk.f32 $0xffff, v6;
	s21 =	spop (v2sf)  }
0x1a1: {  	s4 =	smul.f32 $1.302083370e-03, s21  }
0x1a2: {  	s10 =	smul.f32 s6, s6;
	v6 =	vadd.f32 v8, v7;
	v7 =	vmul.f32 v14, v14  }
0x1a3: {  	s23 =	spop (v2sf);
	s4 =	ssub.f32 s4, s22  }
0x1a4: {  	v6 =	vadd.f32 v7, v6;
	v7 =	vmul.f32 v27, v27;
	s2 =	smul.f32 $1.302083370e-03, s23  }
0x1a5: {  	s19 =	smul.f32 $1.302083370e-03, s7;
	s4 =	sadd.f32 $9.999999960e-13, s4  }
0x1a6: {  	v8 =	vmul.f32 v23, v23;
	v6 =	vadd.f32 v7, v6;
	v7 =	vmul.f32 v19, v19;
	s23 =	smul.f32 $1.302083370e-03, s14;
	s2 =	ssub.f32 s2, s10  }
0x1a7: {  	s24 =	sshrl.u32 s4, $0x1;
	s26 =	smul.f32 $5.000000000e-01, s4  }
0x1a8: {  	v6 =	vadd.f32 v8, v6;
	s2 =	sadd.f32 $9.999999960e-13, s2;
	s28 =	ssub.s32 $0x5F3759DF, s24  }
0x1a9: {  	s15 =	smul.f32 s28, s26  }
0x1aa: {  	v6 =	vadd.f32 v7, v6;
	s16 =	sshrl.u32 s2, $0x1;
	s2 =	smul.f32 $5.000000000e-01, s2;
	v7, _, _ =	vpop (xrf2)  }
0x1ab: {  	[smem:$0x7D6] =	sst s19;
	s13 =	ssub.s32 $0x5F3759DF, s16;
	(v2sf) =	vpush v7, $0xF;
	s10 =	smul.f32 s28, s15  }
0x1ac: {  	[smem:$0x7D8] =	sst s23;
	(xrf2) =	vadd.scan.msk.f32 $0xffff, v6;
	s15 =	smul.f32 s13, s2  }
0x1ad: {  	[tilespmem:s1+$0x0] =	vst v12;
	s10 =	ssub.f32 $1.500000000e+00, s10  }
0x1ae: {  	[tilespmem:s25+$0x0] =	vst v13;
	s15 =	smul.f32 s13, s15  }
0x1af: {  	[tilespmem:s5+$0x0] =	vst v5;
	s10 =	smul.f32 s28, s10  }
0x1b0: {  	[tilespmem:s18+$0x0] =	vst v22;
	s20 =	ssub.f32 $1.500000000e+00, s15  }
0x1b1: {  	[tilespmem:s9+$0x0] =	vst v14;
	s17 =	smul.f32 s10, s26  }
0x1b2: {  	s28 =	sld [smem:$0x7EA];
	s3 =	smul.f32 s13, s20  }
0x1b3: {  	s21 =	smul.f32 s17, s10  }
0x1b4: {  	s24 =	smul.f32 s3, s2  }
0x1b5: {  	s7 =	smul.u32 $0x6000, s28;
	s22 =	ssub.f32 $1.500000000e+00, s21  }
0x1b6: {  	v6, _, _ =	vpop (xrf2);
	s1 =	smul.f32 s24, s3  }
0x1b7: {  	(v2sf) =	vpush v6, $0xF;
	s10 =	smul.f32 s22, s10  }
0x1b8: {  	[tilespmem:s8+$0x0] =	vst v27;
	s15 =	smul.f32 s19, s19;
	s1 =	ssub.f32 $1.500000000e+00, s1  }
0x1b9: {  	s18 =	simm.s32 $0x0;
	[tilespmem:s11+$0x0] =	vst v23;
	s14 =	sshra.s32 s7, $0x2;
	s26 =	smul.f32 s10, s26  }
0x1ba: {  	[tilespmem:s12+$0x0] =	vst v19;
	s13 =	spop (v2sf);
	s3 =	smul.f32 s1, s3;
	s1 =	sor.u32 $0x100, s14  }
0x1bb: {  	s7 =	sand.u32 $0x40, s18;
	s8 =	smul.f32 $1.302083370e-03, s13;
	[dreg:$0xd] =	wrdreg s1  }
0x1bc: {  	s21 =	sand.u32 $0x1C00, s18;
	s24 =	simm.s32 $0x12A00;
	s11 =	rddreg [dreg:$0xd]  }
0x1bd: {  	s9 =	sor.u32 $0x30, s7;
	s5 =	smul.f32 s26, s10;
	s17 =	ssub.f32 s8, s15  }
0x1be: {  	s16 =	smul.f32 s3, s2;
	s26 =	rddreg [dreg:$0x1b];
	s4 =	sadd.s32 s21, s11  }
0x1bf: {  	v29 =	vld [tilespmem:s24+$0x0];
	s24 =	smul.f32 s23, s23;
	s22 =	sadd.f32 $9.999999960e-13, s17;
	s11 =	sadd.s32 s26, s4  }
0x1c0: {  	s20 =	sand.u32 $0x380, s18;
	s19 =	smul.f32 s16, s3;
	s16 =	sadd.s32 s9, s11  }
0x1c1: {  	s5 =	ssub.f32 $1.500000000e+00, s5;
	s17 =	sadd.s32 s7, s11;
	s28 =	sshrl.u32 s22, $0x1;
	v5 =	vld [tilespmem:s16+$0x0]  }
0x1c2: {  	s21 =	sor.u32 s20, s9;
	v8 =	vld [tilespmem:s17+$0x0];
	s12 =	ssub.s32 $0x5F3759DF, s28;
	s28 =	sor.u32 $0x10, s7  }
0x1c3: {  	v26 =	vld [tilespmem:s21+$0x12700];
	s13 =	smul.f32 s5, s10;
	s10 =	sadd.s32 s28, s11  }
0x1c4: {  	s15 =	sor.u32 $0x20, s7;
	s25 =	smov.u32 s26;
	s5 =	smul.f32 $5.000000000e-01, s22;
	v9 =	vld [tilespmem:s10+$0x0]  }
0x1c5: {  	v27 =	vld [tilespmem:s21+$0x12A00];
	s26 =	ssub.f32 $1.500000000e+00, s19;
	s0 =	smul.f32 s13, s0;
	v6 =	vmov s13;
	s13 =	simm.s32 $0x12700  }
0x1c6: {  	s18 =	sadd.s32 s15, s11;
	s1 =	smul.f32 s12, s5;
	s2 =	spop (v2sf);
	v36 =	vld [tilespmem:s13+$0x0];
	v5 =	vmul.f32 v5, v6  }
0x1c7: {  	v10 =	vld [tilespmem:s18+$0x0];
	s8 =	smul.f32 $1.302083370e-03, s2;
	v7 =	vmov s0;
	s2 =	sor.u32 s20, s28;
	v8 =	vmul.f32 v8, v6  }
0x1c8: {  	s14 =	rddreg [dreg:$0xd];
	s21 =	smul.f32 s26, s3;
	v37 =	vld [tilespmem:s2+$0x12700];
	v5 =	vsub.f32 v5, v7  }
0x1c9: {  	s26 =	rddreg [dreg:$0x1c];
	s1 =	smul.f32 s12, s1;
	v8 =	vsub.f32 v8, v7;
	v9 =	vmul.f32 v9, v6  }
0x1ca: {  	s23 =	simm.s32 $0x40;
	v35 =	vld [tilespmem:s2+$0x12A00];
	s13 =	ssub.f32 s8, s24;
	s8 =	sor.u32 s20, s15;
	v5 =	vmul.f32 v5, v26  }
0x1cb: {  	s30 =	smov.u32 s25;
	s22 =	sadd.s32 s26, s4;
	s20 =	ssub.f32 $1.500000000e+00, s1;
	v34 =	vld [tilespmem:s8+$0x12700];
	v8 =	vmul.f32 v8, v36;
	v9 =	vsub.f32 v9, v7  }
0x1cc: {  	s3 =	sadd.s32 s9, s22;
	s11 =	sadd.s32 s7, s22;
	v10 =	vmul.f32 v10, v6;
	v32 =	vld [tilespmem:s8+$0x12A00];
	[smem:$0x7D7] =	sst s4;
	v5 =	vadd.f32 v5, v27  }
0x1cd: {  	s6 =	smul.f32 s21, s6;
	s24 =	simm.s32 $0x200;
	s13 =	sadd.f32 $9.999999960e-13, s13;
	v8 =	vadd.f32 v8, v29;
	v9 =	vmul.f32 v9, v37  }
0x1ce: {  	s1 =	sand.u32 $0x40, s23;
	s23 =	sand.u32 $0x380, s23;
	v10 =	vsub.f32 v10, v7;
	s2 =	sand.u32 $0x1C00, s24;
	[tilespmem:s16+$0x0] =	vst v5  }
0x1cf: {  	s19 =	sshrl.u32 s13, $0x1;
	s0 =	smul.f32 $5.000000000e-01, s13;
	s16 =	sadd.s32 s2, s14;
	[tilespmem:s17+$0x0] =	vst v8;
	v8 =	vadd.f32 v9, v35;
	v9 =	vld [tilespmem:s3+$0x0]  }
0x1d0: {  	v5 =	vmul.f32 v10, v34;
	s14 =	sor.u32 $0x30, s1;
	s24 =	sadd.s32 s25, s16;
	v10 =	vld [tilespmem:s11+$0x0];
	[smem:$0x7DA] =	sst s28  }
0x1d1: {  	s8 =	smov.u32 s26;
	s26 =	ssub.s32 $0x5F3759DF, s19;
	s17 =	sadd.s32 s14, s24;
	[tilespmem:s10+$0x0] =	vst v8  }
0x1d2: {  	s19 =	sadd.s32 s28, s22;
	s13 =	smul.f32 s26, s0;
	v8 =	vld [tilespmem:s17+$0x0];
	[smem:$0x7DB] =	sst s15  }
0x1d3: {  	s2 =	smov.u32 s28;
	s25 =	smul.f32 s12, s20;
	s28 =	sor.u32 s23, s14;
	v5 =	vadd.f32 v5, v32;
	v12 =	vld [tilespmem:s19+$0x0]  }
0x1d4: {  	s12 =	sadd.s32 s15, s22;
	s22 =	smul.f32 s26, s13;
	v30 =	vld [tilespmem:s28+$0x12700]  }
0x1d5: {  	v11 =	vmov s21;
	s10 =	smul.f32 s25, s5;
	[tilespmem:s18+$0x0] =	vst v5;
	v33 =	vld [tilespmem:s28+$0x12A00]  }
0x1d6: {  	s13 =	sor.u32 $0x10, s1;
	s21 =	sadd.s32 s1, s24;
	s18 =	ssub.f32 $1.500000000e+00, s22;
	v14 =	vld [tilespmem:s12+$0x0];
	v5 =	vmul.f32 v9, v11  }
0x1d7: {  	v13 =	vmov s6;
	s20 =	sadd.s32 s13, s24;
	s10 =	smul.f32 s10, s25;
	v9 =	vld [tilespmem:s21+$0x0];
	v15 =	vmul.f32 v10, v11  }
0x1d8: {  	v18 =	vld [tilespmem:s20+$0x0];
	s26 =	smul.f32 s26, s18;
	s18 =	simm.s32 $0x12A40;
	v8 =	vmul.f32 v8, v6;
	v16 =	vsub.f32 v5, v13  }
0x1d9: {  	s22 =	simm.s32 $0x12740;
	s10 =	ssub.f32 $1.500000000e+00, s10;
	v5 =	vld [tilespmem:s18+$0x0];
	s18 =	sor.u32 $0x20, s1;
	v15 =	vsub.f32 v15, v13;
	v12 =	vmul.f32 v12, v11  }
0x1da: {  	v10 =	vld [tilespmem:s22+$0x0];
	s22 =	sadd.s32 s18, s24;
	v8 =	vsub.f32 v8, v7;
	v16 =	vmul.f32 v16, v26  }
0x1db: {  	s10 =	smul.f32 s10, s25;
	s25 =	sor.u32 s23, s13;
	v19 =	vld [tilespmem:s22+$0x0];
	v21 =	vmul.f32 v15, v36;
	v14 =	vmul.f32 v14, v11;
	v12 =	vsub.f32 v12, v13  }
0x1dc: {  	s24 =	smul.f32 s26, s0;
	s23 =	sor.u32 s23, s18;
	v17 =	vld [tilespmem:s25+$0x12700];
	v9 =	vmul.f32 v9, v6;
	v20 =	vmul.f32 v8, v30;
	v16 =	vadd.f32 v16, v27  }
0x1dd: {  	v15 =	vld [tilespmem:s23+$0x12700];
	v21 =	vadd.f32 v21, v29;
	v14 =	vsub.f32 v14, v13;
	v12 =	vmul.f32 v12, v37  }
0x1de: {  	v18 =	vmul.f32 v18, v6;
	s6 =	smul.f32 s24, s26;
	v8 =	vld [tilespmem:s25+$0x12A00];
	s25 =	sadd.s32 s8, s16;
	s8 =	sadd.s32 s29, s4;
	v20 =	vadd.f32 v20, v33;
	[tilespmem:s3+$0x0] =	vst v16  }
0x1df: {  	s5 =	smul.f32 s10, s5;
	v22 =	vsub.f32 v9, v7;
	v9 =	vld [tilespmem:s23+$0x12A00];
	s3 =	sadd.s32 s9, s8;
	[tilespmem:s11+$0x0] =	vst v21;
	v14 =	vmul.f32 v14, v34;
	v12 =	vadd.f32 v12, v35  }
0x1e0: {  	v18 =	vsub.f32 v18, v7;
	s24 =	ssub.f32 $1.500000000e+00, s6;
	s6 =	sadd.s32 s14, s25;
	v21 =	vld [tilespmem:s3+$0x0];
	[tilespmem:s17+$0x0] =	vst v20  }
0x1e1: {  	s5 =	smul.f32 s5, s10;
	s4 =	sadd.s32 s15, s8;
	v16 =	vmul.f32 v22, v10;
	v19 =	vmul.f32 v19, v6;
	s17 =	sadd.s32 s7, s8;
	v20 =	vld [tilespmem:s6+$0x0];
	v14 =	vadd.f32 v14, v32;
	[tilespmem:s19+$0x0] =	vst v12  }
0x1e2: {  	v18 =	vmul.f32 v18, v17;
	v23 =	vld [tilespmem:s17+$0x0];
	[smem:$0x7DC] =	sst s4  }
0x1e3: {  	s28 =	smov.u32 s1;
	s5 =	ssub.f32 $1.500000000e+00, s5;
	s19 =	sadd.s32 s2, s8;
	v12 =	vadd.f32 v16, v5;
	v16 =	vsub.f32 v19, v7;
	[tilespmem:s12+$0x0] =	vst v14  }
0x1e4: {  	s26 =	smul.f32 s24, s26;
	v19 =	vld [tilespmem:s19+$0x0];
	v14 =	vadd.f32 v18, v8;
	[smem:$0x7E1] =	sst s28  }
0x1e5: {  	s24 =	rddreg [dreg:$0xd];
	[tilespmem:s21+$0x0] =	vst v12;
	v12 =	vmul.f32 v16, v15  }
0x1e6: {  	s1 =	sadd.s32 s1, s25;
	s0 =	smul.f32 s26, s0;
	s21 =	sld [smem:$0x7D6];
	[tilespmem:s20+$0x0] =	vst v14  }
0x1e7: {  	s15 =	simm.s32 $0x400;
	s5 =	smul.f32 s5, s10;
	v18 =	vld [tilespmem:s4+$0x0];
	v14 =	vmul.f32 v20, v11;
	[smem:$0x7E2] =	sst s13;
	v22 =	vadd.f32 v12, v9  }
0x1e8: {  	s10 =	simm.s32 $0x80;
	s2 =	smov.u32 s28;
	s4 =	sadd.s32 s13, s25;
	v16 =	vld [tilespmem:s1+$0x0]  }
0x1e9: {  	s11 =	sand.u32 $0x40, s10;
	s12 =	sand.u32 $0x1C00, s15;
	s28 =	simm.s32 $0x12A80;
	v24 =	vld [tilespmem:s4+$0x0];
	v25 =	vsub.f32 v14, v13;
	[tilespmem:s22+$0x0] =	vst v22  }
0x1ea: {  	s15 =	sadd.s32 s12, s24;
	v12 =	vld [tilespmem:s28+$0x0];
	s22 =	sadd.s32 s18, s25;
	[smem:$0x7E3] =	sst s18  }
0x1eb: {  	s30 =	sadd.s32 s30, s15;
	v20 =	vmov s5;
	s20 =	simm.s32 $0x12780;
	s23 =	smul.f32 s5, s21;
	v25 =	vmul.f32 v25, v30;
	v31 =	vld [tilespmem:s22+$0x0]  }
0x1ec: {  	s12 =	sor.u32 $0x10, s11;
	v21 =	vmul.f32 v21, v20;
	s25 =	sadd.s32 s11, s30;
	v14 =	vld [tilespmem:s20+$0x0]  }
0x1ed: {  	s8 =	smul.f32 s0, s26;
	s24 =	sor.u32 $0x30, s11;
	s5 =	sadd.s32 s12, s30;
	v22 =	vmov s23;
	v39 =	vld [tilespmem:s25+$0x0];
	v25 =	vadd.f32 v25, v33  }
0x1ee: {  	s31 =	sand.u32 $0x380, s10;
	v23 =	vmul.f32 v23, v20;
	s23 =	sadd.s32 s24, s30;
	v40 =	vld [tilespmem:s5+$0x0];
	v21 =	vsub.f32 v21, v22;
	v28 =	vmul.f32 v16, v11  }
0x1ef: {  	s0 =	ssub.f32 $1.500000000e+00, s8;
	s10 =	sor.u32 s31, s24;
	v42 =	vmul.f32 v19, v20;
	v38 =	vld [tilespmem:s23+$0x0];
	v24 =	vmul.f32 v24, v11;
	[tilespmem:s6+$0x0] =	vst v25  }
0x1f0: {  	v21 =	vmul.f32 v21, v26;
	v25 =	vld [tilespmem:s10+$0x12A00];
	v41 =	vsub.f32 v28, v13;
	s21 =	sld [smem:$0x7D7];
	v19 =	vmul.f32 v31, v11  }
0x1f1: {  	s28 =	smul.f32 s0, s26;
	s0 =	sadd.s32 s29, s16;
	v62 =	vmul.f32 v18, v20;
	v43 =	vsub.f32 v23, v22;
	s6 =	sor.u32 s31, s12;
	v28 =	vld [tilespmem:s10+$0x12700];
	v24 =	vsub.f32 v24, v13  }
0x1f2: {  	s29 =	sadd.s32 s14, s0;
	s10 =	rddreg [dreg:$0x1a];
	v18 =	vld [tilespmem:s6+$0x12700];
	v21 =	vadd.f32 v21, v27;
	v23 =	vmul.f32 v41, v10;
	v44 =	vsub.f32 v19, v13  }
0x1f3: {  	s20 =	sor.u32 $0x20, s11;
	v31 =	vld [tilespmem:s29+$0x0];
	v24 =	vmul.f32 v24, v17;
	s21 =	sadd.s32 s10, s21  }
0x1f4: {  	s26 =	sadd.s32 s20, s30;
	v40 =	vmul.f32 v40, v6;
	[tilespmem:s3+$0x0] =	vst v21;
	v19 =	vld [tilespmem:s6+$0x12A00];
	v23 =	vadd.f32 v23, v5;
	s6 =	sadd.s32 s9, s21;
	v21 =	vmul.f32 v44, v15  }
0x1f5: {  	v45 =	vld [tilespmem:s26+$0x0];
	v24 =	vadd.f32 v24, v8;
	[smem:$0x7DD] =	sst s6  }
0x1f6: {  	v38 =	vmul.f32 v38, v6;
	v40 =	vsub.f32 v40, v7;
	s9 =	sor.u32 s31, s20;
	v63 =	vld [tilespmem:s6+$0x0];
	[tilespmem:s1+$0x0] =	vst v23;
	v46 =	vadd.f32 v21, v9  }
0x1f7: {  	s8 =	smov.u32 s18;
	v39 =	vmul.f32 v39, v6;
	v23 =	vld [tilespmem:s9+$0x12A00];
	[tilespmem:s4+$0x0] =	vst v24  }
0x1f8: {  	s18 =	sadd.s32 s13, s0;
	s13 =	sadd.s32 s8, s0;
	v38 =	vsub.f32 v38, v7;
	v40 =	vmul.f32 v40, v18;
	s1 =	sadd.s32 s2, s0;
	v21 =	vld [tilespmem:s9+$0x12700];
	[tilespmem:s22+$0x0] =	vst v46  }
0x1f9: {  	v43 =	vmul.f32 v43, v36;
	v39 =	vsub.f32 v39, v7;
	v31 =	vmul.f32 v31, v20;
	v48 =	vld [tilespmem:s1+$0x0];
	[smem:$0x7DE] =	sst s13  }
0x1fa: {  	v45 =	vmul.f32 v45, v6;
	v38 =	vmul.f32 v38, v28;
	v40 =	vadd.f32 v40, v19;
	s3 =	sld [smem:$0x7D8]  }
0x1fb: {  	v54 =	vadd.f32 v43, v29;
	v39 =	vmul.f32 v39, v14;
	v31 =	vsub.f32 v31, v22;
	s2 =	rddreg [dreg:$0x1c]  }
0x1fc: {  	v45 =	vsub.f32 v45, v7;
	v24 =	vadd.f32 v38, v25;
	v49 =	vld [tilespmem:s18+$0x0];
	s0 =	sadd.s32 s2, s15;
	[tilespmem:s5+$0x0] =	vst v40  }
0x1fd: {  	v16 =	vmov s28;
	v39 =	vadd.f32 v39, v12;
	v31 =	vmul.f32 v31, v30;
	v47 =	vld [tilespmem:s13+$0x0];
	s5 =	sadd.s32 s10, s16;
	[tilespmem:s17+$0x0] =	vst v54;
	s16 =	sadd.s32 s7, s21;
	s6 =	smul.f32 s28, s3  }
0x1fe: {  	[tilespmem:s23+$0x0] =	vst v24;
	v50 =	vmul.f32 v63, v16;
	s23 =	sadd.s32 s24, s0;
	v51 =	vmul.f32 v45, v21;
	v60 =	vld [tilespmem:s16+$0x0]  }
0x1ff: {  	v42 =	vsub.f32 v42, v22;
	[tilespmem:s25+$0x0] =	vst v39;
	v31 =	vadd.f32 v31, v33;
	s31 =	sadd.s32 s11, s0;
	v52 =	vld [tilespmem:s23+$0x0];
	v24 =	vmov s6  }
0x200: {  	s30 =	sadd.s32 s14, s5;
	s14 =	simm.s32 $0xC0;
	v55 =	vld [tilespmem:s31+$0x0];
	s28 =	sadd.s32 s12, s0;
	v56 =	vadd.f32 v51, v23;
	v39 =	vsub.f32 v50, v24  }
0x201: {  	v53 =	vmul.f32 v42, v37;
	v41 =	vsub.f32 v62, v22;
	s13 =	sand.u32 $0x40, s14;
	[tilespmem:s29+$0x0] =	vst v31;
	v57 =	vld [tilespmem:s28+$0x0]  }
0x202: {  	s25 =	sadd.s32 s20, s0;
	s4 =	sor.u32 $0x30, s13;
	s29 =	sand.u32 $0x380, s14;
	v59 =	vld [tilespmem:s30+$0x0];
	[tilespmem:s26+$0x0] =	vst v56;
	v26 =	vmul.f32 v39, v26  }
0x203: {  	v40 =	vadd.f32 v53, v35;
	s10 =	simm.s32 $0x600;
	v31 =	vmul.f32 v41, v34;
	s9 =	sor.u32 s29, s4;
	v41 =	vld [tilespmem:s25+$0x0]  }
0x204: {  	v38 =	vmul.f32 v48, v20;
	v48 =	vadd.f32 v26, v27;
	v27 =	vld [tilespmem:s9+$0x12700];
	[smem:$0x7D9] =	sst s10  }
0x205: {  	[tilespmem:s19+$0x0] =	vst v40  }
0x206: {  	s17 =	sld [smem:$0x7DA]  }
0x207: {  	s8 =	simm.s32 $0x600;
	s19 =	sld [smem:$0x7DB]  }
0x208: {  	s22 =	smov.u32 s15;
	s7 =	rddreg [dreg:$0xd];
	s15 =	sand.u32 $0x1C00, s8  }
0x209: {  	v45 =	vmul.f32 v52, v11;
	s10 =	sadd.s32 s15, s7  }
0x20a: {  	v38 =	vsub.f32 v38, v22;
	v58 =	vmul.f32 v49, v20;
	v31 =	vadd.f32 v31, v32;
	v26 =	vld [tilespmem:s9+$0x12A00];
	s9 =	sadd.s32 s17, s21;
	s7 =	sadd.s32 s19, s21;
	s21 =	sld [smem:$0x7DC]  }
0x20b: {  	v47 =	vmul.f32 v47, v20;
	v43 =	vmul.f32 v55, v11;
	v61 =	vsub.f32 v45, v13  }
0x20c: {  	v42 =	vsub.f32 v58, v22;
	v44 =	vmul.f32 v57, v11;
	v46 =	vmul.f32 v59, v16  }
0x20d: {  	v43 =	vsub.f32 v43, v13;
	v40 =	vmul.f32 v61, v28;
	[tilespmem:s21+$0x0] =	vst v31;
	v31 =	vsub.f32 v47, v22  }
0x20e: {  	v38 =	vmul.f32 v38, v10;
	v44 =	vsub.f32 v44, v13;
	v46 =	vsub.f32 v46, v24;
	s0 =	rddreg [dreg:$0x1b]  }
0x20f: {  	v43 =	vmul.f32 v43, v14;
	s26 =	sadd.s32 s0, s10;
	v50 =	vmul.f32 v31, v15;
	v31 =	vadd.f32 v40, v25  }
0x210: {  	v38 =	vadd.f32 v38, v5;
	v42 =	vmul.f32 v42, v17;
	v41 =	vmul.f32 v41, v11;
	v62 =	vld [tilespmem:s9+$0x0];
	s15 =	sadd.s32 s4, s26  }
0x211: {  	s2 =	sor.u32 $0x10, s13;
	v53 =	vmul.f32 v46, v30;
	v30 =	vmul.f32 v44, v18;
	v43 =	vadd.f32 v43, v12;
	s17 =	rddreg [dreg:$0x1d];
	v49 =	vld [tilespmem:s15+$0x0];
	[tilespmem:s23+$0x0] =	vst v31  }
0x212: {  	v39 =	vmul.f32 v60, v16;
	v42 =	vadd.f32 v42, v8;
	v41 =	vsub.f32 v41, v13;
	v63 =	vld [tilespmem:s7+$0x0];
	s0 =	sadd.s32 s17, s22;
	s3 =	sadd.s32 s13, s26;
	s17 =	sld [smem:$0x7DD];
	[tilespmem:s1+$0x0] =	vst v38  }
0x213: {  	v56 =	vadd.f32 v30, v19;
	s6 =	sadd.s32 s2, s26;
	v51 =	vld [tilespmem:s3+$0x0];
	[tilespmem:s31+$0x0] =	vst v43  }
0x214: {  	v39 =	vsub.f32 v39, v24;
	v41 =	vmul.f32 v41, v21;
	s21 =	simm.s32 $0x12AC0;
	v54 =	vld [tilespmem:s6+$0x0];
	[tilespmem:s18+$0x0] =	vst v42  }
0x215: {  	v40 =	vadd.f32 v53, v33;
	s8 =	sadd.s32 s24, s0;
	v31 =	vld [tilespmem:s21+$0x0];
	[tilespmem:s28+$0x0] =	vst v56  }
0x216: {  	v39 =	vmul.f32 v39, v36;
	v41 =	vadd.f32 v41, v23;
	s23 =	simm.s32 $0x127C0;
	v57 =	vld [tilespmem:s8+$0x0];
	[tilespmem:s17+$0x0] =	vst v48;
	s17 =	sor.u32 $0x20, s13;
	v58 =	vmul.f32 v49, v6  }
0x217: {  	v55 =	vmul.f32 v62, v16;
	v30 =	vld [tilespmem:s23+$0x0];
	[tilespmem:s30+$0x0] =	vst v40;
	s19 =	sadd.s32 s17, s26  }
0x218: {  	v29 =	vadd.f32 v39, v29;
	[tilespmem:s25+$0x0] =	vst v41;
	v60 =	vmul.f32 v51, v6;
	s26 =	sor.u32 s29, s2;
	v59 =	vld [tilespmem:s19+$0x0];
	v62 =	vsub.f32 v58, v7  }
0x219: {  	v52 =	vadd.f32 v50, v9;
	v44 =	vsub.f32 v55, v24;
	s31 =	smov.u32 s19;
	v33 =	vld [tilespmem:s26+$0x12700];
	s19 =	sld [smem:$0x7DE]  }
0x21a: {  	v47 =	vmul.f32 v63, v16;
	s18 =	sor.u32 s29, s17;
	v38 =	vld [tilespmem:s26+$0x12A00];
	v63 =	vsub.f32 v60, v7;
	v46 =	vmul.f32 v62, v27  }
0x21b: {  	v44 =	vmul.f32 v44, v37;
	v37 =	vld [tilespmem:s18+$0x12700];
	[tilespmem:s16+$0x0] =	vst v29  }
0x21c: {  	s28 =	sadd.s32 s11, s0;
	s25 =	sadd.s32 s12, s0;
	v61 =	vmul.f32 v54, v6;
	v36 =	vld [tilespmem:s18+$0x12A00];
	v54 =	vmul.f32 v63, v30;
	[tilespmem:s19+$0x0] =	vst v52;
	v56 =	vadd.f32 v46, v26  }
0x21d: {  	v48 =	vmul.f32 v57, v20;
	v57 =	vld [tilespmem:s28+$0x0];
	[smem:$0x7DF] =	sst s25  }
0x21e: {  	s26 =	sadd.s32 s20, s0;
	v53 =	vsub.f32 v61, v7;
	s29 =	rddreg [dreg:$0x1c];
	v42 =	vadd.f32 v54, v31;
	[tilespmem:s15+$0x0] =	vst v56  }
0x21f: {  	v55 =	vmul.f32 v59, v6;
	v59 =	vld [tilespmem:s25+$0x0];
	[smem:$0x7E0] =	sst s26  }
0x220: {  	v41 =	vmul.f32 v53, v33;
	[tilespmem:s3+$0x0] =	vst v42  }
0x221: {  	v35 =	vadd.f32 v44, v35;
	s16 =	sld [smem:$0x7E1]  }
0x222: {  	v58 =	vsub.f32 v48, v22;
	s0 =	sadd.s32 s29, s10;
	v61 =	vadd.f32 v41, v38;
	s18 =	sld [smem:$0x7E2]  }
0x223: {  	v29 =	vsub.f32 v47, v24;
	s19 =	smov.u32 s4;
	s30 =	sadd.s32 s4, s0;
	v39 =	vld [tilespmem:s26+$0x0];
	s26 =	sld [smem:$0x7E3];
	[tilespmem:s9+$0x0] =	vst v35  }
0x224: {  	v45 =	vmul.f32 v58, v28;
	s25 =	sadd.s32 s13, s0;
	v60 =	vsub.f32 v55, v7;
	v41 =	vld [tilespmem:s30+$0x0];
	s29 =	rddreg [dreg:$0x1a];
	[tilespmem:s6+$0x0] =	vst v61;
	s6 =	sadd.s32 s17, s0  }
0x225: {  	v29 =	vmul.f32 v29, v34;
	v40 =	vld [tilespmem:s25+$0x0];
	s3 =	sadd.s32 s29, s22;
	[smem:$0x7E4] =	sst s2;
	s15 =	sadd.s32 s16, s5  }
0x226: {  	v63 =	vadd.f32 v45, v25;
	v62 =	vmul.f32 v60, v37;
	s18 =	sadd.s32 s18, s5;
	s26 =	sadd.s32 s26, s5;
	s5 =	sadd.s32 s2, s0  }
0x227: {  	v32 =	vadd.f32 v29, v32;
	s16 =	smov.u32 s17;
	s17 =	smov.u32 s28;
	s11 =	sadd.s32 s11, s3;
	v34 =	vld [tilespmem:s15+$0x0]  }
0x228: {  	v43 =	vmul.f32 v57, v20;
	v42 =	vmul.f32 v59, v20;
	v44 =	vadd.f32 v62, v36;
	[tilespmem:s8+$0x0] =	vst v63;
	s8 =	sadd.s32 s12, s3;
	s24 =	sadd.s32 s24, s3;
	s12 =	simm.s32 $0xC;
	v35 =	vld [tilespmem:s5+$0x0]  }
.LBB2_9:
0x229: {  	[smem:$0x7D1] =	sst s24  }
0x22a: {  	[smem:$0x7D3] =	sst s18  }
0x22b: {  	[smem:$0x7D4] =	sst s8  }
0x22c: {  	s0 =	rddreg [dreg:$0xd]  }
0x22d: {  	s2 =	sadd.s32 s20, s3;
	s1 =	sld [smem:$0x7D9];
	s14 =	sadd.s32 $0x40, s14  }
0x22e: {  	s23 =	sadd.s32 $0x40, s23;
	s21 =	sadd.s32 $0x40, s21;
	s22 =	rddreg [dreg:$0x1b]  }
0x22f: {  	v61 =	vld [tilespmem:s24+$0x0];
	s28 =	sand.u32 $0x40, s14;
	s9 =	smov.u32 s2;
	s8 =	smov.u32 s26  }
0x230: {  	v45 =	vld [tilespmem:s18+$0x0];
	[tilespmem:s31+$0x0] =	vst v44;
	s29 =	sor.u32 $0x10, s28;
	s18 =	sor.u32 $0x20, s28;
	s1 =	sadd.s32 $0x200, s1;
	v41 =	vmul.f32 v41, v11  }
0x231: {  	v39 =	vmul.f32 v39, v20;
	v43 =	vsub.f32 v43, v22;
	v62 =	vld [tilespmem:s6+$0x0];
	[tilespmem:s7+$0x0] =	vst v32;
	[smem:$0x7D2] =	sst s9;
	s7 =	smov.u32 s28;
	s20 =	sand.u32 $0x1C00, s1;
	v40 =	vmul.f32 v40, v11  }
0x232: {  	v29 =	vmovc v21;
	v21 =	vmovc v37;
	v42 =	vsub.f32 v42, v22;
	v32 =	vmov v8;
	v46 =	vld [tilespmem:s8+$0x0];
	[smem:$0x7D9] =	sst s1;
	s1 =	smov.u32 s10;
	s24 =	sadd.s32 s20, s0;
	v63 =	vsub.f32 v41, v13  }
0x233: {  	v8 =	vmovc v19;
	v43 =	vmul.f32 v43, v14;
	v53 =	vmul.f32 v34, v16;
	v34 =	vld [tilespmem:s21+$0x0];
	s20 =	sor.u32 $0x30, s28;
	s0 =	sadd.s32 s22, s24;
	v40 =	vsub.f32 v40, v13;
	s22 =	sand.u32 $0x380, s14  }
0x234: {  	v39 =	vsub.f32 v39, v22;
	v19 =	vmovc v38;
	v48 =	vmul.f32 v35, v11;
	v35 =	vld [tilespmem:s23+$0x0];
	s3 =	sadd.s32 s28, s0;
	s4 =	sadd.s32 s20, s0;
	s26 =	sadd.s32 s29, s0;
	v38 =	vmul.f32 v63, v27  }
0x235: {  	v47 =	vmovc v9;
	v52 =	vmul.f32 v42, v18;
	v43 =	vadd.f32 v43, v12;
	s31 =	sadd.s32 s18, s0;
	s0 =	smov.u32 s13;
	s13 =	rddreg [dreg:$0x1d];
	v54 =	vld [tilespmem:s4+$0x0];
	v40 =	vmul.f32 v40, v30  }
0x236: {  	v9 =	vmovc v23;
	v44 =	vmul.f32 v61, v16;
	v56 =	vmul.f32 v45, v16;
	s9 =	sor.u32 s22, s20;
	v49 =	vld [tilespmem:s3+$0x0];
	s13 =	sadd.s32 s13, s10;
	s10 =	sld [smem:$0x7E4];
	v38 =	vadd.f32 v38, v26  }
0x237: {  	v48 =	vsub.f32 v48, v13;
	v37 =	vmul.f32 v62, v11;
	[smem:$0x7D5] =	sst s26;
	[tilespmem:s17+$0x0] =	vst v43;
	s17 =	sor.u32 s22, s29;
	v57 =	vld [tilespmem:s26+$0x0];
	s26 =	smov.u32 s11;
	v40 =	vadd.f32 v40, v31  }
0x238: {  	v39 =	vmul.f32 v39, v29;
	v58 =	vadd.f32 v52, v8;
	v55 =	vsub.f32 v44, v24;
	s11 =	smov.u32 s15;
	s15 =	sor.u32 s22, s18;
	v50 =	vld [tilespmem:s9+$0x12700];
	s28 =	sadd.s32 s19, s13;
	[tilespmem:s30+$0x0] =	vst v38  }
0x239: {  	v44 =	vsub.f32 v56, v24;
	v48 =	vmul.f32 v48, v33;
	v62 =	vld [tilespmem:s31+$0x0];
	v37 =	vsub.f32 v37, v13;
	s2 =	smov.u32 s10;
	[tilespmem:s25+$0x0] =	vst v40;
	s25 =	sadd.s32 s10, s13;
	s10 =	sld [smem:$0x7DF]  }
0x23a: {  	v39 =	vadd.f32 v39, v9;
	v61 =	vmul.f32 v46, v16;
	s22 =	sadd.s32 s0, s13;
	v28 =	vmul.f32 v55, v28;
	s13 =	sadd.s32 s16, s13;
	s30 =	smov.u32 s20;
	v60 =	vld [tilespmem:s28+$0x0]  }
0x23b: {  	v23 =	vmovc v36;
	v17 =	vmul.f32 v44, v17;
	v59 =	vadd.f32 v48, v19;
	v37 =	vmul.f32 v37, v21;
	v42 =	vld [tilespmem:s9+$0x12A00];
	s9 =	smov.u32 s18;
	s18 =	smov.u32 s25;
	s25 =	sld [smem:$0x7E0]  }
0x23c: {  	v25 =	vadd.f32 v28, v25;
	v28 =	vsub.f32 v53, v24;
	s20 =	smov.u32 s16;
	v36 =	vmul.f32 v54, v6;
	s16 =	smov.u32 s13;
	[smem:$0x7DF] =	sst s18;
	[tilespmem:s10+$0x0] =	vst v58  }
0x23d: {  	v63 =	vmul.f32 v49, v6;
	v52 =	vadd.f32 v37, v23;
	v45 =	vmul.f32 v57, v6;
	v37 =	vld [tilespmem:s15+$0x12700];
	[smem:$0x7E0] =	sst s16;
	[tilespmem:s5+$0x0] =	vst v59  }
0x23e: {  	v17 =	vadd.f32 v17, v32;
	v10 =	vmul.f32 v28, v10;
	s10 =	smov.u32 s29;
	s29 =	smov.u32 s19;
	v36 =	vsub.f32 v36, v7;
	s19 =	sld [smem:$0x7D1];
	v48 =	vld [tilespmem:s17+$0x12700]  }
0x23f: {  	s13 =	smov.u32 s7;
	v56 =	vmul.f32 v62, v6;
	v57 =	vld [tilespmem:s22+$0x0];
	v53 =	vsub.f32 v63, v7;
	[tilespmem:s6+$0x0] =	vst v52;
	v28 =	vsub.f32 v45, v7;
	s6 =	rddreg [dreg:$0x1c]  }
0x240: {  	s7 =	smov.u32 s8;
	v10 =	vadd.f32 v10, v5;
	[tilespmem:s25+$0x0] =	vst v39;
	s8 =	sadd.s32 s6, s24;
	[smem:$0x7E4] =	sst s10;
	v38 =	vld [tilespmem:s17+$0x12A00];
	v54 =	vmul.f32 v36, v50;
	v41 =	vmul.f32 v60, v20  }
0x241: {  	v59 =	vsub.f32 v56, v7;
	v55 =	vmul.f32 v53, v35;
	v39 =	vld [tilespmem:s16+$0x0];
	s16 =	smov.u32 s9;
	s6 =	sadd.s32 s9, s8;
	s9 =	sld [smem:$0x7D3];
	[tilespmem:s19+$0x0] =	vst v25;
	v25 =	vsub.f32 v61, v24  }
0x242: {  	s12 =	sadd.s32 $0x4, s12;
	v36 =	vld [tilespmem:s15+$0x12A00];
	s5 =	sadd.s32 s10, s8;
	s10 =	sld [smem:$0x7D4];
	v40 =	vadd.f32 v54, v42;
	v41 =	vsub.f32 v41, v22  }
0x243: {  	p0 =	slt.u32 s12, $0x2C;
	[tilespmem:s11+$0x0] =	vst v10;
	s11 =	sld [smem:$0x7D5];
	v60 =	vld [tilespmem:s18+$0x0];
	v15 =	vmul.f32 v25, v15;
	v25 =	vadd.f32 v55, v34;
	v58 =	vmul.f32 v28, v48  }
.Ltmp3:
0x244: {  	v5 =	vmovc v12;
	v12 =	vmov v31;
	s19 =	smov.u32 s30;
	s30 =	sadd.s32 s30, s8;
	v62 =	vmul.f32 v59, v37;
	[tilespmem:s4+$0x0] =	vst v40;
	v61 =	vmul.f32 v41, v27;
	(pc) =	sbr.rel @p0 .LBB2_9-.Ltmp3, $4  }
0x245: {  	v31 =	vmovc v34;
	s15 =	smov.u32 s26;
	s26 =	sld [smem:$0x7D2];
	s25 =	sadd.s32 s13, s8;
	v43 =	vmul.f32 v57, v20;
	v10 =	vmov v14;
	[tilespmem:s3+$0x0] =	vst v25;
	v41 =	vld [tilespmem:s30+$0x0];
	v51 =	vadd.f32 v58, v38  }
0x246: {  	s17 =	smov.u32 s22;
	s22 =	rddreg [dreg:$0x1a];
	v14 =	vmovc v30;
	v30 =	vmovc v35;
	[tilespmem:s9+$0x0] =	vst v17;
	v17 =	vmov v18;
	v18 =	vmov v33;
	v40 =	vld [tilespmem:s25+$0x0];
	v63 =	vadd.f32 v61, v26  }
0x247: {  	s18 =	smov.u32 s10;
	s10 =	smov.u32 s24;
	v32 =	vadd.f32 v15, v47;
	v28 =	vmovc v27;
	v27 =	vmov v50;
	v44 =	vadd.f32 v62, v36;
	s3 =	sadd.s32 s22, s1;
	v34 =	vld [tilespmem:s15+$0x0];
	[tilespmem:s11+$0x0] =	vst v51  }
0x248: {  	v33 =	vmovc v48;
	s8 =	sadd.s32 s2, s3;
	s24 =	sadd.s32 s29, s3;
	v25 =	vmovc v26;
	v26 =	vmov v42;
	v42 =	vmul.f32 v60, v20;
	v15 =	vmov v29;
	s11 =	sadd.s32 s0, s3;
	[tilespmem:s28+$0x0] =	vst v63;
	v35 =	vld [tilespmem:s5+$0x0]  }
0x249: {  	_ = 	snop  }
0x24a: {  	v6 =	vmul.f32 v41, v11  }
0x24b: {  	[tilespmem:s31+$0x0] =	vst v44  }
0x24c: {  	v7 =	vld [tilespmem:s6+$0x0];
	v6 =	vsub.f32 v6, v13;
	_ =	sdelay $0x1  }
0x24d: {  	v6 =	vmul.f32 v6, v27;
	_ =	sdelay $0x1  }
0x24e: {  	s0 =	rddreg [dreg:$0x1d];
	v29 =	vmul.f32 v40, v11;
	v6 =	vadd.f32 v6, v26  }
0x24f: {  	s0 =	sadd.s32 s0, s10;
	v7 =	vmul.f32 v7, v11  }
0x250: {  	s2 =	sadd.s32 s19, s0;
	v35 =	vmul.f32 v35, v11;
	v29 =	vsub.f32 v29, v13;
	[tilespmem:s30+$0x0] =	vst v6  }
0x251: {  	v7 =	vsub.f32 v7, v13;
	v55 =	vld [tilespmem:s2+$0x0]  }
0x252: {  	v29 =	vmul.f32 v29, v30;
	v6 =	vsub.f32 v35, v13  }
0x253: {  	v7 =	vmul.f32 v7, v37  }
0x254: {  	v56 =	vadd.f32 v29, v31;
	v6 =	vmul.f32 v6, v33  }
0x255: {  	v7 =	vadd.f32 v7, v36  }
0x256: {  	[tilespmem:s25+$0x0] =	vst v56;
	v6 =	vadd.f32 v6, v38;
	v11 =	vmul.f32 v55, v20  }
0x257: {  	v59 =	vsub.f32 v43, v22;
	s4 =	sadd.s32 s13, s0;
	s22 =	sld [smem:$0x7E4];
	[tilespmem:s6+$0x0] =	vst v7  }
0x258: {  	[tilespmem:s5+$0x0] =	vst v6;
	v6 =	vld [tilespmem:s4+$0x0];
	v7 =	vsub.f32 v11, v22  }
0x259: {  	v13 =	vmul.f32 v59, v14  }
0x25a: {  	v7 =	vmul.f32 v7, v27  }
0x25b: {  	v57 =	vld [tilespmem:s24+$0x0];
	v13 =	vadd.f32 v13, v12  }
0x25c: {  	v39 =	vmul.f32 v39, v20;
	v62 =	vld [tilespmem:s18+$0x0];
	v60 =	vsub.f32 v42, v22;
	s9 =	sadd.s32 s22, s0;
	v7 =	vadd.f32 v7, v26  }
0x25d: {  	s21 =	sadd.s32 s16, s0;
	v58 =	vld [tilespmem:s9+$0x0];
	s23 =	rddreg [dreg:$0x1a];
	[tilespmem:s17+$0x0] =	vst v13;
	v6 =	vmul.f32 v6, v20  }
0x25e: {  	v39 =	vsub.f32 v39, v22;
	v35 =	vmul.f32 v60, v18;
	v61 =	vld [tilespmem:s21+$0x0];
	[tilespmem:s2+$0x0] =	vst v7  }
0x25f: {  	v63 =	vld [tilespmem:s26+$0x0];
	v6 =	vsub.f32 v6, v22;
	s1 =	sld [smem:$0x7DF]  }
0x260: {  	v34 =	vmul.f32 v34, v16;
	v44 =	vmul.f32 v39, v21;
	v35 =	vadd.f32 v35, v19  }
0x261: {  	v29 =	vmul.f32 v57, v16;
	s25 =	sadd.s32 s23, s10;
	v6 =	vmul.f32 v6, v30  }
0x262: {  	v46 =	vmul.f32 v62, v16;
	v34 =	vsub.f32 v34, v24;
	s0 =	sadd.s32 s19, s25;
	v11 =	vmul.f32 v58, v20;
	[tilespmem:s1+$0x0] =	vst v35  }
0x263: {  	v29 =	vsub.f32 v29, v24;
	v7 =	vmul.f32 v61, v20;
	v45 =	vld [tilespmem:s0+$0x0];
	v6 =	vadd.f32 v6, v31;
	s2 =	sld [smem:$0x7E0]  }
0x264: {  	v49 =	vmul.f32 v63, v16;
	v48 =	vld [tilespmem:s11+$0x0];
	v11 =	vsub.f32 v11, v22;
	v20 =	vadd.f32 v44, v23  }
0x265: {  	v10 =	vmul.f32 v34, v10;
	v13 =	vsub.f32 v46, v24;
	s29 =	sadd.s32 s13, s25;
	v7 =	vsub.f32 v7, v22;
	v50 =	vld [tilespmem:s8+$0x0];
	[tilespmem:s4+$0x0] =	vst v6  }
0x266: {  	s28 =	sadd.s32 s20, s3;
	v47 =	vmul.f32 v29, v28;
	v11 =	vmul.f32 v11, v33;
	v52 =	vld [tilespmem:s29+$0x0];
	[tilespmem:s2+$0x0] =	vst v20  }
0x267: {  	v5 =	vadd.f32 v10, v5;
	v13 =	vmul.f32 v13, v17;
	v7 =	vmul.f32 v7, v37;
	v51 =	vld [tilespmem:s28+$0x0]  }
0x268: {  	v22 =	vadd.f32 v47, v25;
	v11 =	vadd.f32 v11, v38;
	v39 =	vmul.f32 v45, v16  }
0x269: {  	v54 =	vmul.f32 v48, v16;
	[tilespmem:s7+$0x0] =	vst v32;
	v6 =	vadd.f32 v7, v36;
	v7 =	vsub.f32 v49, v24  }
0x26a: {  	v8 =	vadd.f32 v13, v8;
	[tilespmem:s24+$0x0] =	vst v22;
	v53 =	vsub.f32 v39, v24;
	v56 =	vmul.f32 v50, v16  }
0x26b: {  	v10 =	vsub.f32 v54, v24;
	[tilespmem:s9+$0x0] =	vst v11;
	v7 =	vmul.f32 v7, v15;
	v11 =	vmul.f32 v52, v16  }
0x26c: {  	[tilespmem:s15+$0x0] =	vst v5;
	v17 =	vmul.f32 v53, v27;
	v13 =	vsub.f32 v56, v24;
	v57 =	vmul.f32 v51, v16  }
0x26d: {  	v58 =	vmul.f32 v10, v14;
	[tilespmem:s18+$0x0] =	vst v8;
	v7 =	vadd.f32 v7, v9;
	v11 =	vsub.f32 v11, v24  }
0x26e: {  	[tilespmem:s21+$0x0] =	vst v6;
	v17 =	vadd.f32 v17, v26;
	v59 =	vmul.f32 v13, v18;
	v5 =	vsub.f32 v57, v24  }
0x26f: {  	s30 =	sadd.s32 s22, s25;
	[tilespmem:s26+$0x0] =	vst v7;
	v7 =	vadd.f32 v58, v12;
	v62 =	vmul.f32 v11, v30  }
0x270: {  	s31 =	sadd.s32 s16, s25;
	v6 =	vld [tilespmem:s30+$0x0];
	[tilespmem:s0+$0x0] =	vst v17;
	v8 =	vadd.f32 v59, v19;
	v5 =	vmul.f32 v5, v21  }
0x271: {  	v55 =	vld [tilespmem:s31+$0x0];
	[tilespmem:s11+$0x0] =	vst v7;
	v7 =	vadd.f32 v62, v31  }
0x272: {  	[tilespmem:s8+$0x0] =	vst v8;
	v5 =	vadd.f32 v5, v23  }
0x273: {  	[tilespmem:s29+$0x0] =	vst v7  }
0x274: {  	[tilespmem:s28+$0x0] =	vst v5  }
0x275: {  	v6 =	vmul.f32 v6, v16;
	s7 =	sld [smem:$0x7EB]  }
0x276: {  	v60 =	vmul.f32 v55, v16  }
0x277: {  	v6 =	vsub.f32 v6, v24  }
0x278: {  	v61 =	vsub.f32 v60, v24;
	s7 =	sadd.s32 $0x1, s7  }
0x279: {  	v6 =	vmul.f32 v6, v33;
	p0 =	sne.s32 s7, $0x4  }
.Ltmp4:
0x27a: {  	v63 =	vmul.f32 v61, v37;
	(pc) =	sbr.rel @p0 .LBB2_6-.Ltmp4, $4  }
0x27b: {  	v5 =	vadd.f32 v6, v38  }
0x27c: {  	v6 =	vadd.f32 v63, v36  }
0x27d: {  	[tilespmem:s30+$0x0] =	vst v5  }
0x27e: {  	[tilespmem:s31+$0x0] =	vst v6  }
0x27f: {  	s0 =	sld [smem:$0x7F9];
	_ =	sdelay $0x1  }
0x280: {  	s2 =	simm.s32 $0x0;
	s1 =	simm.s32 $0x100;
	s31 =	simm.s32 $0x1  }
0x281: {  	[hbm4b:s0+s2] =	stream.linear.scatter [tilespmem:s1], [sflag:$0x2], $0x3000, $0x38;
	[tilespmem:$0x12D00] =	vst v63  }
0x282: {  	_ =	swait.ge [sflag:s31], $0x3000  }
0x283: {  	[sflag:s31] =	ssyncset.done $0x0  }
0x284: {  	[sflag:s31] =	ssyncadd.s32 $0xFFFFD000  }
0x285: {  	s10 =	simm.s32 $0x0;
	v4 =	vld [tilespmem:$0x90]  }
.LBB2_12:
0x286: {  	_ = 	snop  }
0x287: {  	s4 =	sshll.u32 s10, $0x2  }
0x288: {  	s0 =	sor.u32 $0x1, s4;
	v5 =	vmov s4  }
0x289: {  	s1 =	sor.u32 $0x2, s4;
	vm1 =	veq.s32 v5, v0;
	v5 =	vmov s0  }
0x28a: {  	s2 =	sshllo.u32 s10, $0x2;
	v6 =	vnsel vm1, $0x0, v4;
	vm1 =	veq.s32 v5, v0;
	v5 =	vmov s1  }
0x28b: {  	(xrf0) =	vadd.scan.msk.s32 $0xffff, v6;
	v6 =	vnsel vm1, $0x0, v4;
	vm1 =	veq.s32 v5, v0;
	v5 =	vmov s2  }
0x28c: {  	(xrf0) =	vadd.scan.msk.s32 $0xffff, v6;
	v6 =	vnsel vm1, $0x0, v4;
	vm1 =	veq.s32 v5, v0  }
0x28d: {  	(xrf0) =	vadd.scan.msk.s32 $0xffff, v6;
	v5 =	vnsel vm1, $0x0, v4  }
0x28e: {  	(xrf0) =	vadd.scan.msk.s32 $0xffff, v5;
	_ =	sdelay $0x2  }
0x28f: {  	v5, _, _ =	vpop (xrf0)  }
0x290: {  	v6, _, _ =	vpop (xrf0);
	(v2sf) =	vpush v5, $0xF  }
0x291: {  	v5, _, _ =	vpop (xrf0);
	(v2sf) =	vpush v6, $0xF  }
0x292: {  	(v2sf) =	vpush v5, $0xF;
	v5, _, _ =	vpop (xrf0)  }
0x293: {  	(v2sf) =	vpush v5, $0xF;
	_ =	sdelay $0x7  }
0x294: {  	s3 =	sshrl.u32 s10, $0x1  }
0x295: {  	[smem:$0x7CD] =	sst s10;
	s5 =	sor.u32 $0x2, s3  }
0x296: {  	s26 =	sshll.u32 s10, $0x9;
	s13 =	simm.s32 $0x0;
	s5 =	smul.u32 $0x6000, s5  }
0x297: {  	s3 =	smul.u32 $0x1800, s3;
	s10 =	sand.u32 $0x200, s26;
	s0 =	sshll.u32 s0, $0x7  }
0x298: {  	s0 =	sand.u32 $0x280, s0;
	s5 =	sshra.s32 s5, $0x2;
	s6 =	spop (v2sf)  }
0x299: {  	s5 =	sor.u32 s10, s5;
	s7 =	spop (v2sf);
	s6 =	smul.u32 $0xC000, s6  }
0x29a: {  	s1 =	sshll.u32 s1, $0x7;
	s17 =	sor.u32 $0x100, s5;
	s8 =	spop (v2sf)  }
0x29b: {  	s7 =	smul.u32 $0xC000, s7;
	s9 =	spop (v2sf);
	s6 =	sshra.s32 s6, $0x2  }
0x29c: {  	s28 =	smul.u32 $0xC000, s8;
	s8 =	sand.u32 $0x300, s1;
	s6 =	sadd.s32 s3, s6  }
0x29d: {  	s7 =	sshra.s32 s7, $0x2;
	s30 =	smul.u32 $0xC000, s9;
	s6 =	sor.u32 s10, s6  }
0x29e: {  	s7 =	sadd.s32 s3, s7;
	s29 =	sshra.s32 s28, $0x2;
	s10 =	sshll.u32 s2, $0x7  }
0x29f: {  	s6 =	sadd.s32 $0xC100, s6;
	s0 =	sor.u32 s0, s7;
	s9 =	sadd.s32 s3, s29  }
0x2a0: {  	s11 =	sshra.s32 s30, $0x2;
	s1 =	sand.u32 $0x380, s10;
	[dreg:$0xe] =	wrdreg s6  }
0x2a1: {  	s0 =	sadd.s32 $0xC100, s0;
	s2 =	sadd.s32 s3, s11;
	s3 =	sand.u32 $0x1C00, s13  }
0x2a2: {  	[dreg:$0xf] =	wrdreg s0;
	s0 =	sor.u32 s8, s9;
	s12 =	sor.u32 s1, s2  }
0x2a3: {  	s2 =	sand.u32 $0x40, s13;
	s14 =	rddreg [dreg:$0xe];
	s0 =	sadd.s32 $0xC100, s0  }
0x2a4: {  	s16 =	sadd.s32 s3, s17;
	s15 =	sadd.s32 $0xC100, s12;
	[dreg:$0x10] =	wrdreg s0  }
0x2a5: {  	s19 =	sadd.s32 s2, s16;
	s21 =	sadd.s32 s3, s14;
	[dreg:$0x11] =	wrdreg s15  }
0x2a6: {  	s22 =	sor.u32 $0x11, s4;
	s0 =	sor.u32 $0x10, s2;
	s23 =	sadd.s32 s2, s21;
	v6 =	vld [tilespmem:s19+$0x0]  }
0x2a7: {  	s24 =	sshrl.u32 s22, $0x3;
	s18 =	sadd.s32 s0, s16;
	v7 =	vld [tilespmem:s23+$0x0]  }
0x2a8: {  	s25 =	smul.u32 $0x6000, s24;
	s11 =	sadd.s32 s0, s21;
	v5 =	vld [tilespmem:s18+$0x0]  }
0x2a9: {  	s13 =	sor.u32 $0x30, s2;
	v8 =	vld [tilespmem:s11+$0x0]  }
0x2aa: {  	s1 =	sshll.u32 s22, $0x7;
	s9 =	sshra.s32 s25, $0x2;
	s26 =	sadd.s32 s13, s16  }
0x2ab: {  	s12 =	sand.u32 $0x280, s1;
	s1 =	sor.u32 $0x20, s2;
	s28 =	sadd.s32 s13, s21;
	v9 =	vld [tilespmem:s26+$0x0]  }
0x2ac: {  	s9 =	sor.u32 s12, s9;
	s8 =	sadd.s32 s1, s21;
	v10 =	vld [tilespmem:s28+$0x0]  }
0x2ad: {  	s6 =	sadd.s32 s1, s16;
	s20 =	sor.u32 $0x100, s9;
	v11 =	vld [tilespmem:s8+$0x0];
	v6 =	vadd.f32 v7, v6  }
0x2ae: {  	s30 =	sadd.s32 s3, s20;
	v7 =	vld [tilespmem:s6+$0x0];
	v5 =	vadd.f32 v8, v5  }
0x2af: {  	s29 =	rddreg [dreg:$0xf];
	s11 =	sadd.s32 s2, s30;
	[tilespmem:s19+$0x0] =	vst v6  }
0x2b0: {  	s9 =	sadd.s32 s3, s29;
	s16 =	sadd.s32 s0, s30;
	v8 =	vld [tilespmem:s11+$0x0];
	[tilespmem:s18+$0x0] =	vst v5  }
0x2b1: {  	v9 =	vadd.f32 v10, v9;
	s19 =	sadd.s32 s0, s9;
	s18 =	sor.u32 $0x12, s4;
	v10 =	vld [tilespmem:s16+$0x0]  }
0x2b2: {  	s22 =	sadd.s32 s2, s9;
	s14 =	sshrl.u32 s18, $0x3;
	v12 =	vld [tilespmem:s19+$0x0]  }
0x2b3: {  	s23 =	sadd.s32 s13, s9;
	[tilespmem:s26+$0x0] =	vst v9;
	v13 =	vld [tilespmem:s22+$0x0];
	s21 =	smul.u32 $0x6000, s14;
	v7 =	vadd.f32 v11, v7  }
0x2b4: {  	s15 =	sadd.s32 s13, s30;
	v14 =	vld [tilespmem:s23+$0x0];
	s5 =	sshll.u32 s18, $0x7  }
0x2b5: {  	s7 =	sadd.s32 s1, s9;
	v11 =	vld [tilespmem:s15+$0x0];
	s5 =	sand.u32 $0x300, s5;
	s10 =	sshra.s32 s21, $0x2;
	[tilespmem:s6+$0x0] =	vst v7  }
0x2b6: {  	s24 =	sadd.s32 s1, s30;
	s5 =	sor.u32 s5, s10;
	v15 =	vld [tilespmem:s7+$0x0]  }
0x2b7: {  	s4 =	sor.u32 $0x13, s4;
	s22 =	sadd.s32 $0x100, s5;
	v10 =	vadd.f32 v12, v10;
	v12 =	vld [tilespmem:s24+$0x0]  }
0x2b8: {  	s26 =	sshrl.u32 s4, $0x3;
	s25 =	rddreg [dreg:$0x10];
	s28 =	sadd.s32 s3, s22  }
0x2b9: {  	v8 =	vadd.f32 v13, v8;
	s5 =	smul.u32 $0x6000, s26;
	s30 =	sadd.s32 s3, s25;
	[tilespmem:s16+$0x0] =	vst v10;
	s29 =	sadd.s32 s0, s28  }
0x2ba: {  	s4 =	sshll.u32 s4, $0x7;
	s7 =	sadd.s32 s0, s30;
	v14 =	vadd.f32 v14, v11;
	v13 =	vld [tilespmem:s29+$0x0]  }
0x2bb: {  	s4 =	sand.u32 $0x380, s4;
	[tilespmem:s11+$0x0] =	vst v8;
	s18 =	sadd.s32 s2, s30;
	s5 =	sshra.s32 s5, $0x2;
	v11 =	vld [tilespmem:s7+$0x0]  }
0x2bc: {  	v16 =	vld [tilespmem:s18+$0x0];
	s4 =	sor.u32 s4, s5;
	[tilespmem:s15+$0x0] =	vst v14;
	s5 =	sadd.s32 s13, s28;
	v12 =	vadd.f32 v15, v12  }
0x2bd: {  	s23 =	simm.s32 $0x40;
	s19 =	sadd.s32 s1, s30;
	s16 =	sadd.s32 s2, s28;
	v17 =	vld [tilespmem:s5+$0x0]  }
0x2be: {  	s14 =	sadd.s32 s13, s30;
	s12 =	sadd.s32 s1, s28;
	v15 =	vld [tilespmem:s16+$0x0];
	[tilespmem:s24+$0x0] =	vst v12;
	s24 =	simm.s32 $0x200  }
0x2bf: {  	s7 =	sand.u32 $0x40, s23;
	s10 =	sand.u32 $0x1C00, s24;
	v18 =	vld [tilespmem:s12+$0x0];
	[dreg:$0x1e] =	wrdreg s17  }
0x2c0: {  	s21 =	sadd.s32 $0x100, s4;
	s8 =	sor.u32 $0x10, s7;
	v13 =	vadd.f32 v11, v13;
	s26 =	sadd.s32 s10, s17;
	v19 =	vld [tilespmem:s19+$0x0]  }
0x2c1: {  	v20 =	vmul.f32 v6, v6;
	s25 =	rddreg [dreg:$0xe];
	s11 =	sadd.s32 s3, s21;
	v11 =	vimm.f32 $0.0e+00;
	v21 =	vld [tilespmem:s14+$0x0];
	s17 =	sadd.s32 s8, s26  }
0x2c2: {  	s6 =	sadd.s32 s0, s11;
	s28 =	sadd.s32 s10, s25;
	v6 =	vadd.f32 v6, v11;
	[tilespmem:s29+$0x0] =	vst v13;
	v22 =	vld [tilespmem:s17+$0x0]  }
0x2c3: {  	v15 =	vadd.f32 v16, v15;
	v16 =	vadd.f32 v20, v11;
	v20 =	vmul.f32 v5, v5;
	s29 =	sadd.s32 s7, s28;
	v23 =	vld [tilespmem:s6+$0x0]  }
0x2c4: {  	v24 =	vmul.f32 v8, v8;
	s9 =	sor.u32 $0x20, s7;
	s18 =	sadd.s32 s8, s28;
	v25 =	vld [tilespmem:s29+$0x0]  }
0x2c5: {  	s4 =	sor.u32 $0x30, s7;
	s30 =	sadd.s32 s9, s28;
	v5 =	vadd.f32 v5, v6;
	v6 =	vadd.f32 v20, v16;
	v16 =	vld [tilespmem:s18+$0x0]  }
0x2c6: {  	v26 =	vmul.f32 v10, v10;
	v24 =	vadd.f32 v24, v11;
	s14 =	sadd.s32 s4, s28;
	v27 =	vld [tilespmem:s30+$0x0];
	v20 =	vmul.f32 v7, v7  }
0x2c7: {  	[tilespmem:s16+$0x0] =	vst v15;
	s16 =	sadd.s32 s7, s26;
	v5 =	vadd.f32 v7, v5;
	v7 =	vadd.f32 v8, v11;
	v8 =	vld [tilespmem:s14+$0x0]  }
0x2c8: {  	v55 =	vmul.f32 v12, v12;
	s23 =	sadd.s32 s4, s26;
	s19 =	rddreg [dreg:$0x11];
	v56 =	vld [tilespmem:s16+$0x0];
	v6 =	vadd.f32 v20, v6;
	v20 =	vadd.f32 v26, v24  }
0x2c9: {  	s15 =	sadd.s32 s9, s26;
	s3 =	sadd.s32 s3, s19;
	v18 =	vadd.f32 v19, v18;
	v28 =	vadd.f32 v9, v5;
	v5 =	vmul.f32 v9, v9;
	v9 =	vld [tilespmem:s23+$0x0]  }
0x2ca: {  	s24 =	rddreg [dreg:$0xf];
	v19 =	vld [tilespmem:s15+$0x0];
	v7 =	vadd.f32 v10, v7;
	s0 =	sadd.s32 s0, s3;
	v16 =	vadd.f32 v16, v22  }
0x2cb: {  	s25 =	sadd.s32 s2, s11;
	s18 =	sadd.s32 s10, s24;
	v17 =	vadd.f32 v21, v17;
	v10 =	vadd.f32 v55, v20;
	v20 =	vmul.f32 v14, v14;
	v22 =	vld [tilespmem:s0+$0x0]  }
0x2cc: {  	s26 =	sadd.s32 s8, s18;
	v6 =	vadd.f32 v5, v6;
	v7 =	vadd.f32 v12, v7;
	v12 =	vld [tilespmem:s25+$0x0];
	[tilespmem:s17+$0x0] =	vst v16  }
0x2cd: {  	s28 =	sadd.s32 s10, s20;
	s19 =	sadd.s32 s2, s3;
	v5 =	vadd.f32 v20, v10;
	v10 =	vmul.f32 v15, v15;
	v15 =	vadd.f32 v15, v11;
	v20 =	vld [tilespmem:s26+$0x0];
	[smem:$0x7CE] =	sst s20  }
0x2ce: {  	s29 =	sadd.s32 s8, s28;
	v7 =	vadd.f32 v14, v7;
	v8 =	vadd.f32 v8, v9;
	v57 =	vld [tilespmem:s19+$0x0]  }
0x2cf: {  	s31 =	sadd.s32 s1, s11;
	v21 =	vmul.f32 v13, v13;
	v10 =	vadd.f32 v10, v11;
	v9 =	vadd.f32 v25, v56;
	[tilespmem:s12+$0x0] =	vst v18;
	v14 =	vld [tilespmem:s29+$0x0]  }
0x2d0: {  	s30 =	sadd.s32 s4, s18;
	v19 =	vadd.f32 v27, v19;
	v13 =	vadd.f32 v13, v15;
	v58 =	vld [tilespmem:s31+$0x0];
	[tilespmem:s23+$0x0] =	vst v8  }
0x2d1: {  	s14 =	sadd.s32 s7, s28;
	v15 =	vmul.f32 v18, v18;
	v10 =	vadd.f32 v21, v10;
	[tilespmem:s16+$0x0] =	vst v9;
	v21 =	vmul.f32 v9, v9;
	v59 =	vld [tilespmem:s30+$0x0]  }
0x2d2: {  	s2 =	sadd.s32 s4, s28;
	v13 =	vadd.f32 v18, v13;
	v18 =	vadd.f32 v9, v28;
	v60 =	vld [tilespmem:s14+$0x0]  }
0x2d3: {  	[tilespmem:s15+$0x0] =	vst v19;
	s19 =	sadd.s32 s9, s18;
	v10 =	vadd.f32 v15, v10;
	v6 =	vadd.f32 v21, v6;
	v21 =	vld [tilespmem:s2+$0x0]  }
0x2d4: {  	s17 =	sadd.s32 s9, s28;
	v15 =	vmul.f32 v16, v16;
	v9 =	vadd.f32 v17, v13;
	v13 =	vadd.f32 v16, v18;
	v16 =	vld [tilespmem:s19+$0x0]  }
0x2d5: {  	s1 =	sadd.s32 s1, s3;
	v18 =	vadd.f32 v22, v23;
	v23 =	vld [tilespmem:s17+$0x0]  }
0x2d6: {  	v22 =	vmul.f32 v17, v17;
	v61 =	vadd.f32 v19, v13;
	v13 =	vadd.f32 v20, v14;
	v20 =	vld [tilespmem:s1+$0x0];
	[smem:$0x7CF] =	sst s22  }
0x2d7: {  	s11 =	sadd.s32 s13, s11;
	s20 =	sadd.s32 s7, s18;
	v15 =	vadd.f32 v15, v6;
	v19 =	vmul.f32 v19, v19;
	[tilespmem:s5+$0x0] =	vst v17  }
0x2d8: {  	s24 =	sadd.s32 s10, s22;
	s28 =	sadd.s32 s13, s3;
	v6 =	vadd.f32 v22, v10;
	v14 =	vadd.f32 v57, v12;
	v62 =	vld [tilespmem:s20+$0x0];
	[smem:$0x7D0] =	sst s21  }
0x2d9: {  	s13 =	simm.s32 $0x80;
	s12 =	simm.s32 $0x4;
	s23 =	rddreg [dreg:$0x10];
	v15 =	vadd.f32 v19, v15;
	v10 =	vadd.f32 v8, v61;
	v8 =	vmul.f32 v8, v8;
	[tilespmem:s29+$0x0] =	vst v13;
	v17 =	vld [tilespmem:s11+$0x0]  }
0x2da: {  	s1 =	sadd.s32 s10, s21;
	s21 =	sadd.s32 s8, s24;
	v19 =	vadd.f32 v14, v11;
	v63 =	vmul.f32 v14, v14;
	[tilespmem:s6+$0x0] =	vst v18;
	v12 =	vadd.f32 v59, v21;
	s29 =	sadd.s32 s10, s23;
	v22 =	vld [tilespmem:s28+$0x0]  }
0x2db: {  	s15 =	simm.s32 $0x400;
	s16 =	sadd.s32 s4, s24;
	[tilespmem:s25+$0x0] =	vst v14;
	v21 =	vld [tilespmem:s21+$0x0];
	v8 =	vadd.f32 v8, v15;
	s30 =	sadd.s32 s8, s29;
	v15 =	vadd.f32 v16, v23  }
0x2dc: {  	s23 =	sadd.s32 s7, s24;
	s6 =	sadd.s32 s9, s24;
	s25 =	sadd.s32 s7, s29;
	v19 =	vadd.f32 v18, v19;
	v16 =	vadd.f32 v63, v11;
	[tilespmem:s2+$0x0] =	vst v12;
	v23 =	vld [tilespmem:s30+$0x0]  }
0x2dd: {  	v14 =	vmul.f32 v18, v18;
	s3 =	sadd.s32 s9, s29;
	s26 =	sadd.s32 s4, s29;
	v11 =	vadd.f32 v20, v58;
	v20 =	vadd.f32 v62, v60;
	[tilespmem:s17+$0x0] =	vst v15;
	s17 =	smov.u32 s9;
	v18 =	vld [tilespmem:s16+$0x0]  }
.LBB2_13:
0x2de: {  	v24 =	vld [tilespmem:s6+$0x0]  }
0x2df: {  	s19 =	smov.u32 s17;
	v25 =	vld [tilespmem:s3+$0x0];
	[tilespmem:s14+$0x0] =	vst v20;
	v7 =	vadd.f32 v20, v7;
	v20 =	vmul.f32 v20, v20  }
0x2e0: {  	s17 =	sand.u32 $0x40, s13;
	s18 =	sand.u32 $0x1C00, s15;
	s0 =	rddreg [dreg:$0x1e];
	v14 =	vadd.f32 v14, v16;
	v26 =	vld [tilespmem:s23+$0x0]  }
0x2e1: {  	s5 =	rddreg [dreg:$0xe];
	s28 =	sadd.s32 s18, s0;
	s20 =	sor.u32 $0x10, s17;
	v5 =	vadd.f32 v20, v5;
	v20 =	vld [tilespmem:s25+$0x0];
	v17 =	vadd.f32 v22, v17;
	v22 =	vmul.f32 v13, v13  }
0x2e2: {  	v16 =	vmul.f32 v11, v11;
	s14 =	sadd.s32 s18, s5;
	s22 =	sadd.s32 s20, s28;
	v7 =	vadd.f32 v13, v7;
	v21 =	vadd.f32 v23, v21;
	v23 =	vld [tilespmem:s26+$0x0]  }
0x2e3: {  	s2 =	sld [smem:$0x7CF];
	v19 =	vadd.f32 v11, v19;
	s29 =	sadd.s32 s17, s14;
	v27 =	vld [tilespmem:s22+$0x0];
	v13 =	vmul.f32 v15, v15;
	[tilespmem:s11+$0x0] =	vst v17;
	v5 =	vadd.f32 v22, v5  }
0x2e4: {  	s30 =	sld [smem:$0x7D0];
	v14 =	vadd.f32 v16, v14;
	v7 =	vadd.f32 v15, v7;
	v15 =	vld [tilespmem:s29+$0x0];
	v16 =	vmul.f32 v17, v17;
	[tilespmem:s21+$0x0] =	vst v21;
	s11 =	sadd.s32 s8, s1  }
0x2e5: {  	s24 =	sadd.s32 s17, s28;
	v17 =	vadd.f32 v17, v19;
	v22 =	vld [tilespmem:s11+$0x0];
	v5 =	vadd.f32 v13, v5;
	v13 =	vmul.f32 v12, v12  }
0x2e6: {  	[tilespmem:s31+$0x0] =	vst v11;
	s9 =	sadd.s32 s20, s14;
	s25 =	sor.u32 $0x20, s17;
	v11 =	vadd.f32 v16, v14;
	v14 =	vld [tilespmem:s24+$0x0];
	v16 =	vadd.f32 v20, v26  }
0x2e7: {  	s5 =	sadd.s32 s18, s2;
	s2 =	sadd.s32 s18, s30;
	s30 =	sadd.s32 s25, s14;
	v19 =	vld [tilespmem:s9+$0x0];
	v5 =	vadd.f32 v13, v5;
	v13 =	vadd.f32 v23, v18  }
0x2e8: {  	s0 =	sor.u32 $0x30, s17;
	s21 =	sadd.s32 s25, s28;
	v18 =	vld [tilespmem:s30+$0x0];
	[tilespmem:s23+$0x0] =	vst v16;
	v9 =	vadd.f32 v16, v9;
	v16 =	vmul.f32 v16, v16  }
0x2e9: {  	s3 =	sadd.s32 s0, s28;
	s28 =	sadd.s32 s0, s14;
	s14 =	sld [smem:$0x7CE];
	v23 =	vld [tilespmem:s21+$0x0];
	[tilespmem:s16+$0x0] =	vst v13  }
0x2ea: {  	s30 =	rddreg [dreg:$0x11];
	v6 =	vadd.f32 v16, v6;
	v9 =	vadd.f32 v21, v9;
	v20 =	vld [tilespmem:s3+$0x0]  }
0x2eb: {  	s23 =	sadd.s32 s7, s1;
	s10 =	sadd.s32 s10, s30;
	v16 =	vmul.f32 v21, v21;
	v21 =	vadd.f32 v25, v24;
	v14 =	vadd.f32 v15, v14;
	v15 =	vld [tilespmem:s28+$0x0]  }
0x2ec: {  	s29 =	rddreg [dreg:$0xf];
	v7 =	vadd.f32 v12, v7;
	s9 =	smov.u32 s4;
	v12 =	vld [tilespmem:s23+$0x0];
	v19 =	vadd.f32 v19, v27;
	s8 =	sadd.s32 s8, s10  }
0x2ed: {  	s31 =	sadd.s32 s18, s14;
	s4 =	sadd.s32 s7, s10;
	s7 =	sadd.s32 s19, s1;
	v6 =	vadd.f32 v16, v6;
	v16 =	vld [tilespmem:s8+$0x0];
	[tilespmem:s6+$0x0] =	vst v21;
	v9 =	vadd.f32 v21, v9;
	v21 =	vmul.f32 v21, v21  }
0x2ee: {  	[smem:$0x7CC] =	sst s2;
	s2 =	sadd.s32 s18, s29;
	s14 =	sadd.s32 s17, s31;
	[tilespmem:s24+$0x0] =	vst v14;
	v10 =	vadd.f32 v14, v10;
	v60 =	vld [tilespmem:s7+$0x0]  }
0x2ef: {  	s26 =	sadd.s32 s17, s2;
	s28 =	sadd.s32 s20, s31;
	[tilespmem:s22+$0x0] =	vst v19;
	v14 =	vmul.f32 v14, v14;
	v18 =	vadd.f32 v18, v23;
	v61 =	vld [tilespmem:s14+$0x0];
	v6 =	vadd.f32 v21, v6  }
0x2f0: {  	s29 =	sadd.s32 s25, s2;
	s30 =	sadd.s32 s0, s2;
	s2 =	sadd.s32 s20, s2;
	v9 =	vadd.f32 v13, v9;
	v13 =	vmul.f32 v13, v13;
	v21 =	vld [tilespmem:s28+$0x0];
	v15 =	vadd.f32 v15, v20  }
0x2f1: {  	v8 =	vadd.f32 v14, v8;
	v10 =	vadd.f32 v19, v10;
	v14 =	vmul.f32 v19, v19;
	v19 =	vld [tilespmem:s2+$0x0]  }
0x2f2: {  	s16 =	sadd.s32 s0, s31;
	v20 =	vld [tilespmem:s4+$0x0];
	v6 =	vadd.f32 v13, v6;
	[tilespmem:s3+$0x0] =	vst v15  }
0x2f3: {  	[tilespmem:s21+$0x0] =	vst v18;
	v13 =	vmul.f32 v18, v18;
	v8 =	vadd.f32 v14, v8;
	v10 =	vadd.f32 v18, v10;
	v18 =	vld [tilespmem:s16+$0x0]  }
0x2f4: {  	s12 =	sadd.s32 $0x4, s12;
	v16 =	vadd.f32 v16, v22;
	v22 =	vld [tilespmem:s30+$0x0]  }
0x2f5: {  	s13 =	sadd.s32 $0x40, s13;
	p0 =	slt.u32 s12, $0x2C;
	s6 =	sadd.s32 s25, s31;
	v23 =	vld [tilespmem:s29+$0x0];
	v8 =	vadd.f32 v13, v8  }
0x2f6: {  	s31 =	sadd.s32 s19, s10;
	s19 =	smov.u32 s17;
	s8 =	smov.u32 s20;
	v10 =	vadd.f32 v15, v10;
	v15 =	vmul.f32 v15, v15;
	v13 =	vadd.f32 v19, v21;
	v19 =	vld [tilespmem:s6+$0x0]  }
0x2f7: {  	s17 =	smov.u32 s25;
	s25 =	rddreg [dreg:$0x10];
	s24 =	sadd.s32 s9, s10;
	v62 =	vld [tilespmem:s26+$0x0];
	[tilespmem:s11+$0x0] =	vst v16  }
0x2f8: {  	s10 =	smov.u32 s18;
	s21 =	sadd.s32 s8, s5;
	s29 =	sld [smem:$0x7CC];
	v8 =	vadd.f32 v15, v8;
	v15 =	vadd.f32 v20, v12;
	v20 =	vld [tilespmem:s31+$0x0];
	[tilespmem:s28+$0x0] =	vst v13  }
.Ltmp5:
0x2f9: {  	s11 =	sadd.s32 s9, s1;
	s30 =	sadd.s32 s10, s25;
	v21 =	vld [tilespmem:s21+$0x0];
	v12 =	vadd.f32 v22, v18;
	(pc) =	sbr.rel @p0 .LBB2_13-.Ltmp5, $4  }
0x2fa: {  	s15 =	sadd.s32 $0x200, s15;
	s4 =	smov.u32 s0;
	s2 =	sadd.s32 s8, s30;
	[tilespmem:s23+$0x0] =	vst v15;
	v63 =	vmul.f32 v15, v15;
	v18 =	vadd.f32 v15, v17;
	v17 =	vld [tilespmem:s11+$0x0]  }
0x2fb: {  	s1 =	smov.u32 s29;
	s25 =	sadd.s32 s19, s30;
	s3 =	sadd.s32 s17, s30;
	v15 =	vadd.f32 v23, v19;
	v23 =	vld [tilespmem:s2+$0x0];
	[tilespmem:s16+$0x0] =	vst v12  }
0x2fc: {  	v14 =	vmul.f32 v16, v16;
	s26 =	sadd.s32 s4, s30;
	s31 =	smov.u32 s7;
	v19 =	vadd.f32 v16, v18;
	s16 =	sadd.s32 s4, s5;
	v16 =	vadd.f32 v63, v11;
	v22 =	vld [tilespmem:s24+$0x0]  }
0x2fd: {  	s7 =	smov.u32 s19;
	s23 =	sadd.s32 s19, s5;
	v11 =	vadd.f32 v20, v60;
	v20 =	vadd.f32 v62, v61;
	[tilespmem:s6+$0x0] =	vst v15;
	s6 =	sadd.s32 s17, s5;
	v18 =	vld [tilespmem:s16+$0x0]  }
0x2fe: {  	_ = 	snop  }
0x2ff: {  	[tilespmem:s14+$0x0] =	vst v20  }
0x300: {  	v24 =	vld [tilespmem:s23+$0x0]  }
0x301: {  	v25 =	vld [tilespmem:s25+$0x0];
	_ =	sdelay $0x3  }
0x302: {  	v21 =	vadd.f32 v23, v21  }
0x303: {  	v23 =	vadd.f32 v25, v24;
	v24 =	vld [tilespmem:s6+$0x0]  }
0x304: {  	[tilespmem:s21+$0x0] =	vst v21;
	v25 =	vld [tilespmem:s3+$0x0]  }
0x305: {  	[tilespmem:s23+$0x0] =	vst v23  }
0x306: {  	v26 =	vld [tilespmem:s26+$0x0];
	s0 =	rddreg [dreg:$0x11]  }
0x307: {  	s3 =	sadd.s32 s7, s1;
	s0 =	sadd.s32 s10, s0  }
0x308: {  	v27 =	vld [tilespmem:s3+$0x0];
	s2 =	sadd.s32 s7, s0  }
0x309: {  	s7 =	sadd.s32 s8, s1;
	v24 =	vadd.f32 v25, v24;
	v25 =	vld [tilespmem:s2+$0x0]  }
0x30a: {  	s18 =	sadd.s32 s8, s0;
	v28 =	vld [tilespmem:s7+$0x0]  }
0x30b: {  	s5 =	sadd.s32 s17, s1;
	v18 =	vadd.f32 v26, v18;
	v26 =	vld [tilespmem:s18+$0x0];
	[tilespmem:s6+$0x0] =	vst v24  }
0x30c: {  	v19 =	vadd.f32 v11, v19;
	v17 =	vadd.f32 v22, v17;
	s19 =	sadd.s32 s17, s0;
	v22 =	vld [tilespmem:s5+$0x0]  }
0x30d: {  	v7 =	vadd.f32 v20, v7;
	[tilespmem:s16+$0x0] =	vst v18;
	s0 =	sadd.s32 s4, s0;
	v29 =	vld [tilespmem:s19+$0x0]  }
0x30e: {  	v19 =	vadd.f32 v17, v19;
	s1 =	sadd.s32 s4, s1;
	v30 =	vld [tilespmem:s0+$0x0];
	v25 =	vadd.f32 v25, v27  }
0x30f: {  	v7 =	vadd.f32 v13, v7;
	v9 =	vadd.f32 v23, v9;
	v27 =	vld [tilespmem:s1+$0x0]  }
0x310: {  	v26 =	vadd.f32 v26, v28;
	v19 =	vadd.f32 v25, v19  }
0x311: {  	v7 =	vadd.f32 v15, v7;
	v9 =	vadd.f32 v21, v9  }
0x312: {  	v22 =	vadd.f32 v29, v22;
	v19 =	vadd.f32 v26, v19  }
0x313: {  	v7 =	vadd.f32 v12, v7;
	v9 =	vadd.f32 v24, v9  }
0x314: {  	v27 =	vadd.f32 v30, v27;
	v19 =	vadd.f32 v22, v19  }
0x315: {  	(xrf2) =	vadd.scan.msk.f32 $0xffff, v10;
	v9 =	vadd.f32 v18, v9  }
0x316: {  	(xrf2) =	vadd.scan.msk.f32 $0xffff, v7;
	v7 =	vmul.f32 v20, v20;
	v10 =	vadd.f32 v27, v19  }
0x317: {  	(xrf2) =	vadd.scan.msk.f32 $0xffff, v9  }
0x318: {  	v5 =	vadd.f32 v7, v5;
	v7 =	vmul.f32 v13, v13;
	(xrf2) =	vadd.scan.msk.f32 $0xffff, v10  }
0x319: {  	(xrf2) =	vadd.scan.msk.f32 $0xffff, v8  }
0x31a: {  	v5 =	vadd.f32 v7, v5;
	v7 =	vmul.f32 v15, v15;
	_ =	sdelay $0x1  }
0x31b: {  	v5 =	vadd.f32 v7, v5;
	v7 =	vmul.f32 v12, v12;
	_ =	sdelay $0x1  }
0x31c: {  	v5 =	vadd.f32 v7, v5  }
0x31d: {  	v8, _, _ =	vpop (xrf2)  }
0x31e: {  	v9, _, _ =	vpop (xrf2);
	(v2sf) =	vpush v8, $0xF;
	(xrf2) =	vadd.scan.msk.f32 $0xffff, v5  }
0x31f: {  	v8, _, _ =	vpop (xrf2);
	(v2sf) =	vpush v9, $0xF  }
0x320: {  	(v2sf) =	vpush v8, $0xF;
	v7, _, _ =	vpop (xrf2)  }
0x321: {  	(v2sf) =	vpush v7, $0xF;
	v7, _, _ =	vpop (xrf2)  }
0x322: {  	(v2sf) =	vpush v7, $0xF;
	_ =	sdelay $0x4  }
0x323: {  	v5 =	vmul.f32 v23, v23  }
0x324: {  	v7, _, _ =	vpop (xrf2)  }
0x325: {  	v5 =	vadd.f32 v5, v6;
	v6 =	vmul.f32 v21, v21;
	(v2sf) =	vpush v7, $0xF;
	_ =	sdelay $0x1  }
0x326: {  	v5 =	vadd.f32 v6, v5;
	v6 =	vmul.f32 v24, v24  }
0x327: {  	v8 =	vmul.f32 v11, v11;
	v7 =	vadd.f32 v14, v16  }
0x328: {  	v5 =	vadd.f32 v6, v5;
	s20 =	spop (v2sf)  }
0x329: {  	v6 =	vmul.f32 v18, v18;
	v7 =	vadd.f32 v8, v7;
	v8 =	vmul.f32 v17, v17;
	s21 =	spop (v2sf)  }
0x32a: {  	s6 =	smul.f32 $1.302083370e-03, s20;
	s22 =	spop (v2sf)  }
0x32b: {  	v5 =	vadd.f32 v6, v5;
	v6 =	vmul.f32 v25, v25;
	v7 =	vadd.f32 v8, v7;
	s9 =	spop (v2sf)  }
0x32c: {  	s24 =	smul.f32 s6, s6;
	s23 =	spop (v2sf)  }
0x32d: {  	v8 =	vmul.f32 v26, v26;
	v6 =	vadd.f32 v6, v7;
	s0 =	smul.f32 $1.302083370e-03, s23  }
0x32e: {  	(xrf2) =	vadd.scan.msk.f32 $0xffff, v5  }
0x32f: {  	v5 =	vadd.f32 v8, v6;
	v6 =	vmul.f32 v22, v22;
	s0 =	ssub.f32 s0, s24;
	_ =	sdelay $0x1  }
0x330: {  	v5 =	vadd.f32 v6, v5;
	v6 =	vmul.f32 v27, v27;
	s0 =	sadd.f32 $9.999999960e-13, s0;
	_ =	sdelay $0x1  }
0x331: {  	v5 =	vadd.f32 v6, v5;
	s12 =	spop (v2sf);
	s25 =	sshrl.u32 s0, $0x1;
	s26 =	smul.f32 $5.000000000e-01, s0  }
0x332: {  	s12 =	smul.f32 $1.302083370e-03, s12;
	s29 =	ssub.s32 $0x5F3759DF, s25  }
0x333: {  	(xrf2) =	vadd.scan.msk.f32 $0xffff, v5;
	s8 =	smul.f32 s29, s26  }
0x334: {  	s0 =	smul.f32 $1.302083370e-03, s21  }
0x335: {  	s8 =	smul.f32 s29, s8  }
0x336: {  	v5, _, _ =	vpop (xrf2);
	s13 =	smul.f32 s0, s0  }
0x337: {  	(v2sf) =	vpush v5, $0xF;
	s8 =	ssub.f32 $1.500000000e+00, s8  }
0x338: {  	s4 =	smul.f32 $1.302083370e-03, s22;
	s12 =	ssub.f32 s12, s13  }
0x339: {  	s2 =	smul.f32 s29, s8  }
0x33a: {  	s20 =	smul.f32 s4, s4;
	s12 =	sadd.f32 $9.999999960e-13, s12  }
0x33b: {  	s14 =	smul.f32 s2, s26  }
0x33c: {  	s30 =	sshrl.u32 s12, $0x1;
	s8 =	smul.f32 $5.000000000e-01, s12  }
0x33d: {  	v5, _, _ =	vpop (xrf2);
	s13 =	ssub.s32 $0x5F3759DF, s30;
	s12 =	smul.f32 s14, s2  }
0x33e: {  	[smem:$0x7C7] =	sst s4;
	(v2sf) =	vpush v5, $0xF;
	s15 =	smul.f32 s13, s8  }
0x33f: {  	[tilespmem:s7+$0x0] =	vst v26;
	s7 =	smul.f32 $1.302083370e-03, s9;
	s12 =	ssub.f32 $1.500000000e+00, s12  }
0x340: {  	s14 =	smul.f32 s13, s15  }
0x341: {  	s2 =	smul.f32 s12, s2  }
0x342: {  	s4 =	smul.f32 s7, s7;
	s14 =	ssub.f32 $1.500000000e+00, s14  }
0x343: {  	s10 =	smul.f32 s2, s26  }
0x344: {  	[tilespmem:s11+$0x0] =	vst v17;
	s13 =	smul.f32 s13, s14  }
0x345: {  	[tilespmem:s31+$0x0] =	vst v11;
	s10 =	smul.f32 s10, s2  }
0x346: {  	[tilespmem:s3+$0x0] =	vst v25;
	s23 =	simm.s32 $0x0;
	s17 =	spop (v2sf);
	s16 =	smul.f32 s13, s8  }
0x347: {  	[tilespmem:s1+$0x0] =	vst v27;
	s24 =	simm.s32 $0x12A00;
	s19 =	smul.f32 $1.302083370e-03, s17;
	s10 =	ssub.f32 $1.500000000e+00, s10  }
0x348: {  	[tilespmem:s5+$0x0] =	vst v22;
	s30 =	sand.u32 $0x1C00, s23;
	s15 =	simm.s32 $0x12700;
	s18 =	smul.f32 s16, s13  }
0x349: {  	s12 =	sand.u32 $0x40, s23;
	s11 =	smul.f32 s10, s2;
	s10 =	rddreg [dreg:$0x1e]  }
0x34a: {  	s22 =	ssub.f32 s19, s20;
	s26 =	sor.u32 $0x30, s12;
	s25 =	sadd.s32 s30, s10  }
0x34b: {  	v5 =	vld [tilespmem:s24+$0x0];
	s20 =	sand.u32 $0x380, s23;
	s21 =	ssub.f32 $1.500000000e+00, s18;
	s17 =	sadd.s32 s26, s25  }
0x34c: {  	s29 =	sadd.f32 $9.999999960e-13, s22;
	s14 =	sor.u32 $0x10, s12;
	s18 =	sadd.s32 s12, s25;
	v6 =	vld [tilespmem:s17+$0x0]  }
0x34d: {  	s31 =	spop (v2sf);
	s9 =	smul.f32 s21, s13;
	s13 =	smov.u32 s26;
	v8 =	vld [tilespmem:s18+$0x0]  }
0x34e: {  	v7 =	vld [tilespmem:s15+$0x0];
	s1 =	sor.u32 $0x20, s12;
	s19 =	smul.f32 $1.302083370e-03, s31;
	s22 =	sor.u32 s20, s13  }
0x34f: {  	s24 =	sshrl.u32 s29, $0x1;
	s2 =	smul.f32 $5.000000000e-01, s29;
	s15 =	sadd.s32 s14, s25;
	v36 =	vld [tilespmem:s22+$0x12700]  }
0x350: {  	s16 =	sadd.s32 s1, s25;
	s25 =	ssub.s32 $0x5F3759DF, s24;
	s6 =	smul.f32 s11, s6;
	v11 =	vmov s11;
	v9 =	vld [tilespmem:s15+$0x0]  }
0x351: {  	s26 =	ssub.f32 s19, s4;
	v10 =	vld [tilespmem:s16+$0x0];
	s29 =	smul.f32 s25, s2;
	v6 =	vmul.f32 v6, v11  }
0x352: {  	s31 =	sor.u32 s20, s14;
	v35 =	vld [tilespmem:s22+$0x12A00];
	v16 =	vmov s6;
	v12 =	vmul.f32 v8, v11  }
0x353: {  	v13 =	vld [tilespmem:s31+$0x12700];
	s4 =	sor.u32 s20, s1;
	s3 =	sadd.f32 $9.999999960e-13, s26;
	s11 =	smul.f32 s25, s29;
	v6 =	vsub.f32 v6, v16  }
0x354: {  	s8 =	smul.f32 s9, s8;
	v8 =	vld [tilespmem:s4+$0x12700];
	v12 =	vsub.f32 v12, v16  }
0x355: {  	s21 =	sshrl.u32 s3, $0x1;
	s3 =	smul.f32 $5.000000000e-01, s3;
	s11 =	ssub.f32 $1.500000000e+00, s11;
	v14 =	vmul.f32 v9, v11;
	v9 =	vld [tilespmem:s31+$0x12A00];
	v15 =	vmul.f32 v6, v36  }
0x356: {  	s8 =	smul.f32 s8, s9;
	s19 =	ssub.s32 $0x5F3759DF, s21;
	v10 =	vmul.f32 v10, v11;
	v12 =	vmul.f32 v12, v7;
	v6 =	vld [tilespmem:s4+$0x12A00];
	s4 =	sld [smem:$0x7CE]  }
0x357: {  	s24 =	simm.s32 $0x40;
	s20 =	smul.f32 s19, s3;
	v14 =	vsub.f32 v14, v16;
	v15 =	vadd.f32 v15, v35  }
0x358: {  	s29 =	simm.s32 $0x200;
	s22 =	ssub.f32 $1.500000000e+00, s8;
	s23 =	smul.f32 s25, s11;
	v10 =	vsub.f32 v10, v16;
	v12 =	vadd.f32 v12, v5  }
0x359: {  	s11 =	sand.u32 $0x40, s24;
	s24 =	sand.u32 $0x380, s24;
	v14 =	vmul.f32 v14, v13;
	s26 =	sadd.s32 s30, s4;
	[tilespmem:s17+$0x0] =	vst v15  }
0x35a: {  	s20 =	smul.f32 s19, s20;
	v10 =	vmul.f32 v10, v8;
	s5 =	sadd.s32 s13, s26;
	s8 =	sadd.s32 s12, s26;
	[tilespmem:s18+$0x0] =	vst v12  }
0x35b: {  	v14 =	vadd.f32 v14, v9;
	s18 =	sand.u32 $0x1C00, s29;
	s17 =	sor.u32 $0x30, s11;
	v12 =	vld [tilespmem:s5+$0x0];
	[smem:$0x7CA] =	sst s14  }
0x35c: {  	s21 =	smul.f32 s22, s9;
	v10 =	vadd.f32 v10, v6;
	s25 =	sadd.s32 s18, s10;
	s22 =	sor.u32 s24, s17;
	v15 =	vld [tilespmem:s8+$0x0]  }
0x35d: {  	s20 =	ssub.f32 $1.500000000e+00, s20;
	[tilespmem:s15+$0x0] =	vst v14;
	s15 =	sadd.s32 s17, s25;
	v26 =	vld [tilespmem:s22+$0x12700]  }
0x35e: {  	s0 =	smul.f32 s21, s0;
	s6 =	sadd.s32 s14, s26;
	[tilespmem:s16+$0x0] =	vst v10;
	v10 =	vld [tilespmem:s15+$0x0]  }
0x35f: {  	s28 =	smul.f32 s19, s20;
	s9 =	sadd.s32 s1, s26;
	v14 =	vld [tilespmem:s6+$0x0]  }
0x360: {  	s31 =	smul.f32 s23, s2;
	v17 =	vld [tilespmem:s9+$0x0]  }
0x361: {  	v19 =	vmov s21;
	s20 =	sor.u32 $0x10, s11;
	s29 =	smul.f32 s28, s3;
	v22 =	vld [tilespmem:s22+$0x12A00];
	s19 =	sadd.s32 s11, s25  }
0x362: {  	s21 =	sor.u32 $0x20, s11;
	s26 =	smul.f32 s31, s23;
	s22 =	sadd.s32 s20, s25;
	v18 =	vld [tilespmem:s19+$0x0];
	v12 =	vmul.f32 v12, v19;
	v15 =	vmul.f32 v15, v19  }
0x363: {  	v20 =	vmov s0;
	s29 =	smul.f32 s29, s28;
	s16 =	sadd.s32 s21, s25;
	v21 =	vld [tilespmem:s22+$0x0];
	v23 =	vmul.f32 v10, v11  }
0x364: {  	s31 =	simm.s32 $0x12A40;
	s25 =	ssub.f32 $1.500000000e+00, s26;
	v24 =	vld [tilespmem:s16+$0x0];
	v12 =	vsub.f32 v12, v20;
	v14 =	vmul.f32 v14, v19;
	v15 =	vsub.f32 v15, v20  }
0x365: {  	s0 =	ssub.f32 $1.500000000e+00, s29;
	s29 =	simm.s32 $0x12740;
	v10 =	vld [tilespmem:s31+$0x0];
	v17 =	vmul.f32 v17, v19;
	v23 =	vsub.f32 v23, v16  }
0x366: {  	s31 =	sor.u32 s24, s20;
	v25 =	vmul.f32 v12, v36;
	v12 =	vld [tilespmem:s29+$0x0];
	v27 =	vmul.f32 v15, v7;
	v15 =	vsub.f32 v14, v20  }
0x367: {  	s23 =	smul.f32 s25, s23;
	v18 =	vmul.f32 v18, v11;
	v14 =	vld [tilespmem:s31+$0x12700];
	v23 =	vmul.f32 v23, v26  }
0x368: {  	s26 =	smul.f32 s0, s28;
	s29 =	sor.u32 s24, s21;
	v29 =	vsub.f32 v17, v20;
	v25 =	vadd.f32 v25, v35;
	v28 =	vmul.f32 v15, v13;
	v15 =	vld [tilespmem:s31+$0x12A00];
	s31 =	sld [smem:$0x7CF]  }
0x369: {  	s2 =	smul.f32 s23, s2;
	v21 =	vmul.f32 v21, v11;
	v30 =	vsub.f32 v18, v16;
	v17 =	vld [tilespmem:s29+$0x12700];
	v23 =	vadd.f32 v23, v22  }
0x36a: {  	s28 =	sadd.s32 s18, s4;
	s3 =	smul.f32 s26, s3;
	v24 =	vmul.f32 v24, v11;
	v27 =	vadd.f32 v27, v5;
	[tilespmem:s5+$0x0] =	vst v25;
	v25 =	vmul.f32 v29, v8  }
0x36b: {  	s2 =	smul.f32 s2, s23;
	v21 =	vsub.f32 v21, v16;
	s24 =	sadd.s32 s17, s28;
	v18 =	vld [tilespmem:s29+$0x12A00];
	v28 =	vadd.f32 v28, v9;
	v29 =	vmul.f32 v30, v12;
	s25 =	sadd.s32 s30, s31;
	[tilespmem:s15+$0x0] =	vst v23  }
0x36c: {  	v24 =	vsub.f32 v24, v16;
	[tilespmem:s8+$0x0] =	vst v27;
	v23 =	vadd.f32 v25, v6;
	s5 =	sadd.s32 s13, s25;
	v25 =	vld [tilespmem:s24+$0x0]  }
0x36d: {  	s4 =	smul.f32 s3, s26;
	s29 =	ssub.f32 $1.500000000e+00, s2;
	v21 =	vmul.f32 v21, v14;
	s2 =	sadd.s32 s12, s25;
	[tilespmem:s6+$0x0] =	vst v28;
	v28 =	vadd.f32 v29, v10;
	v31 =	vld [tilespmem:s5+$0x0]  }
0x36e: {  	v24 =	vmul.f32 v24, v17;
	s3 =	sadd.s32 s14, s25;
	v27 =	vld [tilespmem:s2+$0x0];
	[tilespmem:s9+$0x0] =	vst v23  }
0x36f: {  	s4 =	ssub.f32 $1.500000000e+00, s4;
	s0 =	sadd.s32 s1, s25;
	v30 =	vld [tilespmem:s3+$0x0];
	v21 =	vadd.f32 v21, v15;
	[tilespmem:s19+$0x0] =	vst v28  }
0x370: {  	s15 =	sadd.s32 s11, s28;
	v23 =	vadd.f32 v24, v18;
	v32 =	vld [tilespmem:s0+$0x0];
	s19 =	sld [smem:$0x7C7]  }
0x371: {  	s14 =	smul.f32 s29, s23;
	s6 =	sadd.s32 s20, s28;
	v28 =	vld [tilespmem:s15+$0x0];
	[tilespmem:s22+$0x0] =	vst v21  }
0x372: {  	s8 =	smul.f32 s4, s26;
	s4 =	sadd.s32 s21, s28;
	s26 =	simm.s32 $0x12A80;
	[tilespmem:s16+$0x0] =	vst v23;
	v33 =	vld [tilespmem:s6+$0x0]  }
0x373: {  	s25 =	simm.s32 $0x400;
	v29 =	vmov s14;
	v34 =	vld [tilespmem:s4+$0x0];
	v23 =	vmul.f32 v25, v19;
	s23 =	smul.f32 s14, s19;
	s19 =	simm.s32 $0x80  }
0x374: {  	s7 =	smul.f32 s8, s7;
	s29 =	sand.u32 $0x1C00, s25;
	v24 =	vmov s8;
	v21 =	vmul.f32 v31, v29;
	v40 =	vmul.f32 v27, v29;
	s28 =	sand.u32 $0x40, s19  }
0x375: {  	s25 =	simm.s32 $0x12780;
	v25 =	vld [tilespmem:s26+$0x0];
	s26 =	sadd.s32 s29, s10;
	v30 =	vmul.f32 v30, v29;
	v23 =	vsub.f32 v23, v20;
	v31 =	vmov s23;
	s14 =	sor.u32 $0x30, s28  }
0x376: {  	v59 =	vmul.f32 v32, v29;
	v42 =	vmul.f32 v28, v19;
	v37 =	vsub.f32 v21, v31;
	v21 =	vld [tilespmem:s25+$0x0];
	s23 =	sadd.s32 s14, s26  }
0x377: {  	s16 =	sand.u32 $0x380, s19;
	s22 =	sadd.s32 s28, s26;
	v38 =	vmul.f32 v23, v26;
	v23 =	vmov s7;
	v40 =	vsub.f32 v40, v31;
	v39 =	vld [tilespmem:s23+$0x0]  }
0x378: {  	s10 =	sor.u32 $0x10, s28;
	v41 =	vld [tilespmem:s22+$0x0];
	s9 =	sor.u32 s16, s14;
	v30 =	vsub.f32 v30, v31;
	v33 =	vmul.f32 v33, v19;
	v34 =	vmul.f32 v34, v19  }
0x379: {  	s8 =	smov.u32 s29;
	s29 =	sadd.s32 s10, s26;
	v28 =	vld [tilespmem:s9+$0x12700];
	v60 =	vsub.f32 v42, v20;
	v37 =	vmul.f32 v37, v36;
	v38 =	vadd.f32 v38, v22  }
0x37a: {  	v61 =	vld [tilespmem:s29+$0x0];
	v40 =	vmul.f32 v40, v7;
	v43 =	vmul.f32 v30, v13;
	v30 =	vsub.f32 v33, v20  }
0x37b: {  	s31 =	sadd.s32 s18, s31;
	s19 =	sor.u32 s16, s10;
	v27 =	vld [tilespmem:s9+$0x12A00];
	v62 =	vsub.f32 v34, v20;
	v32 =	vmul.f32 v60, v12;
	v37 =	vadd.f32 v37, v35;
	[tilespmem:s24+$0x0] =	vst v38  }
0x37c: {  	s9 =	sor.u32 $0x20, s28;
	v33 =	vld [tilespmem:s19+$0x12A00];
	s24 =	sadd.s32 s17, s31;
	v40 =	vadd.f32 v40, v5;
	v45 =	vmul.f32 v30, v14;
	s7 =	sld [smem:$0x7D0];
	v48 =	vmul.f32 v39, v11  }
0x37d: {  	s26 =	sadd.s32 s9, s26;
	v50 =	vmul.f32 v62, v17;
	v44 =	vld [tilespmem:s24+$0x0];
	v46 =	vadd.f32 v32, v10;
	[tilespmem:s5+$0x0] =	vst v37  }
0x37e: {  	v63 =	vld [tilespmem:s26+$0x0];
	v41 =	vmul.f32 v41, v11;
	v45 =	vadd.f32 v45, v15;
	[tilespmem:s2+$0x0] =	vst v40;
	v34 =	vsub.f32 v48, v16  }
0x37f: {  	v30 =	vld [tilespmem:s19+$0x12700];
	s19 =	sadd.s32 s11, s31;
	v42 =	vmul.f32 v61, v11;
	v51 =	vadd.f32 v50, v18;
	[tilespmem:s15+$0x0] =	vst v46;
	s30 =	sadd.s32 s30, s7  }
0x380: {  	v41 =	vsub.f32 v41, v16;
	[tilespmem:s6+$0x0] =	vst v45;
	v46 =	vld [tilespmem:s19+$0x0];
	s25 =	sadd.s32 s13, s30;
	v47 =	vmul.f32 v34, v28  }
0x381: {  	v42 =	vsub.f32 v42, v16;
	[tilespmem:s4+$0x0] =	vst v51;
	s13 =	sor.u32 s16, s9;
	v49 =	vld [tilespmem:s25+$0x0]  }
0x382: {  	v41 =	vmul.f32 v41, v21;
	s16 =	sadd.s32 s20, s31;
	s2 =	sld [smem:$0x7CE];
	v32 =	vld [tilespmem:s13+$0x12700];
	v44 =	vmul.f32 v44, v29;
	v52 =	vadd.f32 v47, v27  }
0x383: {  	v37 =	vmul.f32 v63, v11;
	v34 =	vld [tilespmem:s13+$0x12A00];
	[smem:$0x7C8] =	sst s16  }
0x384: {  	s31 =	sadd.s32 s21, s31;
	v54 =	vmul.f32 v42, v30;
	v53 =	vadd.f32 v41, v25;
	v44 =	vsub.f32 v44, v31;
	[tilespmem:s23+$0x0] =	vst v52  }
0x385: {  	v43 =	vadd.f32 v43, v9;
	v37 =	vsub.f32 v37, v16;
	v55 =	vld [tilespmem:s16+$0x0];
	[smem:$0x7C9] =	sst s31  }
0x386: {  	s2 =	sadd.s32 s8, s2;
	v57 =	vadd.f32 v54, v33;
	v44 =	vmul.f32 v44, v26;
	v39 =	vmul.f32 v49, v24;
	[tilespmem:s22+$0x0] =	vst v53  }
0x387: {  	v38 =	vsub.f32 v59, v31;
	s5 =	sadd.s32 s14, s2;
	v56 =	vld [tilespmem:s31+$0x0];
	[tilespmem:s3+$0x0] =	vst v43  }
0x388: {  	s23 =	sadd.s32 s28, s2;
	v37 =	vmul.f32 v37, v32;
	v58 =	vld [tilespmem:s5+$0x0];
	v44 =	vadd.f32 v44, v22;
	[tilespmem:s29+$0x0] =	vst v57;
	v39 =	vsub.f32 v39, v23  }
0x389: {  	v60 =	vmul.f32 v38, v8;
	s13 =	sadd.s32 s18, s7;
	v61 =	vmul.f32 v46, v29;
	s22 =	sadd.s32 s10, s2;
	v59 =	vld [tilespmem:s23+$0x0];
	s29 =	sld [smem:$0x7CA]  }
0x38a: {  	s6 =	simm.s32 $0xC0;
	s12 =	sadd.s32 s12, s30;
	s31 =	sadd.s32 s11, s13;
	v37 =	vadd.f32 v37, v34;
	v38 =	vld [tilespmem:s22+$0x0];
	[tilespmem:s24+$0x0] =	vst v44;
	v39 =	vmul.f32 v39, v36  }
0x38b: {  	v62 =	vadd.f32 v60, v6;
	s7 =	smov.u32 s12;
	v63 =	vsub.f32 v61, v31;
	v42 =	vmul.f32 v55, v29;
	v36 =	vld [tilespmem:s12+$0x0];
	s12 =	sadd.s32 s17, s13;
	[smem:$0x7CB] =	sst s31  }
0x38c: {  	s15 =	sadd.s32 s1, s30;
	s18 =	sadd.s32 s20, s13;
	s16 =	sadd.s32 s29, s30;
	[tilespmem:s26+$0x0] =	vst v37;
	v39 =	vadd.f32 v39, v35;
	v45 =	vmul.f32 v56, v29;
	v35 =	vld [tilespmem:s12+$0x0]  }
0x38d: {  	s20 =	simm.s32 $0x600;
	s11 =	simm.s32 $0x127C0;
	v40 =	vmul.f32 v63, v12;
	s24 =	sadd.s32 s9, s2;
	v42 =	vsub.f32 v42, v31;
	[tilespmem:s0+$0x0] =	vst v62;
	v37 =	vld [tilespmem:s16+$0x0]  }
0x38e: {  	s17 =	simm.s32 $0x8;
	s26 =	sadd.s32 s21, s13;
	s21 =	simm.s32 $0x12AC0;
	v44 =	vmul.f32 v58, v19;
	v43 =	vmul.f32 v59, v19;
	[tilespmem:s25+$0x0] =	vst v39;
	v39 =	vld [tilespmem:s24+$0x0];
	v41 =	vsub.f32 v45, v31  }
.LBB2_15:
0x38f: {  	[smem:$0x7C3] =	sst s16  }
0x390: {  	[smem:$0x7C4] =	sst s18  }
0x391: {  	s29 =	sand.u32 $0x40, s6;
	s3 =	sand.u32 $0x1C00, s20;
	s0 =	rddreg [dreg:$0x1e]  }
0x392: {  	v47 =	vld [tilespmem:s21+$0x0];
	s13 =	smov.u32 s9;
	s9 =	smov.u32 s28;
	s28 =	sand.u32 $0x380, s6;
	v44 =	vsub.f32 v44, v20  }
0x393: {  	v48 =	vld [tilespmem:s11+$0x0];
	s16 =	smov.u32 s7;
	s31 =	sadd.s32 s3, s0;
	s0 =	sor.u32 $0x30, s29;
	v43 =	vsub.f32 v43, v20;
	v40 =	vadd.f32 v40, v10  }
0x394: {  	v42 =	vmul.f32 v42, v14;
	s25 =	sor.u32 $0x10, s29;
	s30 =	sor.u32 $0x20, s29;
	v45 =	vld [tilespmem:s15+$0x0];
	s2 =	sadd.s32 s29, s31;
	v44 =	vmul.f32 v44, v28  }
0x395: {  	s4 =	sadd.s32 s0, s31;
	v43 =	vmul.f32 v43, v21;
	v49 =	vld [tilespmem:s2+$0x0];
	[tilespmem:s19+$0x0] =	vst v40;
	s19 =	smov.u32 s26;
	s26 =	sld [smem:$0x7CF];
	v38 =	vmul.f32 v38, v19  }
0x396: {  	v46 =	vmovc v6;
	s18 =	sadd.s32 s25, s31;
	s1 =	smov.u32 s15;
	s7 =	sor.u32 s28, s0;
	v61 =	vld [tilespmem:s4+$0x0];
	v42 =	vadd.f32 v42, v15;
	v35 =	vmul.f32 v35, v24;
	v44 =	vadd.f32 v44, v27  }
0x397: {  	v6 =	vmovc v18;
	v41 =	vmul.f32 v41, v17;
	s15 =	smov.u32 s14;
	s14 =	smov.u32 s10;
	s10 =	smov.u32 s8;
	v62 =	vld [tilespmem:s18+$0x0];
	v43 =	vadd.f32 v43, v25;
	v38 =	vsub.f32 v38, v20  }
0x398: {  	s31 =	sadd.s32 s30, s31;
	v50 =	vld [tilespmem:s7+$0x12700];
	v39 =	vmul.f32 v39, v19;
	v37 =	vmul.f32 v37, v24;
	v35 =	vsub.f32 v35, v23;
	s8 =	sadd.s32 s10, s26;
	[tilespmem:s5+$0x0] =	vst v44  }
0x399: {  	v41 =	vadd.f32 v41, v6;
	v54 =	vld [tilespmem:s31+$0x0];
	v36 =	vmul.f32 v36, v24;
	s26 =	sadd.s32 s15, s8;
	[tilespmem:s23+$0x0] =	vst v43;
	s23 =	sld [smem:$0x7C8];
	v38 =	vmul.f32 v38, v30  }
0x39a: {  	v39 =	vsub.f32 v39, v20;
	v37 =	vsub.f32 v37, v23;
	v26 =	vmul.f32 v35, v26;
	v52 =	vld [tilespmem:s26+$0x0]  }
0x39b: {  	v18 =	vmovc v34;
	v53 =	vmul.f32 v45, v24;
	v34 =	vmul.f32 v61, v11;
	v63 =	vadd.f32 v38, v33  }
0x39c: {  	v51 =	vmul.f32 v39, v32;
	v55 =	vmul.f32 v49, v11;
	[tilespmem:s23+$0x0] =	vst v42;
	v22 =	vadd.f32 v26, v22;
	v42 =	vld [tilespmem:s7+$0x12A00]  }
0x39d: {  	[smem:$0x7C6] =	sst s1;
	s1 =	sor.u32 s28, s25;
	s28 =	sor.u32 s28, s30;
	v57 =	vmul.f32 v62, v11;
	v13 =	vmul.f32 v37, v13;
	v34 =	vsub.f32 v34, v16;
	[tilespmem:s22+$0x0] =	vst v63  }
0x39e: {  	v40 =	vld [tilespmem:s28+$0x12700];
	v60 =	vmul.f32 v54, v11;
	v26 =	vsub.f32 v36, v23;
	v56 =	vadd.f32 v51, v18;
	[tilespmem:s12+$0x0] =	vst v22;
	s12 =	sld [smem:$0x7C9]  }
0x39f: {  	[smem:$0x7C5] =	sst s19;
	s19 =	sadd.s32 s9, s8;
	v36 =	vsub.f32 v55, v16;
	v58 =	vmul.f32 v34, v50;
	v45 =	vld [tilespmem:s1+$0x12700];
	v59 =	vmul.f32 v52, v29  }
0x3a0: {  	s5 =	sadd.s32 s14, s8;
	s8 =	sadd.s32 s13, s8;
	v39 =	vld [tilespmem:s19+$0x0];
	v38 =	vsub.f32 v60, v16;
	v22 =	vsub.f32 v53, v23;
	[tilespmem:s24+$0x0] =	vst v56;
	v7 =	vmul.f32 v26, v7;
	s22 =	sld [smem:$0x7CE]  }
0x3a1: {  	v36 =	vmul.f32 v36, v48;
	s24 =	sld [smem:$0x7CB];
	v49 =	vld [tilespmem:s1+$0x12A00];
	[tilespmem:s12+$0x0] =	vst v41;
	s12 =	smov.u32 s8;
	v35 =	vadd.f32 v58, v42;
	v37 =	vsub.f32 v59, v31  }
0x3a2: {  	s17 =	sadd.s32 $0x4, s17;
	s23 =	smov.u32 s5;
	v26 =	vsub.f32 v57, v16;
	v7 =	vadd.f32 v7, v5;
	v34 =	vld [tilespmem:s28+$0x12A00];
	[smem:$0x7C9] =	sst s12  }
0x3a3: {  	s11 =	sadd.s32 $0x40, s11;
	s20 =	sadd.s32 $0x200, s20;
	v62 =	vld [tilespmem:s23+$0x0];
	v8 =	vmul.f32 v22, v8;
	v22 =	vadd.f32 v36, v47;
	[tilespmem:s4+$0x0] =	vst v35;
	v56 =	vmul.f32 v37, v28;
	s4 =	sld [smem:$0x7C3]  }
0x3a4: {  	s6 =	sadd.s32 $0x40, s6;
	v9 =	vadd.f32 v13, v9;
	s1 =	sadd.s32 s3, s22;
	[tilespmem:s16+$0x0] =	vst v7;
	v63 =	vld [tilespmem:s12+$0x0];
	s12 =	sld [smem:$0x7D0];
	v61 =	vmul.f32 v26, v45  }
0x3a5: {  	p0 =	slt.u32 s17, $0x2C;
	[smem:$0x7C8] =	sst s23;
	v51 =	vmul.f32 v38, v40;
	v13 =	vmov v14;
	s5 =	sadd.s32 s0, s1;
	[tilespmem:s2+$0x0] =	vst v22;
	v60 =	vadd.f32 v56, v27  }
0x3a6: {  	v14 =	vmovc v30;
	v39 =	vmul.f32 v39, v29;
	v5 =	vmov v10;
	s7 =	smov.u32 s24;
	s8 =	sld [smem:$0x7C4];
	s23 =	sadd.s32 s29, s1;
	v58 =	vld [tilespmem:s5+$0x0];
	v52 =	vadd.f32 v61, v49;
	[tilespmem:s4+$0x0] =	vst v9  }
0x3a7: {  	v10 =	vmovc v25;
	v25 =	vmov v47;
	s22 =	sadd.s32 s25, s1;
	v57 =	vadd.f32 v8, v46;
	s24 =	sadd.s32 s30, s1;
	v59 =	vld [tilespmem:s23+$0x0];
	s1 =	sadd.s32 s10, s12;
	v61 =	vadd.f32 v51, v34;
	[tilespmem:s26+$0x0] =	vst v60  }
.Ltmp6:
0x3a8: {  	s21 =	sadd.s32 $0x40, s21;
	v7 =	vmovc v12;
	v12 =	vmovc v21;
	v21 =	vmov v48;
	v26 =	vmov v28;
	v28 =	vmov v50;
	v36 =	vld [tilespmem:s7+$0x0];
	s12 =	sadd.s32 s15, s1;
	[tilespmem:s18+$0x0] =	vst v52;
	(pc) =	sbr.rel @p0 .LBB2_15-.Ltmp6, $4  }
0x3a9: {  	s28 =	smov.u32 s29;
	s16 =	smov.u32 s8;
	v22 =	vmovc v27;
	v41 =	vmul.f32 v62, v29;
	v30 =	vmov v45;
	v62 =	vsub.f32 v39, v31;
	v35 =	vld [tilespmem:s12+$0x0];
	[tilespmem:s31+$0x0] =	vst v61;
	s31 =	sld [smem:$0x7C6]  }
0x3aa: {  	s8 =	smov.u32 s3;
	v8 =	vmovc v17;
	v17 =	vmovc v32;
	v32 =	vmov v40;
	v27 =	vmov v42;
	s10 =	smov.u32 s25;
	s15 =	sld [smem:$0x7C5];
	v63 =	vmul.f32 v63, v29;
	v38 =	vld [tilespmem:s22+$0x0]  }
0x3ab: {  	v42 =	vsub.f32 v41, v31;
	v9 =	vmovc v15;
	v15 =	vmovc v33;
	v40 =	vmul.f32 v62, v12;
	v33 =	vmov v49;
	s26 =	sadd.s32 s13, s1;
	s18 =	sadd.s32 s9, s1;
	s9 =	smov.u32 s30;
	v37 =	vld [tilespmem:s16+$0x0]  }
0x3ac: {  	[smem:$0x7CB] =	sst s18;
	s18 =	sadd.s32 s14, s1;
	s14 =	smov.u32 s0;
	v44 =	vmul.f32 v58, v19;
	v43 =	vmul.f32 v59, v19;
	v41 =	vsub.f32 v63, v31;
	v39 =	vld [tilespmem:s24+$0x0];
	[tilespmem:s31+$0x0] =	vst v57  }
0x3ad: {  	_ = 	snop  }
0x3ae: {  	v11 =	vsub.f32 v44, v20;
	_ =	sdelay $0x1  }
0x3af: {  	s0 =	sld [smem:$0x7CF];
	v11 =	vmul.f32 v11, v28;
	_ =	sdelay $0x1  }
0x3b0: {  	v11 =	vadd.f32 v11, v27  }
0x3b1: {  	s0 =	sadd.s32 s8, s0  }
0x3b2: {  	s1 =	sadd.s32 s14, s0;
	[tilespmem:s5+$0x0] =	vst v11  }
0x3b3: {  	v54 =	vld [tilespmem:s1+$0x0];
	_ =	sdelay $0x1  }
0x3b4: {  	v16 =	vmul.f32 v38, v19  }
0x3b5: {  	v51 =	vsub.f32 v43, v20;
	v52 =	vmul.f32 v39, v19  }
0x3b6: {  	v53 =	vsub.f32 v16, v20  }
0x3b7: {  	v38 =	vmul.f32 v51, v21;
	v19 =	vsub.f32 v52, v20;
	v16 =	vmul.f32 v54, v29  }
0x3b8: {  	v11 =	vmul.f32 v53, v30  }
0x3b9: {  	v55 =	vadd.f32 v38, v25;
	v19 =	vmul.f32 v19, v32;
	v16 =	vsub.f32 v16, v31  }
0x3ba: {  	v11 =	vadd.f32 v11, v33  }
0x3bb: {  	s2 =	sadd.s32 s28, s0;
	[tilespmem:s23+$0x0] =	vst v55;
	v19 =	vadd.f32 v19, v34;
	v16 =	vmul.f32 v16, v28  }
0x3bc: {  	v40 =	vadd.f32 v40, v10;
	s3 =	sadd.s32 s10, s0;
	v56 =	vld [tilespmem:s2+$0x0];
	[tilespmem:s22+$0x0] =	vst v11  }
0x3bd: {  	[tilespmem:s24+$0x0] =	vst v19;
	v57 =	vld [tilespmem:s3+$0x0];
	v16 =	vadd.f32 v16, v27  }
0x3be: {  	s24 =	sld [smem:$0x7D0];
	[tilespmem:s19+$0x0] =	vst v40  }
0x3bf: {  	v59 =	vmul.f32 v42, v14;
	[tilespmem:s1+$0x0] =	vst v16  }
0x3c0: {  	s1 =	sld [smem:$0x7C8]  }
0x3c1: {  	v60 =	vld [tilespmem:s15+$0x0];
	s4 =	sadd.s32 s9, s0;
	v38 =	vadd.f32 v59, v15;
	v11 =	vmul.f32 v56, v29  }
0x3c2: {  	v58 =	vld [tilespmem:s4+$0x0];
	v19 =	vmul.f32 v57, v29  }
0x3c3: {  	v36 =	vmul.f32 v36, v24;
	v35 =	vmul.f32 v35, v24;
	v11 =	vsub.f32 v11, v31;
	[tilespmem:s1+$0x0] =	vst v38  }
0x3c4: {  	v62 =	vmul.f32 v41, v17;
	s25 =	sadd.s32 s8, s24;
	v19 =	vsub.f32 v19, v31;
	s6 =	sld [smem:$0x7CB]  }
0x3c5: {  	v36 =	vsub.f32 v36, v23;
	v63 =	vsub.f32 v35, v23;
	s0 =	sadd.s32 s14, s25;
	v11 =	vmul.f32 v11, v21;
	s1 =	sld [smem:$0x7C9]  }
0x3c6: {  	v44 =	vmul.f32 v60, v24;
	v20 =	vadd.f32 v62, v18;
	v19 =	vmul.f32 v19, v30;
	v41 =	vld [tilespmem:s0+$0x0]  }
0x3c7: {  	v42 =	vmul.f32 v37, v24;
	v61 =	vmul.f32 v58, v29;
	v11 =	vadd.f32 v11, v25;
	v45 =	vld [tilespmem:s18+$0x0]  }
0x3c8: {  	v7 =	vmul.f32 v36, v7;
	v48 =	vsub.f32 v44, v23;
	v19 =	vadd.f32 v19, v33;
	v43 =	vld [tilespmem:s6+$0x0];
	[tilespmem:s1+$0x0] =	vst v20  }
0x3c9: {  	v26 =	vmul.f32 v63, v26;
	s28 =	sadd.s32 s28, s25;
	v16 =	vsub.f32 v61, v31;
	[tilespmem:s2+$0x0] =	vst v11;
	v46 =	vld [tilespmem:s26+$0x0]  }
0x3ca: {  	v5 =	vadd.f32 v7, v5;
	v7 =	vmul.f32 v48, v8;
	s29 =	sadd.s32 s10, s25;
	v31 =	vsub.f32 v42, v23;
	[tilespmem:s3+$0x0] =	vst v19;
	v49 =	vld [tilespmem:s28+$0x0]  }
0x3cb: {  	v22 =	vadd.f32 v26, v22;
	v16 =	vmul.f32 v16, v32;
	v35 =	vmul.f32 v41, v24;
	v51 =	vld [tilespmem:s29+$0x0]  }
0x3cc: {  	v6 =	vadd.f32 v7, v6;
	v13 =	vmul.f32 v31, v13;
	v54 =	vmul.f32 v45, v24  }
0x3cd: {  	v47 =	vadd.f32 v16, v34;
	v50 =	vsub.f32 v35, v23;
	v52 =	vmul.f32 v43, v24  }
0x3ce: {  	v9 =	vadd.f32 v13, v9;
	[tilespmem:s12+$0x0] =	vst v22;
	v13 =	vsub.f32 v54, v23;
	v7 =	vmul.f32 v46, v24  }
0x3cf: {  	[tilespmem:s7+$0x0] =	vst v5;
	v55 =	vmul.f32 v50, v28;
	v19 =	vmul.f32 v49, v24;
	v8 =	vsub.f32 v52, v23  }
0x3d0: {  	[tilespmem:s15+$0x0] =	vst v6;
	v56 =	vmul.f32 v51, v24;
	v57 =	vmul.f32 v13, v14;
	v5 =	vsub.f32 v7, v23  }
0x3d1: {  	[tilespmem:s4+$0x0] =	vst v47;
	v20 =	vadd.f32 v55, v27;
	v59 =	vsub.f32 v19, v23;
	v7 =	vmul.f32 v8, v12  }
0x3d2: {  	[tilespmem:s16+$0x0] =	vst v9;
	v60 =	vadd.f32 v57, v15;
	v5 =	vmul.f32 v5, v17  }
0x3d3: {  	s30 =	sadd.s32 s9, s25;
	[tilespmem:s0+$0x0] =	vst v20;
	v62 =	vmul.f32 v59, v21;
	v6 =	vadd.f32 v7, v10;
	v7 =	vsub.f32 v56, v23  }
0x3d4: {  	v53 =	vld [tilespmem:s30+$0x0];
	[tilespmem:s18+$0x0] =	vst v60;
	v5 =	vadd.f32 v5, v18  }
0x3d5: {  	[tilespmem:s6+$0x0] =	vst v6;
	v6 =	vmul.f32 v7, v30;
	v7 =	vadd.f32 v62, v25  }
0x3d6: {  	[tilespmem:s26+$0x0] =	vst v5  }
0x3d7: {  	[tilespmem:s28+$0x0] =	vst v7  }
0x3d8: {  	s31 =	sld [smem:$0x7CD]  }
0x3d9: {  	v58 =	vmul.f32 v53, v24;
	_ =	sdelay $0x1  }
0x3da: {  	v61 =	vsub.f32 v58, v23;
	s10 =	sadd.s32 $0x1, s31  }
0x3db: {  	p0 =	sne.s32 s10, $0x4  }
.Ltmp7:
0x3dc: {  	v63 =	vmul.f32 v61, v32;
	(pc) =	sbr.rel @p0 .LBB2_12-.Ltmp7, $4  }
0x3dd: {  	v5 =	vadd.f32 v6, v33  }
0x3de: {  	v6 =	vadd.f32 v63, v34  }
0x3df: {  	[tilespmem:s29+$0x0] =	vst v5  }
0x3e0: {  	[tilespmem:s30+$0x0] =	vst v6  }
0x3e1: {  	s0 =	sld [smem:$0x7FA];
	_ =	sdelay $0x1  }
0x3e2: {  	s2 =	simm.s32 $0x0;
	s1 =	simm.s32 $0x3100;
	s31 =	simm.s32 $0x1  }
0x3e3: {  	[hbm4b:s0+s2] =	stream.linear.scatter [tilespmem:s1], [sflag:$0x2], $0x3000, $0x38;
	[tilespmem:$0x12D00] =	vst v63  }
0x3e4: {  	_ =	swait.ge [sflag:s31], $0x3000  }
0x3e5: {  	[sflag:s31] =	ssyncset.done $0x0  }
0x3e6: {  	[sflag:s31] =	ssyncadd.s32 $0xFFFFD000  }
0x3e7: {  	s10 =	simm.s32 $0x0;
	v4 =	vld [tilespmem:$0xA0]  }
.LBB2_18:
0x3e8: {  	_ = 	snop  }
0x3e9: {  	s4 =	sshll.u32 s10, $0x2  }
0x3ea: {  	s0 =	sor.u32 $0x1, s4;
	v5 =	vmov s4  }
0x3eb: {  	s1 =	sor.u32 $0x2, s4;
	vm1 =	veq.s32 v5, v0;
	v5 =	vmov s0  }
0x3ec: {  	s2 =	sshllo.u32 s10, $0x2;
	v6 =	vnsel vm1, $0x0, v4;
	vm1 =	veq.s32 v5, v0;
	v5 =	vmov s1  }
0x3ed: {  	(xrf0) =	vadd.scan.msk.s32 $0xffff, v6;
	v6 =	vnsel vm1, $0x0, v4;
	vm1 =	veq.s32 v5, v0;
	v5 =	vmov s2  }
0x3ee: {  	(xrf0) =	vadd.scan.msk.s32 $0xffff, v6;
	v6 =	vnsel vm1, $0x0, v4;
	vm1 =	veq.s32 v5, v0  }
0x3ef: {  	(xrf0) =	vadd.scan.msk.s32 $0xffff, v6;
	v5 =	vnsel vm1, $0x0, v4  }
0x3f0: {  	(xrf0) =	vadd.scan.msk.s32 $0xffff, v5;
	_ =	sdelay $0x2  }
0x3f1: {  	v5, _, _ =	vpop (xrf0)  }
0x3f2: {  	v6, _, _ =	vpop (xrf0);
	(v2sf) =	vpush v5, $0xF  }
0x3f3: {  	v5, _, _ =	vpop (xrf0);
	(v2sf) =	vpush v6, $0xF  }
0x3f4: {  	(v2sf) =	vpush v5, $0xF;
	v5, _, _ =	vpop (xrf0)  }
0x3f5: {  	(v2sf) =	vpush v5, $0xF;
	_ =	sdelay $0x7  }
0x3f6: {  	s3 =	sshrl.u32 s10, $0x1  }
0x3f7: {  	[smem:$0x7BF] =	sst s10;
	s5 =	sor.u32 $0x4, s3  }
0x3f8: {  	s26 =	sshll.u32 s10, $0x9;
	s13 =	simm.s32 $0x0;
	s5 =	smul.u32 $0x6000, s5  }
0x3f9: {  	s3 =	smul.u32 $0x1800, s3;
	s10 =	sand.u32 $0x200, s26;
	s0 =	sshll.u32 s0, $0x7  }
0x3fa: {  	s0 =	sand.u32 $0x280, s0;
	s5 =	sshra.s32 s5, $0x2;
	s6 =	spop (v2sf)  }
0x3fb: {  	s5 =	sor.u32 s10, s5;
	s7 =	spop (v2sf);
	s6 =	smul.u32 $0xC000, s6  }
0x3fc: {  	s1 =	sshll.u32 s1, $0x7;
	s17 =	sor.u32 $0x100, s5;
	s8 =	spop (v2sf)  }
0x3fd: {  	s7 =	smul.u32 $0xC000, s7;
	s9 =	spop (v2sf);
	s6 =	sshra.s32 s6, $0x2  }
0x3fe: {  	s28 =	smul.u32 $0xC000, s8;
	s8 =	sand.u32 $0x300, s1;
	s6 =	sadd.s32 s3, s6  }
0x3ff: {  	s7 =	sshra.s32 s7, $0x2;
	s30 =	smul.u32 $0xC000, s9;
	s6 =	sor.u32 s10, s6  }
0x400: {  	s7 =	sadd.s32 s3, s7;
	s29 =	sshra.s32 s28, $0x2;
	s10 =	sshll.u32 s2, $0x7  }
0x401: {  	s6 =	sadd.s32 $0xC100, s6;
	s0 =	sor.u32 s0, s7;
	s9 =	sadd.s32 s3, s29  }
0x402: {  	s11 =	sshra.s32 s30, $0x2;
	s1 =	sand.u32 $0x380, s10;
	[dreg:$0x12] =	wrdreg s6  }
0x403: {  	s0 =	sadd.s32 $0xC100, s0;
	s2 =	sadd.s32 s3, s11;
	s3 =	sand.u32 $0x1C00, s13  }
0x404: {  	[dreg:$0x13] =	wrdreg s0;
	s0 =	sor.u32 s8, s9;
	s12 =	sor.u32 s1, s2  }
0x405: {  	s2 =	sand.u32 $0x40, s13;
	s14 =	rddreg [dreg:$0x12];
	s0 =	sadd.s32 $0xC100, s0  }
0x406: {  	s16 =	sadd.s32 s3, s17;
	s15 =	sadd.s32 $0xC100, s12;
	[dreg:$0x14] =	wrdreg s0  }
0x407: {  	s19 =	sadd.s32 s2, s16;
	s21 =	sadd.s32 s3, s14;
	[dreg:$0x15] =	wrdreg s15  }
0x408: {  	s22 =	sor.u32 $0x21, s4;
	s0 =	sor.u32 $0x10, s2;
	s23 =	sadd.s32 s2, s21;
	v6 =	vld [tilespmem:s19+$0x0]  }
0x409: {  	s24 =	sshrl.u32 s22, $0x3;
	s18 =	sadd.s32 s0, s16;
	v7 =	vld [tilespmem:s23+$0x0]  }
0x40a: {  	s25 =	smul.u32 $0x6000, s24;
	s11 =	sadd.s32 s0, s21;
	v5 =	vld [tilespmem:s18+$0x0]  }
0x40b: {  	s13 =	sor.u32 $0x30, s2;
	v8 =	vld [tilespmem:s11+$0x0]  }
0x40c: {  	s1 =	sshll.u32 s22, $0x7;
	s9 =	sshra.s32 s25, $0x2;
	s26 =	sadd.s32 s13, s16  }
0x40d: {  	s12 =	sand.u32 $0x280, s1;
	s1 =	sor.u32 $0x20, s2;
	s28 =	sadd.s32 s13, s21;
	v9 =	vld [tilespmem:s26+$0x0]  }
0x40e: {  	s9 =	sor.u32 s12, s9;
	s8 =	sadd.s32 s1, s21;
	v10 =	vld [tilespmem:s28+$0x0]  }
0x40f: {  	s6 =	sadd.s32 s1, s16;
	s20 =	sor.u32 $0x100, s9;
	v11 =	vld [tilespmem:s8+$0x0];
	v6 =	vadd.f32 v7, v6  }
0x410: {  	s30 =	sadd.s32 s3, s20;
	v7 =	vld [tilespmem:s6+$0x0];
	v5 =	vadd.f32 v8, v5  }
0x411: {  	s29 =	rddreg [dreg:$0x13];
	s11 =	sadd.s32 s2, s30;
	[tilespmem:s19+$0x0] =	vst v6  }
0x412: {  	s9 =	sadd.s32 s3, s29;
	s16 =	sadd.s32 s0, s30;
	v8 =	vld [tilespmem:s11+$0x0];
	[tilespmem:s18+$0x0] =	vst v5  }
0x413: {  	v9 =	vadd.f32 v10, v9;
	s19 =	sadd.s32 s0, s9;
	s18 =	sor.u32 $0x22, s4;
	v10 =	vld [tilespmem:s16+$0x0]  }
0x414: {  	s22 =	sadd.s32 s2, s9;
	s14 =	sshrl.u32 s18, $0x3;
	v12 =	vld [tilespmem:s19+$0x0]  }
0x415: {  	s23 =	sadd.s32 s13, s9;
	[tilespmem:s26+$0x0] =	vst v9;
	v13 =	vld [tilespmem:s22+$0x0];
	s21 =	smul.u32 $0x6000, s14;
	v7 =	vadd.f32 v11, v7  }
0x416: {  	s15 =	sadd.s32 s13, s30;
	v14 =	vld [tilespmem:s23+$0x0];
	s5 =	sshll.u32 s18, $0x7  }
0x417: {  	s7 =	sadd.s32 s1, s9;
	v11 =	vld [tilespmem:s15+$0x0];
	s5 =	sand.u32 $0x300, s5;
	s10 =	sshra.s32 s21, $0x2;
	[tilespmem:s6+$0x0] =	vst v7  }
0x418: {  	s24 =	sadd.s32 s1, s30;
	s5 =	sor.u32 s5, s10;
	v15 =	vld [tilespmem:s7+$0x0]  }
0x419: {  	s4 =	sor.u32 $0x23, s4;
	s22 =	sadd.s32 $0x100, s5;
	v10 =	vadd.f32 v12, v10;
	v12 =	vld [tilespmem:s24+$0x0]  }
0x41a: {  	s26 =	sshrl.u32 s4, $0x3;
	s25 =	rddreg [dreg:$0x14];
	s28 =	sadd.s32 s3, s22  }
0x41b: {  	v8 =	vadd.f32 v13, v8;
	s5 =	smul.u32 $0x6000, s26;
	s30 =	sadd.s32 s3, s25;
	[tilespmem:s16+$0x0] =	vst v10;
	s29 =	sadd.s32 s0, s28  }
0x41c: {  	s4 =	sshll.u32 s4, $0x7;
	s7 =	sadd.s32 s0, s30;
	v14 =	vadd.f32 v14, v11;
	v13 =	vld [tilespmem:s29+$0x0]  }
0x41d: {  	s4 =	sand.u32 $0x380, s4;
	[tilespmem:s11+$0x0] =	vst v8;
	s18 =	sadd.s32 s2, s30;
	s5 =	sshra.s32 s5, $0x2;
	v11 =	vld [tilespmem:s7+$0x0]  }
0x41e: {  	v16 =	vld [tilespmem:s18+$0x0];
	s4 =	sor.u32 s4, s5;
	[tilespmem:s15+$0x0] =	vst v14;
	s5 =	sadd.s32 s13, s28;
	v12 =	vadd.f32 v15, v12  }
0x41f: {  	s23 =	simm.s32 $0x40;
	s19 =	sadd.s32 s1, s30;
	s16 =	sadd.s32 s2, s28;
	v17 =	vld [tilespmem:s5+$0x0]  }
0x420: {  	s14 =	sadd.s32 s13, s30;
	s12 =	sadd.s32 s1, s28;
	v15 =	vld [tilespmem:s16+$0x0];
	[tilespmem:s24+$0x0] =	vst v12;
	s24 =	simm.s32 $0x200  }
0x421: {  	s7 =	sand.u32 $0x40, s23;
	s10 =	sand.u32 $0x1C00, s24;
	v18 =	vld [tilespmem:s12+$0x0];
	[dreg:$0x1f] =	wrdreg s17  }
0x422: {  	s21 =	sadd.s32 $0x100, s4;
	s8 =	sor.u32 $0x10, s7;
	v13 =	vadd.f32 v11, v13;
	s26 =	sadd.s32 s10, s17;
	v19 =	vld [tilespmem:s19+$0x0]  }
0x423: {  	v20 =	vmul.f32 v6, v6;
	s25 =	rddreg [dreg:$0x12];
	s11 =	sadd.s32 s3, s21;
	v11 =	vimm.f32 $0.0e+00;
	v21 =	vld [tilespmem:s14+$0x0];
	s17 =	sadd.s32 s8, s26  }
0x424: {  	s6 =	sadd.s32 s0, s11;
	s28 =	sadd.s32 s10, s25;
	v6 =	vadd.f32 v6, v11;
	[tilespmem:s29+$0x0] =	vst v13;
	v22 =	vld [tilespmem:s17+$0x0]  }
0x425: {  	v15 =	vadd.f32 v16, v15;
	v16 =	vadd.f32 v20, v11;
	v20 =	vmul.f32 v5, v5;
	s29 =	sadd.s32 s7, s28;
	v23 =	vld [tilespmem:s6+$0x0]  }
0x426: {  	v24 =	vmul.f32 v8, v8;
	s9 =	sor.u32 $0x20, s7;
	s18 =	sadd.s32 s8, s28;
	v25 =	vld [tilespmem:s29+$0x0]  }
0x427: {  	s4 =	sor.u32 $0x30, s7;
	s30 =	sadd.s32 s9, s28;
	v5 =	vadd.f32 v5, v6;
	v6 =	vadd.f32 v20, v16;
	v16 =	vld [tilespmem:s18+$0x0]  }
0x428: {  	v26 =	vmul.f32 v10, v10;
	v24 =	vadd.f32 v24, v11;
	s14 =	sadd.s32 s4, s28;
	v27 =	vld [tilespmem:s30+$0x0];
	v20 =	vmul.f32 v7, v7  }
0x429: {  	[tilespmem:s16+$0x0] =	vst v15;
	s16 =	sadd.s32 s7, s26;
	v5 =	vadd.f32 v7, v5;
	v7 =	vadd.f32 v8, v11;
	v8 =	vld [tilespmem:s14+$0x0]  }
0x42a: {  	v55 =	vmul.f32 v12, v12;
	s23 =	sadd.s32 s4, s26;
	s19 =	rddreg [dreg:$0x15];
	v56 =	vld [tilespmem:s16+$0x0];
	v6 =	vadd.f32 v20, v6;
	v20 =	vadd.f32 v26, v24  }
0x42b: {  	s15 =	sadd.s32 s9, s26;
	s3 =	sadd.s32 s3, s19;
	v18 =	vadd.f32 v19, v18;
	v28 =	vadd.f32 v9, v5;
	v5 =	vmul.f32 v9, v9;
	v9 =	vld [tilespmem:s23+$0x0]  }
0x42c: {  	s24 =	rddreg [dreg:$0x13];
	v19 =	vld [tilespmem:s15+$0x0];
	v7 =	vadd.f32 v10, v7;
	s0 =	sadd.s32 s0, s3;
	v16 =	vadd.f32 v16, v22  }
0x42d: {  	s25 =	sadd.s32 s2, s11;
	s18 =	sadd.s32 s10, s24;
	v17 =	vadd.f32 v21, v17;
	v10 =	vadd.f32 v55, v20;
	v20 =	vmul.f32 v14, v14;
	v22 =	vld [tilespmem:s0+$0x0]  }
0x42e: {  	s26 =	sadd.s32 s8, s18;
	v6 =	vadd.f32 v5, v6;
	v7 =	vadd.f32 v12, v7;
	v12 =	vld [tilespmem:s25+$0x0];
	[tilespmem:s17+$0x0] =	vst v16  }
0x42f: {  	s28 =	sadd.s32 s10, s20;
	s19 =	sadd.s32 s2, s3;
	v5 =	vadd.f32 v20, v10;
	v10 =	vmul.f32 v15, v15;
	v15 =	vadd.f32 v15, v11;
	v20 =	vld [tilespmem:s26+$0x0];
	[smem:$0x7C0] =	sst s20  }
0x430: {  	s29 =	sadd.s32 s8, s28;
	v7 =	vadd.f32 v14, v7;
	v8 =	vadd.f32 v8, v9;
	v57 =	vld [tilespmem:s19+$0x0]  }
0x431: {  	s31 =	sadd.s32 s1, s11;
	v21 =	vmul.f32 v13, v13;
	v10 =	vadd.f32 v10, v11;
	v9 =	vadd.f32 v25, v56;
	[tilespmem:s12+$0x0] =	vst v18;
	v14 =	vld [tilespmem:s29+$0x0]  }
0x432: {  	s30 =	sadd.s32 s4, s18;
	v19 =	vadd.f32 v27, v19;
	v13 =	vadd.f32 v13, v15;
	v58 =	vld [tilespmem:s31+$0x0];
	[tilespmem:s23+$0x0] =	vst v8  }
0x433: {  	s14 =	sadd.s32 s7, s28;
	v15 =	vmul.f32 v18, v18;
	v10 =	vadd.f32 v21, v10;
	[tilespmem:s16+$0x0] =	vst v9;
	v21 =	vmul.f32 v9, v9;
	v59 =	vld [tilespmem:s30+$0x0]  }
0x434: {  	s2 =	sadd.s32 s4, s28;
	v13 =	vadd.f32 v18, v13;
	v18 =	vadd.f32 v9, v28;
	v60 =	vld [tilespmem:s14+$0x0]  }
0x435: {  	[tilespmem:s15+$0x0] =	vst v19;
	s19 =	sadd.s32 s9, s18;
	v10 =	vadd.f32 v15, v10;
	v6 =	vadd.f32 v21, v6;
	v21 =	vld [tilespmem:s2+$0x0]  }
0x436: {  	s17 =	sadd.s32 s9, s28;
	v15 =	vmul.f32 v16, v16;
	v9 =	vadd.f32 v17, v13;
	v13 =	vadd.f32 v16, v18;
	v16 =	vld [tilespmem:s19+$0x0]  }
0x437: {  	s1 =	sadd.s32 s1, s3;
	v18 =	vadd.f32 v22, v23;
	v23 =	vld [tilespmem:s17+$0x0]  }
0x438: {  	v22 =	vmul.f32 v17, v17;
	v61 =	vadd.f32 v19, v13;
	v13 =	vadd.f32 v20, v14;
	v20 =	vld [tilespmem:s1+$0x0];
	[smem:$0x7C1] =	sst s22  }
0x439: {  	s11 =	sadd.s32 s13, s11;
	s20 =	sadd.s32 s7, s18;
	v15 =	vadd.f32 v15, v6;
	v19 =	vmul.f32 v19, v19;
	[tilespmem:s5+$0x0] =	vst v17  }
0x43a: {  	s24 =	sadd.s32 s10, s22;
	s28 =	sadd.s32 s13, s3;
	v6 =	vadd.f32 v22, v10;
	v14 =	vadd.f32 v57, v12;
	v62 =	vld [tilespmem:s20+$0x0];
	[smem:$0x7C2] =	sst s21  }
0x43b: {  	s13 =	simm.s32 $0x80;
	s12 =	simm.s32 $0x4;
	s23 =	rddreg [dreg:$0x14];
	v15 =	vadd.f32 v19, v15;
	v10 =	vadd.f32 v8, v61;
	v8 =	vmul.f32 v8, v8;
	[tilespmem:s29+$0x0] =	vst v13;
	v17 =	vld [tilespmem:s11+$0x0]  }
0x43c: {  	s1 =	sadd.s32 s10, s21;
	s21 =	sadd.s32 s8, s24;
	v19 =	vadd.f32 v14, v11;
	v63 =	vmul.f32 v14, v14;
	[tilespmem:s6+$0x0] =	vst v18;
	v12 =	vadd.f32 v59, v21;
	s29 =	sadd.s32 s10, s23;
	v22 =	vld [tilespmem:s28+$0x0]  }
0x43d: {  	s15 =	simm.s32 $0x400;
	s16 =	sadd.s32 s4, s24;
	[tilespmem:s25+$0x0] =	vst v14;
	v21 =	vld [tilespmem:s21+$0x0];
	v8 =	vadd.f32 v8, v15;
	s30 =	sadd.s32 s8, s29;
	v15 =	vadd.f32 v16, v23  }
0x43e: {  	s23 =	sadd.s32 s7, s24;
	s6 =	sadd.s32 s9, s24;
	s25 =	sadd.s32 s7, s29;
	v19 =	vadd.f32 v18, v19;
	v16 =	vadd.f32 v63, v11;
	[tilespmem:s2+$0x0] =	vst v12;
	v23 =	vld [tilespmem:s30+$0x0]  }
0x43f: {  	v14 =	vmul.f32 v18, v18;
	s3 =	sadd.s32 s9, s29;
	s26 =	sadd.s32 s4, s29;
	v11 =	vadd.f32 v20, v58;
	v20 =	vadd.f32 v62, v60;
	[tilespmem:s17+$0x0] =	vst v15;
	s17 =	smov.u32 s9;
	v18 =	vld [tilespmem:s16+$0x0]  }
.LBB2_19:
0x440: {  	v24 =	vld [tilespmem:s6+$0x0]  }
0x441: {  	s19 =	smov.u32 s17;
	v25 =	vld [tilespmem:s3+$0x0];
	[tilespmem:s14+$0x0] =	vst v20;
	v7 =	vadd.f32 v20, v7;
	v20 =	vmul.f32 v20, v20  }
0x442: {  	s17 =	sand.u32 $0x40, s13;
	s18 =	sand.u32 $0x1C00, s15;
	s0 =	rddreg [dreg:$0x1f];
	v14 =	vadd.f32 v14, v16;
	v26 =	vld [tilespmem:s23+$0x0]  }
0x443: {  	s5 =	rddreg [dreg:$0x12];
	s28 =	sadd.s32 s18, s0;
	s20 =	sor.u32 $0x10, s17;
	v5 =	vadd.f32 v20, v5;
	v20 =	vld [tilespmem:s25+$0x0];
	v17 =	vadd.f32 v22, v17;
	v22 =	vmul.f32 v13, v13  }
0x444: {  	v16 =	vmul.f32 v11, v11;
	s14 =	sadd.s32 s18, s5;
	s22 =	sadd.s32 s20, s28;
	v7 =	vadd.f32 v13, v7;
	v21 =	vadd.f32 v23, v21;
	v23 =	vld [tilespmem:s26+$0x0]  }
0x445: {  	s2 =	sld [smem:$0x7C1];
	v19 =	vadd.f32 v11, v19;
	s29 =	sadd.s32 s17, s14;
	v27 =	vld [tilespmem:s22+$0x0];
	v13 =	vmul.f32 v15, v15;
	[tilespmem:s11+$0x0] =	vst v17;
	v5 =	vadd.f32 v22, v5  }
0x446: {  	s30 =	sld [smem:$0x7C2];
	v14 =	vadd.f32 v16, v14;
	v7 =	vadd.f32 v15, v7;
	v15 =	vld [tilespmem:s29+$0x0];
	v16 =	vmul.f32 v17, v17;
	[tilespmem:s21+$0x0] =	vst v21;
	s11 =	sadd.s32 s8, s1  }
0x447: {  	s24 =	sadd.s32 s17, s28;
	v17 =	vadd.f32 v17, v19;
	v22 =	vld [tilespmem:s11+$0x0];
	v5 =	vadd.f32 v13, v5;
	v13 =	vmul.f32 v12, v12  }
0x448: {  	[tilespmem:s31+$0x0] =	vst v11;
	s9 =	sadd.s32 s20, s14;
	s25 =	sor.u32 $0x20, s17;
	v11 =	vadd.f32 v16, v14;
	v14 =	vld [tilespmem:s24+$0x0];
	v16 =	vadd.f32 v20, v26  }
0x449: {  	s5 =	sadd.s32 s18, s2;
	s2 =	sadd.s32 s18, s30;
	s30 =	sadd.s32 s25, s14;
	v19 =	vld [tilespmem:s9+$0x0];
	v5 =	vadd.f32 v13, v5;
	v13 =	vadd.f32 v23, v18  }
0x44a: {  	s0 =	sor.u32 $0x30, s17;
	s21 =	sadd.s32 s25, s28;
	v18 =	vld [tilespmem:s30+$0x0];
	[tilespmem:s23+$0x0] =	vst v16;
	v9 =	vadd.f32 v16, v9;
	v16 =	vmul.f32 v16, v16  }
0x44b: {  	s3 =	sadd.s32 s0, s28;
	s28 =	sadd.s32 s0, s14;
	s14 =	sld [smem:$0x7C0];
	v23 =	vld [tilespmem:s21+$0x0];
	[tilespmem:s16+$0x0] =	vst v13  }
0x44c: {  	s30 =	rddreg [dreg:$0x15];
	v6 =	vadd.f32 v16, v6;
	v9 =	vadd.f32 v21, v9;
	v20 =	vld [tilespmem:s3+$0x0]  }
0x44d: {  	s23 =	sadd.s32 s7, s1;
	s10 =	sadd.s32 s10, s30;
	v16 =	vmul.f32 v21, v21;
	v21 =	vadd.f32 v25, v24;
	v14 =	vadd.f32 v15, v14;
	v15 =	vld [tilespmem:s28+$0x0]  }
0x44e: {  	s29 =	rddreg [dreg:$0x13];
	v7 =	vadd.f32 v12, v7;
	s9 =	smov.u32 s4;
	v12 =	vld [tilespmem:s23+$0x0];
	v19 =	vadd.f32 v19, v27;
	s8 =	sadd.s32 s8, s10  }
0x44f: {  	s31 =	sadd.s32 s18, s14;
	s4 =	sadd.s32 s7, s10;
	s7 =	sadd.s32 s19, s1;
	v6 =	vadd.f32 v16, v6;
	v16 =	vld [tilespmem:s8+$0x0];
	[tilespmem:s6+$0x0] =	vst v21;
	v9 =	vadd.f32 v21, v9;
	v21 =	vmul.f32 v21, v21  }
0x450: {  	[smem:$0x7BE] =	sst s2;
	s2 =	sadd.s32 s18, s29;
	s14 =	sadd.s32 s17, s31;
	[tilespmem:s24+$0x0] =	vst v14;
	v10 =	vadd.f32 v14, v10;
	v60 =	vld [tilespmem:s7+$0x0]  }
0x451: {  	s26 =	sadd.s32 s17, s2;
	s28 =	sadd.s32 s20, s31;
	[tilespmem:s22+$0x0] =	vst v19;
	v14 =	vmul.f32 v14, v14;
	v18 =	vadd.f32 v18, v23;
	v61 =	vld [tilespmem:s14+$0x0];
	v6 =	vadd.f32 v21, v6  }
0x452: {  	s29 =	sadd.s32 s25, s2;
	s30 =	sadd.s32 s0, s2;
	s2 =	sadd.s32 s20, s2;
	v9 =	vadd.f32 v13, v9;
	v13 =	vmul.f32 v13, v13;
	v21 =	vld [tilespmem:s28+$0x0];
	v15 =	vadd.f32 v15, v20  }
0x453: {  	v8 =	vadd.f32 v14, v8;
	v10 =	vadd.f32 v19, v10;
	v14 =	vmul.f32 v19, v19;
	v19 =	vld [tilespmem:s2+$0x0]  }
0x454: {  	s16 =	sadd.s32 s0, s31;
	v20 =	vld [tilespmem:s4+$0x0];
	v6 =	vadd.f32 v13, v6;
	[tilespmem:s3+$0x0] =	vst v15  }
0x455: {  	[tilespmem:s21+$0x0] =	vst v18;
	v13 =	vmul.f32 v18, v18;
	v8 =	vadd.f32 v14, v8;
	v10 =	vadd.f32 v18, v10;
	v18 =	vld [tilespmem:s16+$0x0]  }
0x456: {  	s12 =	sadd.s32 $0x4, s12;
	v16 =	vadd.f32 v16, v22;
	v22 =	vld [tilespmem:s30+$0x0]  }
0x457: {  	s13 =	sadd.s32 $0x40, s13;
	p0 =	slt.u32 s12, $0x2C;
	s6 =	sadd.s32 s25, s31;
	v23 =	vld [tilespmem:s29+$0x0];
	v8 =	vadd.f32 v13, v8  }
0x458: {  	s31 =	sadd.s32 s19, s10;
	s19 =	smov.u32 s17;
	s8 =	smov.u32 s20;
	v10 =	vadd.f32 v15, v10;
	v15 =	vmul.f32 v15, v15;
	v13 =	vadd.f32 v19, v21;
	v19 =	vld [tilespmem:s6+$0x0]  }
0x459: {  	s17 =	smov.u32 s25;
	s25 =	rddreg [dreg:$0x14];
	s24 =	sadd.s32 s9, s10;
	v62 =	vld [tilespmem:s26+$0x0];
	[tilespmem:s11+$0x0] =	vst v16  }
0x45a: {  	s10 =	smov.u32 s18;
	s21 =	sadd.s32 s8, s5;
	s29 =	sld [smem:$0x7BE];
	v8 =	vadd.f32 v15, v8;
	v15 =	vadd.f32 v20, v12;
	v20 =	vld [tilespmem:s31+$0x0];
	[tilespmem:s28+$0x0] =	vst v13  }
.Ltmp8:
0x45b: {  	s11 =	sadd.s32 s9, s1;
	s30 =	sadd.s32 s10, s25;
	v21 =	vld [tilespmem:s21+$0x0];
	v12 =	vadd.f32 v22, v18;
	(pc) =	sbr.rel @p0 .LBB2_19-.Ltmp8, $4  }
0x45c: {  	s15 =	sadd.s32 $0x200, s15;
	s4 =	smov.u32 s0;
	s2 =	sadd.s32 s8, s30;
	[tilespmem:s23+$0x0] =	vst v15;
	v63 =	vmul.f32 v15, v15;
	v18 =	vadd.f32 v15, v17;
	v17 =	vld [tilespmem:s11+$0x0]  }
0x45d: {  	s1 =	smov.u32 s29;
	s25 =	sadd.s32 s19, s30;
	s3 =	sadd.s32 s17, s30;
	v15 =	vadd.f32 v23, v19;
	v23 =	vld [tilespmem:s2+$0x0];
	[tilespmem:s16+$0x0] =	vst v12  }
0x45e: {  	v14 =	vmul.f32 v16, v16;
	s26 =	sadd.s32 s4, s30;
	s31 =	smov.u32 s7;
	v19 =	vadd.f32 v16, v18;
	s16 =	sadd.s32 s4, s5;
	v16 =	vadd.f32 v63, v11;
	v22 =	vld [tilespmem:s24+$0x0]  }
0x45f: {  	s7 =	smov.u32 s19;
	s23 =	sadd.s32 s19, s5;
	v11 =	vadd.f32 v20, v60;
	v20 =	vadd.f32 v62, v61;
	[tilespmem:s6+$0x0] =	vst v15;
	s6 =	sadd.s32 s17, s5;
	v18 =	vld [tilespmem:s16+$0x0]  }
0x460: {  	_ = 	snop  }
0x461: {  	[tilespmem:s14+$0x0] =	vst v20  }
0x462: {  	v24 =	vld [tilespmem:s23+$0x0]  }
0x463: {  	v25 =	vld [tilespmem:s25+$0x0];
	_ =	sdelay $0x3  }
0x464: {  	v21 =	vadd.f32 v23, v21  }
0x465: {  	v23 =	vadd.f32 v25, v24;
	v24 =	vld [tilespmem:s6+$0x0]  }
0x466: {  	[tilespmem:s21+$0x0] =	vst v21;
	v25 =	vld [tilespmem:s3+$0x0]  }
0x467: {  	[tilespmem:s23+$0x0] =	vst v23  }
0x468: {  	v26 =	vld [tilespmem:s26+$0x0];
	s0 =	rddreg [dreg:$0x15]  }
0x469: {  	s3 =	sadd.s32 s7, s1;
	s0 =	sadd.s32 s10, s0  }
0x46a: {  	v27 =	vld [tilespmem:s3+$0x0];
	s2 =	sadd.s32 s7, s0  }
0x46b: {  	s7 =	sadd.s32 s8, s1;
	v24 =	vadd.f32 v25, v24;
	v25 =	vld [tilespmem:s2+$0x0]  }
0x46c: {  	s18 =	sadd.s32 s8, s0;
	v28 =	vld [tilespmem:s7+$0x0]  }
0x46d: {  	s5 =	sadd.s32 s17, s1;
	v18 =	vadd.f32 v26, v18;
	v26 =	vld [tilespmem:s18+$0x0];
	[tilespmem:s6+$0x0] =	vst v24  }
0x46e: {  	v19 =	vadd.f32 v11, v19;
	v17 =	vadd.f32 v22, v17;
	s19 =	sadd.s32 s17, s0;
	v22 =	vld [tilespmem:s5+$0x0]  }
0x46f: {  	v7 =	vadd.f32 v20, v7;
	[tilespmem:s16+$0x0] =	vst v18;
	s0 =	sadd.s32 s4, s0;
	v29 =	vld [tilespmem:s19+$0x0]  }
0x470: {  	v19 =	vadd.f32 v17, v19;
	s1 =	sadd.s32 s4, s1;
	v30 =	vld [tilespmem:s0+$0x0];
	v25 =	vadd.f32 v25, v27  }
0x471: {  	v7 =	vadd.f32 v13, v7;
	v9 =	vadd.f32 v23, v9;
	v27 =	vld [tilespmem:s1+$0x0]  }
0x472: {  	v26 =	vadd.f32 v26, v28;
	v19 =	vadd.f32 v25, v19  }
0x473: {  	v7 =	vadd.f32 v15, v7;
	v9 =	vadd.f32 v21, v9  }
0x474: {  	v22 =	vadd.f32 v29, v22;
	v19 =	vadd.f32 v26, v19  }
0x475: {  	v7 =	vadd.f32 v12, v7;
	v9 =	vadd.f32 v24, v9  }
0x476: {  	v27 =	vadd.f32 v30, v27;
	v19 =	vadd.f32 v22, v19  }
0x477: {  	(xrf2) =	vadd.scan.msk.f32 $0xffff, v10;
	v9 =	vadd.f32 v18, v9  }
0x478: {  	(xrf2) =	vadd.scan.msk.f32 $0xffff, v7;
	v7 =	vmul.f32 v20, v20;
	v10 =	vadd.f32 v27, v19  }
0x479: {  	(xrf2) =	vadd.scan.msk.f32 $0xffff, v9  }
0x47a: {  	v5 =	vadd.f32 v7, v5;
	v7 =	vmul.f32 v13, v13;
	(xrf2) =	vadd.scan.msk.f32 $0xffff, v10  }
0x47b: {  	(xrf2) =	vadd.scan.msk.f32 $0xffff, v8  }
0x47c: {  	v5 =	vadd.f32 v7, v5;
	v7 =	vmul.f32 v15, v15;
	_ =	sdelay $0x1  }
0x47d: {  	v5 =	vadd.f32 v7, v5;
	v7 =	vmul.f32 v12, v12;
	_ =	sdelay $0x1  }
0x47e: {  	v5 =	vadd.f32 v7, v5  }
0x47f: {  	v8, _, _ =	vpop (xrf2)  }
0x480: {  	v9, _, _ =	vpop (xrf2);
	(v2sf) =	vpush v8, $0xF;
	(xrf2) =	vadd.scan.msk.f32 $0xffff, v5  }
0x481: {  	v8, _, _ =	vpop (xrf2);
	(v2sf) =	vpush v9, $0xF  }
0x482: {  	(v2sf) =	vpush v8, $0xF;
	v7, _, _ =	vpop (xrf2)  }
0x483: {  	(v2sf) =	vpush v7, $0xF;
	v7, _, _ =	vpop (xrf2)  }
0x484: {  	(v2sf) =	vpush v7, $0xF;
	_ =	sdelay $0x4  }
0x485: {  	v5 =	vmul.f32 v23, v23  }
0x486: {  	v7, _, _ =	vpop (xrf2)  }
0x487: {  	v5 =	vadd.f32 v5, v6;
	v6 =	vmul.f32 v21, v21;
	(v2sf) =	vpush v7, $0xF;
	_ =	sdelay $0x1  }
0x488: {  	v5 =	vadd.f32 v6, v5;
	v6 =	vmul.f32 v24, v24  }
0x489: {  	v8 =	vmul.f32 v11, v11;
	v7 =	vadd.f32 v14, v16  }
0x48a: {  	v5 =	vadd.f32 v6, v5;
	s20 =	spop (v2sf)  }
0x48b: {  	v6 =	vmul.f32 v18, v18;
	v7 =	vadd.f32 v8, v7;
	v8 =	vmul.f32 v17, v17;
	s21 =	spop (v2sf)  }
0x48c: {  	s6 =	smul.f32 $1.302083370e-03, s20;
	s22 =	spop (v2sf)  }
0x48d: {  	v5 =	vadd.f32 v6, v5;
	v6 =	vmul.f32 v25, v25;
	v7 =	vadd.f32 v8, v7;
	s9 =	spop (v2sf)  }
0x48e: {  	s24 =	smul.f32 s6, s6;
	s23 =	spop (v2sf)  }
0x48f: {  	v8 =	vmul.f32 v26, v26;
	v6 =	vadd.f32 v6, v7;
	s0 =	smul.f32 $1.302083370e-03, s23  }
0x490: {  	(xrf2) =	vadd.scan.msk.f32 $0xffff, v5  }
0x491: {  	v5 =	vadd.f32 v8, v6;
	v6 =	vmul.f32 v22, v22;
	s0 =	ssub.f32 s0, s24;
	_ =	sdelay $0x1  }
0x492: {  	v5 =	vadd.f32 v6, v5;
	v6 =	vmul.f32 v27, v27;
	s0 =	sadd.f32 $9.999999960e-13, s0;
	_ =	sdelay $0x1  }
0x493: {  	v5 =	vadd.f32 v6, v5;
	s12 =	spop (v2sf);
	s25 =	sshrl.u32 s0, $0x1;
	s26 =	smul.f32 $5.000000000e-01, s0  }
0x494: {  	s12 =	smul.f32 $1.302083370e-03, s12;
	s29 =	ssub.s32 $0x5F3759DF, s25  }
0x495: {  	(xrf2) =	vadd.scan.msk.f32 $0xffff, v5;
	s8 =	smul.f32 s29, s26  }
0x496: {  	s0 =	smul.f32 $1.302083370e-03, s21  }
0x497: {  	s8 =	smul.f32 s29, s8  }
0x498: {  	v5, _, _ =	vpop (xrf2);
	s13 =	smul.f32 s0, s0  }
0x499: {  	(v2sf) =	vpush v5, $0xF;
	s8 =	ssub.f32 $1.500000000e+00, s8  }
0x49a: {  	s4 =	smul.f32 $1.302083370e-03, s22;
	s12 =	ssub.f32 s12, s13  }
0x49b: {  	s2 =	smul.f32 s29, s8  }
0x49c: {  	s20 =	smul.f32 s4, s4;
	s12 =	sadd.f32 $9.999999960e-13, s12  }
0x49d: {  	s14 =	smul.f32 s2, s26  }
0x49e: {  	s30 =	sshrl.u32 s12, $0x1;
	s8 =	smul.f32 $5.000000000e-01, s12  }
0x49f: {  	v5, _, _ =	vpop (xrf2);
	s13 =	ssub.s32 $0x5F3759DF, s30;
	s12 =	smul.f32 s14, s2  }
0x4a0: {  	[smem:$0x7B9] =	sst s4;
	(v2sf) =	vpush v5, $0xF;
	s15 =	smul.f32 s13, s8  }
0x4a1: {  	[tilespmem:s7+$0x0] =	vst v26;
	s7 =	smul.f32 $1.302083370e-03, s9;
	s12 =	ssub.f32 $1.500000000e+00, s12  }
0x4a2: {  	s14 =	smul.f32 s13, s15  }
0x4a3: {  	s2 =	smul.f32 s12, s2  }
0x4a4: {  	s4 =	smul.f32 s7, s7;
	s14 =	ssub.f32 $1.500000000e+00, s14  }
0x4a5: {  	s10 =	smul.f32 s2, s26  }
0x4a6: {  	[tilespmem:s11+$0x0] =	vst v17;
	s13 =	smul.f32 s13, s14  }
0x4a7: {  	[tilespmem:s31+$0x0] =	vst v11;
	s10 =	smul.f32 s10, s2  }
0x4a8: {  	[tilespmem:s3+$0x0] =	vst v25;
	s23 =	simm.s32 $0x0;
	s17 =	spop (v2sf);
	s16 =	smul.f32 s13, s8  }
0x4a9: {  	[tilespmem:s1+$0x0] =	vst v27;
	s24 =	simm.s32 $0x12A00;
	s19 =	smul.f32 $1.302083370e-03, s17;
	s10 =	ssub.f32 $1.500000000e+00, s10  }
0x4aa: {  	[tilespmem:s5+$0x0] =	vst v22;
	s30 =	sand.u32 $0x1C00, s23;
	s15 =	simm.s32 $0x12700;
	s18 =	smul.f32 s16, s13  }
0x4ab: {  	s12 =	sand.u32 $0x40, s23;
	s11 =	smul.f32 s10, s2;
	s10 =	rddreg [dreg:$0x1f]  }
0x4ac: {  	s22 =	ssub.f32 s19, s20;
	s26 =	sor.u32 $0x30, s12;
	s25 =	sadd.s32 s30, s10  }
0x4ad: {  	v5 =	vld [tilespmem:s24+$0x0];
	s20 =	sand.u32 $0x380, s23;
	s21 =	ssub.f32 $1.500000000e+00, s18;
	s17 =	sadd.s32 s26, s25  }
0x4ae: {  	s29 =	sadd.f32 $9.999999960e-13, s22;
	s14 =	sor.u32 $0x10, s12;
	s18 =	sadd.s32 s12, s25;
	v6 =	vld [tilespmem:s17+$0x0]  }
0x4af: {  	s31 =	spop (v2sf);
	s9 =	smul.f32 s21, s13;
	s13 =	smov.u32 s26;
	v8 =	vld [tilespmem:s18+$0x0]  }
0x4b0: {  	v7 =	vld [tilespmem:s15+$0x0];
	s1 =	sor.u32 $0x20, s12;
	s19 =	smul.f32 $1.302083370e-03, s31;
	s22 =	sor.u32 s20, s13  }
0x4b1: {  	s24 =	sshrl.u32 s29, $0x1;
	s2 =	smul.f32 $5.000000000e-01, s29;
	s15 =	sadd.s32 s14, s25;
	v36 =	vld [tilespmem:s22+$0x12700]  }
0x4b2: {  	s16 =	sadd.s32 s1, s25;
	s25 =	ssub.s32 $0x5F3759DF, s24;
	s6 =	smul.f32 s11, s6;
	v11 =	vmov s11;
	v9 =	vld [tilespmem:s15+$0x0]  }
0x4b3: {  	s26 =	ssub.f32 s19, s4;
	v10 =	vld [tilespmem:s16+$0x0];
	s29 =	smul.f32 s25, s2;
	v6 =	vmul.f32 v6, v11  }
0x4b4: {  	s31 =	sor.u32 s20, s14;
	v35 =	vld [tilespmem:s22+$0x12A00];
	v16 =	vmov s6;
	v12 =	vmul.f32 v8, v11  }
0x4b5: {  	v13 =	vld [tilespmem:s31+$0x12700];
	s4 =	sor.u32 s20, s1;
	s3 =	sadd.f32 $9.999999960e-13, s26;
	s11 =	smul.f32 s25, s29;
	v6 =	vsub.f32 v6, v16  }
0x4b6: {  	s8 =	smul.f32 s9, s8;
	v8 =	vld [tilespmem:s4+$0x12700];
	v12 =	vsub.f32 v12, v16  }
0x4b7: {  	s21 =	sshrl.u32 s3, $0x1;
	s3 =	smul.f32 $5.000000000e-01, s3;
	s11 =	ssub.f32 $1.500000000e+00, s11;
	v14 =	vmul.f32 v9, v11;
	v9 =	vld [tilespmem:s31+$0x12A00];
	v15 =	vmul.f32 v6, v36  }
0x4b8: {  	s8 =	smul.f32 s8, s9;
	s19 =	ssub.s32 $0x5F3759DF, s21;
	v10 =	vmul.f32 v10, v11;
	v12 =	vmul.f32 v12, v7;
	v6 =	vld [tilespmem:s4+$0x12A00];
	s4 =	sld [smem:$0x7C0]  }
0x4b9: {  	s24 =	simm.s32 $0x40;
	s20 =	smul.f32 s19, s3;
	v14 =	vsub.f32 v14, v16;
	v15 =	vadd.f32 v15, v35  }
0x4ba: {  	s29 =	simm.s32 $0x200;
	s22 =	ssub.f32 $1.500000000e+00, s8;
	s23 =	smul.f32 s25, s11;
	v10 =	vsub.f32 v10, v16;
	v12 =	vadd.f32 v12, v5  }
0x4bb: {  	s11 =	sand.u32 $0x40, s24;
	s24 =	sand.u32 $0x380, s24;
	v14 =	vmul.f32 v14, v13;
	s26 =	sadd.s32 s30, s4;
	[tilespmem:s17+$0x0] =	vst v15  }
0x4bc: {  	s20 =	smul.f32 s19, s20;
	v10 =	vmul.f32 v10, v8;
	s5 =	sadd.s32 s13, s26;
	s8 =	sadd.s32 s12, s26;
	[tilespmem:s18+$0x0] =	vst v12  }
0x4bd: {  	v14 =	vadd.f32 v14, v9;
	s18 =	sand.u32 $0x1C00, s29;
	s17 =	sor.u32 $0x30, s11;
	v12 =	vld [tilespmem:s5+$0x0];
	[smem:$0x7BC] =	sst s14  }
0x4be: {  	s21 =	smul.f32 s22, s9;
	v10 =	vadd.f32 v10, v6;
	s25 =	sadd.s32 s18, s10;
	s22 =	sor.u32 s24, s17;
	v15 =	vld [tilespmem:s8+$0x0]  }
0x4bf: {  	s20 =	ssub.f32 $1.500000000e+00, s20;
	[tilespmem:s15+$0x0] =	vst v14;
	s15 =	sadd.s32 s17, s25;
	v26 =	vld [tilespmem:s22+$0x12700]  }
0x4c0: {  	s0 =	smul.f32 s21, s0;
	s6 =	sadd.s32 s14, s26;
	[tilespmem:s16+$0x0] =	vst v10;
	v10 =	vld [tilespmem:s15+$0x0]  }
0x4c1: {  	s28 =	smul.f32 s19, s20;
	s9 =	sadd.s32 s1, s26;
	v14 =	vld [tilespmem:s6+$0x0]  }
0x4c2: {  	s31 =	smul.f32 s23, s2;
	v17 =	vld [tilespmem:s9+$0x0]  }
0x4c3: {  	v19 =	vmov s21;
	s20 =	sor.u32 $0x10, s11;
	s29 =	smul.f32 s28, s3;
	v22 =	vld [tilespmem:s22+$0x12A00];
	s19 =	sadd.s32 s11, s25  }
0x4c4: {  	s21 =	sor.u32 $0x20, s11;
	s26 =	smul.f32 s31, s23;
	s22 =	sadd.s32 s20, s25;
	v18 =	vld [tilespmem:s19+$0x0];
	v12 =	vmul.f32 v12, v19;
	v15 =	vmul.f32 v15, v19  }
0x4c5: {  	v20 =	vmov s0;
	s29 =	smul.f32 s29, s28;
	s16 =	sadd.s32 s21, s25;
	v21 =	vld [tilespmem:s22+$0x0];
	v23 =	vmul.f32 v10, v11  }
0x4c6: {  	s31 =	simm.s32 $0x12A40;
	s25 =	ssub.f32 $1.500000000e+00, s26;
	v24 =	vld [tilespmem:s16+$0x0];
	v12 =	vsub.f32 v12, v20;
	v14 =	vmul.f32 v14, v19;
	v15 =	vsub.f32 v15, v20  }
0x4c7: {  	s0 =	ssub.f32 $1.500000000e+00, s29;
	s29 =	simm.s32 $0x12740;
	v10 =	vld [tilespmem:s31+$0x0];
	v17 =	vmul.f32 v17, v19;
	v23 =	vsub.f32 v23, v16  }
0x4c8: {  	s31 =	sor.u32 s24, s20;
	v25 =	vmul.f32 v12, v36;
	v12 =	vld [tilespmem:s29+$0x0];
	v27 =	vmul.f32 v15, v7;
	v15 =	vsub.f32 v14, v20  }
0x4c9: {  	s23 =	smul.f32 s25, s23;
	v18 =	vmul.f32 v18, v11;
	v14 =	vld [tilespmem:s31+$0x12700];
	v23 =	vmul.f32 v23, v26  }
0x4ca: {  	s26 =	smul.f32 s0, s28;
	s29 =	sor.u32 s24, s21;
	v29 =	vsub.f32 v17, v20;
	v25 =	vadd.f32 v25, v35;
	v28 =	vmul.f32 v15, v13;
	v15 =	vld [tilespmem:s31+$0x12A00];
	s31 =	sld [smem:$0x7C1]  }
0x4cb: {  	s2 =	smul.f32 s23, s2;
	v21 =	vmul.f32 v21, v11;
	v30 =	vsub.f32 v18, v16;
	v17 =	vld [tilespmem:s29+$0x12700];
	v23 =	vadd.f32 v23, v22  }
0x4cc: {  	s28 =	sadd.s32 s18, s4;
	s3 =	smul.f32 s26, s3;
	v24 =	vmul.f32 v24, v11;
	v27 =	vadd.f32 v27, v5;
	[tilespmem:s5+$0x0] =	vst v25;
	v25 =	vmul.f32 v29, v8  }
0x4cd: {  	s2 =	smul.f32 s2, s23;
	v21 =	vsub.f32 v21, v16;
	s24 =	sadd.s32 s17, s28;
	v18 =	vld [tilespmem:s29+$0x12A00];
	v28 =	vadd.f32 v28, v9;
	v29 =	vmul.f32 v30, v12;
	s25 =	sadd.s32 s30, s31;
	[tilespmem:s15+$0x0] =	vst v23  }
0x4ce: {  	v24 =	vsub.f32 v24, v16;
	[tilespmem:s8+$0x0] =	vst v27;
	v23 =	vadd.f32 v25, v6;
	s5 =	sadd.s32 s13, s25;
	v25 =	vld [tilespmem:s24+$0x0]  }
0x4cf: {  	s4 =	smul.f32 s3, s26;
	s29 =	ssub.f32 $1.500000000e+00, s2;
	v21 =	vmul.f32 v21, v14;
	s2 =	sadd.s32 s12, s25;
	[tilespmem:s6+$0x0] =	vst v28;
	v28 =	vadd.f32 v29, v10;
	v31 =	vld [tilespmem:s5+$0x0]  }
0x4d0: {  	v24 =	vmul.f32 v24, v17;
	s3 =	sadd.s32 s14, s25;
	v27 =	vld [tilespmem:s2+$0x0];
	[tilespmem:s9+$0x0] =	vst v23  }
0x4d1: {  	s4 =	ssub.f32 $1.500000000e+00, s4;
	s0 =	sadd.s32 s1, s25;
	v30 =	vld [tilespmem:s3+$0x0];
	v21 =	vadd.f32 v21, v15;
	[tilespmem:s19+$0x0] =	vst v28  }
0x4d2: {  	s15 =	sadd.s32 s11, s28;
	v23 =	vadd.f32 v24, v18;
	v32 =	vld [tilespmem:s0+$0x0];
	s19 =	sld [smem:$0x7B9]  }
0x4d3: {  	s14 =	smul.f32 s29, s23;
	s6 =	sadd.s32 s20, s28;
	v28 =	vld [tilespmem:s15+$0x0];
	[tilespmem:s22+$0x0] =	vst v21  }
0x4d4: {  	s8 =	smul.f32 s4, s26;
	s4 =	sadd.s32 s21, s28;
	s26 =	simm.s32 $0x12A80;
	[tilespmem:s16+$0x0] =	vst v23;
	v33 =	vld [tilespmem:s6+$0x0]  }
0x4d5: {  	s25 =	simm.s32 $0x400;
	v29 =	vmov s14;
	v34 =	vld [tilespmem:s4+$0x0];
	v23 =	vmul.f32 v25, v19;
	s23 =	smul.f32 s14, s19;
	s19 =	simm.s32 $0x80  }
0x4d6: {  	s7 =	smul.f32 s8, s7;
	s29 =	sand.u32 $0x1C00, s25;
	v24 =	vmov s8;
	v21 =	vmul.f32 v31, v29;
	v40 =	vmul.f32 v27, v29;
	s28 =	sand.u32 $0x40, s19  }
0x4d7: {  	s25 =	simm.s32 $0x12780;
	v25 =	vld [tilespmem:s26+$0x0];
	s26 =	sadd.s32 s29, s10;
	v30 =	vmul.f32 v30, v29;
	v23 =	vsub.f32 v23, v20;
	v31 =	vmov s23;
	s14 =	sor.u32 $0x30, s28  }
0x4d8: {  	v59 =	vmul.f32 v32, v29;
	v42 =	vmul.f32 v28, v19;
	v37 =	vsub.f32 v21, v31;
	v21 =	vld [tilespmem:s25+$0x0];
	s23 =	sadd.s32 s14, s26  }
0x4d9: {  	s16 =	sand.u32 $0x380, s19;
	s22 =	sadd.s32 s28, s26;
	v38 =	vmul.f32 v23, v26;
	v23 =	vmov s7;
	v40 =	vsub.f32 v40, v31;
	v39 =	vld [tilespmem:s23+$0x0]  }
0x4da: {  	s10 =	sor.u32 $0x10, s28;
	v41 =	vld [tilespmem:s22+$0x0];
	s9 =	sor.u32 s16, s14;
	v30 =	vsub.f32 v30, v31;
	v33 =	vmul.f32 v33, v19;
	v34 =	vmul.f32 v34, v19  }
0x4db: {  	s8 =	smov.u32 s29;
	s29 =	sadd.s32 s10, s26;
	v28 =	vld [tilespmem:s9+$0x12700];
	v60 =	vsub.f32 v42, v20;
	v37 =	vmul.f32 v37, v36;
	v38 =	vadd.f32 v38, v22  }
0x4dc: {  	v61 =	vld [tilespmem:s29+$0x0];
	v40 =	vmul.f32 v40, v7;
	v43 =	vmul.f32 v30, v13;
	v30 =	vsub.f32 v33, v20  }
0x4dd: {  	s31 =	sadd.s32 s18, s31;
	s19 =	sor.u32 s16, s10;
	v27 =	vld [tilespmem:s9+$0x12A00];
	v62 =	vsub.f32 v34, v20;
	v32 =	vmul.f32 v60, v12;
	v37 =	vadd.f32 v37, v35;
	[tilespmem:s24+$0x0] =	vst v38  }
0x4de: {  	s9 =	sor.u32 $0x20, s28;
	v33 =	vld [tilespmem:s19+$0x12A00];
	s24 =	sadd.s32 s17, s31;
	v40 =	vadd.f32 v40, v5;
	v45 =	vmul.f32 v30, v14;
	s7 =	sld [smem:$0x7C2];
	v48 =	vmul.f32 v39, v11  }
0x4df: {  	s26 =	sadd.s32 s9, s26;
	v50 =	vmul.f32 v62, v17;
	v44 =	vld [tilespmem:s24+$0x0];
	v46 =	vadd.f32 v32, v10;
	[tilespmem:s5+$0x0] =	vst v37  }
0x4e0: {  	v63 =	vld [tilespmem:s26+$0x0];
	v41 =	vmul.f32 v41, v11;
	v45 =	vadd.f32 v45, v15;
	[tilespmem:s2+$0x0] =	vst v40;
	v34 =	vsub.f32 v48, v16  }
0x4e1: {  	v30 =	vld [tilespmem:s19+$0x12700];
	s19 =	sadd.s32 s11, s31;
	v42 =	vmul.f32 v61, v11;
	v51 =	vadd.f32 v50, v18;
	[tilespmem:s15+$0x0] =	vst v46;
	s30 =	sadd.s32 s30, s7  }
0x4e2: {  	v41 =	vsub.f32 v41, v16;
	[tilespmem:s6+$0x0] =	vst v45;
	v46 =	vld [tilespmem:s19+$0x0];
	s25 =	sadd.s32 s13, s30;
	v47 =	vmul.f32 v34, v28  }
0x4e3: {  	v42 =	vsub.f32 v42, v16;
	[tilespmem:s4+$0x0] =	vst v51;
	s13 =	sor.u32 s16, s9;
	v49 =	vld [tilespmem:s25+$0x0]  }
0x4e4: {  	v41 =	vmul.f32 v41, v21;
	s16 =	sadd.s32 s20, s31;
	s2 =	sld [smem:$0x7C0];
	v32 =	vld [tilespmem:s13+$0x12700];
	v44 =	vmul.f32 v44, v29;
	v52 =	vadd.f32 v47, v27  }
0x4e5: {  	v37 =	vmul.f32 v63, v11;
	v34 =	vld [tilespmem:s13+$0x12A00];
	[smem:$0x7BA] =	sst s16  }
0x4e6: {  	s31 =	sadd.s32 s21, s31;
	v54 =	vmul.f32 v42, v30;
	v53 =	vadd.f32 v41, v25;
	v44 =	vsub.f32 v44, v31;
	[tilespmem:s23+$0x0] =	vst v52  }
0x4e7: {  	v43 =	vadd.f32 v43, v9;
	v37 =	vsub.f32 v37, v16;
	v55 =	vld [tilespmem:s16+$0x0];
	[smem:$0x7BB] =	sst s31  }
0x4e8: {  	s2 =	sadd.s32 s8, s2;
	v57 =	vadd.f32 v54, v33;
	v44 =	vmul.f32 v44, v26;
	v39 =	vmul.f32 v49, v24;
	[tilespmem:s22+$0x0] =	vst v53  }
0x4e9: {  	v38 =	vsub.f32 v59, v31;
	s5 =	sadd.s32 s14, s2;
	v56 =	vld [tilespmem:s31+$0x0];
	[tilespmem:s3+$0x0] =	vst v43  }
0x4ea: {  	s23 =	sadd.s32 s28, s2;
	v37 =	vmul.f32 v37, v32;
	v58 =	vld [tilespmem:s5+$0x0];
	v44 =	vadd.f32 v44, v22;
	[tilespmem:s29+$0x0] =	vst v57;
	v39 =	vsub.f32 v39, v23  }
0x4eb: {  	v60 =	vmul.f32 v38, v8;
	s13 =	sadd.s32 s18, s7;
	v61 =	vmul.f32 v46, v29;
	s22 =	sadd.s32 s10, s2;
	v59 =	vld [tilespmem:s23+$0x0];
	s29 =	sld [smem:$0x7BC]  }
0x4ec: {  	s6 =	simm.s32 $0xC0;
	s12 =	sadd.s32 s12, s30;
	s31 =	sadd.s32 s11, s13;
	v37 =	vadd.f32 v37, v34;
	v38 =	vld [tilespmem:s22+$0x0];
	[tilespmem:s24+$0x0] =	vst v44;
	v39 =	vmul.f32 v39, v36  }
0x4ed: {  	v62 =	vadd.f32 v60, v6;
	s7 =	smov.u32 s12;
	v63 =	vsub.f32 v61, v31;
	v42 =	vmul.f32 v55, v29;
	v36 =	vld [tilespmem:s12+$0x0];
	s12 =	sadd.s32 s17, s13;
	[smem:$0x7BD] =	sst s31  }
0x4ee: {  	s15 =	sadd.s32 s1, s30;
	s18 =	sadd.s32 s20, s13;
	s16 =	sadd.s32 s29, s30;
	[tilespmem:s26+$0x0] =	vst v37;
	v39 =	vadd.f32 v39, v35;
	v45 =	vmul.f32 v56, v29;
	v35 =	vld [tilespmem:s12+$0x0]  }
0x4ef: {  	s20 =	simm.s32 $0x600;
	s11 =	simm.s32 $0x127C0;
	v40 =	vmul.f32 v63, v12;
	s24 =	sadd.s32 s9, s2;
	v42 =	vsub.f32 v42, v31;
	[tilespmem:s0+$0x0] =	vst v62;
	v37 =	vld [tilespmem:s16+$0x0]  }
0x4f0: {  	s17 =	simm.s32 $0x8;
	s26 =	sadd.s32 s21, s13;
	s21 =	simm.s32 $0x12AC0;
	v44 =	vmul.f32 v58, v19;
	v43 =	vmul.f32 v59, v19;
	[tilespmem:s25+$0x0] =	vst v39;
	v39 =	vld [tilespmem:s24+$0x0];
	v41 =	vsub.f32 v45, v31  }
.LBB2_21:
0x4f1: {  	[smem:$0x7B5] =	sst s16  }
0x4f2: {  	[smem:$0x7B6] =	sst s18  }
0x4f3: {  	s29 =	sand.u32 $0x40, s6;
	s3 =	sand.u32 $0x1C00, s20;
	s0 =	rddreg [dreg:$0x1f]  }
0x4f4: {  	v47 =	vld [tilespmem:s21+$0x0];
	s13 =	smov.u32 s9;
	s9 =	smov.u32 s28;
	s28 =	sand.u32 $0x380, s6;
	v44 =	vsub.f32 v44, v20  }
0x4f5: {  	v48 =	vld [tilespmem:s11+$0x0];
	s16 =	smov.u32 s7;
	s31 =	sadd.s32 s3, s0;
	s0 =	sor.u32 $0x30, s29;
	v43 =	vsub.f32 v43, v20;
	v40 =	vadd.f32 v40, v10  }
0x4f6: {  	v42 =	vmul.f32 v42, v14;
	s25 =	sor.u32 $0x10, s29;
	s30 =	sor.u32 $0x20, s29;
	v45 =	vld [tilespmem:s15+$0x0];
	s2 =	sadd.s32 s29, s31;
	v44 =	vmul.f32 v44, v28  }
0x4f7: {  	s4 =	sadd.s32 s0, s31;
	v43 =	vmul.f32 v43, v21;
	v49 =	vld [tilespmem:s2+$0x0];
	[tilespmem:s19+$0x0] =	vst v40;
	s19 =	smov.u32 s26;
	s26 =	sld [smem:$0x7C1];
	v38 =	vmul.f32 v38, v19  }
0x4f8: {  	v46 =	vmovc v6;
	s18 =	sadd.s32 s25, s31;
	s1 =	smov.u32 s15;
	s7 =	sor.u32 s28, s0;
	v61 =	vld [tilespmem:s4+$0x0];
	v42 =	vadd.f32 v42, v15;
	v35 =	vmul.f32 v35, v24;
	v44 =	vadd.f32 v44, v27  }
0x4f9: {  	v6 =	vmovc v18;
	v41 =	vmul.f32 v41, v17;
	s15 =	smov.u32 s14;
	s14 =	smov.u32 s10;
	s10 =	smov.u32 s8;
	v62 =	vld [tilespmem:s18+$0x0];
	v43 =	vadd.f32 v43, v25;
	v38 =	vsub.f32 v38, v20  }
0x4fa: {  	s31 =	sadd.s32 s30, s31;
	v50 =	vld [tilespmem:s7+$0x12700];
	v39 =	vmul.f32 v39, v19;
	v37 =	vmul.f32 v37, v24;
	v35 =	vsub.f32 v35, v23;
	s8 =	sadd.s32 s10, s26;
	[tilespmem:s5+$0x0] =	vst v44  }
0x4fb: {  	v41 =	vadd.f32 v41, v6;
	v54 =	vld [tilespmem:s31+$0x0];
	v36 =	vmul.f32 v36, v24;
	s26 =	sadd.s32 s15, s8;
	[tilespmem:s23+$0x0] =	vst v43;
	s23 =	sld [smem:$0x7BA];
	v38 =	vmul.f32 v38, v30  }
0x4fc: {  	v39 =	vsub.f32 v39, v20;
	v37 =	vsub.f32 v37, v23;
	v26 =	vmul.f32 v35, v26;
	v52 =	vld [tilespmem:s26+$0x0]  }
0x4fd: {  	v18 =	vmovc v34;
	v53 =	vmul.f32 v45, v24;
	v34 =	vmul.f32 v61, v11;
	v63 =	vadd.f32 v38, v33  }
0x4fe: {  	v51 =	vmul.f32 v39, v32;
	v55 =	vmul.f32 v49, v11;
	[tilespmem:s23+$0x0] =	vst v42;
	v22 =	vadd.f32 v26, v22;
	v42 =	vld [tilespmem:s7+$0x12A00]  }
0x4ff: {  	[smem:$0x7B8] =	sst s1;
	s1 =	sor.u32 s28, s25;
	s28 =	sor.u32 s28, s30;
	v57 =	vmul.f32 v62, v11;
	v13 =	vmul.f32 v37, v13;
	v34 =	vsub.f32 v34, v16;
	[tilespmem:s22+$0x0] =	vst v63  }
0x500: {  	v40 =	vld [tilespmem:s28+$0x12700];
	v60 =	vmul.f32 v54, v11;
	v26 =	vsub.f32 v36, v23;
	v56 =	vadd.f32 v51, v18;
	[tilespmem:s12+$0x0] =	vst v22;
	s12 =	sld [smem:$0x7BB]  }
0x501: {  	[smem:$0x7B7] =	sst s19;
	s19 =	sadd.s32 s9, s8;
	v36 =	vsub.f32 v55, v16;
	v58 =	vmul.f32 v34, v50;
	v45 =	vld [tilespmem:s1+$0x12700];
	v59 =	vmul.f32 v52, v29  }
0x502: {  	s5 =	sadd.s32 s14, s8;
	s8 =	sadd.s32 s13, s8;
	v39 =	vld [tilespmem:s19+$0x0];
	v38 =	vsub.f32 v60, v16;
	v22 =	vsub.f32 v53, v23;
	[tilespmem:s24+$0x0] =	vst v56;
	v7 =	vmul.f32 v26, v7;
	s22 =	sld [smem:$0x7C0]  }
0x503: {  	v36 =	vmul.f32 v36, v48;
	s24 =	sld [smem:$0x7BD];
	v49 =	vld [tilespmem:s1+$0x12A00];
	[tilespmem:s12+$0x0] =	vst v41;
	s12 =	smov.u32 s8;
	v35 =	vadd.f32 v58, v42;
	v37 =	vsub.f32 v59, v31  }
0x504: {  	s17 =	sadd.s32 $0x4, s17;
	s23 =	smov.u32 s5;
	v26 =	vsub.f32 v57, v16;
	v7 =	vadd.f32 v7, v5;
	v34 =	vld [tilespmem:s28+$0x12A00];
	[smem:$0x7BB] =	sst s12  }
0x505: {  	s11 =	sadd.s32 $0x40, s11;
	s20 =	sadd.s32 $0x200, s20;
	v62 =	vld [tilespmem:s23+$0x0];
	v8 =	vmul.f32 v22, v8;
	v22 =	vadd.f32 v36, v47;
	[tilespmem:s4+$0x0] =	vst v35;
	v56 =	vmul.f32 v37, v28;
	s4 =	sld [smem:$0x7B5]  }
0x506: {  	s6 =	sadd.s32 $0x40, s6;
	v9 =	vadd.f32 v13, v9;
	s1 =	sadd.s32 s3, s22;
	[tilespmem:s16+$0x0] =	vst v7;
	v63 =	vld [tilespmem:s12+$0x0];
	s12 =	sld [smem:$0x7C2];
	v61 =	vmul.f32 v26, v45  }
0x507: {  	p0 =	slt.u32 s17, $0x2C;
	[smem:$0x7BA] =	sst s23;
	v51 =	vmul.f32 v38, v40;
	v13 =	vmov v14;
	s5 =	sadd.s32 s0, s1;
	[tilespmem:s2+$0x0] =	vst v22;
	v60 =	vadd.f32 v56, v27  }
0x508: {  	v14 =	vmovc v30;
	v39 =	vmul.f32 v39, v29;
	v5 =	vmov v10;
	s7 =	smov.u32 s24;
	s8 =	sld [smem:$0x7B6];
	s23 =	sadd.s32 s29, s1;
	v58 =	vld [tilespmem:s5+$0x0];
	v52 =	vadd.f32 v61, v49;
	[tilespmem:s4+$0x0] =	vst v9  }
0x509: {  	v10 =	vmovc v25;
	v25 =	vmov v47;
	s22 =	sadd.s32 s25, s1;
	v57 =	vadd.f32 v8, v46;
	s24 =	sadd.s32 s30, s1;
	v59 =	vld [tilespmem:s23+$0x0];
	s1 =	sadd.s32 s10, s12;
	v61 =	vadd.f32 v51, v34;
	[tilespmem:s26+$0x0] =	vst v60  }
.Ltmp9:
0x50a: {  	s21 =	sadd.s32 $0x40, s21;
	v7 =	vmovc v12;
	v12 =	vmovc v21;
	v21 =	vmov v48;
	v26 =	vmov v28;
	v28 =	vmov v50;
	v36 =	vld [tilespmem:s7+$0x0];
	s12 =	sadd.s32 s15, s1;
	[tilespmem:s18+$0x0] =	vst v52;
	(pc) =	sbr.rel @p0 .LBB2_21-.Ltmp9, $4  }
0x50b: {  	s28 =	smov.u32 s29;
	s16 =	smov.u32 s8;
	v22 =	vmovc v27;
	v41 =	vmul.f32 v62, v29;
	v30 =	vmov v45;
	v62 =	vsub.f32 v39, v31;
	v35 =	vld [tilespmem:s12+$0x0];
	[tilespmem:s31+$0x0] =	vst v61;
	s31 =	sld [smem:$0x7B8]  }
0x50c: {  	s8 =	smov.u32 s3;
	v8 =	vmovc v17;
	v17 =	vmovc v32;
	v32 =	vmov v40;
	v27 =	vmov v42;
	s10 =	smov.u32 s25;
	s15 =	sld [smem:$0x7B7];
	v63 =	vmul.f32 v63, v29;
	v38 =	vld [tilespmem:s22+$0x0]  }
0x50d: {  	v42 =	vsub.f32 v41, v31;
	v9 =	vmovc v15;
	v15 =	vmovc v33;
	v40 =	vmul.f32 v62, v12;
	v33 =	vmov v49;
	s26 =	sadd.s32 s13, s1;
	s18 =	sadd.s32 s9, s1;
	s9 =	smov.u32 s30;
	v37 =	vld [tilespmem:s16+$0x0]  }
0x50e: {  	[smem:$0x7BD] =	sst s18;
	s18 =	sadd.s32 s14, s1;
	s14 =	smov.u32 s0;
	v44 =	vmul.f32 v58, v19;
	v43 =	vmul.f32 v59, v19;
	v41 =	vsub.f32 v63, v31;
	v39 =	vld [tilespmem:s24+$0x0];
	[tilespmem:s31+$0x0] =	vst v57  }
0x50f: {  	_ = 	snop  }
0x510: {  	v11 =	vsub.f32 v44, v20;
	_ =	sdelay $0x1  }
0x511: {  	s0 =	sld [smem:$0x7C1];
	v11 =	vmul.f32 v11, v28;
	_ =	sdelay $0x1  }
0x512: {  	v11 =	vadd.f32 v11, v27  }
0x513: {  	s0 =	sadd.s32 s8, s0  }
0x514: {  	s1 =	sadd.s32 s14, s0;
	[tilespmem:s5+$0x0] =	vst v11  }
0x515: {  	v54 =	vld [tilespmem:s1+$0x0];
	_ =	sdelay $0x1  }
0x516: {  	v16 =	vmul.f32 v38, v19  }
0x517: {  	v51 =	vsub.f32 v43, v20;
	v52 =	vmul.f32 v39, v19  }
0x518: {  	v53 =	vsub.f32 v16, v20  }
0x519: {  	v38 =	vmul.f32 v51, v21;
	v19 =	vsub.f32 v52, v20;
	v16 =	vmul.f32 v54, v29  }
0x51a: {  	v11 =	vmul.f32 v53, v30  }
0x51b: {  	v55 =	vadd.f32 v38, v25;
	v19 =	vmul.f32 v19, v32;
	v16 =	vsub.f32 v16, v31  }
0x51c: {  	v11 =	vadd.f32 v11, v33  }
0x51d: {  	s2 =	sadd.s32 s28, s0;
	[tilespmem:s23+$0x0] =	vst v55;
	v19 =	vadd.f32 v19, v34;
	v16 =	vmul.f32 v16, v28  }
0x51e: {  	v40 =	vadd.f32 v40, v10;
	s3 =	sadd.s32 s10, s0;
	v56 =	vld [tilespmem:s2+$0x0];
	[tilespmem:s22+$0x0] =	vst v11  }
0x51f: {  	[tilespmem:s24+$0x0] =	vst v19;
	v57 =	vld [tilespmem:s3+$0x0];
	v16 =	vadd.f32 v16, v27  }
0x520: {  	s24 =	sld [smem:$0x7C2];
	[tilespmem:s19+$0x0] =	vst v40  }
0x521: {  	v59 =	vmul.f32 v42, v14;
	[tilespmem:s1+$0x0] =	vst v16  }
0x522: {  	s1 =	sld [smem:$0x7BA]  }
0x523: {  	v60 =	vld [tilespmem:s15+$0x0];
	s4 =	sadd.s32 s9, s0;
	v38 =	vadd.f32 v59, v15;
	v11 =	vmul.f32 v56, v29  }
0x524: {  	v58 =	vld [tilespmem:s4+$0x0];
	v19 =	vmul.f32 v57, v29  }
0x525: {  	v36 =	vmul.f32 v36, v24;
	v35 =	vmul.f32 v35, v24;
	v11 =	vsub.f32 v11, v31;
	[tilespmem:s1+$0x0] =	vst v38  }
0x526: {  	v62 =	vmul.f32 v41, v17;
	s25 =	sadd.s32 s8, s24;
	v19 =	vsub.f32 v19, v31;
	s6 =	sld [smem:$0x7BD]  }
0x527: {  	v36 =	vsub.f32 v36, v23;
	v63 =	vsub.f32 v35, v23;
	s0 =	sadd.s32 s14, s25;
	v11 =	vmul.f32 v11, v21;
	s1 =	sld [smem:$0x7BB]  }
0x528: {  	v44 =	vmul.f32 v60, v24;
	v20 =	vadd.f32 v62, v18;
	v19 =	vmul.f32 v19, v30;
	v41 =	vld [tilespmem:s0+$0x0]  }
0x529: {  	v42 =	vmul.f32 v37, v24;
	v61 =	vmul.f32 v58, v29;
	v11 =	vadd.f32 v11, v25;
	v45 =	vld [tilespmem:s18+$0x0]  }
0x52a: {  	v7 =	vmul.f32 v36, v7;
	v48 =	vsub.f32 v44, v23;
	v19 =	vadd.f32 v19, v33;
	v43 =	vld [tilespmem:s6+$0x0];
	[tilespmem:s1+$0x0] =	vst v20  }
0x52b: {  	v26 =	vmul.f32 v63, v26;
	s28 =	sadd.s32 s28, s25;
	v16 =	vsub.f32 v61, v31;
	[tilespmem:s2+$0x0] =	vst v11;
	v46 =	vld [tilespmem:s26+$0x0]  }
0x52c: {  	v5 =	vadd.f32 v7, v5;
	v7 =	vmul.f32 v48, v8;
	s29 =	sadd.s32 s10, s25;
	v31 =	vsub.f32 v42, v23;
	[tilespmem:s3+$0x0] =	vst v19;
	v49 =	vld [tilespmem:s28+$0x0]  }
0x52d: {  	v22 =	vadd.f32 v26, v22;
	v16 =	vmul.f32 v16, v32;
	v35 =	vmul.f32 v41, v24;
	v51 =	vld [tilespmem:s29+$0x0]  }
0x52e: {  	v6 =	vadd.f32 v7, v6;
	v13 =	vmul.f32 v31, v13;
	v54 =	vmul.f32 v45, v24  }
0x52f: {  	v47 =	vadd.f32 v16, v34;
	v50 =	vsub.f32 v35, v23;
	v52 =	vmul.f32 v43, v24  }
0x530: {  	v9 =	vadd.f32 v13, v9;
	[tilespmem:s12+$0x0] =	vst v22;
	v13 =	vsub.f32 v54, v23;
	v7 =	vmul.f32 v46, v24  }
0x531: {  	[tilespmem:s7+$0x0] =	vst v5;
	v55 =	vmul.f32 v50, v28;
	v19 =	vmul.f32 v49, v24;
	v8 =	vsub.f32 v52, v23  }
0x532: {  	[tilespmem:s15+$0x0] =	vst v6;
	v56 =	vmul.f32 v51, v24;
	v57 =	vmul.f32 v13, v14;
	v5 =	vsub.f32 v7, v23  }
0x533: {  	[tilespmem:s4+$0x0] =	vst v47;
	v20 =	vadd.f32 v55, v27;
	v59 =	vsub.f32 v19, v23;
	v7 =	vmul.f32 v8, v12  }
0x534: {  	[tilespmem:s16+$0x0] =	vst v9;
	v60 =	vadd.f32 v57, v15;
	v5 =	vmul.f32 v5, v17  }
0x535: {  	s30 =	sadd.s32 s9, s25;
	[tilespmem:s0+$0x0] =	vst v20;
	v62 =	vmul.f32 v59, v21;
	v6 =	vadd.f32 v7, v10;
	v7 =	vsub.f32 v56, v23  }
0x536: {  	v53 =	vld [tilespmem:s30+$0x0];
	[tilespmem:s18+$0x0] =	vst v60;
	v5 =	vadd.f32 v5, v18  }
0x537: {  	[tilespmem:s6+$0x0] =	vst v6;
	v6 =	vmul.f32 v7, v30;
	v7 =	vadd.f32 v62, v25  }
0x538: {  	[tilespmem:s26+$0x0] =	vst v5  }
0x539: {  	[tilespmem:s28+$0x0] =	vst v7  }
0x53a: {  	s31 =	sld [smem:$0x7BF]  }
0x53b: {  	v58 =	vmul.f32 v53, v24;
	_ =	sdelay $0x1  }
0x53c: {  	v61 =	vsub.f32 v58, v23;
	s10 =	sadd.s32 $0x1, s31  }
0x53d: {  	p0 =	sne.s32 s10, $0x4  }
.Ltmp10:
0x53e: {  	v63 =	vmul.f32 v61, v32;
	(pc) =	sbr.rel @p0 .LBB2_18-.Ltmp10, $4  }
0x53f: {  	v5 =	vadd.f32 v6, v33  }
0x540: {  	v6 =	vadd.f32 v63, v34  }
0x541: {  	[tilespmem:s29+$0x0] =	vst v5  }
0x542: {  	[tilespmem:s30+$0x0] =	vst v6  }
0x543: {  	s0 =	sld [smem:$0x7FB];
	_ =	sdelay $0x1  }
0x544: {  	s2 =	simm.s32 $0x0;
	s1 =	simm.s32 $0x6100;
	s31 =	simm.s32 $0x1  }
0x545: {  	[hbm4b:s0+s2] =	stream.linear.scatter [tilespmem:s1], [sflag:$0x2], $0x3000, $0x38;
	[tilespmem:$0x12D00] =	vst v63  }
0x546: {  	_ =	swait.ge [sflag:s31], $0x3000  }
0x547: {  	[sflag:s31] =	ssyncset.done $0x0  }
0x548: {  	[sflag:s31] =	ssyncadd.s32 $0xFFFFD000  }
0x549: {  	s10 =	simm.s32 $0x0;
	v4 =	vld [tilespmem:$0xB0]  }
.LBB2_24:
0x54a: {  	_ = 	snop  }
0x54b: {  	s4 =	sshll.u32 s10, $0x2  }
0x54c: {  	s0 =	sor.u32 $0x1, s4;
	v5 =	vmov s4  }
0x54d: {  	s1 =	sor.u32 $0x2, s4;
	vm1 =	veq.s32 v5, v0;
	v5 =	vmov s0  }
0x54e: {  	s2 =	sshllo.u32 s10, $0x2;
	v6 =	vnsel vm1, $0x0, v4;
	vm1 =	veq.s32 v5, v0;
	v5 =	vmov s1  }
0x54f: {  	(xrf0) =	vadd.scan.msk.s32 $0xffff, v6;
	v6 =	vnsel vm1, $0x0, v4;
	vm1 =	veq.s32 v5, v0;
	v5 =	vmov s2  }
0x550: {  	(xrf0) =	vadd.scan.msk.s32 $0xffff, v6;
	v6 =	vnsel vm1, $0x0, v4;
	vm1 =	veq.s32 v5, v0  }
0x551: {  	(xrf0) =	vadd.scan.msk.s32 $0xffff, v6;
	v5 =	vnsel vm1, $0x0, v4  }
0x552: {  	(xrf0) =	vadd.scan.msk.s32 $0xffff, v5;
	_ =	sdelay $0x2  }
0x553: {  	v5, _, _ =	vpop (xrf0)  }
0x554: {  	v6, _, _ =	vpop (xrf0);
	(v2sf) =	vpush v5, $0xF  }
0x555: {  	v5, _, _ =	vpop (xrf0);
	(v2sf) =	vpush v6, $0xF  }
0x556: {  	(v2sf) =	vpush v5, $0xF;
	v5, _, _ =	vpop (xrf0)  }
0x557: {  	(v2sf) =	vpush v5, $0xF;
	_ =	sdelay $0x7  }
0x558: {  	s3 =	sshrl.u32 s10, $0x1  }
0x559: {  	[smem:$0x7B0] =	sst s10;
	s5 =	sor.u32 $0x6, s3  }
0x55a: {  	s26 =	sshll.u32 s10, $0x9;
	s13 =	simm.s32 $0x0;
	s5 =	smul.u32 $0x6000, s5  }
0x55b: {  	s3 =	smul.u32 $0x1800, s3;
	s10 =	sand.u32 $0x200, s26;
	s0 =	sshll.u32 s0, $0x7  }
0x55c: {  	s0 =	sand.u32 $0x280, s0;
	s5 =	sshra.s32 s5, $0x2;
	s6 =	spop (v2sf)  }
0x55d: {  	s5 =	sor.u32 s10, s5;
	s7 =	spop (v2sf);
	s6 =	smul.u32 $0xC000, s6  }
0x55e: {  	s1 =	sshll.u32 s1, $0x7;
	s17 =	sor.u32 $0x100, s5;
	s8 =	spop (v2sf)  }
0x55f: {  	s7 =	smul.u32 $0xC000, s7;
	s9 =	spop (v2sf);
	s6 =	sshra.s32 s6, $0x2  }
0x560: {  	s28 =	smul.u32 $0xC000, s8;
	s8 =	sand.u32 $0x300, s1;
	s6 =	sadd.s32 s3, s6  }
0x561: {  	s7 =	sshra.s32 s7, $0x2;
	s30 =	smul.u32 $0xC000, s9;
	s6 =	sor.u32 s10, s6  }
0x562: {  	s7 =	sadd.s32 s3, s7;
	s29 =	sshra.s32 s28, $0x2;
	s10 =	sshll.u32 s2, $0x7  }
0x563: {  	s6 =	sadd.s32 $0xC100, s6;
	s0 =	sor.u32 s0, s7;
	s9 =	sadd.s32 s3, s29  }
0x564: {  	s11 =	sshra.s32 s30, $0x2;
	s1 =	sand.u32 $0x380, s10;
	[dreg:$0x16] =	wrdreg s6  }
0x565: {  	s0 =	sadd.s32 $0xC100, s0;
	s2 =	sadd.s32 s3, s11;
	s3 =	sand.u32 $0x1C00, s13  }
0x566: {  	[dreg:$0x17] =	wrdreg s0;
	s0 =	sor.u32 s8, s9;
	s12 =	sor.u32 s1, s2  }
0x567: {  	s2 =	sand.u32 $0x40, s13;
	s14 =	rddreg [dreg:$0x16];
	s0 =	sadd.s32 $0xC100, s0  }
0x568: {  	s16 =	sadd.s32 s3, s17;
	s15 =	sadd.s32 $0xC100, s12;
	[dreg:$0x18] =	wrdreg s0  }
0x569: {  	s19 =	sadd.s32 s2, s16;
	s21 =	sadd.s32 s3, s14;
	[dreg:$0x19] =	wrdreg s15  }
0x56a: {  	s22 =	sor.u32 $0x31, s4;
	s0 =	sor.u32 $0x10, s2;
	s23 =	sadd.s32 s2, s21;
	v6 =	vld [tilespmem:s19+$0x0]  }
0x56b: {  	s24 =	sshrl.u32 s22, $0x3;
	s18 =	sadd.s32 s0, s16;
	v7 =	vld [tilespmem:s23+$0x0]  }
0x56c: {  	s25 =	smul.u32 $0x6000, s24;
	s11 =	sadd.s32 s0, s21;
	v5 =	vld [tilespmem:s18+$0x0]  }
0x56d: {  	s13 =	sor.u32 $0x30, s2;
	v8 =	vld [tilespmem:s11+$0x0]  }
0x56e: {  	s1 =	sshll.u32 s22, $0x7;
	s9 =	sshra.s32 s25, $0x2;
	s26 =	sadd.s32 s13, s16  }
0x56f: {  	s12 =	sand.u32 $0x280, s1;
	s1 =	sor.u32 $0x20, s2;
	s28 =	sadd.s32 s13, s21;
	v9 =	vld [tilespmem:s26+$0x0]  }
0x570: {  	s9 =	sor.u32 s12, s9;
	s8 =	sadd.s32 s1, s21;
	v10 =	vld [tilespmem:s28+$0x0]  }
0x571: {  	s6 =	sadd.s32 s1, s16;
	s20 =	sor.u32 $0x100, s9;
	v11 =	vld [tilespmem:s8+$0x0];
	v6 =	vadd.f32 v7, v6  }
0x572: {  	s30 =	sadd.s32 s3, s20;
	v7 =	vld [tilespmem:s6+$0x0];
	v5 =	vadd.f32 v8, v5  }
0x573: {  	s29 =	rddreg [dreg:$0x17];
	s11 =	sadd.s32 s2, s30;
	[tilespmem:s19+$0x0] =	vst v6  }
0x574: {  	s9 =	sadd.s32 s3, s29;
	s16 =	sadd.s32 s0, s30;
	v8 =	vld [tilespmem:s11+$0x0];
	[tilespmem:s18+$0x0] =	vst v5  }
0x575: {  	v9 =	vadd.f32 v10, v9;
	s19 =	sadd.s32 s0, s9;
	s18 =	sor.u32 $0x32, s4;
	v10 =	vld [tilespmem:s16+$0x0]  }
0x576: {  	s22 =	sadd.s32 s2, s9;
	s14 =	sshrl.u32 s18, $0x3;
	v12 =	vld [tilespmem:s19+$0x0]  }
0x577: {  	s23 =	sadd.s32 s13, s9;
	[tilespmem:s26+$0x0] =	vst v9;
	v13 =	vld [tilespmem:s22+$0x0];
	s21 =	smul.u32 $0x6000, s14;
	v7 =	vadd.f32 v11, v7  }
0x578: {  	s15 =	sadd.s32 s13, s30;
	v14 =	vld [tilespmem:s23+$0x0];
	s5 =	sshll.u32 s18, $0x7  }
0x579: {  	s7 =	sadd.s32 s1, s9;
	v11 =	vld [tilespmem:s15+$0x0];
	s5 =	sand.u32 $0x300, s5;
	s10 =	sshra.s32 s21, $0x2;
	[tilespmem:s6+$0x0] =	vst v7  }
0x57a: {  	s24 =	sadd.s32 s1, s30;
	s5 =	sor.u32 s5, s10;
	v15 =	vld [tilespmem:s7+$0x0]  }
0x57b: {  	s4 =	sor.u32 $0x33, s4;
	s22 =	sadd.s32 $0x100, s5;
	v10 =	vadd.f32 v12, v10;
	v12 =	vld [tilespmem:s24+$0x0]  }
0x57c: {  	s26 =	sshrl.u32 s4, $0x3;
	s25 =	rddreg [dreg:$0x18];
	s28 =	sadd.s32 s3, s22  }
0x57d: {  	v8 =	vadd.f32 v13, v8;
	s5 =	smul.u32 $0x6000, s26;
	s30 =	sadd.s32 s3, s25;
	[tilespmem:s16+$0x0] =	vst v10;
	s29 =	sadd.s32 s0, s28  }
0x57e: {  	s4 =	sshll.u32 s4, $0x7;
	s7 =	sadd.s32 s0, s30;
	v14 =	vadd.f32 v14, v11;
	v13 =	vld [tilespmem:s29+$0x0]  }
0x57f: {  	s4 =	sand.u32 $0x380, s4;
	[tilespmem:s11+$0x0] =	vst v8;
	s18 =	sadd.s32 s2, s30;
	s5 =	sshra.s32 s5, $0x2;
	v11 =	vld [tilespmem:s7+$0x0]  }
0x580: {  	v16 =	vld [tilespmem:s18+$0x0];
	s4 =	sor.u32 s4, s5;
	[tilespmem:s15+$0x0] =	vst v14;
	s5 =	sadd.s32 s13, s28;
	v12 =	vadd.f32 v15, v12  }
0x581: {  	s23 =	simm.s32 $0x40;
	s19 =	sadd.s32 s1, s30;
	s16 =	sadd.s32 s2, s28;
	v17 =	vld [tilespmem:s5+$0x0]  }
0x582: {  	s14 =	sadd.s32 s13, s30;
	s12 =	sadd.s32 s1, s28;
	v15 =	vld [tilespmem:s16+$0x0];
	[tilespmem:s24+$0x0] =	vst v12;
	s24 =	simm.s32 $0x200  }
0x583: {  	s7 =	sand.u32 $0x40, s23;
	s10 =	sand.u32 $0x1C00, s24;
	v18 =	vld [tilespmem:s12+$0x0];
	[smem:$0x7B1] =	sst s17  }
0x584: {  	s21 =	sadd.s32 $0x100, s4;
	s8 =	sor.u32 $0x10, s7;
	v13 =	vadd.f32 v11, v13;
	s26 =	sadd.s32 s10, s17;
	v19 =	vld [tilespmem:s19+$0x0]  }
0x585: {  	v20 =	vmul.f32 v6, v6;
	s25 =	rddreg [dreg:$0x16];
	s11 =	sadd.s32 s3, s21;
	v11 =	vimm.f32 $0.0e+00;
	v21 =	vld [tilespmem:s14+$0x0];
	s17 =	sadd.s32 s8, s26  }
0x586: {  	s6 =	sadd.s32 s0, s11;
	s28 =	sadd.s32 s10, s25;
	v6 =	vadd.f32 v6, v11;
	[tilespmem:s29+$0x0] =	vst v13;
	v22 =	vld [tilespmem:s17+$0x0]  }
0x587: {  	v15 =	vadd.f32 v16, v15;
	v16 =	vadd.f32 v20, v11;
	v20 =	vmul.f32 v5, v5;
	s29 =	sadd.s32 s7, s28;
	v23 =	vld [tilespmem:s6+$0x0]  }
0x588: {  	v24 =	vmul.f32 v8, v8;
	s9 =	sor.u32 $0x20, s7;
	s18 =	sadd.s32 s8, s28;
	v25 =	vld [tilespmem:s29+$0x0]  }
0x589: {  	s4 =	sor.u32 $0x30, s7;
	s30 =	sadd.s32 s9, s28;
	v5 =	vadd.f32 v5, v6;
	v6 =	vadd.f32 v20, v16;
	v16 =	vld [tilespmem:s18+$0x0]  }
0x58a: {  	v26 =	vmul.f32 v10, v10;
	v24 =	vadd.f32 v24, v11;
	s14 =	sadd.s32 s4, s28;
	v27 =	vld [tilespmem:s30+$0x0];
	v20 =	vmul.f32 v7, v7  }
0x58b: {  	[tilespmem:s16+$0x0] =	vst v15;
	s16 =	sadd.s32 s7, s26;
	v5 =	vadd.f32 v7, v5;
	v7 =	vadd.f32 v8, v11;
	v8 =	vld [tilespmem:s14+$0x0]  }
0x58c: {  	v55 =	vmul.f32 v12, v12;
	s23 =	sadd.s32 s4, s26;
	s19 =	rddreg [dreg:$0x19];
	v56 =	vld [tilespmem:s16+$0x0];
	v6 =	vadd.f32 v20, v6;
	v20 =	vadd.f32 v26, v24  }
0x58d: {  	s15 =	sadd.s32 s9, s26;
	s3 =	sadd.s32 s3, s19;
	v18 =	vadd.f32 v19, v18;
	v28 =	vadd.f32 v9, v5;
	v5 =	vmul.f32 v9, v9;
	v9 =	vld [tilespmem:s23+$0x0]  }
0x58e: {  	s24 =	rddreg [dreg:$0x17];
	v19 =	vld [tilespmem:s15+$0x0];
	v7 =	vadd.f32 v10, v7;
	s0 =	sadd.s32 s0, s3;
	v16 =	vadd.f32 v16, v22  }
0x58f: {  	s25 =	sadd.s32 s2, s11;
	s18 =	sadd.s32 s10, s24;
	v17 =	vadd.f32 v21, v17;
	v10 =	vadd.f32 v55, v20;
	v20 =	vmul.f32 v14, v14;
	v22 =	vld [tilespmem:s0+$0x0]  }
0x590: {  	s26 =	sadd.s32 s8, s18;
	v6 =	vadd.f32 v5, v6;
	v7 =	vadd.f32 v12, v7;
	v12 =	vld [tilespmem:s25+$0x0];
	[tilespmem:s17+$0x0] =	vst v16  }
0x591: {  	s28 =	sadd.s32 s10, s20;
	s19 =	sadd.s32 s2, s3;
	v5 =	vadd.f32 v20, v10;
	v10 =	vmul.f32 v15, v15;
	v15 =	vadd.f32 v15, v11;
	v20 =	vld [tilespmem:s26+$0x0];
	[smem:$0x7B2] =	sst s20  }
0x592: {  	s29 =	sadd.s32 s8, s28;
	v7 =	vadd.f32 v14, v7;
	v8 =	vadd.f32 v8, v9;
	v57 =	vld [tilespmem:s19+$0x0]  }
0x593: {  	s31 =	sadd.s32 s1, s11;
	v21 =	vmul.f32 v13, v13;
	v10 =	vadd.f32 v10, v11;
	v9 =	vadd.f32 v25, v56;
	[tilespmem:s12+$0x0] =	vst v18;
	v14 =	vld [tilespmem:s29+$0x0]  }
0x594: {  	s30 =	sadd.s32 s4, s18;
	v19 =	vadd.f32 v27, v19;
	v13 =	vadd.f32 v13, v15;
	v58 =	vld [tilespmem:s31+$0x0];
	[tilespmem:s23+$0x0] =	vst v8  }
0x595: {  	s14 =	sadd.s32 s7, s28;
	v15 =	vmul.f32 v18, v18;
	v10 =	vadd.f32 v21, v10;
	[tilespmem:s16+$0x0] =	vst v9;
	v21 =	vmul.f32 v9, v9;
	v59 =	vld [tilespmem:s30+$0x0]  }
0x596: {  	s2 =	sadd.s32 s4, s28;
	v13 =	vadd.f32 v18, v13;
	v18 =	vadd.f32 v9, v28;
	v60 =	vld [tilespmem:s14+$0x0]  }
0x597: {  	[tilespmem:s15+$0x0] =	vst v19;
	s19 =	sadd.s32 s9, s18;
	v10 =	vadd.f32 v15, v10;
	v6 =	vadd.f32 v21, v6;
	v21 =	vld [tilespmem:s2+$0x0]  }
0x598: {  	s17 =	sadd.s32 s9, s28;
	v15 =	vmul.f32 v16, v16;
	v9 =	vadd.f32 v17, v13;
	v13 =	vadd.f32 v16, v18;
	v16 =	vld [tilespmem:s19+$0x0]  }
0x599: {  	s1 =	sadd.s32 s1, s3;
	v18 =	vadd.f32 v22, v23;
	v23 =	vld [tilespmem:s17+$0x0]  }
0x59a: {  	v22 =	vmul.f32 v17, v17;
	v61 =	vadd.f32 v19, v13;
	v13 =	vadd.f32 v20, v14;
	v20 =	vld [tilespmem:s1+$0x0];
	[smem:$0x7B3] =	sst s22  }
0x59b: {  	s11 =	sadd.s32 s13, s11;
	s20 =	sadd.s32 s7, s18;
	v15 =	vadd.f32 v15, v6;
	v19 =	vmul.f32 v19, v19;
	[tilespmem:s5+$0x0] =	vst v17  }
0x59c: {  	s24 =	sadd.s32 s10, s22;
	s28 =	sadd.s32 s13, s3;
	v6 =	vadd.f32 v22, v10;
	v14 =	vadd.f32 v57, v12;
	v62 =	vld [tilespmem:s20+$0x0];
	[smem:$0x7B4] =	sst s21  }
0x59d: {  	s13 =	simm.s32 $0x80;
	s12 =	simm.s32 $0x4;
	s23 =	rddreg [dreg:$0x18];
	v15 =	vadd.f32 v19, v15;
	v10 =	vadd.f32 v8, v61;
	v8 =	vmul.f32 v8, v8;
	[tilespmem:s29+$0x0] =	vst v13;
	v17 =	vld [tilespmem:s11+$0x0]  }
0x59e: {  	s1 =	sadd.s32 s10, s21;
	s21 =	sadd.s32 s8, s24;
	v19 =	vadd.f32 v14, v11;
	v63 =	vmul.f32 v14, v14;
	[tilespmem:s6+$0x0] =	vst v18;
	v12 =	vadd.f32 v59, v21;
	s29 =	sadd.s32 s10, s23;
	v22 =	vld [tilespmem:s28+$0x0]  }
0x59f: {  	s15 =	simm.s32 $0x400;
	s16 =	sadd.s32 s4, s24;
	[tilespmem:s25+$0x0] =	vst v14;
	v21 =	vld [tilespmem:s21+$0x0];
	v8 =	vadd.f32 v8, v15;
	s30 =	sadd.s32 s8, s29;
	v15 =	vadd.f32 v16, v23  }
0x5a0: {  	s23 =	sadd.s32 s7, s24;
	s6 =	sadd.s32 s9, s24;
	s25 =	sadd.s32 s7, s29;
	v19 =	vadd.f32 v18, v19;
	v16 =	vadd.f32 v63, v11;
	[tilespmem:s2+$0x0] =	vst v12;
	v23 =	vld [tilespmem:s30+$0x0]  }
0x5a1: {  	v14 =	vmul.f32 v18, v18;
	s3 =	sadd.s32 s9, s29;
	s26 =	sadd.s32 s4, s29;
	v11 =	vadd.f32 v20, v58;
	v20 =	vadd.f32 v62, v60;
	[tilespmem:s17+$0x0] =	vst v15;
	s17 =	smov.u32 s9;
	v18 =	vld [tilespmem:s16+$0x0]  }
.LBB2_25:
0x5a2: {  	v24 =	vld [tilespmem:s6+$0x0];
	s0 =	sld [smem:$0x7B1]  }
0x5a3: {  	v25 =	vld [tilespmem:s3+$0x0];
	[tilespmem:s14+$0x0] =	vst v20;
	v7 =	vadd.f32 v20, v7;
	v20 =	vmul.f32 v20, v20  }
0x5a4: {  	s19 =	smov.u32 s17;
	s17 =	sand.u32 $0x40, s13;
	s18 =	sand.u32 $0x1C00, s15;
	v14 =	vadd.f32 v14, v16;
	v26 =	vld [tilespmem:s23+$0x0]  }
0x5a5: {  	s5 =	rddreg [dreg:$0x16];
	s20 =	sor.u32 $0x10, s17;
	s28 =	sadd.s32 s18, s0;
	v5 =	vadd.f32 v20, v5;
	v20 =	vld [tilespmem:s25+$0x0];
	v17 =	vadd.f32 v22, v17;
	v22 =	vmul.f32 v13, v13  }
0x5a6: {  	v16 =	vmul.f32 v11, v11;
	s14 =	sadd.s32 s18, s5;
	v7 =	vadd.f32 v13, v7;
	s22 =	sadd.s32 s20, s28;
	v21 =	vadd.f32 v23, v21;
	v23 =	vld [tilespmem:s26+$0x0]  }
0x5a7: {  	s2 =	sld [smem:$0x7B3];
	v19 =	vadd.f32 v11, v19;
	s29 =	sadd.s32 s17, s14;
	v13 =	vmul.f32 v15, v15;
	v27 =	vld [tilespmem:s22+$0x0];
	[tilespmem:s11+$0x0] =	vst v17;
	v5 =	vadd.f32 v22, v5  }
0x5a8: {  	s30 =	sld [smem:$0x7B4];
	v14 =	vadd.f32 v16, v14;
	v7 =	vadd.f32 v15, v7;
	v15 =	vld [tilespmem:s29+$0x0];
	v16 =	vmul.f32 v17, v17;
	[tilespmem:s21+$0x0] =	vst v21;
	s11 =	sadd.s32 s8, s1  }
0x5a9: {  	s24 =	sadd.s32 s17, s28;
	v17 =	vadd.f32 v17, v19;
	v22 =	vld [tilespmem:s11+$0x0];
	v5 =	vadd.f32 v13, v5;
	v13 =	vmul.f32 v12, v12  }
0x5aa: {  	[tilespmem:s31+$0x0] =	vst v11;
	s9 =	sadd.s32 s20, s14;
	s25 =	sor.u32 $0x20, s17;
	v11 =	vadd.f32 v16, v14;
	v14 =	vld [tilespmem:s24+$0x0];
	v16 =	vadd.f32 v20, v26  }
0x5ab: {  	s5 =	sadd.s32 s18, s2;
	s2 =	sadd.s32 s18, s30;
	s30 =	sadd.s32 s25, s14;
	v19 =	vld [tilespmem:s9+$0x0];
	v5 =	vadd.f32 v13, v5;
	v13 =	vadd.f32 v23, v18  }
0x5ac: {  	s0 =	sor.u32 $0x30, s17;
	s21 =	sadd.s32 s25, s28;
	v18 =	vld [tilespmem:s30+$0x0];
	[tilespmem:s23+$0x0] =	vst v16;
	v9 =	vadd.f32 v16, v9;
	v16 =	vmul.f32 v16, v16  }
0x5ad: {  	s3 =	sadd.s32 s0, s28;
	s28 =	sadd.s32 s0, s14;
	s14 =	sld [smem:$0x7B2];
	v23 =	vld [tilespmem:s21+$0x0];
	[tilespmem:s16+$0x0] =	vst v13  }
0x5ae: {  	s30 =	rddreg [dreg:$0x19];
	v6 =	vadd.f32 v16, v6;
	v9 =	vadd.f32 v21, v9;
	v20 =	vld [tilespmem:s3+$0x0]  }
0x5af: {  	s23 =	sadd.s32 s7, s1;
	s10 =	sadd.s32 s10, s30;
	v16 =	vmul.f32 v21, v21;
	v21 =	vadd.f32 v25, v24;
	v14 =	vadd.f32 v15, v14;
	v15 =	vld [tilespmem:s28+$0x0]  }
0x5b0: {  	s29 =	rddreg [dreg:$0x17];
	v7 =	vadd.f32 v12, v7;
	s9 =	smov.u32 s4;
	v12 =	vld [tilespmem:s23+$0x0];
	v19 =	vadd.f32 v19, v27;
	s8 =	sadd.s32 s8, s10  }
0x5b1: {  	s31 =	sadd.s32 s18, s14;
	s4 =	sadd.s32 s7, s10;
	s7 =	sadd.s32 s19, s1;
	v6 =	vadd.f32 v16, v6;
	v16 =	vld [tilespmem:s8+$0x0];
	[tilespmem:s6+$0x0] =	vst v21;
	v9 =	vadd.f32 v21, v9;
	v21 =	vmul.f32 v21, v21  }
0x5b2: {  	[smem:$0x7AF] =	sst s2;
	s2 =	sadd.s32 s18, s29;
	s14 =	sadd.s32 s17, s31;
	[tilespmem:s24+$0x0] =	vst v14;
	v10 =	vadd.f32 v14, v10;
	v60 =	vld [tilespmem:s7+$0x0]  }
0x5b3: {  	s26 =	sadd.s32 s17, s2;
	s28 =	sadd.s32 s20, s31;
	[tilespmem:s22+$0x0] =	vst v19;
	v14 =	vmul.f32 v14, v14;
	v18 =	vadd.f32 v18, v23;
	v61 =	vld [tilespmem:s14+$0x0];
	v6 =	vadd.f32 v21, v6  }
0x5b4: {  	s29 =	sadd.s32 s25, s2;
	s30 =	sadd.s32 s0, s2;
	s2 =	sadd.s32 s20, s2;
	v9 =	vadd.f32 v13, v9;
	v13 =	vmul.f32 v13, v13;
	v21 =	vld [tilespmem:s28+$0x0];
	v15 =	vadd.f32 v15, v20  }
0x5b5: {  	v8 =	vadd.f32 v14, v8;
	v10 =	vadd.f32 v19, v10;
	v14 =	vmul.f32 v19, v19;
	v19 =	vld [tilespmem:s2+$0x0]  }
0x5b6: {  	s16 =	sadd.s32 s0, s31;
	v20 =	vld [tilespmem:s4+$0x0];
	v6 =	vadd.f32 v13, v6;
	[tilespmem:s3+$0x0] =	vst v15  }
0x5b7: {  	[tilespmem:s21+$0x0] =	vst v18;
	v13 =	vmul.f32 v18, v18;
	v8 =	vadd.f32 v14, v8;
	v10 =	vadd.f32 v18, v10;
	v18 =	vld [tilespmem:s16+$0x0]  }
0x5b8: {  	s12 =	sadd.s32 $0x4, s12;
	v16 =	vadd.f32 v16, v22;
	v22 =	vld [tilespmem:s30+$0x0]  }
0x5b9: {  	s13 =	sadd.s32 $0x40, s13;
	p0 =	slt.u32 s12, $0x2C;
	s6 =	sadd.s32 s25, s31;
	v23 =	vld [tilespmem:s29+$0x0];
	v8 =	vadd.f32 v13, v8  }
0x5ba: {  	s31 =	sadd.s32 s19, s10;
	s19 =	smov.u32 s17;
	s8 =	smov.u32 s20;
	v10 =	vadd.f32 v15, v10;
	v15 =	vmul.f32 v15, v15;
	v13 =	vadd.f32 v19, v21;
	v19 =	vld [tilespmem:s6+$0x0]  }
0x5bb: {  	s17 =	smov.u32 s25;
	s25 =	rddreg [dreg:$0x18];
	s24 =	sadd.s32 s9, s10;
	v62 =	vld [tilespmem:s26+$0x0];
	[tilespmem:s11+$0x0] =	vst v16  }
0x5bc: {  	s10 =	smov.u32 s18;
	s21 =	sadd.s32 s8, s5;
	s29 =	sld [smem:$0x7AF];
	v8 =	vadd.f32 v15, v8;
	v15 =	vadd.f32 v20, v12;
	v20 =	vld [tilespmem:s31+$0x0];
	[tilespmem:s28+$0x0] =	vst v13  }
.Ltmp11:
0x5bd: {  	s11 =	sadd.s32 s9, s1;
	s30 =	sadd.s32 s10, s25;
	v21 =	vld [tilespmem:s21+$0x0];
	v12 =	vadd.f32 v22, v18;
	(pc) =	sbr.rel @p0 .LBB2_25-.Ltmp11, $4  }
0x5be: {  	s15 =	sadd.s32 $0x200, s15;
	s4 =	smov.u32 s0;
	s2 =	sadd.s32 s8, s30;
	[tilespmem:s23+$0x0] =	vst v15;
	v63 =	vmul.f32 v15, v15;
	v18 =	vadd.f32 v15, v17;
	v17 =	vld [tilespmem:s11+$0x0]  }
0x5bf: {  	s1 =	smov.u32 s29;
	s25 =	sadd.s32 s19, s30;
	s3 =	sadd.s32 s17, s30;
	v15 =	vadd.f32 v23, v19;
	v23 =	vld [tilespmem:s2+$0x0];
	[tilespmem:s16+$0x0] =	vst v12  }
0x5c0: {  	v14 =	vmul.f32 v16, v16;
	s26 =	sadd.s32 s4, s30;
	s31 =	smov.u32 s7;
	v19 =	vadd.f32 v16, v18;
	s16 =	sadd.s32 s4, s5;
	v16 =	vadd.f32 v63, v11;
	v22 =	vld [tilespmem:s24+$0x0]  }
0x5c1: {  	s7 =	smov.u32 s19;
	s23 =	sadd.s32 s19, s5;
	v11 =	vadd.f32 v20, v60;
	v20 =	vadd.f32 v62, v61;
	[tilespmem:s6+$0x0] =	vst v15;
	s6 =	sadd.s32 s17, s5;
	v18 =	vld [tilespmem:s16+$0x0]  }
0x5c2: {  	_ = 	snop  }
0x5c3: {  	[tilespmem:s14+$0x0] =	vst v20  }
0x5c4: {  	v24 =	vld [tilespmem:s23+$0x0]  }
0x5c5: {  	v25 =	vld [tilespmem:s25+$0x0];
	_ =	sdelay $0x3  }
0x5c6: {  	v21 =	vadd.f32 v23, v21  }
0x5c7: {  	v23 =	vadd.f32 v25, v24;
	v24 =	vld [tilespmem:s6+$0x0]  }
0x5c8: {  	[tilespmem:s21+$0x0] =	vst v21;
	v25 =	vld [tilespmem:s3+$0x0]  }
0x5c9: {  	[tilespmem:s23+$0x0] =	vst v23  }
0x5ca: {  	v26 =	vld [tilespmem:s26+$0x0];
	s0 =	rddreg [dreg:$0x19]  }
0x5cb: {  	s3 =	sadd.s32 s7, s1;
	s0 =	sadd.s32 s10, s0  }
0x5cc: {  	v27 =	vld [tilespmem:s3+$0x0];
	s2 =	sadd.s32 s7, s0  }
0x5cd: {  	s7 =	sadd.s32 s8, s1;
	v24 =	vadd.f32 v25, v24;
	v25 =	vld [tilespmem:s2+$0x0]  }
0x5ce: {  	s18 =	sadd.s32 s8, s0;
	v28 =	vld [tilespmem:s7+$0x0]  }
0x5cf: {  	s5 =	sadd.s32 s17, s1;
	v18 =	vadd.f32 v26, v18;
	v26 =	vld [tilespmem:s18+$0x0];
	[tilespmem:s6+$0x0] =	vst v24  }
0x5d0: {  	v19 =	vadd.f32 v11, v19;
	v17 =	vadd.f32 v22, v17;
	s19 =	sadd.s32 s17, s0;
	v22 =	vld [tilespmem:s5+$0x0]  }
0x5d1: {  	v7 =	vadd.f32 v20, v7;
	[tilespmem:s16+$0x0] =	vst v18;
	s0 =	sadd.s32 s4, s0;
	v29 =	vld [tilespmem:s19+$0x0]  }
0x5d2: {  	v19 =	vadd.f32 v17, v19;
	s1 =	sadd.s32 s4, s1;
	v30 =	vld [tilespmem:s0+$0x0];
	v25 =	vadd.f32 v25, v27  }
0x5d3: {  	v7 =	vadd.f32 v13, v7;
	v9 =	vadd.f32 v23, v9;
	v27 =	vld [tilespmem:s1+$0x0]  }
0x5d4: {  	v26 =	vadd.f32 v26, v28;
	v19 =	vadd.f32 v25, v19  }
0x5d5: {  	v7 =	vadd.f32 v15, v7;
	v9 =	vadd.f32 v21, v9  }
0x5d6: {  	v22 =	vadd.f32 v29, v22;
	v19 =	vadd.f32 v26, v19  }
0x5d7: {  	v7 =	vadd.f32 v12, v7;
	v9 =	vadd.f32 v24, v9  }
0x5d8: {  	v27 =	vadd.f32 v30, v27;
	v19 =	vadd.f32 v22, v19  }
0x5d9: {  	(xrf2) =	vadd.scan.msk.f32 $0xffff, v10;
	v9 =	vadd.f32 v18, v9  }
0x5da: {  	(xrf2) =	vadd.scan.msk.f32 $0xffff, v7;
	v7 =	vmul.f32 v20, v20;
	v10 =	vadd.f32 v27, v19  }
0x5db: {  	(xrf2) =	vadd.scan.msk.f32 $0xffff, v9  }
0x5dc: {  	v5 =	vadd.f32 v7, v5;
	v7 =	vmul.f32 v13, v13;
	(xrf2) =	vadd.scan.msk.f32 $0xffff, v10  }
0x5dd: {  	(xrf2) =	vadd.scan.msk.f32 $0xffff, v8  }
0x5de: {  	v5 =	vadd.f32 v7, v5;
	v7 =	vmul.f32 v15, v15;
	_ =	sdelay $0x1  }
0x5df: {  	v5 =	vadd.f32 v7, v5;
	v7 =	vmul.f32 v12, v12;
	_ =	sdelay $0x1  }
0x5e0: {  	v5 =	vadd.f32 v7, v5  }
0x5e1: {  	v8, _, _ =	vpop (xrf2)  }
0x5e2: {  	v9, _, _ =	vpop (xrf2);
	(v2sf) =	vpush v8, $0xF;
	(xrf2) =	vadd.scan.msk.f32 $0xffff, v5  }
0x5e3: {  	v8, _, _ =	vpop (xrf2);
	(v2sf) =	vpush v9, $0xF  }
0x5e4: {  	(v2sf) =	vpush v8, $0xF;
	v7, _, _ =	vpop (xrf2)  }
0x5e5: {  	(v2sf) =	vpush v7, $0xF;
	v7, _, _ =	vpop (xrf2)  }
0x5e6: {  	(v2sf) =	vpush v7, $0xF;
	_ =	sdelay $0x5  }
0x5e7: {  	v7, _, _ =	vpop (xrf2)  }
0x5e8: {  	v5 =	vmul.f32 v23, v23;
	(v2sf) =	vpush v7, $0xF;
	_ =	sdelay $0x1  }
0x5e9: {  	v5 =	vadd.f32 v5, v6;
	v6 =	vmul.f32 v21, v21;
	_ =	sdelay $0x1  }
0x5ea: {  	v5 =	vadd.f32 v6, v5;
	v6 =	vmul.f32 v24, v24;
	s20 =	spop (v2sf)  }
0x5eb: {  	v8 =	vmul.f32 v11, v11;
	v7 =	vadd.f32 v14, v16;
	s21 =	spop (v2sf)  }
0x5ec: {  	v5 =	vadd.f32 v6, v5;
	s6 =	smul.f32 $1.302083370e-03, s20;
	s22 =	spop (v2sf)  }
0x5ed: {  	v6 =	vmul.f32 v18, v18;
	v7 =	vadd.f32 v8, v7;
	v8 =	vmul.f32 v17, v17;
	s9 =	spop (v2sf)  }
0x5ee: {  	s24 =	smul.f32 s6, s6;
	s23 =	spop (v2sf)  }
0x5ef: {  	v5 =	vadd.f32 v6, v5;
	v6 =	vmul.f32 v25, v25;
	v7 =	vadd.f32 v8, v7;
	s0 =	smul.f32 $1.302083370e-03, s23;
	_ =	sdelay $0x1  }
0x5f0: {  	v8 =	vmul.f32 v26, v26;
	v6 =	vadd.f32 v6, v7;
	s0 =	ssub.f32 s0, s24  }
0x5f1: {  	(xrf2) =	vadd.scan.msk.f32 $0xffff, v5  }
0x5f2: {  	v5 =	vadd.f32 v8, v6;
	v6 =	vmul.f32 v22, v22;
	s0 =	sadd.f32 $9.999999960e-13, s0;
	_ =	sdelay $0x1  }
0x5f3: {  	v5 =	vadd.f32 v6, v5;
	v6 =	vmul.f32 v27, v27;
	s12 =	spop (v2sf);
	s25 =	sshrl.u32 s0, $0x1;
	s26 =	smul.f32 $5.000000000e-01, s0  }
0x5f4: {  	s12 =	smul.f32 $1.302083370e-03, s12;
	s29 =	ssub.s32 $0x5F3759DF, s25  }
0x5f5: {  	v5 =	vadd.f32 v6, v5;
	s8 =	smul.f32 s29, s26  }
0x5f6: {  	s0 =	smul.f32 $1.302083370e-03, s21  }
0x5f7: {  	(xrf2) =	vadd.scan.msk.f32 $0xffff, v5;
	s8 =	smul.f32 s29, s8  }
0x5f8: {  	s13 =	smul.f32 s0, s0  }
0x5f9: {  	s8 =	ssub.f32 $1.500000000e+00, s8  }
0x5fa: {  	v5, _, _ =	vpop (xrf2);
	s12 =	ssub.f32 s12, s13  }
0x5fb: {  	(v2sf) =	vpush v5, $0xF;
	s2 =	smul.f32 s29, s8  }
0x5fc: {  	s4 =	smul.f32 $1.302083370e-03, s22;
	s12 =	sadd.f32 $9.999999960e-13, s12  }
0x5fd: {  	s14 =	smul.f32 s2, s26  }
0x5fe: {  	s8 =	smul.f32 $5.000000000e-01, s12  }
0x5ff: {  	s30 =	sshrl.u32 s12, $0x1;
	s12 =	smul.f32 s14, s2;
	_ =	sdelay $0x1  }
0x600: {  	s20 =	smul.f32 s4, s4;
	v5, _, _ =	vpop (xrf2);
	s13 =	ssub.s32 $0x5F3759DF, s30;
	s12 =	ssub.f32 $1.500000000e+00, s12  }
0x601: {  	(v2sf) =	vpush v5, $0xF;
	s15 =	smul.f32 s13, s8  }
0x602: {  	s2 =	smul.f32 s12, s2  }
0x603: {  	[smem:$0x7AA] =	sst s4;
	s14 =	smul.f32 s13, s15  }
0x604: {  	[tilespmem:s11+$0x0] =	vst v17;
	s10 =	smul.f32 s2, s26  }
0x605: {  	[tilespmem:s7+$0x0] =	vst v26;
	s7 =	smul.f32 $1.302083370e-03, s9;
	s14 =	ssub.f32 $1.500000000e+00, s14  }
0x606: {  	[tilespmem:s31+$0x0] =	vst v11;
	s10 =	smul.f32 s10, s2  }
0x607: {  	[tilespmem:s3+$0x0] =	vst v25;
	s13 =	smul.f32 s13, s14  }
0x608: {  	[tilespmem:s1+$0x0] =	vst v27;
	s4 =	smul.f32 s7, s7;
	s10 =	ssub.f32 $1.500000000e+00, s10  }
0x609: {  	[tilespmem:s5+$0x0] =	vst v22;
	s17 =	spop (v2sf);
	s16 =	smul.f32 s13, s8  }
0x60a: {  	s23 =	simm.s32 $0x0;
	s11 =	smul.f32 s10, s2;
	s10 =	sld [smem:$0x7B1]  }
0x60b: {  	s24 =	simm.s32 $0x12A00;
	s30 =	sand.u32 $0x1C00, s23;
	s19 =	smul.f32 $1.302083370e-03, s17  }
0x60c: {  	s15 =	simm.s32 $0x12700;
	s12 =	sand.u32 $0x40, s23;
	s18 =	smul.f32 s16, s13  }
0x60d: {  	s22 =	ssub.f32 s19, s20;
	s26 =	sor.u32 $0x30, s12;
	s25 =	sadd.s32 s30, s10  }
0x60e: {  	v5 =	vld [tilespmem:s24+$0x0];
	s20 =	sand.u32 $0x380, s23;
	s21 =	ssub.f32 $1.500000000e+00, s18;
	s17 =	sadd.s32 s26, s25  }
0x60f: {  	s29 =	sadd.f32 $9.999999960e-13, s22;
	s14 =	sor.u32 $0x10, s12;
	s18 =	sadd.s32 s12, s25;
	v6 =	vld [tilespmem:s17+$0x0]  }
0x610: {  	s31 =	spop (v2sf);
	s9 =	smul.f32 s21, s13;
	s13 =	smov.u32 s26;
	v8 =	vld [tilespmem:s18+$0x0]  }
0x611: {  	v7 =	vld [tilespmem:s15+$0x0];
	s1 =	sor.u32 $0x20, s12;
	s19 =	smul.f32 $1.302083370e-03, s31;
	s22 =	sor.u32 s20, s13  }
0x612: {  	s24 =	sshrl.u32 s29, $0x1;
	s2 =	smul.f32 $5.000000000e-01, s29;
	v36 =	vld [tilespmem:s22+$0x12700];
	s15 =	sadd.s32 s14, s25  }
0x613: {  	s6 =	smul.f32 s11, s6;
	v11 =	vmov s11;
	s16 =	sadd.s32 s1, s25;
	s25 =	ssub.s32 $0x5F3759DF, s24;
	v9 =	vld [tilespmem:s15+$0x0]  }
0x614: {  	s26 =	ssub.f32 s19, s4;
	v10 =	vld [tilespmem:s16+$0x0];
	s29 =	smul.f32 s25, s2;
	v6 =	vmul.f32 v6, v11  }
0x615: {  	s31 =	sor.u32 s20, s14;
	v35 =	vld [tilespmem:s22+$0x12A00];
	v16 =	vmov s6;
	v12 =	vmul.f32 v8, v11  }
0x616: {  	v13 =	vld [tilespmem:s31+$0x12700];
	s4 =	sor.u32 s20, s1;
	s3 =	sadd.f32 $9.999999960e-13, s26;
	s11 =	smul.f32 s25, s29;
	v6 =	vsub.f32 v6, v16  }
0x617: {  	s8 =	smul.f32 s9, s8;
	v8 =	vld [tilespmem:s4+$0x12700];
	v12 =	vsub.f32 v12, v16  }
0x618: {  	s21 =	sshrl.u32 s3, $0x1;
	s3 =	smul.f32 $5.000000000e-01, s3;
	s11 =	ssub.f32 $1.500000000e+00, s11;
	v14 =	vmul.f32 v9, v11;
	v9 =	vld [tilespmem:s31+$0x12A00];
	v15 =	vmul.f32 v6, v36  }
0x619: {  	s8 =	smul.f32 s8, s9;
	s19 =	ssub.s32 $0x5F3759DF, s21;
	v10 =	vmul.f32 v10, v11;
	v12 =	vmul.f32 v12, v7;
	v6 =	vld [tilespmem:s4+$0x12A00];
	s4 =	sld [smem:$0x7B2]  }
0x61a: {  	s24 =	simm.s32 $0x40;
	s20 =	smul.f32 s19, s3;
	v14 =	vsub.f32 v14, v16;
	v15 =	vadd.f32 v15, v35  }
0x61b: {  	s22 =	ssub.f32 $1.500000000e+00, s8;
	s29 =	simm.s32 $0x200;
	s23 =	smul.f32 s25, s11;
	v10 =	vsub.f32 v10, v16;
	v12 =	vadd.f32 v12, v5  }
0x61c: {  	s11 =	sand.u32 $0x40, s24;
	s24 =	sand.u32 $0x380, s24;
	v14 =	vmul.f32 v14, v13;
	s26 =	sadd.s32 s30, s4;
	[tilespmem:s17+$0x0] =	vst v15  }
0x61d: {  	s20 =	smul.f32 s19, s20;
	v10 =	vmul.f32 v10, v8;
	s5 =	sadd.s32 s13, s26;
	s8 =	sadd.s32 s12, s26;
	[tilespmem:s18+$0x0] =	vst v12  }
0x61e: {  	v14 =	vadd.f32 v14, v9;
	s18 =	sand.u32 $0x1C00, s29;
	s17 =	sor.u32 $0x30, s11;
	v12 =	vld [tilespmem:s5+$0x0];
	[smem:$0x7AD] =	sst s14  }
0x61f: {  	s21 =	smul.f32 s22, s9;
	v10 =	vadd.f32 v10, v6;
	s25 =	sadd.s32 s18, s10;
	s22 =	sor.u32 s24, s17;
	v15 =	vld [tilespmem:s8+$0x0]  }
0x620: {  	s20 =	ssub.f32 $1.500000000e+00, s20;
	[tilespmem:s15+$0x0] =	vst v14;
	s15 =	sadd.s32 s17, s25;
	v26 =	vld [tilespmem:s22+$0x12700]  }
0x621: {  	s0 =	smul.f32 s21, s0;
	s6 =	sadd.s32 s14, s26;
	[tilespmem:s16+$0x0] =	vst v10;
	v10 =	vld [tilespmem:s15+$0x0]  }
0x622: {  	s28 =	smul.f32 s19, s20;
	s9 =	sadd.s32 s1, s26;
	v14 =	vld [tilespmem:s6+$0x0]  }
0x623: {  	s31 =	smul.f32 s23, s2;
	v17 =	vld [tilespmem:s9+$0x0]  }
0x624: {  	v19 =	vmov s21;
	s20 =	sor.u32 $0x10, s11;
	s29 =	smul.f32 s28, s3;
	v22 =	vld [tilespmem:s22+$0x12A00];
	s19 =	sadd.s32 s11, s25  }
0x625: {  	s21 =	sor.u32 $0x20, s11;
	s26 =	smul.f32 s31, s23;
	s22 =	sadd.s32 s20, s25;
	v18 =	vld [tilespmem:s19+$0x0];
	v12 =	vmul.f32 v12, v19;
	v15 =	vmul.f32 v15, v19  }
0x626: {  	v20 =	vmov s0;
	s29 =	smul.f32 s29, s28;
	s16 =	sadd.s32 s21, s25;
	v21 =	vld [tilespmem:s22+$0x0];
	v23 =	vmul.f32 v10, v11  }
0x627: {  	s31 =	simm.s32 $0x12A40;
	s25 =	ssub.f32 $1.500000000e+00, s26;
	v24 =	vld [tilespmem:s16+$0x0];
	v12 =	vsub.f32 v12, v20;
	v14 =	vmul.f32 v14, v19;
	v15 =	vsub.f32 v15, v20  }
0x628: {  	s0 =	ssub.f32 $1.500000000e+00, s29;
	s29 =	simm.s32 $0x12740;
	v10 =	vld [tilespmem:s31+$0x0];
	v17 =	vmul.f32 v17, v19;
	v23 =	vsub.f32 v23, v16  }
0x629: {  	s31 =	sor.u32 s24, s20;
	v25 =	vmul.f32 v12, v36;
	v12 =	vld [tilespmem:s29+$0x0];
	v27 =	vmul.f32 v15, v7;
	v15 =	vsub.f32 v14, v20  }
0x62a: {  	s23 =	smul.f32 s25, s23;
	v18 =	vmul.f32 v18, v11;
	v14 =	vld [tilespmem:s31+$0x12700];
	v23 =	vmul.f32 v23, v26  }
0x62b: {  	s26 =	smul.f32 s0, s28;
	s29 =	sor.u32 s24, s21;
	v29 =	vsub.f32 v17, v20;
	v25 =	vadd.f32 v25, v35;
	v28 =	vmul.f32 v15, v13;
	v15 =	vld [tilespmem:s31+$0x12A00];
	s31 =	sld [smem:$0x7B3]  }
0x62c: {  	s2 =	smul.f32 s23, s2;
	v21 =	vmul.f32 v21, v11;
	v30 =	vsub.f32 v18, v16;
	v17 =	vld [tilespmem:s29+$0x12700];
	v23 =	vadd.f32 v23, v22  }
0x62d: {  	s28 =	sadd.s32 s18, s4;
	s3 =	smul.f32 s26, s3;
	v24 =	vmul.f32 v24, v11;
	v27 =	vadd.f32 v27, v5;
	[tilespmem:s5+$0x0] =	vst v25;
	v25 =	vmul.f32 v29, v8  }
0x62e: {  	s2 =	smul.f32 s2, s23;
	v21 =	vsub.f32 v21, v16;
	s24 =	sadd.s32 s17, s28;
	v18 =	vld [tilespmem:s29+$0x12A00];
	v28 =	vadd.f32 v28, v9;
	v29 =	vmul.f32 v30, v12;
	s25 =	sadd.s32 s30, s31;
	[tilespmem:s15+$0x0] =	vst v23  }
0x62f: {  	v24 =	vsub.f32 v24, v16;
	[tilespmem:s8+$0x0] =	vst v27;
	v23 =	vadd.f32 v25, v6;
	s5 =	sadd.s32 s13, s25;
	v25 =	vld [tilespmem:s24+$0x0]  }
0x630: {  	s4 =	smul.f32 s3, s26;
	s29 =	ssub.f32 $1.500000000e+00, s2;
	v21 =	vmul.f32 v21, v14;
	s2 =	sadd.s32 s12, s25;
	[tilespmem:s6+$0x0] =	vst v28;
	v28 =	vadd.f32 v29, v10;
	v31 =	vld [tilespmem:s5+$0x0]  }
0x631: {  	v24 =	vmul.f32 v24, v17;
	s3 =	sadd.s32 s14, s25;
	v27 =	vld [tilespmem:s2+$0x0];
	[tilespmem:s9+$0x0] =	vst v23  }
0x632: {  	s4 =	ssub.f32 $1.500000000e+00, s4;
	s0 =	sadd.s32 s1, s25;
	v30 =	vld [tilespmem:s3+$0x0];
	v21 =	vadd.f32 v21, v15;
	[tilespmem:s19+$0x0] =	vst v28  }
0x633: {  	s15 =	sadd.s32 s11, s28;
	v23 =	vadd.f32 v24, v18;
	v32 =	vld [tilespmem:s0+$0x0];
	s19 =	sld [smem:$0x7AA]  }
0x634: {  	s14 =	smul.f32 s29, s23;
	s6 =	sadd.s32 s20, s28;
	v28 =	vld [tilespmem:s15+$0x0];
	[tilespmem:s22+$0x0] =	vst v21  }
0x635: {  	s8 =	smul.f32 s4, s26;
	s4 =	sadd.s32 s21, s28;
	s26 =	simm.s32 $0x12A80;
	[tilespmem:s16+$0x0] =	vst v23;
	v33 =	vld [tilespmem:s6+$0x0]  }
0x636: {  	s25 =	simm.s32 $0x400;
	v29 =	vmov s14;
	v34 =	vld [tilespmem:s4+$0x0];
	v23 =	vmul.f32 v25, v19;
	s23 =	smul.f32 s14, s19;
	s19 =	simm.s32 $0x80  }
0x637: {  	s7 =	smul.f32 s8, s7;
	s29 =	sand.u32 $0x1C00, s25;
	v24 =	vmov s8;
	v21 =	vmul.f32 v31, v29;
	v40 =	vmul.f32 v27, v29;
	s28 =	sand.u32 $0x40, s19  }
0x638: {  	s25 =	simm.s32 $0x12780;
	v25 =	vld [tilespmem:s26+$0x0];
	s26 =	sadd.s32 s29, s10;
	v30 =	vmul.f32 v30, v29;
	v23 =	vsub.f32 v23, v20;
	v31 =	vmov s23;
	s14 =	sor.u32 $0x30, s28  }
0x639: {  	v59 =	vmul.f32 v32, v29;
	v42 =	vmul.f32 v28, v19;
	v37 =	vsub.f32 v21, v31;
	v21 =	vld [tilespmem:s25+$0x0];
	s23 =	sadd.s32 s14, s26  }
0x63a: {  	s16 =	sand.u32 $0x380, s19;
	s22 =	sadd.s32 s28, s26;
	v38 =	vmul.f32 v23, v26;
	v23 =	vmov s7;
	v40 =	vsub.f32 v40, v31;
	v39 =	vld [tilespmem:s23+$0x0]  }
0x63b: {  	s10 =	sor.u32 $0x10, s28;
	v41 =	vld [tilespmem:s22+$0x0];
	s9 =	sor.u32 s16, s14;
	v30 =	vsub.f32 v30, v31;
	v33 =	vmul.f32 v33, v19;
	v34 =	vmul.f32 v34, v19  }
0x63c: {  	s8 =	smov.u32 s29;
	s29 =	sadd.s32 s10, s26;
	v28 =	vld [tilespmem:s9+$0x12700];
	v60 =	vsub.f32 v42, v20;
	v37 =	vmul.f32 v37, v36;
	v38 =	vadd.f32 v38, v22  }
0x63d: {  	v61 =	vld [tilespmem:s29+$0x0];
	v40 =	vmul.f32 v40, v7;
	v43 =	vmul.f32 v30, v13;
	v30 =	vsub.f32 v33, v20  }
0x63e: {  	s31 =	sadd.s32 s18, s31;
	s19 =	sor.u32 s16, s10;
	v27 =	vld [tilespmem:s9+$0x12A00];
	v62 =	vsub.f32 v34, v20;
	v32 =	vmul.f32 v60, v12;
	v37 =	vadd.f32 v37, v35;
	[tilespmem:s24+$0x0] =	vst v38  }
0x63f: {  	s9 =	sor.u32 $0x20, s28;
	v33 =	vld [tilespmem:s19+$0x12A00];
	s24 =	sadd.s32 s17, s31;
	v40 =	vadd.f32 v40, v5;
	v45 =	vmul.f32 v30, v14;
	s7 =	sld [smem:$0x7B4];
	v48 =	vmul.f32 v39, v11  }
0x640: {  	s26 =	sadd.s32 s9, s26;
	v50 =	vmul.f32 v62, v17;
	v44 =	vld [tilespmem:s24+$0x0];
	v46 =	vadd.f32 v32, v10;
	[tilespmem:s5+$0x0] =	vst v37  }
0x641: {  	v63 =	vld [tilespmem:s26+$0x0];
	v41 =	vmul.f32 v41, v11;
	v45 =	vadd.f32 v45, v15;
	[tilespmem:s2+$0x0] =	vst v40;
	v34 =	vsub.f32 v48, v16  }
0x642: {  	v30 =	vld [tilespmem:s19+$0x12700];
	s19 =	sadd.s32 s11, s31;
	v42 =	vmul.f32 v61, v11;
	v51 =	vadd.f32 v50, v18;
	[tilespmem:s15+$0x0] =	vst v46;
	s30 =	sadd.s32 s30, s7  }
0x643: {  	v41 =	vsub.f32 v41, v16;
	[tilespmem:s6+$0x0] =	vst v45;
	v46 =	vld [tilespmem:s19+$0x0];
	s25 =	sadd.s32 s13, s30;
	v47 =	vmul.f32 v34, v28  }
0x644: {  	v42 =	vsub.f32 v42, v16;
	[tilespmem:s4+$0x0] =	vst v51;
	s13 =	sor.u32 s16, s9;
	v49 =	vld [tilespmem:s25+$0x0]  }
0x645: {  	v41 =	vmul.f32 v41, v21;
	s16 =	sadd.s32 s20, s31;
	s2 =	sld [smem:$0x7B2];
	v32 =	vld [tilespmem:s13+$0x12700];
	v44 =	vmul.f32 v44, v29;
	v52 =	vadd.f32 v47, v27  }
0x646: {  	v37 =	vmul.f32 v63, v11;
	v34 =	vld [tilespmem:s13+$0x12A00];
	[smem:$0x7AB] =	sst s16  }
0x647: {  	s31 =	sadd.s32 s21, s31;
	v54 =	vmul.f32 v42, v30;
	v53 =	vadd.f32 v41, v25;
	v44 =	vsub.f32 v44, v31;
	[tilespmem:s23+$0x0] =	vst v52  }
0x648: {  	v43 =	vadd.f32 v43, v9;
	v37 =	vsub.f32 v37, v16;
	v55 =	vld [tilespmem:s16+$0x0];
	[smem:$0x7AC] =	sst s31  }
0x649: {  	s2 =	sadd.s32 s8, s2;
	v57 =	vadd.f32 v54, v33;
	v44 =	vmul.f32 v44, v26;
	v39 =	vmul.f32 v49, v24;
	[tilespmem:s22+$0x0] =	vst v53  }
0x64a: {  	v38 =	vsub.f32 v59, v31;
	s5 =	sadd.s32 s14, s2;
	v56 =	vld [tilespmem:s31+$0x0];
	[tilespmem:s3+$0x0] =	vst v43  }
0x64b: {  	s23 =	sadd.s32 s28, s2;
	v37 =	vmul.f32 v37, v32;
	v58 =	vld [tilespmem:s5+$0x0];
	v44 =	vadd.f32 v44, v22;
	[tilespmem:s29+$0x0] =	vst v57;
	v39 =	vsub.f32 v39, v23  }
0x64c: {  	v60 =	vmul.f32 v38, v8;
	s13 =	sadd.s32 s18, s7;
	v61 =	vmul.f32 v46, v29;
	s22 =	sadd.s32 s10, s2;
	v59 =	vld [tilespmem:s23+$0x0];
	s29 =	sld [smem:$0x7AD]  }
0x64d: {  	s6 =	simm.s32 $0xC0;
	s12 =	sadd.s32 s12, s30;
	s31 =	sadd.s32 s11, s13;
	v37 =	vadd.f32 v37, v34;
	v38 =	vld [tilespmem:s22+$0x0];
	[tilespmem:s24+$0x0] =	vst v44;
	v39 =	vmul.f32 v39, v36  }
0x64e: {  	v62 =	vadd.f32 v60, v6;
	s7 =	smov.u32 s12;
	v63 =	vsub.f32 v61, v31;
	v42 =	vmul.f32 v55, v29;
	v36 =	vld [tilespmem:s12+$0x0];
	s12 =	sadd.s32 s17, s13;
	[smem:$0x7AE] =	sst s31  }
0x64f: {  	s15 =	sadd.s32 s1, s30;
	s18 =	sadd.s32 s20, s13;
	s16 =	sadd.s32 s29, s30;
	[tilespmem:s26+$0x0] =	vst v37;
	v39 =	vadd.f32 v39, v35;
	v45 =	vmul.f32 v56, v29;
	v35 =	vld [tilespmem:s12+$0x0]  }
0x650: {  	s20 =	simm.s32 $0x600;
	s11 =	simm.s32 $0x127C0;
	v40 =	vmul.f32 v63, v12;
	s24 =	sadd.s32 s9, s2;
	v42 =	vsub.f32 v42, v31;
	[tilespmem:s0+$0x0] =	vst v62;
	v37 =	vld [tilespmem:s16+$0x0]  }
0x651: {  	s17 =	simm.s32 $0x8;
	s26 =	sadd.s32 s21, s13;
	s21 =	simm.s32 $0x12AC0;
	v44 =	vmul.f32 v58, v19;
	v43 =	vmul.f32 v59, v19;
	[tilespmem:s25+$0x0] =	vst v39;
	v39 =	vld [tilespmem:s24+$0x0];
	v41 =	vsub.f32 v45, v31  }
.LBB2_27:
0x652: {  	s0 =	sld [smem:$0x7B1]  }
0x653: {  	[smem:$0x7A6] =	sst s16  }
0x654: {  	[smem:$0x7A7] =	sst s18;
	s29 =	sand.u32 $0x40, s6;
	s3 =	sand.u32 $0x1C00, s20;
	v43 =	vsub.f32 v43, v20  }
0x655: {  	v47 =	vld [tilespmem:s21+$0x0];
	s13 =	smov.u32 s9;
	v44 =	vsub.f32 v44, v20;
	v42 =	vmul.f32 v42, v14;
	s31 =	sadd.s32 s3, s0;
	s0 =	sor.u32 $0x30, s29  }
0x656: {  	v48 =	vld [tilespmem:s11+$0x0];
	s9 =	smov.u32 s28;
	s28 =	sand.u32 $0x380, s6;
	v40 =	vadd.f32 v40, v10;
	v43 =	vmul.f32 v43, v21;
	v38 =	vmul.f32 v38, v19;
	s4 =	sadd.s32 s0, s31  }
0x657: {  	v46 =	vmov v6;
	v41 =	vmul.f32 v41, v17;
	s25 =	sor.u32 $0x10, s29;
	s30 =	sor.u32 $0x20, s29;
	v35 =	vmul.f32 v35, v24;
	s2 =	sadd.s32 s29, s31;
	v61 =	vld [tilespmem:s4+$0x0]  }
0x658: {  	s1 =	smov.u32 s15;
	v44 =	vmul.f32 v44, v28;
	v49 =	vld [tilespmem:s2+$0x0];
	[tilespmem:s19+$0x0] =	vst v40;
	s19 =	smov.u32 s26;
	v43 =	vadd.f32 v43, v25;
	s26 =	sld [smem:$0x7B3];
	v38 =	vsub.f32 v38, v20  }
0x659: {  	v6 =	vmovc v18;
	v45 =	vld [tilespmem:s15+$0x0];
	s15 =	smov.u32 s14;
	s14 =	smov.u32 s10;
	v42 =	vadd.f32 v42, v15;
	s18 =	sadd.s32 s25, s31;
	v39 =	vmul.f32 v39, v19;
	v35 =	vsub.f32 v35, v23  }
0x65a: {  	s10 =	smov.u32 s8;
	s31 =	sadd.s32 s30, s31;
	v37 =	vmul.f32 v37, v24;
	v44 =	vadd.f32 v44, v27;
	v62 =	vld [tilespmem:s18+$0x0];
	[tilespmem:s23+$0x0] =	vst v43;
	s23 =	sld [smem:$0x7AB];
	v38 =	vmul.f32 v38, v30  }
0x65b: {  	v18 =	vmovc v34;
	s16 =	smov.u32 s7;
	v41 =	vadd.f32 v41, v6;
	s7 =	sor.u32 s28, s0;
	v54 =	vld [tilespmem:s31+$0x0];
	v39 =	vsub.f32 v39, v20;
	s8 =	sadd.s32 s10, s26;
	v26 =	vmul.f32 v35, v26  }
0x65c: {  	v36 =	vmul.f32 v36, v24;
	v50 =	vld [tilespmem:s7+$0x12700];
	v37 =	vsub.f32 v37, v23;
	[tilespmem:s5+$0x0] =	vst v44;
	s26 =	sadd.s32 s15, s8;
	v63 =	vadd.f32 v38, v33  }
0x65d: {  	v51 =	vmul.f32 v39, v32;
	v52 =	vld [tilespmem:s26+$0x0];
	v34 =	vmul.f32 v61, v11;
	[tilespmem:s23+$0x0] =	vst v42;
	v22 =	vadd.f32 v26, v22  }
0x65e: {  	[smem:$0x7A9] =	sst s1;
	s1 =	sor.u32 s28, s25;
	s28 =	sor.u32 s28, s30;
	v53 =	vmul.f32 v45, v24;
	v13 =	vmul.f32 v37, v13;
	v26 =	vsub.f32 v36, v23;
	v42 =	vld [tilespmem:s7+$0x12A00];
	[tilespmem:s22+$0x0] =	vst v63  }
0x65f: {  	v40 =	vld [tilespmem:s28+$0x12700];
	s5 =	sadd.s32 s14, s8;
	v55 =	vmul.f32 v49, v11;
	v56 =	vadd.f32 v51, v18;
	v34 =	vsub.f32 v34, v16;
	[tilespmem:s12+$0x0] =	vst v22;
	s12 =	sld [smem:$0x7AC]  }
0x660: {  	[smem:$0x7A8] =	sst s19;
	s19 =	sadd.s32 s9, s8;
	s23 =	smov.u32 s5;
	v57 =	vmul.f32 v62, v11;
	v60 =	vmul.f32 v54, v11;
	v9 =	vadd.f32 v13, v9;
	v45 =	vld [tilespmem:s1+$0x12700]  }
0x661: {  	v39 =	vld [tilespmem:s19+$0x0];
	[smem:$0x7AB] =	sst s23;
	v22 =	vsub.f32 v53, v23;
	v36 =	vsub.f32 v55, v16;
	[tilespmem:s24+$0x0] =	vst v56;
	v58 =	vmul.f32 v34, v50  }
0x662: {  	s17 =	sadd.s32 $0x4, s17;
	v7 =	vmul.f32 v26, v7;
	v26 =	vsub.f32 v57, v16;
	s22 =	sld [smem:$0x7B2];
	v38 =	vsub.f32 v60, v16;
	v49 =	vld [tilespmem:s1+$0x12A00];
	[tilespmem:s12+$0x0] =	vst v41  }
0x663: {  	s11 =	sadd.s32 $0x40, s11;
	s8 =	sadd.s32 s13, s8;
	s24 =	sld [smem:$0x7AE];
	v36 =	vmul.f32 v36, v48;
	v59 =	vmul.f32 v52, v29;
	v34 =	vld [tilespmem:s28+$0x12A00];
	v35 =	vadd.f32 v58, v42  }
0x664: {  	s20 =	sadd.s32 $0x200, s20;
	v13 =	vmovc v14;
	v14 =	vmov v30;
	v62 =	vld [tilespmem:s23+$0x0];
	v7 =	vadd.f32 v7, v5;
	v8 =	vmul.f32 v22, v8;
	s12 =	smov.u32 s8;
	s8 =	sld [smem:$0x7A7]  }
0x665: {  	s6 =	sadd.s32 $0x40, s6;
	s1 =	sadd.s32 s3, s22;
	v22 =	vadd.f32 v36, v47;
	v37 =	vsub.f32 v59, v31;
	v61 =	vmul.f32 v26, v45;
	[tilespmem:s4+$0x0] =	vst v35;
	s4 =	sld [smem:$0x7A6]  }
0x666: {  	s21 =	sadd.s32 $0x40, s21;
	v5 =	vmovc v10;
	v10 =	vmov v25;
	v51 =	vmul.f32 v38, v40;
	v39 =	vmul.f32 v39, v29;
	[tilespmem:s16+$0x0] =	vst v7;
	s5 =	sadd.s32 s0, s1;
	[smem:$0x7AC] =	sst s12;
	v63 =	vld [tilespmem:s12+$0x0]  }
0x667: {  	p0 =	slt.u32 s17, $0x2C;
	s23 =	sadd.s32 s29, s1;
	v57 =	vadd.f32 v8, v46;
	s12 =	sld [smem:$0x7B4];
	[tilespmem:s2+$0x0] =	vst v22;
	v56 =	vmul.f32 v37, v28;
	v58 =	vld [tilespmem:s5+$0x0];
	v52 =	vadd.f32 v61, v49  }
0x668: {  	v25 =	vmovc v47;
	s7 =	smov.u32 s24;
	s22 =	sadd.s32 s25, s1;
	s24 =	sadd.s32 s30, s1;
	v7 =	vmovc v12;
	v12 =	vmov v21;
	v21 =	vmov v48;
	v59 =	vld [tilespmem:s23+$0x0];
	[tilespmem:s4+$0x0] =	vst v9;
	v61 =	vadd.f32 v51, v34  }
.Ltmp12:
0x669: {  	s28 =	smov.u32 s29;
	s16 =	smov.u32 s8;
	v41 =	vmul.f32 v62, v29;
	v62 =	vsub.f32 v39, v31;
	v36 =	vld [tilespmem:s7+$0x0];
	v60 =	vadd.f32 v56, v27;
	[tilespmem:s18+$0x0] =	vst v52;
	(pc) =	sbr.rel @p0 .LBB2_27-.Ltmp12, $4  }
0x66a: {  	v26 =	vmovc v28;
	s8 =	smov.u32 s3;
	v30 =	vmovc v45;
	v8 =	vmov v17;
	v17 =	vmov v32;
	v32 =	vmov v40;
	s1 =	sadd.s32 s10, s12;
	v38 =	vld [tilespmem:s22+$0x0];
	[tilespmem:s31+$0x0] =	vst v61;
	s31 =	sld [smem:$0x7A9]  }
0x66b: {  	v28 =	vmovc v50;
	v22 =	vmov v27;
	s12 =	sadd.s32 s15, s1;
	s15 =	sld [smem:$0x7A8];
	v40 =	vmul.f32 v62, v12;
	v63 =	vmul.f32 v63, v29;
	s18 =	sadd.s32 s9, s1;
	[tilespmem:s26+$0x0] =	vst v60;
	v37 =	vld [tilespmem:s16+$0x0]  }
0x66c: {  	s10 =	smov.u32 s25;
	v27 =	vmovc v42;
	v42 =	vsub.f32 v41, v31;
	v9 =	vmovc v15;
	v15 =	vmov v33;
	v33 =	vmov v49;
	s9 =	smov.u32 s30;
	[smem:$0x7AE] =	sst s18;
	v35 =	vld [tilespmem:s12+$0x0]  }
0x66d: {  	s18 =	sadd.s32 s14, s1;
	s26 =	sadd.s32 s13, s1;
	s14 =	smov.u32 s0;
	v41 =	vsub.f32 v63, v31;
	v39 =	vld [tilespmem:s24+$0x0];
	v44 =	vmul.f32 v58, v19;
	v43 =	vmul.f32 v59, v19;
	[tilespmem:s31+$0x0] =	vst v57  }
0x66e: {  	_ = 	snop  }
0x66f: {  	v11 =	vsub.f32 v44, v20;
	_ =	sdelay $0x1  }
0x670: {  	s0 =	sld [smem:$0x7B3];
	v11 =	vmul.f32 v11, v28;
	_ =	sdelay $0x1  }
0x671: {  	v11 =	vadd.f32 v11, v27  }
0x672: {  	s0 =	sadd.s32 s8, s0  }
0x673: {  	s1 =	sadd.s32 s14, s0;
	[tilespmem:s5+$0x0] =	vst v11  }
0x674: {  	v54 =	vld [tilespmem:s1+$0x0];
	_ =	sdelay $0x1  }
0x675: {  	v16 =	vmul.f32 v38, v19  }
0x676: {  	v51 =	vsub.f32 v43, v20;
	v52 =	vmul.f32 v39, v19  }
0x677: {  	v53 =	vsub.f32 v16, v20  }
0x678: {  	v38 =	vmul.f32 v51, v21;
	v19 =	vsub.f32 v52, v20;
	v16 =	vmul.f32 v54, v29  }
0x679: {  	v11 =	vmul.f32 v53, v30  }
0x67a: {  	v55 =	vadd.f32 v38, v25;
	v19 =	vmul.f32 v19, v32;
	v16 =	vsub.f32 v16, v31  }
0x67b: {  	v11 =	vadd.f32 v11, v33  }
0x67c: {  	s2 =	sadd.s32 s28, s0;
	[tilespmem:s23+$0x0] =	vst v55;
	v19 =	vadd.f32 v19, v34;
	v16 =	vmul.f32 v16, v28  }
0x67d: {  	v40 =	vadd.f32 v40, v10;
	s3 =	sadd.s32 s10, s0;
	v56 =	vld [tilespmem:s2+$0x0];
	[tilespmem:s22+$0x0] =	vst v11  }
0x67e: {  	[tilespmem:s24+$0x0] =	vst v19;
	v57 =	vld [tilespmem:s3+$0x0];
	v16 =	vadd.f32 v16, v27  }
0x67f: {  	s24 =	sld [smem:$0x7B4];
	[tilespmem:s19+$0x0] =	vst v40  }
0x680: {  	v59 =	vmul.f32 v42, v14;
	[tilespmem:s1+$0x0] =	vst v16  }
0x681: {  	s1 =	sld [smem:$0x7AB]  }
0x682: {  	v60 =	vld [tilespmem:s15+$0x0];
	s4 =	sadd.s32 s9, s0;
	v38 =	vadd.f32 v59, v15;
	v11 =	vmul.f32 v56, v29  }
0x683: {  	v58 =	vld [tilespmem:s4+$0x0];
	v19 =	vmul.f32 v57, v29  }
0x684: {  	v36 =	vmul.f32 v36, v24;
	v11 =	vsub.f32 v11, v31;
	[tilespmem:s1+$0x0] =	vst v38  }
0x685: {  	v62 =	vmul.f32 v41, v17;
	v42 =	vmul.f32 v37, v24;
	s25 =	sadd.s32 s8, s24;
	v19 =	vsub.f32 v19, v31;
	s6 =	sld [smem:$0x7AE]  }
0x686: {  	v36 =	vsub.f32 v36, v23;
	v35 =	vmul.f32 v35, v24;
	s0 =	sadd.s32 s14, s25;
	v11 =	vmul.f32 v11, v21;
	s1 =	sld [smem:$0x7AC]  }
0x687: {  	v44 =	vmul.f32 v60, v24;
	v20 =	vadd.f32 v62, v18;
	v19 =	vmul.f32 v19, v30;
	v41 =	vld [tilespmem:s0+$0x0]  }
0x688: {  	v63 =	vsub.f32 v35, v23;
	v61 =	vmul.f32 v58, v29;
	v11 =	vadd.f32 v11, v25;
	v45 =	vld [tilespmem:s18+$0x0]  }
0x689: {  	v7 =	vmul.f32 v36, v7;
	v48 =	vsub.f32 v44, v23;
	v19 =	vadd.f32 v19, v33;
	v43 =	vld [tilespmem:s6+$0x0];
	[tilespmem:s1+$0x0] =	vst v20  }
0x68a: {  	v26 =	vmul.f32 v63, v26;
	s28 =	sadd.s32 s28, s25;
	v16 =	vsub.f32 v61, v31;
	[tilespmem:s2+$0x0] =	vst v11;
	v46 =	vld [tilespmem:s26+$0x0]  }
0x68b: {  	v5 =	vadd.f32 v7, v5;
	v7 =	vmul.f32 v48, v8;
	s29 =	sadd.s32 s10, s25;
	v31 =	vsub.f32 v42, v23;
	[tilespmem:s3+$0x0] =	vst v19;
	v49 =	vld [tilespmem:s28+$0x0]  }
0x68c: {  	v22 =	vadd.f32 v26, v22;
	v16 =	vmul.f32 v16, v32;
	v35 =	vmul.f32 v41, v24;
	v51 =	vld [tilespmem:s29+$0x0]  }
0x68d: {  	v6 =	vadd.f32 v7, v6;
	v13 =	vmul.f32 v31, v13;
	v54 =	vmul.f32 v45, v24  }
0x68e: {  	v47 =	vadd.f32 v16, v34;
	v50 =	vsub.f32 v35, v23;
	v52 =	vmul.f32 v43, v24  }
0x68f: {  	v9 =	vadd.f32 v13, v9;
	[tilespmem:s12+$0x0] =	vst v22;
	v13 =	vsub.f32 v54, v23;
	v7 =	vmul.f32 v46, v24  }
0x690: {  	[tilespmem:s7+$0x0] =	vst v5;
	v55 =	vmul.f32 v50, v28;
	v19 =	vmul.f32 v49, v24;
	v8 =	vsub.f32 v52, v23  }
0x691: {  	[tilespmem:s15+$0x0] =	vst v6;
	v56 =	vmul.f32 v51, v24;
	v57 =	vmul.f32 v13, v14;
	v5 =	vsub.f32 v7, v23  }
0x692: {  	[tilespmem:s4+$0x0] =	vst v47;
	v20 =	vadd.f32 v55, v27;
	v59 =	vsub.f32 v19, v23;
	v7 =	vmul.f32 v8, v12  }
0x693: {  	[tilespmem:s16+$0x0] =	vst v9;
	v60 =	vadd.f32 v57, v15;
	v5 =	vmul.f32 v5, v17  }
0x694: {  	s30 =	sadd.s32 s9, s25;
	[tilespmem:s0+$0x0] =	vst v20;
	v62 =	vmul.f32 v59, v21;
	v6 =	vadd.f32 v7, v10;
	v7 =	vsub.f32 v56, v23  }
0x695: {  	v53 =	vld [tilespmem:s30+$0x0];
	[tilespmem:s18+$0x0] =	vst v60;
	v5 =	vadd.f32 v5, v18  }
0x696: {  	[tilespmem:s6+$0x0] =	vst v6;
	v6 =	vmul.f32 v7, v30;
	v7 =	vadd.f32 v62, v25  }
0x697: {  	[tilespmem:s26+$0x0] =	vst v5  }
0x698: {  	[tilespmem:s28+$0x0] =	vst v7  }
0x699: {  	s31 =	sld [smem:$0x7B0]  }
0x69a: {  	v58 =	vmul.f32 v53, v24;
	_ =	sdelay $0x1  }
0x69b: {  	v61 =	vsub.f32 v58, v23;
	s10 =	sadd.s32 $0x1, s31  }
0x69c: {  	p0 =	sne.s32 s10, $0x4  }
.Ltmp13:
0x69d: {  	v63 =	vmul.f32 v61, v32;
	(pc) =	sbr.rel @p0 .LBB2_24-.Ltmp13, $4  }
0x69e: {  	v5 =	vadd.f32 v6, v33  }
0x69f: {  	v6 =	vadd.f32 v63, v34  }
0x6a0: {  	[tilespmem:s29+$0x0] =	vst v5  }
0x6a1: {  	[tilespmem:s30+$0x0] =	vst v6  }
0x6a2: {  	s0 =	sld [smem:$0x7FC];
	_ =	sdelay $0x1  }
0x6a3: {  	s10 =	simm.s32 $0x0;
	s5 =	simm.s32 $0x9100;
	s3 =	simm.s32 $0x2  }
0x6a4: {  	[hbm4b:s0+s10] =	stream.linear.scatter [tilespmem:s5], [sflag:$0x2], $0x3000, $0x38;
	[tilespmem:$0x12D00] =	vst v63  }
0x6a5: {  	_ =	swait.ge [sflag:s3], $0x3000  }
0x6a6: {  	[sflag:s3] =	ssyncset.done $0x0  }
0x6a7: {  	[sflag:s3] =	ssyncadd.s32 $0xFFFFD000  }
0x6a8: {  	_ =	swait.ge [sflag:s3], $0x3000  }
0x6a9: {  	[sflag:s3] =	ssyncset.done $0x0  }
0x6aa: {  	[sflag:s3] =	ssyncadd.s32 $0xFFFFD000  }
0x6ab: {  	_ =	swait.ge [sflag:s3], $0x3000  }
0x6ac: {  	[sflag:s3] =	ssyncset.done $0x0  }
0x6ad: {  	[sflag:s3] =	ssyncadd.s32 $0xFFFFD000  }
0x6ae: {  	_ =	swait.ge [sflag:s3], $0x3000  }
0x6af: {  	s1 =	sld [smem:$0x7ED]  }
0x6b0: {  	s31 =	sld [smem:$0x7FD];
	_ =	sdelay $0x1  }
0x6b1: {  	s1 =	sadd.s32 $0x1, s1  }
0x6b2: {  	p0 =	sne.s32 s1, s31  }
.Ltmp14:
0x6b3: {  	_ = 	snop;
	(pc) =	sbr.rel @p0 .LBB2_1-.Ltmp14, $3  }
0x6b4: {  	_ =	sdelay $0x1  }
0x6b5: {  	[sflag:s3] =	ssyncset.done $0x0  }
0x6b6: {  	[sflag:s3] =	ssyncadd.s32 $0xFFFFD000  }
0x6b7: {  	_ =	sfence.sel $0x180000  }
0x6b8: {  	[bflag:$0x0] =	sbarrier.arrive $0xFFFF  }
0x6b9: {  	_ =	strace $0x90000047  }
0x6ba: {  	s0 =	stileid.u32;
	[bflag:$0x2] =	sbarrier.arrive $0xFFFF  }
0x6bb: {  	p0 =	sne.s32 s0, $0x0;
	s0 =	rddreg [dreg:$0x7]  }
0x6bc: {  	s0 =	sadd.s32 @!p0 $0x100000, s0  }
0x6bd: {  	[sflag:s0] =	ssyncadd.tile.s32 @!p0 $0x1;
	_ =	shalt  }
.Lfunc_end2:
_tile_overlayer_lowered:
.L_overlay_start_2:
0x6be: {  	(tag) =	ssettag $0x2  }
0x6bf: {  	s0 =	rddreg [dreg:$0x0];
	s2 =	stileid.u32  }
0x6c0: {  	s1 =	rddreg [dreg:$0x1];
	p0 =	sne.s32 s2, $0x0  }
0x6c1: {  	s3 =	rddreg [dreg:$0x2];
	[bflag:$0x3] =	sbarrier.arrive $0xFFFF;
	s2 =	simm.s32 @!p0 $0x1C03  }
0x6c2: {  	[timem:s3], [sflag:s2] =	dma.local @!p0 [hbm:s0], s1  }
0x6c3: {  	s0 =	simm.s32 @!p0 $0x3  }
0x6c4: {  	_ =	swait.ge @!p0 [sflag:s0], s1  }
0x6c5: {  	s1 =	ssub.s32 @!p0 $0x0, s1;
	[sflag:s0] =	ssyncset.done @!p0 $0x0  }
0x6c6: {  	[sflag:s0] =	ssyncadd.s32 @!p0 s1  }
0x6c7: {  	[bflag:$0x3] =	sbarrier.arrive $0xFFFF  }
0x6c8: {  	_ =	shalt  }

</sc_bundles>
